<compile_context>
chip_gen: v7x
topology: tpu7x:2x2x1
jax: 0.10.2.dev20260603
libtpu: 0.0.44.dev20260713+nightly
codegen_flags: <defaults>
</compile_context>

<pallas_src>
import functools

import jax
import jax.numpy as jnp
from jax import lax
from jax.experimental import pallas as pl
from jax.experimental.pallas import tpu as pltpu
from jax.experimental.pallas import tpu_sc as plsc

N_USERS = 100000
N_ITEMS = 100000
DIM = 64
N_OUT = N_USERS + N_ITEMS

NC = 2
NS = 16
CHUNK = 200
NBUF = 4
BIG_WORKERS = 13
BIG_CHUNKS = 32
SMALL_CHUNKS = 28


def _copy_shard(src_hbm, src_base, out_hbm, dst_base, bufs, isems, osems,
                nchunk):
    def in_copy(k):
        return pltpu.make_async_copy(
            src_hbm.at[pl.ds(src_base + k * CHUNK, CHUNK), :],
            bufs[k % NBUF], isems[k % NBUF])

    def out_copy(k):
        return pltpu.make_async_copy(
            bufs[k % NBUF],
            out_hbm.at[pl.ds(dst_base + k * CHUNK, CHUNK), :],
            osems[k % NBUF])

    started = min(NBUF - 1, nchunk)
    for b in range(started):
        in_copy(b).start()
    for k in range(nchunk):
        in_copy(k).wait()
        out_copy(k).start()
        nxt = k + NBUF - 1
        if nxt < nchunk and nxt >= started:
            if nxt - NBUF >= 0:
                out_copy(nxt - NBUF).wait()
            in_copy(nxt).start()
    for k in range(max(0, nchunk - NBUF), nchunk):
        out_copy(k).wait()


def _worker_shard(src_hbm, out_hbm, t, dst_off, bufs, isems, osems):
    @pl.when(t < BIG_WORKERS)
    def _():
        base = pl.multiple_of(t * (BIG_CHUNKS * CHUNK), 8)
        _copy_shard(src_hbm, base, out_hbm, dst_off + base,
                    bufs, isems, osems, BIG_CHUNKS)

    @pl.when(t >= BIG_WORKERS)
    def _():
        base = pl.multiple_of(
            BIG_WORKERS * BIG_CHUNKS * CHUNK
            + (t - BIG_WORKERS) * (SMALL_CHUNKS * CHUNK), 8)
        _copy_shard(src_hbm, base, out_hbm, dst_off + base,
                    bufs, isems, osems, SMALL_CHUNKS)


@functools.partial(
    pl.kernel,
    mesh=plsc.VectorSubcoreMesh(core_axis_name="c", subcore_axis_name="s"),
    out_type=jax.ShapeDtypeStruct((N_OUT, DIM), jnp.float32),
    scratch_types=(
        [pltpu.VMEM((CHUNK, DIM), jnp.float32)] * NBUF
        + [pltpu.SemaphoreType.DMA] * (2 * NBUF)
    ),
)
def _concat_tables(user_hbm, item_hbm, out_hbm, b0, b1, b2, b3,
                   si0, si1, si2, si3, so0, so1, so2, so3):
    bufs = (b0, b1, b2, b3)
    isems = (si0, si1, si2, si3)
    osems = (so0, so1, so2, so3)
    wid = lax.axis_index("s") * NC + lax.axis_index("c")

    @pl.when(wid < NS)
    def _():
        _worker_shard(user_hbm, out_hbm, wid, 0, bufs, isems, osems)

    @pl.when(wid >= NS)
    def _():
        _worker_shard(item_hbm, out_hbm, wid - NS, N_USERS,
                      bufs, isems, osems)


def kernel(inputs, user_embedding, item_embedding):
    del inputs
    return _concat_tables(user_embedding, item_embedding)

# --- scband reference (transcript-rebuilt; emitter-appended) ---
"""Pipeline reference for scband-initial-layer-2052994367634 (READ-ONLY COPY).

The authoritative reference and input builder live on the scoring server;
editing this copy changes nothing except your own understanding.
"""

import jax, jax.numpy as jnp
import numpy as np

N_USERS = 100000
N_ITEMS = 100000
OUTPUT_DIM = 64

def setup_inputs(seed: int = 0) -> dict:
    key = jax.random.key(seed)
    k1, k2, k3 = jax.random.split(key, 3)
    inputs = jax.random.randint(k1, (4096,), 0, N_USERS, dtype=jnp.int64 if jax.config.jax_enable_x64 else jnp.int32).astype(jnp.int32)
    user_embedding = jax.random.normal(k2, (N_USERS, OUTPUT_DIM), dtype=jnp.float32) * 0.1
    item_embedding = jax.random.normal(k3, (N_ITEMS, OUTPUT_DIM), dtype=jnp.float32) * 0.1
    return {"inputs": inputs, "user_embedding": user_embedding, "item_embedding": item_embedding}

def reference(inputs, user_embedding, item_embedding):
    # Faithful translation of call(): tf.concat of the two embedding tables
    # (inputs are ignored by the original layer's call).
    # Intended semantics: concatenate user and item embedding tables along axis 0.
    return jnp.concatenate([user_embedding, item_embedding], axis=0)

if __name__ == "__main__":
    import jax
    _d = setup_inputs()
    print(jax.jit(kernel)(*tuple(_d.values())))

</pallas_src>

<mosaic_0001>
#map = affine_map<(d0, d1) -> (0, 0)>
module attributes {stable_mosaic.version = 14 : i64} {
  func.func @_concat_tables(%arg0: i32, %arg1: i32, %arg2: memref<100000x64xf32, #tpu.memory_space<hbm>>, %arg3: memref<100000x64xf32, #tpu.memory_space<hbm>>, %arg4: memref<200000x64xf32, #tpu.memory_space<hbm>>, %arg5: memref<200x64xf32, #tpu.memory_space<vmem>>, %arg6: memref<200x64xf32, #tpu.memory_space<vmem>>, %arg7: memref<200x64xf32, #tpu.memory_space<vmem>>, %arg8: memref<200x64xf32, #tpu.memory_space<vmem>>, %arg9: memref<!tpu.dma_semaphore, #tpu.memory_space<semaphore_mem>>, %arg10: memref<!tpu.dma_semaphore, #tpu.memory_space<semaphore_mem>>, %arg11: memref<!tpu.dma_semaphore, #tpu.memory_space<semaphore_mem>>, %arg12: memref<!tpu.dma_semaphore, #tpu.memory_space<semaphore_mem>>, %arg13: memref<!tpu.dma_semaphore, #tpu.memory_space<semaphore_mem>>, %arg14: memref<!tpu.dma_semaphore, #tpu.memory_space<semaphore_mem>>, %arg15: memref<!tpu.dma_semaphore, #tpu.memory_space<semaphore_mem>>, %arg16: memref<!tpu.dma_semaphore, #tpu.memory_space<semaphore_mem>>) attributes {dimension_semantics = [#tpu.dimension_semantics<core_parallel>, #tpu.dimension_semantics<subcore_parallel>], iteration_bounds = array<i64: 2, 16>, scalar_prefetch = 0 : i64, scratch_operands = 12 : i64, tpu.core_type = #tpu.core_type<sc_vector_subcore>, window_params = [{transform_indices = #map}, {transform_indices = #map}, {transform_indices = #map}]} {
    %mul3A = arith.constant 2 : i32
    %mul3A_0 = arith.muli %arg1, %mul3A : i32
    %add3A = arith.addi %mul3A_0, %arg0 : i32
    %lt3A = arith.constant 16 : i32
    %lt3A_1 = arith.cmpi slt, %add3A, %lt3A : i32
    %convert_element_type3A = arith.extui %lt3A_1 : i1 to i32
    %cond3A = arith.constant 0 : i32
    %cond3A_2 = arith.cmpi ne, %convert_element_type3A, %cond3A : i32
    scf.if %cond3A_2 {
      %lt3A_7 = arith.constant 13 : i32
      %lt3A_8 = arith.cmpi slt, %add3A, %lt3A_7 : i32
      %convert_element_type3A_9 = arith.extui %lt3A_8 : i1 to i32
      %cond3A_10 = arith.constant 0 : i32
      %cond3A_11 = arith.cmpi ne, %convert_element_type3A_9, %cond3A_10 : i32
      scf.if %cond3A_11 {
        %mul3A_17 = arith.constant 6400 : i32
        %mul3A_18 = arith.muli %add3A, %mul3A_17 : i32
        %multiple_of3A = tpu.assume_multiple %mul3A_18, 8 : i32
        %add3A_19 = arith.constant 0 : i32
        %add3A_20 = arith.addi %add3A_19, %multiple_of3A : i32
        %add3A_21 = arith.constant 0 : i32
        %add3A_22 = arith.addi %multiple_of3A, %add3A_21 : i32
        %dma_start3A = arith.constant 0 : i32
        %dma_start3A_23 = tpu.memref_slice %arg2[%add3A_22, %dma_start3A] : memref<100000x64xf32, #tpu.memory_space<hbm>> -> memref<200x64xf32, #tpu.memory_space<hbm>>
        %dma_start3A_24 = arith.constant 0 : i32
        %dma_start3A_25 = tpu.memref_slice %arg2[%add3A_22, %dma_start3A_24] : memref<100000x64xf32, #tpu.memory_space<hbm>> -> memref<200x64xf32, #tpu.memory_space<hbm>>
        tpu.enqueue_dma source(%dma_start3A_25 : memref<200x64xf32, #tpu.memory_space<hbm>>) target(%arg5 : memref<200x64xf32, #tpu.memory_space<vmem>>) target_semaphore(%arg9 : memref<!tpu.dma_semaphore, #tpu.memory_space<semaphore_mem>>)
        %add3A_26 = arith.constant 200 : i32
        %add3A_27 = arith.addi %multiple_of3A, %add3A_26 : i32
        %dma_start3A_28 = arith.constant 0 : i32
        %dma_start3A_29 = tpu.memref_slice %arg2[%add3A_27, %dma_start3A_28] : memref<100000x64xf32, #tpu.memory_space<hbm>> -> memref<200x64xf32, #tpu.memory_space<hbm>>
        %dma_start3A_30 = arith.constant 0 : i32
        %dma_start3A_31 = tpu.memref_slice %arg2[%add3A_27, %dma_start3A_30] : memref<100000x64xf32, #tpu.memory_space<hbm>> -> memref<200x64xf32, #tpu.memory_space<hbm>>
        tpu.enqueue_dma source(%dma_start3A_31 : memref<200x64xf32, #tpu.memory_space<hbm>>) target(%arg6 : memref<200x64xf32, #tpu.memory_space<vmem>>) target_semaphore(%arg10 : memref<!tpu.dma_semaphore, #tpu.memory_space<semaphore_mem>>)
        %add3A_32 = arith.constant 400 : i32
        %add3A_33 = arith.addi %multiple_of3A, %add3A_32 : i32
        %dma_start3A_34 = arith.constant 0 : i32
        %dma_start3A_35 = tpu.memref_slice %arg2[%add3A_33, %dma_start3A_34] : memref<100000x64xf32, #tpu.memory_space<hbm>> -> memref<200x64xf32, #tpu.memory_space<hbm>>
        %dma_start3A_36 = arith.constant 0 : i32
        %dma_start3A_37 = tpu.memref_slice %arg2[%add3A_33, %dma_start3A_36] : memref<100000x64xf32, #tpu.memory_space<hbm>> -> memref<200x64xf32, #tpu.memory_space<hbm>>
        tpu.enqueue_dma source(%dma_start3A_37 : memref<200x64xf32, #tpu.memory_space<hbm>>) target(%arg7 : memref<200x64xf32, #tpu.memory_space<vmem>>) target_semaphore(%arg11 : memref<!tpu.dma_semaphore, #tpu.memory_space<semaphore_mem>>)
        %add3A_38 = arith.constant 0 : i32
        %add3A_39 = arith.addi %multiple_of3A, %add3A_38 : i32
        %dma_wait3A = arith.constant 0 : i32
        %dma_wait3A_40 = tpu.memref_slice %arg2[%add3A_39, %dma_wait3A] : memref<100000x64xf32, #tpu.memory_space<hbm>> -> memref<200x64xf32, #tpu.memory_space<hbm>>
        %dma_wait3A_41 = arith.constant 0 : i32
        %dma_wait3A_42 = tpu.memref_slice %arg2[%add3A_39, %dma_wait3A_41] : memref<100000x64xf32, #tpu.memory_space<hbm>> -> memref<200x64xf32, #tpu.memory_space<hbm>>
        tpu.wait_dma2 semaphore(%arg9 : memref<!tpu.dma_semaphore, #tpu.memory_space<semaphore_mem>>) src(%dma_wait3A_42 : memref<200x64xf32, #tpu.memory_space<hbm>>) dst(%arg5 : memref<200x64xf32, #tpu.memory_space<vmem>>)
        %add3A_43 = arith.constant 0 : i32
        %add3A_44 = arith.addi %add3A_20, %add3A_43 : i32
        %dma_start3A_45 = arith.constant 0 : i32
        %dma_start3A_46 = tpu.memref_slice %arg4[%add3A_44, %dma_start3A_45] : memref<200000x64xf32, #tpu.memory_space<hbm>> -> memref<200x64xf32, #tpu.memory_space<hbm>>
        %dma_start3A_47 = arith.constant 0 : i32
        %dma_start3A_48 = tpu.memref_slice %arg4[%add3A_44, %dma_start3A_47] : memref<200000x64xf32, #tpu.memory_space<hbm>> -> memref<200x64xf32, #tpu.memory_space<hbm>>
        tpu.enqueue_dma source(%arg5 : memref<200x64xf32, #tpu.memory_space<vmem>>) target(%dma_start3A_48 : memref<200x64xf32, #tpu.memory_space<hbm>>) target_semaphore(%arg13 : memref<!tpu.dma_semaphore, #tpu.memory_space<semaphore_mem>>)
        %add3A_49 = arith.constant 600 : i32
        %add3A_50 = arith.addi %multiple_of3A, %add3A_49 : i32
        %dma_start3A_51 = arith.constant 0 : i32
        %dma_start3A_52 = tpu.memref_slice %arg2[%add3A_50, %dma_start3A_51] : memref<100000x64xf32, #tpu.memory_space<hbm>> -> memref<200x64xf32, #tpu.memory_space<hbm>>
        %dma_start3A_53 = arith.constant 0 : i32
        %dma_start3A_54 = tpu.memref_slice %arg2[%add3A_50, %dma_start3A_53] : memref<100000x64xf32, #tpu.memory_space<hbm>> -> memref<200x64xf32, #tpu.memory_space<hbm>>
        tpu.enqueue_dma source(%dma_start3A_54 : memref<200x64xf32, #tpu.memory_space<hbm>>) target(%arg8 : memref<200x64xf32, #tpu.memory_space<vmem>>) target_semaphore(%arg12 : memref<!tpu.dma_semaphore, #tpu.memory_space<semaphore_mem>>)
        %add3A_55 = arith.constant 200 : i32
        %add3A_56 = arith.addi %multiple_of3A, %add3A_55 : i32
        %dma_wait3A_57 = arith.constant 0 : i32
        %dma_wait3A_58 = tpu.memref_slice %arg2[%add3A_56, %dma_wait3A_57] : memref<100000x64xf32, #tpu.memory_space<hbm>> -> memref<200x64xf32, #tpu.memory_space<hbm>>
        %dma_wait3A_59 = arith.constant 0 : i32
        %dma_wait3A_60 = tpu.memref_slice %arg2[%add3A_56, %dma_wait3A_59] : memref<100000x64xf32, #tpu.memory_space<hbm>> -> memref<200x64xf32, #tpu.memory_space<hbm>>
        tpu.wait_dma2 semaphore(%arg10 : memref<!tpu.dma_semaphore, #tpu.memory_space<semaphore_mem>>) src(%dma_wait3A_60 : memref<200x64xf32, #tpu.memory_space<hbm>>) dst(%arg6 : memref<200x64xf32, #tpu.memory_space<vmem>>)
        %add3A_61 = arith.constant 200 : i32
        %add3A_62 = arith.addi %add3A_20, %add3A_61 : i32
        %dma_start3A_63 = arith.constant 0 : i32
        %dma_start3A_64 = tpu.memref_slice %arg4[%add3A_62, %dma_start3A_63] : memref<200000x64xf32, #tpu.memory_space<hbm>> -> memref<200x64xf32, #tpu.memory_space<hbm>>
        %dma_start3A_65 = arith.constant 0 : i32
        %dma_start3A_66 = tpu.memref_slice %arg4[%add3A_62, %dma_start3A_65] : memref<200000x64xf32, #tpu.memory_space<hbm>> -> memref<200x64xf32, #tpu.memory_space<hbm>>
        tpu.enqueue_dma source(%arg6 : memref<200x64xf32, #tpu.memory_space<vmem>>) target(%dma_start3A_66 : memref<200x64xf32, #tpu.memory_space<hbm>>) target_semaphore(%arg14 : memref<!tpu.dma_semaphore, #tpu.memory_space<semaphore_mem>>)
        %add3A_67 = arith.constant 0 : i32
        %add3A_68 = arith.addi %add3A_20, %add3A_67 : i32
        %dma_wait3A_69 = arith.constant 0 : i32
        %dma_wait3A_70 = tpu.memref_slice %arg4[%add3A_68, %dma_wait3A_69] : memref<200000x64xf32, #tpu.memory_space<hbm>> -> memref<200x64xf32, #tpu.memory_space<hbm>>
        %dma_wait3A_71 = arith.constant 0 : i32
        %dma_wait3A_72 = tpu.memref_slice %arg4[%add3A_68, %dma_wait3A_71] : memref<200000x64xf32, #tpu.memory_space<hbm>> -> memref<200x64xf32, #tpu.memory_space<hbm>>
        tpu.wait_dma2 semaphore(%arg13 : memref<!tpu.dma_semaphore, #tpu.memory_space<semaphore_mem>>) src(%arg5 : memref<200x64xf32, #tpu.memory_space<vmem>>) dst(%dma_wait3A_72 : memref<200x64xf32, #tpu.memory_space<hbm>>)
        %add3A_73 = arith.constant 800 : i32
        %add3A_74 = arith.addi %multiple_of3A, %add3A_73 : i32
        %dma_start3A_75 = arith.constant 0 : i32
        %dma_start3A_76 = tpu.memref_slice %arg2[%add3A_74, %dma_start3A_75] : memref<100000x64xf32, #tpu.memory_space<hbm>> -> memref<200x64xf32, #tpu.memory_space<hbm>>
        %dma_start3A_77 = arith.constant 0 : i32
        %dma_start3A_78 = tpu.memref_slice %arg2[%add3A_74, %dma_start3A_77] : memref<100000x64xf32, #tpu.memory_space<hbm>> -> memref<200x64xf32, #tpu.memory_space<hbm>>
        tpu.enqueue_dma source(%dma_start3A_78 : memref<200x64xf32, #tpu.memory_space<hbm>>) target(%arg5 : memref<200x64xf32, #tpu.memory_space<vmem>>) target_semaphore(%arg9 : memref<!tpu.dma_semaphore, #tpu.memory_space<semaphore_mem>>)
        %add3A_79 = arith.constant 400 : i32
        %add3A_80 = arith.addi %multiple_of3A, %add3A_79 : i32
        %dma_wait3A_81 = arith.constant 0 : i32
        %dma_wait3A_82 = tpu.memref_slice %arg2[%add3A_80, %dma_wait3A_81] : memref<100000x64xf32, #tpu.memory_space<hbm>> -> memref<200x64xf32, #tpu.memory_space<hbm>>
        %dma_wait3A_83 = arith.constant 0 : i32
        %dma_wait3A_84 = tpu.memref_slice %arg2[%add3A_80, %dma_wait3A_83] : memref<100000x64xf32, #tpu.memory_space<hbm>> -> memref<200x64xf32, #tpu.memory_space<hbm>>
        tpu.wait_dma2 semaphore(%arg11 : memref<!tpu.dma_semaphore, #tpu.memory_space<semaphore_mem>>) src(%dma_wait3A_84 : memref<200x64xf32, #tpu.memory_space<hbm>>) dst(%arg7 : memref<200x64xf32, #tpu.memory_space<vmem>>)
        %add3A_85 = arith.constant 400 : i32
        %add3A_86 = arith.addi %add3A_20, %add3A_85 : i32
        %dma_start3A_87 = arith.constant 0 : i32
        %dma_start3A_88 = tpu.memref_slice %arg4[%add3A_86, %dma_start3A_87] : memref<200000x64xf32, #tpu.memory_space<hbm>> -> memref<200x64xf32, #tpu.memory_space<hbm>>
        %dma_start3A_89 = arith.constant 0 : i32
        %dma_start3A_90 = tpu.memref_slice %arg4[%add3A_86, %dma_start3A_89] : memref<200000x64xf32, #tpu.memory_space<hbm>> -> memref<200x64xf32, #tpu.memory_space<hbm>>
        tpu.enqueue_dma source(%arg7 : memref<200x64xf32, #tpu.memory_space<vmem>>) target(%dma_start3A_90 : memref<200x64xf32, #tpu.memory_space<hbm>>) target_semaphore(%arg15 : memref<!tpu.dma_semaphore, #tpu.memory_space<semaphore_mem>>)
        %add3A_91 = arith.constant 200 : i32
        %add3A_92 = arith.addi %add3A_20, %add3A_91 : i32
        %dma_wait3A_93 = arith.constant 0 : i32
        %dma_wait3A_94 = tpu.memref_slice %arg4[%add3A_92, %dma_wait3A_93] : memref<200000x64xf32, #tpu.memory_space<hbm>> -> memref<200x64xf32, #tpu.memory_space<hbm>>
        %dma_wait3A_95 = arith.constant 0 : i32
        %dma_wait3A_96 = tpu.memref_slice %arg4[%add3A_92, %dma_wait3A_95] : memref<200000x64xf32, #tpu.memory_space<hbm>> -> memref<200x64xf32, #tpu.memory_space<hbm>>
        tpu.wait_dma2 semaphore(%arg14 : memref<!tpu.dma_semaphore, #tpu.memory_space<semaphore_mem>>) src(%arg6 : memref<200x64xf32, #tpu.memory_space<vmem>>) dst(%dma_wait3A_96 : memref<200x64xf32, #tpu.memory_space<hbm>>)
        %add3A_97 = arith.constant 1000 : i32
        %add3A_98 = arith.addi %multiple_of3A, %add3A_97 : i32
        %dma_start3A_99 = arith.constant 0 : i32
        %dma_start3A_100 = tpu.memref_slice %arg2[%add3A_98, %dma_start3A_99] : memref<100000x64xf32, #tpu.memory_space<hbm>> -> memref<200x64xf32, #tpu.memory_space<hbm>>
        %dma_start3A_101 = arith.constant 0 : i32
        %dma_start3A_102 = tpu.memref_slice %arg2[%add3A_98, %dma_start3A_101] : memref<100000x64xf32, #tpu.memory_space<hbm>> -> memref<200x64xf32, #tpu.memory_space<hbm>>
        tpu.enqueue_dma source(%dma_start3A_102 : memref<200x64xf32, #tpu.memory_space<hbm>>) target(%arg6 : memref<200x64xf32, #tpu.memory_space<vmem>>) target_semaphore(%arg10 : memref<!tpu.dma_semaphore, #tpu.memory_space<semaphore_mem>>)
        %add3A_103 = arith.constant 600 : i32
        %add3A_104 = arith.addi %multiple_of3A, %add3A_103 : i32
        %dma_wait3A_105 = arith.constant 0 : i32
        %dma_wait3A_106 = tpu.memref_slice %arg2[%add3A_104, %dma_wait3A_105] : memref<100000x64xf32, #tpu.memory_space<hbm>> -> memref<200x64xf32, #tpu.memory_space<hbm>>
        %dma_wait3A_107 = arith.constant 0 : i32
        %dma_wait3A_108 = tpu.memref_slice %arg2[%add3A_104, %dma_wait3A_107] : memref<100000x64xf32, #tpu.memory_space<hbm>> -> memref<200x64xf32, #tpu.memory_space<hbm>>
        tpu.wait_dma2 semaphore(%arg12 : memref<!tpu.dma_semaphore, #tpu.memory_space<semaphore_mem>>) src(%dma_wait3A_108 : memref<200x64xf32, #tpu.memory_space<hbm>>) dst(%arg8 : memref<200x64xf32, #tpu.memory_space<vmem>>)
        %add3A_109 = arith.constant 600 : i32
        %add3A_110 = arith.addi %add3A_20, %add3A_109 : i32
        %dma_start3A_111 = arith.constant 0 : i32
        %dma_start3A_112 = tpu.memref_slice %arg4[%add3A_110, %dma_start3A_111] : memref<200000x64xf32, #tpu.memory_space<hbm>> -> memref<200x64xf32, #tpu.memory_space<hbm>>
        %dma_start3A_113 = arith.constant 0 : i32
        %dma_start3A_114 = tpu.memref_slice %arg4[%add3A_110, %dma_start3A_113] : memref<200000x64xf32, #tpu.memory_space<hbm>> -> memref<200x64xf32, #tpu.memory_space<hbm>>
        tpu.enqueue_dma source(%arg8 : memref<200x64xf32, #tpu.memory_space<vmem>>) target(%dma_start3A_114 : memref<200x64xf32, #tpu.memory_space<hbm>>) target_semaphore(%arg16 : memref<!tpu.dma_semaphore, #tpu.memory_space<semaphore_mem>>)
        %add3A_115 = arith.constant 400 : i32
        %add3A_116 = arith.addi %add3A_20, %add3A_115 : i32
        %dma_wait3A_117 = arith.constant 0 : i32
        %dma_wait3A_118 = tpu.memref_slice %arg4[%add3A_116, %dma_wait3A_117] : memref<200000x64xf32, #tpu.memory_space<hbm>> -> memref<200x64xf32, #tpu.memory_space<hbm>>
        %dma_wait3A_119 = arith.constant 0 : i32
        %dma_wait3A_120 = tpu.memref_slice %arg4[%add3A_116, %dma_wait3A_119] : memref<200000x64xf32, #tpu.memory_space<hbm>> -> memref<200x64xf32, #tpu.memory_space<hbm>>
        tpu.wait_dma2 semaphore(%arg15 : memref<!tpu.dma_semaphore, #tpu.memory_space<semaphore_mem>>) src(%arg7 : memref<200x64xf32, #tpu.memory_space<vmem>>) dst(%dma_wait3A_120 : memref<200x64xf32, #tpu.memory_space<hbm>>)
        %add3A_121 = arith.constant 1200 : i32
        %add3A_122 = arith.addi %multiple_of3A, %add3A_121 : i32
        %dma_start3A_123 = arith.constant 0 : i32
        %dma_start3A_124 = tpu.memref_slice %arg2[%add3A_122, %dma_start3A_123] : memref<100000x64xf32, #tpu.memory_space<hbm>> -> memref<200x64xf32, #tpu.memory_space<hbm>>
        %dma_start3A_125 = arith.constant 0 : i32
        %dma_start3A_126 = tpu.memref_slice %arg2[%add3A_122, %dma_start3A_125] : memref<100000x64xf32, #tpu.memory_space<hbm>> -> memref<200x64xf32, #tpu.memory_space<hbm>>
        tpu.enqueue_dma source(%dma_start3A_126 : memref<200x64xf32, #tpu.memory_space<hbm>>) target(%arg7 : memref<200x64xf32, #tpu.memory_space<vmem>>) target_semaphore(%arg11 : memref<!tpu.dma_semaphore, #tpu.memory_space<semaphore_mem>>)
        %add3A_127 = arith.constant 800 : i32
        %add3A_128 = arith.addi %multiple_of3A, %add3A_127 : i32
        %dma_wait3A_129 = arith.constant 0 : i32
        %dma_wait3A_130 = tpu.memref_slice %arg2[%add3A_128, %dma_wait3A_129] : memref<100000x64xf32, #tpu.memory_space<hbm>> -> memref<200x64xf32, #tpu.memory_space<hbm>>
        %dma_wait3A_131 = arith.constant 0 : i32
        %dma_wait3A_132 = tpu.memref_slice %arg2[%add3A_128, %dma_wait3A_131] : memref<100000x64xf32, #tpu.memory_space<hbm>> -> memref<200x64xf32, #tpu.memory_space<hbm>>
        tpu.wait_dma2 semaphore(%arg9 : memref<!tpu.dma_semaphore, #tpu.memory_space<semaphore_mem>>) src(%dma_wait3A_132 : memref<200x64xf32, #tpu.memory_space<hbm>>) dst(%arg5 : memref<200x64xf32, #tpu.memory_space<vmem>>)
        %add3A_133 = arith.constant 800 : i32
        %add3A_134 = arith.addi %add3A_20, %add3A_133 : i32
        %dma_start3A_135 = arith.constant 0 : i32
        %dma_start3A_136 = tpu.memref_slice %arg4[%add3A_134, %dma_start3A_135] : memref<200000x64xf32, #tpu.memory_space<hbm>> -> memref<200x64xf32, #tpu.memory_space<hbm>>
        %dma_start3A_137 = arith.constant 0 : i32
        %dma_start3A_138 = tpu.memref_slice %arg4[%add3A_134, %dma_start3A_137] : memref<200000x64xf32, #tpu.memory_space<hbm>> -> memref<200x64xf32, #tpu.memory_space<hbm>>
        tpu.enqueue_dma source(%arg5 : memref<200x64xf32, #tpu.memory_space<vmem>>) target(%dma_start3A_138 : memref<200x64xf32, #tpu.memory_space<hbm>>) target_semaphore(%arg13 : memref<!tpu.dma_semaphore, #tpu.memory_space<semaphore_mem>>)
        %add3A_139 = arith.constant 600 : i32
        %add3A_140 = arith.addi %add3A_20, %add3A_139 : i32
        %dma_wait3A_141 = arith.constant 0 : i32
        %dma_wait3A_142 = tpu.memref_slice %arg4[%add3A_140, %dma_wait3A_141] : memref<200000x64xf32, #tpu.memory_space<hbm>> -> memref<200x64xf32, #tpu.memory_space<hbm>>
        %dma_wait3A_143 = arith.constant 0 : i32
        %dma_wait3A_144 = tpu.memref_slice %arg4[%add3A_140, %dma_wait3A_143] : memref<200000x64xf32, #tpu.memory_space<hbm>> -> memref<200x64xf32, #tpu.memory_space<hbm>>
        tpu.wait_dma2 semaphore(%arg16 : memref<!tpu.dma_semaphore, #tpu.memory_space<semaphore_mem>>) src(%arg8 : memref<200x64xf32, #tpu.memory_space<vmem>>) dst(%dma_wait3A_144 : memref<200x64xf32, #tpu.memory_space<hbm>>)
        %add3A_145 = arith.constant 1400 : i32
        %add3A_146 = arith.addi %multiple_of3A, %add3A_145 : i32
        %dma_start3A_147 = arith.constant 0 : i32
        %dma_start3A_148 = tpu.memref_slice %arg2[%add3A_146, %dma_start3A_147] : memref<100000x64xf32, #tpu.memory_space<hbm>> -> memref<200x64xf32, #tpu.memory_space<hbm>>
        %dma_start3A_149 = arith.constant 0 : i32
        %dma_start3A_150 = tpu.memref_slice %arg2[%add3A_146, %dma_start3A_149] : memref<100000x64xf32, #tpu.memory_space<hbm>> -> memref<200x64xf32, #tpu.memory_space<hbm>>
        tpu.enqueue_dma source(%dma_start3A_150 : memref<200x64xf32, #tpu.memory_space<hbm>>) target(%arg8 : memref<200x64xf32, #tpu.memory_space<vmem>>) target_semaphore(%arg12 : memref<!tpu.dma_semaphore, #tpu.memory_space<semaphore_mem>>)
        %add3A_151 = arith.constant 1000 : i32
        %add3A_152 = arith.addi %multiple_of3A, %add3A_151 : i32
        %dma_wait3A_153 = arith.constant 0 : i32
        %dma_wait3A_154 = tpu.memref_slice %arg2[%add3A_152, %dma_wait3A_153] : memref<100000x64xf32, #tpu.memory_space<hbm>> -> memref<200x64xf32, #tpu.memory_space<hbm>>
        %dma_wait3A_155 = arith.constant 0 : i32
        %dma_wait3A_156 = tpu.memref_slice %arg2[%add3A_152, %dma_wait3A_155] : memref<100000x64xf32, #tpu.memory_space<hbm>> -> memref<200x64xf32, #tpu.memory_space<hbm>>
        tpu.wait_dma2 semaphore(%arg10 : memref<!tpu.dma_semaphore, #tpu.memory_space<semaphore_mem>>) src(%dma_wait3A_156 : memref<200x64xf32, #tpu.memory_space<hbm>>) dst(%arg6 : memref<200x64xf32, #tpu.memory_space<vmem>>)
        %add3A_157 = arith.constant 1000 : i32
        %add3A_158 = arith.addi %add3A_20, %add3A_157 : i32
        %dma_start3A_159 = arith.constant 0 : i32
        %dma_start3A_160 = tpu.memref_slice %arg4[%add3A_158, %dma_start3A_159] : memref<200000x64xf32, #tpu.memory_space<hbm>> -> memref<200x64xf32, #tpu.memory_space<hbm>>
        %dma_start3A_161 = arith.constant 0 : i32
        %dma_start3A_162 = tpu.memref_slice %arg4[%add3A_158, %dma_start3A_161] : memref<200000x64xf32, #tpu.memory_space<hbm>> -> memref<200x64xf32, #tpu.memory_space<hbm>>
        tpu.enqueue_dma source(%arg6 : memref<200x64xf32, #tpu.memory_space<vmem>>) target(%dma_start3A_162 : memref<200x64xf32, #tpu.memory_space<hbm>>) target_semaphore(%arg14 : memref<!tpu.dma_semaphore, #tpu.memory_space<semaphore_mem>>)
        %add3A_163 = arith.constant 800 : i32
        %add3A_164 = arith.addi %add3A_20, %add3A_163 : i32
        %dma_wait3A_165 = arith.constant 0 : i32
        %dma_wait3A_166 = tpu.memref_slice %arg4[%add3A_164, %dma_wait3A_165] : memref<200000x64xf32, #tpu.memory_space<hbm>> -> memref<200x64xf32, #tpu.memory_space<hbm>>
        %dma_wait3A_167 = arith.constant 0 : i32
        %dma_wait3A_168 = tpu.memref_slice %arg4[%add3A_164, %dma_wait3A_167] : memref<200000x64xf32, #tpu.memory_space<hbm>> -> memref<200x64xf32, #tpu.memory_space<hbm>>
        tpu.wait_dma2 semaphore(%arg13 : memref<!tpu.dma_semaphore, #tpu.memory_space<semaphore_mem>>) src(%arg5 : memref<200x64xf32, #tpu.memory_space<vmem>>) dst(%dma_wait3A_168 : memref<200x64xf32, #tpu.memory_space<hbm>>)
        %add3A_169 = arith.constant 1600 : i32
        %add3A_170 = arith.addi %multiple_of3A, %add3A_169 : i32
        %dma_start3A_171 = arith.constant 0 : i32
        %dma_start3A_172 = tpu.memref_slice %arg2[%add3A_170, %dma_start3A_171] : memref<100000x64xf32, #tpu.memory_space<hbm>> -> memref<200x64xf32, #tpu.memory_space<hbm>>
        %dma_start3A_173 = arith.constant 0 : i32
        %dma_start3A_174 = tpu.memref_slice %arg2[%add3A_170, %dma_start3A_173] : memref<100000x64xf32, #tpu.memory_space<hbm>> -> memref<200x64xf32, #tpu.memory_space<hbm>>
        tpu.enqueue_dma source(%dma_start3A_174 : memref<200x64xf32, #tpu.memory_space<hbm>>) target(%arg5 : memref<200x64xf32, #tpu.memory_space<vmem>>) target_semaphore(%arg9 : memref<!tpu.dma_semaphore, #tpu.memory_space<semaphore_mem>>)
        %add3A_175 = arith.constant 1200 : i32
        %add3A_176 = arith.addi %multiple_of3A, %add3A_175 : i32
        %dma_wait3A_177 = arith.constant 0 : i32
        %dma_wait3A_178 = tpu.memref_slice %arg2[%add3A_176, %dma_wait3A_177] : memref<100000x64xf32, #tpu.memory_space<hbm>> -> memref<200x64xf32, #tpu.memory_space<hbm>>
        %dma_wait3A_179 = arith.constant 0 : i32
        %dma_wait3A_180 = tpu.memref_slice %arg2[%add3A_176, %dma_wait3A_179] : memref<100000x64xf32, #tpu.memory_space<hbm>> -> memref<200x64xf32, #tpu.memory_space<hbm>>
        tpu.wait_dma2 semaphore(%arg11 : memref<!tpu.dma_semaphore, #tpu.memory_space<semaphore_mem>>) src(%dma_wait3A_180 : memref<200x64xf32, #tpu.memory_space<hbm>>) dst(%arg7 : memref<200x64xf32, #tpu.memory_space<vmem>>)
        %add3A_181 = arith.constant 1200 : i32
        %add3A_182 = arith.addi %add3A_20, %add3A_181 : i32
        %dma_start3A_183 = arith.constant 0 : i32
        %dma_start3A_184 = tpu.memref_slice %arg4[%add3A_182, %dma_start3A_183] : memref<200000x64xf32, #tpu.memory_space<hbm>> -> memref<200x64xf32, #tpu.memory_space<hbm>>
        %dma_start3A_185 = arith.constant 0 : i32
        %dma_start3A_186 = tpu.memref_slice %arg4[%add3A_182, %dma_start3A_185] : memref<200000x64xf32, #tpu.memory_space<hbm>> -> memref<200x64xf32, #tpu.memory_space<hbm>>
        tpu.enqueue_dma source(%arg7 : memref<200x64xf32, #tpu.memory_space<vmem>>) target(%dma_start3A_186 : memref<200x64xf32, #tpu.memory_space<hbm>>) target_semaphore(%arg15 : memref<!tpu.dma_semaphore, #tpu.memory_space<semaphore_mem>>)
        %add3A_187 = arith.constant 1000 : i32
        %add3A_188 = arith.addi %add3A_20, %add3A_187 : i32
        %dma_wait3A_189 = arith.constant 0 : i32
        %dma_wait3A_190 = tpu.memref_slice %arg4[%add3A_188, %dma_wait3A_189] : memref<200000x64xf32, #tpu.memory_space<hbm>> -> memref<200x64xf32, #tpu.memory_space<hbm>>
        %dma_wait3A_191 = arith.constant 0 : i32
        %dma_wait3A_192 = tpu.memref_slice %arg4[%add3A_188, %dma_wait3A_191] : memref<200000x64xf32, #tpu.memory_space<hbm>> -> memref<200x64xf32, #tpu.memory_space<hbm>>
        tpu.wait_dma2 semaphore(%arg14 : memref<!tpu.dma_semaphore, #tpu.memory_space<semaphore_mem>>) src(%arg6 : memref<200x64xf32, #tpu.memory_space<vmem>>) dst(%dma_wait3A_192 : memref<200x64xf32, #tpu.memory_space<hbm>>)
        %add3A_193 = arith.constant 1800 : i32
        %add3A_194 = arith.addi %multiple_of3A, %add3A_193 : i32
        %dma_start3A_195 = arith.constant 0 : i32
        %dma_start3A_196 = tpu.memref_slice %arg2[%add3A_194, %dma_start3A_195] : memref<100000x64xf32, #tpu.memory_space<hbm>> -> memref<200x64xf32, #tpu.memory_space<hbm>>
        %dma_start3A_197 = arith.constant 0 : i32
        %dma_start3A_198 = tpu.memref_slice %arg2[%add3A_194, %dma_start3A_197] : memref<100000x64xf32, #tpu.memory_space<hbm>> -> memref<200x64xf32, #tpu.memory_space<hbm>>
        tpu.enqueue_dma source(%dma_start3A_198 : memref<200x64xf32, #tpu.memory_space<hbm>>) target(%arg6 : memref<200x64xf32, #tpu.memory_space<vmem>>) target_semaphore(%arg10 : memref<!tpu.dma_semaphore, #tpu.memory_space<semaphore_mem>>)
        %add3A_199 = arith.constant 1400 : i32
        %add3A_200 = arith.addi %multiple_of3A, %add3A_199 : i32
        %dma_wait3A_201 = arith.constant 0 : i32
        %dma_wait3A_202 = tpu.memref_slice %arg2[%add3A_200, %dma_wait3A_201] : memref<100000x64xf32, #tpu.memory_space<hbm>> -> memref<200x64xf32, #tpu.memory_space<hbm>>
        %dma_wait3A_203 = arith.constant 0 : i32
        %dma_wait3A_204 = tpu.memref_slice %arg2[%add3A_200, %dma_wait3A_203] : memref<100000x64xf32, #tpu.memory_space<hbm>> -> memref<200x64xf32, #tpu.memory_space<hbm>>
        tpu.wait_dma2 semaphore(%arg12 : memref<!tpu.dma_semaphore, #tpu.memory_space<semaphore_mem>>) src(%dma_wait3A_204 : memref<200x64xf32, #tpu.memory_space<hbm>>) dst(%arg8 : memref<200x64xf32, #tpu.memory_space<vmem>>)
        %add3A_205 = arith.constant 1400 : i32
        %add3A_206 = arith.addi %add3A_20, %add3A_205 : i32
        %dma_start3A_207 = arith.constant 0 : i32
        %dma_start3A_208 = tpu.memref_slice %arg4[%add3A_206, %dma_start3A_207] : memref<200000x64xf32, #tpu.memory_space<hbm>> -> memref<200x64xf32, #tpu.memory_space<hbm>>
        %dma_start3A_209 = arith.constant 0 : i32
        %dma_start3A_210 = tpu.memref_slice %arg4[%add3A_206, %dma_start3A_209] : memref<200000x64xf32, #tpu.memory_space<hbm>> -> memref<200x64xf32, #tpu.memory_space<hbm>>
        tpu.enqueue_dma source(%arg8 : memref<200x64xf32, #tpu.memory_space<vmem>>) target(%dma_start3A_210 : memref<200x64xf32, #tpu.memory_space<hbm>>) target_semaphore(%arg16 : memref<!tpu.dma_semaphore, #tpu.memory_space<semaphore_mem>>)
        %add3A_211 = arith.constant 1200 : i32
        %add3A_212 = arith.addi %add3A_20, %add3A_211 : i32
        %dma_wait3A_213 = arith.constant 0 : i32
        %dma_wait3A_214 = tpu.memref_slice %arg4[%add3A_212, %dma_wait3A_213] : memref<200000x64xf32, #tpu.memory_space<hbm>> -> memref<200x64xf32, #tpu.memory_space<hbm>>
        %dma_wait3A_215 = arith.constant 0 : i32
        %dma_wait3A_216 = tpu.memref_slice %arg4[%add3A_212, %dma_wait3A_215] : memref<200000x64xf32, #tpu.memory_space<hbm>> -> memref<200x64xf32, #tpu.memory_space<hbm>>
        tpu.wait_dma2 semaphore(%arg15 : memref<!tpu.dma_semaphore, #tpu.memory_space<semaphore_mem>>) src(%arg7 : memref<200x64xf32, #tpu.memory_space<vmem>>) dst(%dma_wait3A_216 : memref<200x64xf32, #tpu.memory_space<hbm>>)
        %add3A_217 = arith.constant 2000 : i32
        %add3A_218 = arith.addi %multiple_of3A, %add3A_217 : i32
        %dma_start3A_219 = arith.constant 0 : i32
        %dma_start3A_220 = tpu.memref_slice %arg2[%add3A_218, %dma_start3A_219] : memref<100000x64xf32, #tpu.memory_space<hbm>> -> memref<200x64xf32, #tpu.memory_space<hbm>>
        %dma_start3A_221 = arith.constant 0 : i32
        %dma_start3A_222 = tpu.memref_slice %arg2[%add3A_218, %dma_start3A_221] : memref<100000x64xf32, #tpu.memory_space<hbm>> -> memref<200x64xf32, #tpu.memory_space<hbm>>
        tpu.enqueue_dma source(%dma_start3A_222 : memref<200x64xf32, #tpu.memory_space<hbm>>) target(%arg7 : memref<200x64xf32, #tpu.memory_space<vmem>>) target_semaphore(%arg11 : memref<!tpu.dma_semaphore, #tpu.memory_space<semaphore_mem>>)
        %add3A_223 = arith.constant 1600 : i32
        %add3A_224 = arith.addi %multiple_of3A, %add3A_223 : i32
        %dma_wait3A_225 = arith.constant 0 : i32
        %dma_wait3A_226 = tpu.memref_slice %arg2[%add3A_224, %dma_wait3A_225] : memref<100000x64xf32, #tpu.memory_space<hbm>> -> memref<200x64xf32, #tpu.memory_space<hbm>>
        %dma_wait3A_227 = arith.constant 0 : i32
        %dma_wait3A_228 = tpu.memref_slice %arg2[%add3A_224, %dma_wait3A_227] : memref<100000x64xf32, #tpu.memory_space<hbm>> -> memref<200x64xf32, #tpu.memory_space<hbm>>
        tpu.wait_dma2 semaphore(%arg9 : memref<!tpu.dma_semaphore, #tpu.memory_space<semaphore_mem>>) src(%dma_wait3A_228 : memref<200x64xf32, #tpu.memory_space<hbm>>) dst(%arg5 : memref<200x64xf32, #tpu.memory_space<vmem>>)
        %add3A_229 = arith.constant 1600 : i32
        %add3A_230 = arith.addi %add3A_20, %add3A_229 : i32
        %dma_start3A_231 = arith.constant 0 : i32
        %dma_start3A_232 = tpu.memref_slice %arg4[%add3A_230, %dma_start3A_231] : memref<200000x64xf32, #tpu.memory_space<hbm>> -> memref<200x64xf32, #tpu.memory_space<hbm>>
        %dma_start3A_233 = arith.constant 0 : i32
        %dma_start3A_234 = tpu.memref_slice %arg4[%add3A_230, %dma_start3A_233] : memref<200000x64xf32, #tpu.memory_space<hbm>> -> memref<200x64xf32, #tpu.memory_space<hbm>>
        tpu.enqueue_dma source(%arg5 : memref<200x64xf32, #tpu.memory_space<vmem>>) target(%dma_start3A_234 : memref<200x64xf32, #tpu.memory_space<hbm>>) target_semaphore(%arg13 : memref<!tpu.dma_semaphore, #tpu.memory_space<semaphore_mem>>)
        %add3A_235 = arith.constant 1400 : i32
        %add3A_236 = arith.addi %add3A_20, %add3A_235 : i32
        %dma_wait3A_237 = arith.constant 0 : i32
        %dma_wait3A_238 = tpu.memref_slice %arg4[%add3A_236, %dma_wait3A_237] : memref<200000x64xf32, #tpu.memory_space<hbm>> -> memref<200x64xf32, #tpu.memory_space<hbm>>
        %dma_wait3A_239 = arith.constant 0 : i32
        %dma_wait3A_240 = tpu.memref_slice %arg4[%add3A_236, %dma_wait3A_239] : memref<200000x64xf32, #tpu.memory_space<hbm>> -> memref<200x64xf32, #tpu.memory_space<hbm>>
        tpu.wait_dma2 semaphore(%arg16 : memref<!tpu.dma_semaphore, #tpu.memory_space<semaphore_mem>>) src(%arg8 : memref<200x64xf32, #tpu.memory_space<vmem>>) dst(%dma_wait3A_240 : memref<200x64xf32, #tpu.memory_space<hbm>>)
        %add3A_241 = arith.constant 2200 : i32
        %add3A_242 = arith.addi %multiple_of3A, %add3A_241 : i32
        %dma_start3A_243 = arith.constant 0 : i32
        %dma_start3A_244 = tpu.memref_slice %arg2[%add3A_242, %dma_start3A_243] : memref<100000x64xf32, #tpu.memory_space<hbm>> -> memref<200x64xf32, #tpu.memory_space<hbm>>
        %dma_start3A_245 = arith.constant 0 : i32
        %dma_start3A_246 = tpu.memref_slice %arg2[%add3A_242, %dma_start3A_245] : memref<100000x64xf32, #tpu.memory_space<hbm>> -> memref<200x64xf32, #tpu.memory_space<hbm>>
        tpu.enqueue_dma source(%dma_start3A_246 : memref<200x64xf32, #tpu.memory_space<hbm>>) target(%arg8 : memref<200x64xf32, #tpu.memory_space<vmem>>) target_semaphore(%arg12 : memref<!tpu.dma_semaphore, #tpu.memory_space<semaphore_mem>>)
        %add3A_247 = arith.constant 1800 : i32
        %add3A_248 = arith.addi %multiple_of3A, %add3A_247 : i32
        %dma_wait3A_249 = arith.constant 0 : i32
        %dma_wait3A_250 = tpu.memref_slice %arg2[%add3A_248, %dma_wait3A_249] : memref<100000x64xf32, #tpu.memory_space<hbm>> -> memref<200x64xf32, #tpu.memory_space<hbm>>
        %dma_wait3A_251 = arith.constant 0 : i32
        %dma_wait3A_252 = tpu.memref_slice %arg2[%add3A_248, %dma_wait3A_251] : memref<100000x64xf32, #tpu.memory_space<hbm>> -> memref<200x64xf32, #tpu.memory_space<hbm>>
        tpu.wait_dma2 semaphore(%arg10 : memref<!tpu.dma_semaphore, #tpu.memory_space<semaphore_mem>>) src(%dma_wait3A_252 : memref<200x64xf32, #tpu.memory_space<hbm>>) dst(%arg6 : memref<200x64xf32, #tpu.memory_space<vmem>>)
        %add3A_253 = arith.constant 1800 : i32
        %add3A_254 = arith.addi %add3A_20, %add3A_253 : i32
        %dma_start3A_255 = arith.constant 0 : i32
        %dma_start3A_256 = tpu.memref_slice %arg4[%add3A_254, %dma_start3A_255] : memref<200000x64xf32, #tpu.memory_space<hbm>> -> memref<200x64xf32, #tpu.memory_space<hbm>>
        %dma_start3A_257 = arith.constant 0 : i32
        %dma_start3A_258 = tpu.memref_slice %arg4[%add3A_254, %dma_start3A_257] : memref<200000x64xf32, #tpu.memory_space<hbm>> -> memref<200x64xf32, #tpu.memory_space<hbm>>
        tpu.enqueue_dma source(%arg6 : memref<200x64xf32, #tpu.memory_space<vmem>>) target(%dma_start3A_258 : memref<200x64xf32, #tpu.memory_space<hbm>>) target_semaphore(%arg14 : memref<!tpu.dma_semaphore, #tpu.memory_space<semaphore_mem>>)
        %add3A_259 = arith.constant 1600 : i32
        %add3A_260 = arith.addi %add3A_20, %add3A_259 : i32
        %dma_wait3A_261 = arith.constant 0 : i32
        %dma_wait3A_262 = tpu.memref_slice %arg4[%add3A_260, %dma_wait3A_261] : memref<200000x64xf32, #tpu.memory_space<hbm>> -> memref<200x64xf32, #tpu.memory_space<hbm>>
        %dma_wait3A_263 = arith.constant 0 : i32
        %dma_wait3A_264 = tpu.memref_slice %arg4[%add3A_260, %dma_wait3A_263] : memref<200000x64xf32, #tpu.memory_space<hbm>> -> memref<200x64xf32, #tpu.memory_space<hbm>>
        tpu.wait_dma2 semaphore(%arg13 : memref<!tpu.dma_semaphore, #tpu.memory_space<semaphore_mem>>) src(%arg5 : memref<200x64xf32, #tpu.memory_space<vmem>>) dst(%dma_wait3A_264 : memref<200x64xf32, #tpu.memory_space<hbm>>)
        %add3A_265 = arith.constant 2400 : i32
        %add3A_266 = arith.addi %multiple_of3A, %add3A_265 : i32
        %dma_start3A_267 = arith.constant 0 : i32
        %dma_start3A_268 = tpu.memref_slice %arg2[%add3A_266, %dma_start3A_267] : memref<100000x64xf32, #tpu.memory_space<hbm>> -> memref<200x64xf32, #tpu.memory_space<hbm>>
        %dma_start3A_269 = arith.constant 0 : i32
        %dma_start3A_270 = tpu.memref_slice %arg2[%add3A_266, %dma_start3A_269] : memref<100000x64xf32, #tpu.memory_space<hbm>> -> memref<200x64xf32, #tpu.memory_space<hbm>>
        tpu.enqueue_dma source(%dma_start3A_270 : memref<200x64xf32, #tpu.memory_space<hbm>>) target(%arg5 : memref<200x64xf32, #tpu.memory_space<vmem>>) target_semaphore(%arg9 : memref<!tpu.dma_semaphore, #tpu.memory_space<semaphore_mem>>)
        %add3A_271 = arith.constant 2000 : i32
        %add3A_272 = arith.addi %multiple_of3A, %add3A_271 : i32
        %dma_wait3A_273 = arith.constant 0 : i32
        %dma_wait3A_274 = tpu.memref_slice %arg2[%add3A_272, %dma_wait3A_273] : memref<100000x64xf32, #tpu.memory_space<hbm>> -> memref<200x64xf32, #tpu.memory_space<hbm>>
        %dma_wait3A_275 = arith.constant 0 : i32
        %dma_wait3A_276 = tpu.memref_slice %arg2[%add3A_272, %dma_wait3A_275] : memref<100000x64xf32, #tpu.memory_space<hbm>> -> memref<200x64xf32, #tpu.memory_space<hbm>>
        tpu.wait_dma2 semaphore(%arg11 : memref<!tpu.dma_semaphore, #tpu.memory_space<semaphore_mem>>) src(%dma_wait3A_276 : memref<200x64xf32, #tpu.memory_space<hbm>>) dst(%arg7 : memref<200x64xf32, #tpu.memory_space<vmem>>)
        %add3A_277 = arith.constant 2000 : i32
        %add3A_278 = arith.addi %add3A_20, %add3A_277 : i32
        %dma_start3A_279 = arith.constant 0 : i32
        %dma_start3A_280 = tpu.memref_slice %arg4[%add3A_278, %dma_start3A_279] : memref<200000x64xf32, #tpu.memory_space<hbm>> -> memref<200x64xf32, #tpu.memory_space<hbm>>
        %dma_start3A_281 = arith.constant 0 : i32
        %dma_start3A_282 = tpu.memref_slice %arg4[%add3A_278, %dma_start3A_281] : memref<200000x64xf32, #tpu.memory_space<hbm>> -> memref<200x64xf32, #tpu.memory_space<hbm>>
        tpu.enqueue_dma source(%arg7 : memref<200x64xf32, #tpu.memory_space<vmem>>) target(%dma_start3A_282 : memref<200x64xf32, #tpu.memory_space<hbm>>) target_semaphore(%arg15 : memref<!tpu.dma_semaphore, #tpu.memory_space<semaphore_mem>>)
        %add3A_283 = arith.constant 1800 : i32
        %add3A_284 = arith.addi %add3A_20, %add3A_283 : i32
        %dma_wait3A_285 = arith.constant 0 : i32
        %dma_wait3A_286 = tpu.memref_slice %arg4[%add3A_284, %dma_wait3A_285] : memref<200000x64xf32, #tpu.memory_space<hbm>> -> memref<200x64xf32, #tpu.memory_space<hbm>>
        %dma_wait3A_287 = arith.constant 0 : i32
        %dma_wait3A_288 = tpu.memref_slice %arg4[%add3A_284, %dma_wait3A_287] : memref<200000x64xf32, #tpu.memory_space<hbm>> -> memref<200x64xf32, #tpu.memory_space<hbm>>
        tpu.wait_dma2 semaphore(%arg14 : memref<!tpu.dma_semaphore, #tpu.memory_space<semaphore_mem>>) src(%arg6 : memref<200x64xf32, #tpu.memory_space<vmem>>) dst(%dma_wait3A_288 : memref<200x64xf32, #tpu.memory_space<hbm>>)
        %add3A_289 = arith.constant 2600 : i32
        %add3A_290 = arith.addi %multiple_of3A, %add3A_289 : i32
        %dma_start3A_291 = arith.constant 0 : i32
        %dma_start3A_292 = tpu.memref_slice %arg2[%add3A_290, %dma_start3A_291] : memref<100000x64xf32, #tpu.memory_space<hbm>> -> memref<200x64xf32, #tpu.memory_space<hbm>>
        %dma_start3A_293 = arith.constant 0 : i32
        %dma_start3A_294 = tpu.memref_slice %arg2[%add3A_290, %dma_start3A_293] : memref<100000x64xf32, #tpu.memory_space<hbm>> -> memref<200x64xf32, #tpu.memory_space<hbm>>
        tpu.enqueue_dma source(%dma_start3A_294 : memref<200x64xf32, #tpu.memory_space<hbm>>) target(%arg6 : memref<200x64xf32, #tpu.memory_space<vmem>>) target_semaphore(%arg10 : memref<!tpu.dma_semaphore, #tpu.memory_space<semaphore_mem>>)
        %add3A_295 = arith.constant 2200 : i32
        %add3A_296 = arith.addi %multiple_of3A, %add3A_295 : i32
        %dma_wait3A_297 = arith.constant 0 : i32
        %dma_wait3A_298 = tpu.memref_slice %arg2[%add3A_296, %dma_wait3A_297] : memref<100000x64xf32, #tpu.memory_space<hbm>> -> memref<200x64xf32, #tpu.memory_space<hbm>>
        %dma_wait3A_299 = arith.constant 0 : i32
        %dma_wait3A_300 = tpu.memref_slice %arg2[%add3A_296, %dma_wait3A_299] : memref<100000x64xf32, #tpu.memory_space<hbm>> -> memref<200x64xf32, #tpu.memory_space<hbm>>
        tpu.wait_dma2 semaphore(%arg12 : memref<!tpu.dma_semaphore, #tpu.memory_space<semaphore_mem>>) src(%dma_wait3A_300 : memref<200x64xf32, #tpu.memory_space<hbm>>) dst(%arg8 : memref<200x64xf32, #tpu.memory_space<vmem>>)
        %add3A_301 = arith.constant 2200 : i32
        %add3A_302 = arith.addi %add3A_20, %add3A_301 : i32
        %dma_start3A_303 = arith.constant 0 : i32
        %dma_start3A_304 = tpu.memref_slice %arg4[%add3A_302, %dma_start3A_303] : memref<200000x64xf32, #tpu.memory_space<hbm>> -> memref<200x64xf32, #tpu.memory_space<hbm>>
        %dma_start3A_305 = arith.constant 0 : i32
        %dma_start3A_306 = tpu.memref_slice %arg4[%add3A_302, %dma_start3A_305] : memref<200000x64xf32, #tpu.memory_space<hbm>> -> memref<200x64xf32, #tpu.memory_space<hbm>>
        tpu.enqueue_dma source(%arg8 : memref<200x64xf32, #tpu.memory_space<vmem>>) target(%dma_start3A_306 : memref<200x64xf32, #tpu.memory_space<hbm>>) target_semaphore(%arg16 : memref<!tpu.dma_semaphore, #tpu.memory_space<semaphore_mem>>)
        %add3A_307 = arith.constant 2000 : i32
        %add3A_308 = arith.addi %add3A_20, %add3A_307 : i32
        %dma_wait3A_309 = arith.constant 0 : i32
        %dma_wait3A_310 = tpu.memref_slice %arg4[%add3A_308, %dma_wait3A_309] : memref<200000x64xf32, #tpu.memory_space<hbm>> -> memref<200x64xf32, #tpu.memory_space<hbm>>
        %dma_wait3A_311 = arith.constant 0 : i32
        %dma_wait3A_312 = tpu.memref_slice %arg4[%add3A_308, %dma_wait3A_311] : memref<200000x64xf32, #tpu.memory_space<hbm>> -> memref<200x64xf32, #tpu.memory_space<hbm>>
        tpu.wait_dma2 semaphore(%arg15 : memref<!tpu.dma_semaphore, #tpu.memory_space<semaphore_mem>>) src(%arg7 : memref<200x64xf32, #tpu.memory_space<vmem>>) dst(%dma_wait3A_312 : memref<200x64xf32, #tpu.memory_space<hbm>>)
        %add3A_313 = arith.constant 2800 : i32
        %add3A_314 = arith.addi %multiple_of3A, %add3A_313 : i32
        %dma_start3A_315 = arith.constant 0 : i32
        %dma_start3A_316 = tpu.memref_slice %arg2[%add3A_314, %dma_start3A_315] : memref<100000x64xf32, #tpu.memory_space<hbm>> -> memref<200x64xf32, #tpu.memory_space<hbm>>
        %dma_start3A_317 = arith.constant 0 : i32
        %dma_start3A_318 = tpu.memref_slice %arg2[%add3A_314, %dma_start3A_317] : memref<100000x64xf32, #tpu.memory_space<hbm>> -> memref<200x64xf32, #tpu.memory_space<hbm>>
        tpu.enqueue_dma source(%dma_start3A_318 : memref<200x64xf32, #tpu.memory_space<hbm>>) target(%arg7 : memref<200x64xf32, #tpu.memory_space<vmem>>) target_semaphore(%arg11 : memref<!tpu.dma_semaphore, #tpu.memory_space<semaphore_mem>>)
        %add3A_319 = arith.constant 2400 : i32
        %add3A_320 = arith.addi %multiple_of3A, %add3A_319 : i32
        %dma_wait3A_321 = arith.constant 0 : i32
        %dma_wait3A_322 = tpu.memref_slice %arg2[%add3A_320, %dma_wait3A_321] : memref<100000x64xf32, #tpu.memory_space<hbm>> -> memref<200x64xf32, #tpu.memory_space<hbm>>
        %dma_wait3A_323 = arith.constant 0 : i32
        %dma_wait3A_324 = tpu.memref_slice %arg2[%add3A_320, %dma_wait3A_323] : memref<100000x64xf32, #tpu.memory_space<hbm>> -> memref<200x64xf32, #tpu.memory_space<hbm>>
        tpu.wait_dma2 semaphore(%arg9 : memref<!tpu.dma_semaphore, #tpu.memory_space<semaphore_mem>>) src(%dma_wait3A_324 : memref<200x64xf32, #tpu.memory_space<hbm>>) dst(%arg5 : memref<200x64xf32, #tpu.memory_space<vmem>>)
        %add3A_325 = arith.constant 2400 : i32
        %add3A_326 = arith.addi %add3A_20, %add3A_325 : i32
        %dma_start3A_327 = arith.constant 0 : i32
        %dma_start3A_328 = tpu.memref_slice %arg4[%add3A_326, %dma_start3A_327] : memref<200000x64xf32, #tpu.memory_space<hbm>> -> memref<200x64xf32, #tpu.memory_space<hbm>>
        %dma_start3A_329 = arith.constant 0 : i32
        %dma_start3A_330 = tpu.memref_slice %arg4[%add3A_326, %dma_start3A_329] : memref<200000x64xf32, #tpu.memory_space<hbm>> -> memref<200x64xf32, #tpu.memory_space<hbm>>
        tpu.enqueue_dma source(%arg5 : memref<200x64xf32, #tpu.memory_space<vmem>>) target(%dma_start3A_330 : memref<200x64xf32, #tpu.memory_space<hbm>>) target_semaphore(%arg13 : memref<!tpu.dma_semaphore, #tpu.memory_space<semaphore_mem>>)
        %add3A_331 = arith.constant 2200 : i32
        %add3A_332 = arith.addi %add3A_20, %add3A_331 : i32
        %dma_wait3A_333 = arith.constant 0 : i32
        %dma_wait3A_334 = tpu.memref_slice %arg4[%add3A_332, %dma_wait3A_333] : memref<200000x64xf32, #tpu.memory_space<hbm>> -> memref<200x64xf32, #tpu.memory_space<hbm>>
        %dma_wait3A_335 = arith.constant 0 : i32
        %dma_wait3A_336 = tpu.memref_slice %arg4[%add3A_332, %dma_wait3A_335] : memref<200000x64xf32, #tpu.memory_space<hbm>> -> memref<200x64xf32, #tpu.memory_space<hbm>>
        tpu.wait_dma2 semaphore(%arg16 : memref<!tpu.dma_semaphore, #tpu.memory_space<semaphore_mem>>) src(%arg8 : memref<200x64xf32, #tpu.memory_space<vmem>>) dst(%dma_wait3A_336 : memref<200x64xf32, #tpu.memory_space<hbm>>)
        %add3A_337 = arith.constant 3000 : i32
        %add3A_338 = arith.addi %multiple_of3A, %add3A_337 : i32
        %dma_start3A_339 = arith.constant 0 : i32
        %dma_start3A_340 = tpu.memref_slice %arg2[%add3A_338, %dma_start3A_339] : memref<100000x64xf32, #tpu.memory_space<hbm>> -> memref<200x64xf32, #tpu.memory_space<hbm>>
        %dma_start3A_341 = arith.constant 0 : i32
        %dma_start3A_342 = tpu.memref_slice %arg2[%add3A_338, %dma_start3A_341] : memref<100000x64xf32, #tpu.memory_space<hbm>> -> memref<200x64xf32, #tpu.memory_space<hbm>>
        tpu.enqueue_dma source(%dma_start3A_342 : memref<200x64xf32, #tpu.memory_space<hbm>>) target(%arg8 : memref<200x64xf32, #tpu.memory_space<vmem>>) target_semaphore(%arg12 : memref<!tpu.dma_semaphore, #tpu.memory_space<semaphore_mem>>)
        %add3A_343 = arith.constant 2600 : i32
        %add3A_344 = arith.addi %multiple_of3A, %add3A_343 : i32
        %dma_wait3A_345 = arith.constant 0 : i32
        %dma_wait3A_346 = tpu.memref_slice %arg2[%add3A_344, %dma_wait3A_345] : memref<100000x64xf32, #tpu.memory_space<hbm>> -> memref<200x64xf32, #tpu.memory_space<hbm>>
        %dma_wait3A_347 = arith.constant 0 : i32
        %dma_wait3A_348 = tpu.memref_slice %arg2[%add3A_344, %dma_wait3A_347] : memref<100000x64xf32, #tpu.memory_space<hbm>> -> memref<200x64xf32, #tpu.memory_space<hbm>>
        tpu.wait_dma2 semaphore(%arg10 : memref<!tpu.dma_semaphore, #tpu.memory_space<semaphore_mem>>) src(%dma_wait3A_348 : memref<200x64xf32, #tpu.memory_space<hbm>>) dst(%arg6 : memref<200x64xf32, #tpu.memory_space<vmem>>)
        %add3A_349 = arith.constant 2600 : i32
        %add3A_350 = arith.addi %add3A_20, %add3A_349 : i32
        %dma_start3A_351 = arith.constant 0 : i32
        %dma_start3A_352 = tpu.memref_slice %arg4[%add3A_350, %dma_start3A_351] : memref<200000x64xf32, #tpu.memory_space<hbm>> -> memref<200x64xf32, #tpu.memory_space<hbm>>
        %dma_start3A_353 = arith.constant 0 : i32
        %dma_start3A_354 = tpu.memref_slice %arg4[%add3A_350, %dma_start3A_353] : memref<200000x64xf32, #tpu.memory_space<hbm>> -> memref<200x64xf32, #tpu.memory_space<hbm>>
        tpu.enqueue_dma source(%arg6 : memref<200x64xf32, #tpu.memory_space<vmem>>) target(%dma_start3A_354 : memref<200x64xf32, #tpu.memory_space<hbm>>) target_semaphore(%arg14 : memref<!tpu.dma_semaphore, #tpu.memory_space<semaphore_mem>>)
        %add3A_355 = arith.constant 2400 : i32
        %add3A_356 = arith.addi %add3A_20, %add3A_355 : i32
        %dma_wait3A_357 = arith.constant 0 : i32
        %dma_wait3A_358 = tpu.memref_slice %arg4[%add3A_356, %dma_wait3A_357] : memref<200000x64xf32, #tpu.memory_space<hbm>> -> memref<200x64xf32, #tpu.memory_space<hbm>>
        %dma_wait3A_359 = arith.constant 0 : i32
        %dma_wait3A_360 = tpu.memref_slice %arg4[%add3A_356, %dma_wait3A_359] : memref<200000x64xf32, #tpu.memory_space<hbm>> -> memref<200x64xf32, #tpu.memory_space<hbm>>
        tpu.wait_dma2 semaphore(%arg13 : memref<!tpu.dma_semaphore, #tpu.memory_space<semaphore_mem>>) src(%arg5 : memref<200x64xf32, #tpu.memory_space<vmem>>) dst(%dma_wait3A_360 : memref<200x64xf32, #tpu.memory_space<hbm>>)
        %add3A_361 = arith.constant 3200 : i32
        %add3A_362 = arith.addi %multiple_of3A, %add3A_361 : i32
        %dma_start3A_363 = arith.constant 0 : i32
        %dma_start3A_364 = tpu.memref_slice %arg2[%add3A_362, %dma_start3A_363] : memref<100000x64xf32, #tpu.memory_space<hbm>> -> memref<200x64xf32, #tpu.memory_space<hbm>>
        %dma_start3A_365 = arith.constant 0 : i32
        %dma_start3A_366 = tpu.memref_slice %arg2[%add3A_362, %dma_start3A_365] : memref<100000x64xf32, #tpu.memory_space<hbm>> -> memref<200x64xf32, #tpu.memory_space<hbm>>
        tpu.enqueue_dma source(%dma_start3A_366 : memref<200x64xf32, #tpu.memory_space<hbm>>) target(%arg5 : memref<200x64xf32, #tpu.memory_space<vmem>>) target_semaphore(%arg9 : memref<!tpu.dma_semaphore, #tpu.memory_space<semaphore_mem>>)
        %add3A_367 = arith.constant 2800 : i32
        %add3A_368 = arith.addi %multiple_of3A, %add3A_367 : i32
        %dma_wait3A_369 = arith.constant 0 : i32
        %dma_wait3A_370 = tpu.memref_slice %arg2[%add3A_368, %dma_wait3A_369] : memref<100000x64xf32, #tpu.memory_space<hbm>> -> memref<200x64xf32, #tpu.memory_space<hbm>>
        %dma_wait3A_371 = arith.constant 0 : i32
        %dma_wait3A_372 = tpu.memref_slice %arg2[%add3A_368, %dma_wait3A_371] : memref<100000x64xf32, #tpu.memory_space<hbm>> -> memref<200x64xf32, #tpu.memory_space<hbm>>
        tpu.wait_dma2 semaphore(%arg11 : memref<!tpu.dma_semaphore, #tpu.memory_space<semaphore_mem>>) src(%dma_wait3A_372 : memref<200x64xf32, #tpu.memory_space<hbm>>) dst(%arg7 : memref<200x64xf32, #tpu.memory_space<vmem>>)
        %add3A_373 = arith.constant 2800 : i32
        %add3A_374 = arith.addi %add3A_20, %add3A_373 : i32
        %dma_start3A_375 = arith.constant 0 : i32
        %dma_start3A_376 = tpu.memref_slice %arg4[%add3A_374, %dma_start3A_375] : memref<200000x64xf32, #tpu.memory_space<hbm>> -> memref<200x64xf32, #tpu.memory_space<hbm>>
        %dma_start3A_377 = arith.constant 0 : i32
        %dma_start3A_378 = tpu.memref_slice %arg4[%add3A_374, %dma_start3A_377] : memref<200000x64xf32, #tpu.memory_space<hbm>> -> memref<200x64xf32, #tpu.memory_space<hbm>>
        tpu.enqueue_dma source(%arg7 : memref<200x64xf32, #tpu.memory_space<vmem>>) target(%dma_start3A_378 : memref<200x64xf32, #tpu.memory_space<hbm>>) target_semaphore(%arg15 : memref<!tpu.dma_semaphore, #tpu.memory_space<semaphore_mem>>)
        %add3A_379 = arith.constant 2600 : i32
        %add3A_380 = arith.addi %add3A_20, %add3A_379 : i32
        %dma_wait3A_381 = arith.constant 0 : i32
        %dma_wait3A_382 = tpu.memref_slice %arg4[%add3A_380, %dma_wait3A_381] : memref<200000x64xf32, #tpu.memory_space<hbm>> -> memref<200x64xf32, #tpu.memory_space<hbm>>
        %dma_wait3A_383 = arith.constant 0 : i32
        %dma_wait3A_384 = tpu.memref_slice %arg4[%add3A_380, %dma_wait3A_383] : memref<200000x64xf32, #tpu.memory_space<hbm>> -> memref<200x64xf32, #tpu.memory_space<hbm>>
        tpu.wait_dma2 semaphore(%arg14 : memref<!tpu.dma_semaphore, #tpu.memory_space<semaphore_mem>>) src(%arg6 : memref<200x64xf32, #tpu.memory_space<vmem>>) dst(%dma_wait3A_384 : memref<200x64xf32, #tpu.memory_space<hbm>>)
        %add3A_385 = arith.constant 3400 : i32
        %add3A_386 = arith.addi %multiple_of3A, %add3A_385 : i32
        %dma_start3A_387 = arith.constant 0 : i32
        %dma_start3A_388 = tpu.memref_slice %arg2[%add3A_386, %dma_start3A_387] : memref<100000x64xf32, #tpu.memory_space<hbm>> -> memref<200x64xf32, #tpu.memory_space<hbm>>
        %dma_start3A_389 = arith.constant 0 : i32
        %dma_start3A_390 = tpu.memref_slice %arg2[%add3A_386, %dma_start3A_389] : memref<100000x64xf32, #tpu.memory_space<hbm>> -> memref<200x64xf32, #tpu.memory_space<hbm>>
        tpu.enqueue_dma source(%dma_start3A_390 : memref<200x64xf32, #tpu.memory_space<hbm>>) target(%arg6 : memref<200x64xf32, #tpu.memory_space<vmem>>) target_semaphore(%arg10 : memref<!tpu.dma_semaphore, #tpu.memory_space<semaphore_mem>>)
        %add3A_391 = arith.constant 3000 : i32
        %add3A_392 = arith.addi %multiple_of3A, %add3A_391 : i32
        %dma_wait3A_393 = arith.constant 0 : i32
        %dma_wait3A_394 = tpu.memref_slice %arg2[%add3A_392, %dma_wait3A_393] : memref<100000x64xf32, #tpu.memory_space<hbm>> -> memref<200x64xf32, #tpu.memory_space<hbm>>
        %dma_wait3A_395 = arith.constant 0 : i32
        %dma_wait3A_396 = tpu.memref_slice %arg2[%add3A_392, %dma_wait3A_395] : memref<100000x64xf32, #tpu.memory_space<hbm>> -> memref<200x64xf32, #tpu.memory_space<hbm>>
        tpu.wait_dma2 semaphore(%arg12 : memref<!tpu.dma_semaphore, #tpu.memory_space<semaphore_mem>>) src(%dma_wait3A_396 : memref<200x64xf32, #tpu.memory_space<hbm>>) dst(%arg8 : memref<200x64xf32, #tpu.memory_space<vmem>>)
        %add3A_397 = arith.constant 3000 : i32
        %add3A_398 = arith.addi %add3A_20, %add3A_397 : i32
        %dma_start3A_399 = arith.constant 0 : i32
        %dma_start3A_400 = tpu.memref_slice %arg4[%add3A_398, %dma_start3A_399] : memref<200000x64xf32, #tpu.memory_space<hbm>> -> memref<200x64xf32, #tpu.memory_space<hbm>>
        %dma_start3A_401 = arith.constant 0 : i32
        %dma_start3A_402 = tpu.memref_slice %arg4[%add3A_398, %dma_start3A_401] : memref<200000x64xf32, #tpu.memory_space<hbm>> -> memref<200x64xf32, #tpu.memory_space<hbm>>
        tpu.enqueue_dma source(%arg8 : memref<200x64xf32, #tpu.memory_space<vmem>>) target(%dma_start3A_402 : memref<200x64xf32, #tpu.memory_space<hbm>>) target_semaphore(%arg16 : memref<!tpu.dma_semaphore, #tpu.memory_space<semaphore_mem>>)
        %add3A_403 = arith.constant 2800 : i32
        %add3A_404 = arith.addi %add3A_20, %add3A_403 : i32
        %dma_wait3A_405 = arith.constant 0 : i32
        %dma_wait3A_406 = tpu.memref_slice %arg4[%add3A_404, %dma_wait3A_405] : memref<200000x64xf32, #tpu.memory_space<hbm>> -> memref<200x64xf32, #tpu.memory_space<hbm>>
        %dma_wait3A_407 = arith.constant 0 : i32
        %dma_wait3A_408 = tpu.memref_slice %arg4[%add3A_404, %dma_wait3A_407] : memref<200000x64xf32, #tpu.memory_space<hbm>> -> memref<200x64xf32, #tpu.memory_space<hbm>>
        tpu.wait_dma2 semaphore(%arg15 : memref<!tpu.dma_semaphore, #tpu.memory_space<semaphore_mem>>) src(%arg7 : memref<200x64xf32, #tpu.memory_space<vmem>>) dst(%dma_wait3A_408 : memref<200x64xf32, #tpu.memory_space<hbm>>)
        %add3A_409 = arith.constant 3600 : i32
        %add3A_410 = arith.addi %multiple_of3A, %add3A_409 : i32
        %dma_start3A_411 = arith.constant 0 : i32
        %dma_start3A_412 = tpu.memref_slice %arg2[%add3A_410, %dma_start3A_411] : memref<100000x64xf32, #tpu.memory_space<hbm>> -> memref<200x64xf32, #tpu.memory_space<hbm>>
        %dma_start3A_413 = arith.constant 0 : i32
        %dma_start3A_414 = tpu.memref_slice %arg2[%add3A_410, %dma_start3A_413] : memref<100000x64xf32, #tpu.memory_space<hbm>> -> memref<200x64xf32, #tpu.memory_space<hbm>>
        tpu.enqueue_dma source(%dma_start3A_414 : memref<200x64xf32, #tpu.memory_space<hbm>>) target(%arg7 : memref<200x64xf32, #tpu.memory_space<vmem>>) target_semaphore(%arg11 : memref<!tpu.dma_semaphore, #tpu.memory_space<semaphore_mem>>)
        %add3A_415 = arith.constant 3200 : i32
        %add3A_416 = arith.addi %multiple_of3A, %add3A_415 : i32
        %dma_wait3A_417 = arith.constant 0 : i32
        %dma_wait3A_418 = tpu.memref_slice %arg2[%add3A_416, %dma_wait3A_417] : memref<100000x64xf32, #tpu.memory_space<hbm>> -> memref<200x64xf32, #tpu.memory_space<hbm>>
        %dma_wait3A_419 = arith.constant 0 : i32
        %dma_wait3A_420 = tpu.memref_slice %arg2[%add3A_416, %dma_wait3A_419] : memref<100000x64xf32, #tpu.memory_space<hbm>> -> memref<200x64xf32, #tpu.memory_space<hbm>>
        tpu.wait_dma2 semaphore(%arg9 : memref<!tpu.dma_semaphore, #tpu.memory_space<semaphore_mem>>) src(%dma_wait3A_420 : memref<200x64xf32, #tpu.memory_space<hbm>>) dst(%arg5 : memref<200x64xf32, #tpu.memory_space<vmem>>)
        %add3A_421 = arith.constant 3200 : i32
        %add3A_422 = arith.addi %add3A_20, %add3A_421 : i32
        %dma_start3A_423 = arith.constant 0 : i32
        %dma_start3A_424 = tpu.memref_slice %arg4[%add3A_422, %dma_start3A_423] : memref<200000x64xf32, #tpu.memory_space<hbm>> -> memref<200x64xf32, #tpu.memory_space<hbm>>
        %dma_start3A_425 = arith.constant 0 : i32
        %dma_start3A_426 = tpu.memref_slice %arg4[%add3A_422, %dma_start3A_425] : memref<200000x64xf32, #tpu.memory_space<hbm>> -> memref<200x64xf32, #tpu.memory_space<hbm>>
        tpu.enqueue_dma source(%arg5 : memref<200x64xf32, #tpu.memory_space<vmem>>) target(%dma_start3A_426 : memref<200x64xf32, #tpu.memory_space<hbm>>) target_semaphore(%arg13 : memref<!tpu.dma_semaphore, #tpu.memory_space<semaphore_mem>>)
        %add3A_427 = arith.constant 3000 : i32
        %add3A_428 = arith.addi %add3A_20, %add3A_427 : i32
        %dma_wait3A_429 = arith.constant 0 : i32
        %dma_wait3A_430 = tpu.memref_slice %arg4[%add3A_428, %dma_wait3A_429] : memref<200000x64xf32, #tpu.memory_space<hbm>> -> memref<200x64xf32, #tpu.memory_space<hbm>>
        %dma_wait3A_431 = arith.constant 0 : i32
        %dma_wait3A_432 = tpu.memref_slice %arg4[%add3A_428, %dma_wait3A_431] : memref<200000x64xf32, #tpu.memory_space<hbm>> -> memref<200x64xf32, #tpu.memory_space<hbm>>
        tpu.wait_dma2 semaphore(%arg16 : memref<!tpu.dma_semaphore, #tpu.memory_space<semaphore_mem>>) src(%arg8 : memref<200x64xf32, #tpu.memory_space<vmem>>) dst(%dma_wait3A_432 : memref<200x64xf32, #tpu.memory_space<hbm>>)
        %add3A_433 = arith.constant 3800 : i32
        %add3A_434 = arith.addi %multiple_of3A, %add3A_433 : i32
        %dma_start3A_435 = arith.constant 0 : i32
        %dma_start3A_436 = tpu.memref_slice %arg2[%add3A_434, %dma_start3A_435] : memref<100000x64xf32, #tpu.memory_space<hbm>> -> memref<200x64xf32, #tpu.memory_space<hbm>>
        %dma_start3A_437 = arith.constant 0 : i32
        %dma_start3A_438 = tpu.memref_slice %arg2[%add3A_434, %dma_start3A_437] : memref<100000x64xf32, #tpu.memory_space<hbm>> -> memref<200x64xf32, #tpu.memory_space<hbm>>
        tpu.enqueue_dma source(%dma_start3A_438 : memref<200x64xf32, #tpu.memory_space<hbm>>) target(%arg8 : memref<200x64xf32, #tpu.memory_space<vmem>>) target_semaphore(%arg12 : memref<!tpu.dma_semaphore, #tpu.memory_space<semaphore_mem>>)
        %add3A_439 = arith.constant 3400 : i32
        %add3A_440 = arith.addi %multiple_of3A, %add3A_439 : i32
        %dma_wait3A_441 = arith.constant 0 : i32
        %dma_wait3A_442 = tpu.memref_slice %arg2[%add3A_440, %dma_wait3A_441] : memref<100000x64xf32, #tpu.memory_space<hbm>> -> memref<200x64xf32, #tpu.memory_space<hbm>>
        %dma_wait3A_443 = arith.constant 0 : i32
        %dma_wait3A_444 = tpu.memref_slice %arg2[%add3A_440, %dma_wait3A_443] : memref<100000x64xf32, #tpu.memory_space<hbm>> -> memref<200x64xf32, #tpu.memory_space<hbm>>
        tpu.wait_dma2 semaphore(%arg10 : memref<!tpu.dma_semaphore, #tpu.memory_space<semaphore_mem>>) src(%dma_wait3A_444 : memref<200x64xf32, #tpu.memory_space<hbm>>) dst(%arg6 : memref<200x64xf32, #tpu.memory_space<vmem>>)
        %add3A_445 = arith.constant 3400 : i32
        %add3A_446 = arith.addi %add3A_20, %add3A_445 : i32
        %dma_start3A_447 = arith.constant 0 : i32
        %dma_start3A_448 = tpu.memref_slice %arg4[%add3A_446, %dma_start3A_447] : memref<200000x64xf32, #tpu.memory_space<hbm>> -> memref<200x64xf32, #tpu.memory_space<hbm>>
        %dma_start3A_449 = arith.constant 0 : i32
        %dma_start3A_450 = tpu.memref_slice %arg4[%add3A_446, %dma_start3A_449] : memref<200000x64xf32, #tpu.memory_space<hbm>> -> memref<200x64xf32, #tpu.memory_space<hbm>>
        tpu.enqueue_dma source(%arg6 : memref<200x64xf32, #tpu.memory_space<vmem>>) target(%dma_start3A_450 : memref<200x64xf32, #tpu.memory_space<hbm>>) target_semaphore(%arg14 : memref<!tpu.dma_semaphore, #tpu.memory_space<semaphore_mem>>)
        %add3A_451 = arith.constant 3200 : i32
        %add3A_452 = arith.addi %add3A_20, %add3A_451 : i32
        %dma_wait3A_453 = arith.constant 0 : i32
        %dma_wait3A_454 = tpu.memref_slice %arg4[%add3A_452, %dma_wait3A_453] : memref<200000x64xf32, #tpu.memory_space<hbm>> -> memref<200x64xf32, #tpu.memory_space<hbm>>
        %dma_wait3A_455 = arith.constant 0 : i32
        %dma_wait3A_456 = tpu.memref_slice %arg4[%add3A_452, %dma_wait3A_455] : memref<200000x64xf32, #tpu.memory_space<hbm>> -> memref<200x64xf32, #tpu.memory_space<hbm>>
        tpu.wait_dma2 semaphore(%arg13 : memref<!tpu.dma_semaphore, #tpu.memory_space<semaphore_mem>>) src(%arg5 : memref<200x64xf32, #tpu.memory_space<vmem>>) dst(%dma_wait3A_456 : memref<200x64xf32, #tpu.memory_space<hbm>>)
        %add3A_457 = arith.constant 4000 : i32
        %add3A_458 = arith.addi %multiple_of3A, %add3A_457 : i32
        %dma_start3A_459 = arith.constant 0 : i32
        %dma_start3A_460 = tpu.memref_slice %arg2[%add3A_458, %dma_start3A_459] : memref<100000x64xf32, #tpu.memory_space<hbm>> -> memref<200x64xf32, #tpu.memory_space<hbm>>
        %dma_start3A_461 = arith.constant 0 : i32
        %dma_start3A_462 = tpu.memref_slice %arg2[%add3A_458, %dma_start3A_461] : memref<100000x64xf32, #tpu.memory_space<hbm>> -> memref<200x64xf32, #tpu.memory_space<hbm>>
        tpu.enqueue_dma source(%dma_start3A_462 : memref<200x64xf32, #tpu.memory_space<hbm>>) target(%arg5 : memref<200x64xf32, #tpu.memory_space<vmem>>) target_semaphore(%arg9 : memref<!tpu.dma_semaphore, #tpu.memory_space<semaphore_mem>>)
        %add3A_463 = arith.constant 3600 : i32
        %add3A_464 = arith.addi %multiple_of3A, %add3A_463 : i32
        %dma_wait3A_465 = arith.constant 0 : i32
        %dma_wait3A_466 = tpu.memref_slice %arg2[%add3A_464, %dma_wait3A_465] : memref<100000x64xf32, #tpu.memory_space<hbm>> -> memref<200x64xf32, #tpu.memory_space<hbm>>
        %dma_wait3A_467 = arith.constant 0 : i32
        %dma_wait3A_468 = tpu.memref_slice %arg2[%add3A_464, %dma_wait3A_467] : memref<100000x64xf32, #tpu.memory_space<hbm>> -> memref<200x64xf32, #tpu.memory_space<hbm>>
        tpu.wait_dma2 semaphore(%arg11 : memref<!tpu.dma_semaphore, #tpu.memory_space<semaphore_mem>>) src(%dma_wait3A_468 : memref<200x64xf32, #tpu.memory_space<hbm>>) dst(%arg7 : memref<200x64xf32, #tpu.memory_space<vmem>>)
        %add3A_469 = arith.constant 3600 : i32
        %add3A_470 = arith.addi %add3A_20, %add3A_469 : i32
        %dma_start3A_471 = arith.constant 0 : i32
        %dma_start3A_472 = tpu.memref_slice %arg4[%add3A_470, %dma_start3A_471] : memref<200000x64xf32, #tpu.memory_space<hbm>> -> memref<200x64xf32, #tpu.memory_space<hbm>>
        %dma_start3A_473 = arith.constant 0 : i32
        %dma_start3A_474 = tpu.memref_slice %arg4[%add3A_470, %dma_start3A_473] : memref<200000x64xf32, #tpu.memory_space<hbm>> -> memref<200x64xf32, #tpu.memory_space<hbm>>
        tpu.enqueue_dma source(%arg7 : memref<200x64xf32, #tpu.memory_space<vmem>>) target(%dma_start3A_474 : memref<200x64xf32, #tpu.memory_space<hbm>>) target_semaphore(%arg15 : memref<!tpu.dma_semaphore, #tpu.memory_space<semaphore_mem>>)
        %add3A_475 = arith.constant 3400 : i32
        %add3A_476 = arith.addi %add3A_20, %add3A_475 : i32
        %dma_wait3A_477 = arith.constant 0 : i32
        %dma_wait3A_478 = tpu.memref_slice %arg4[%add3A_476, %dma_wait3A_477] : memref<200000x64xf32, #tpu.memory_space<hbm>> -> memref<200x64xf32, #tpu.memory_space<hbm>>
        %dma_wait3A_479 = arith.constant 0 : i32
        %dma_wait3A_480 = tpu.memref_slice %arg4[%add3A_476, %dma_wait3A_479] : memref<200000x64xf32, #tpu.memory_space<hbm>> -> memref<200x64xf32, #tpu.memory_space<hbm>>
        tpu.wait_dma2 semaphore(%arg14 : memref<!tpu.dma_semaphore, #tpu.memory_space<semaphore_mem>>) src(%arg6 : memref<200x64xf32, #tpu.memory_space<vmem>>) dst(%dma_wait3A_480 : memref<200x64xf32, #tpu.memory_space<hbm>>)
        %add3A_481 = arith.constant 4200 : i32
        %add3A_482 = arith.addi %multiple_of3A, %add3A_481 : i32
        %dma_start3A_483 = arith.constant 0 : i32
        %dma_start3A_484 = tpu.memref_slice %arg2[%add3A_482, %dma_start3A_483] : memref<100000x64xf32, #tpu.memory_space<hbm>> -> memref<200x64xf32, #tpu.memory_space<hbm>>
        %dma_start3A_485 = arith.constant 0 : i32
        %dma_start3A_486 = tpu.memref_slice %arg2[%add3A_482, %dma_start3A_485] : memref<100000x64xf32, #tpu.memory_space<hbm>> -> memref<200x64xf32, #tpu.memory_space<hbm>>
        tpu.enqueue_dma source(%dma_start3A_486 : memref<200x64xf32, #tpu.memory_space<hbm>>) target(%arg6 : memref<200x64xf32, #tpu.memory_space<vmem>>) target_semaphore(%arg10 : memref<!tpu.dma_semaphore, #tpu.memory_space<semaphore_mem>>)
        %add3A_487 = arith.constant 3800 : i32
        %add3A_488 = arith.addi %multiple_of3A, %add3A_487 : i32
        %dma_wait3A_489 = arith.constant 0 : i32
        %dma_wait3A_490 = tpu.memref_slice %arg2[%add3A_488, %dma_wait3A_489] : memref<100000x64xf32, #tpu.memory_space<hbm>> -> memref<200x64xf32, #tpu.memory_space<hbm>>
        %dma_wait3A_491 = arith.constant 0 : i32
        %dma_wait3A_492 = tpu.memref_slice %arg2[%add3A_488, %dma_wait3A_491] : memref<100000x64xf32, #tpu.memory_space<hbm>> -> memref<200x64xf32, #tpu.memory_space<hbm>>
        tpu.wait_dma2 semaphore(%arg12 : memref<!tpu.dma_semaphore, #tpu.memory_space<semaphore_mem>>) src(%dma_wait3A_492 : memref<200x64xf32, #tpu.memory_space<hbm>>) dst(%arg8 : memref<200x64xf32, #tpu.memory_space<vmem>>)
        %add3A_493 = arith.constant 3800 : i32
        %add3A_494 = arith.addi %add3A_20, %add3A_493 : i32
        %dma_start3A_495 = arith.constant 0 : i32
        %dma_start3A_496 = tpu.memref_slice %arg4[%add3A_494, %dma_start3A_495] : memref<200000x64xf32, #tpu.memory_space<hbm>> -> memref<200x64xf32, #tpu.memory_space<hbm>>
        %dma_start3A_497 = arith.constant 0 : i32
        %dma_start3A_498 = tpu.memref_slice %arg4[%add3A_494, %dma_start3A_497] : memref<200000x64xf32, #tpu.memory_space<hbm>> -> memref<200x64xf32, #tpu.memory_space<hbm>>
        tpu.enqueue_dma source(%arg8 : memref<200x64xf32, #tpu.memory_space<vmem>>) target(%dma_start3A_498 : memref<200x64xf32, #tpu.memory_space<hbm>>) target_semaphore(%arg16 : memref<!tpu.dma_semaphore, #tpu.memory_space<semaphore_mem>>)
        %add3A_499 = arith.constant 3600 : i32
        %add3A_500 = arith.addi %add3A_20, %add3A_499 : i32
        %dma_wait3A_501 = arith.constant 0 : i32
        %dma_wait3A_502 = tpu.memref_slice %arg4[%add3A_500, %dma_wait3A_501] : memref<200000x64xf32, #tpu.memory_space<hbm>> -> memref<200x64xf32, #tpu.memory_space<hbm>>
        %dma_wait3A_503 = arith.constant 0 : i32
        %dma_wait3A_504 = tpu.memref_slice %arg4[%add3A_500, %dma_wait3A_503] : memref<200000x64xf32, #tpu.memory_space<hbm>> -> memref<200x64xf32, #tpu.memory_space<hbm>>
        tpu.wait_dma2 semaphore(%arg15 : memref<!tpu.dma_semaphore, #tpu.memory_space<semaphore_mem>>) src(%arg7 : memref<200x64xf32, #tpu.memory_space<vmem>>) dst(%dma_wait3A_504 : memref<200x64xf32, #tpu.memory_space<hbm>>)
        %add3A_505 = arith.constant 4400 : i32
        %add3A_506 = arith.addi %multiple_of3A, %add3A_505 : i32
        %dma_start3A_507 = arith.constant 0 : i32
        %dma_start3A_508 = tpu.memref_slice %arg2[%add3A_506, %dma_start3A_507] : memref<100000x64xf32, #tpu.memory_space<hbm>> -> memref<200x64xf32, #tpu.memory_space<hbm>>
        %dma_start3A_509 = arith.constant 0 : i32
        %dma_start3A_510 = tpu.memref_slice %arg2[%add3A_506, %dma_start3A_509] : memref<100000x64xf32, #tpu.memory_space<hbm>> -> memref<200x64xf32, #tpu.memory_space<hbm>>
        tpu.enqueue_dma source(%dma_start3A_510 : memref<200x64xf32, #tpu.memory_space<hbm>>) target(%arg7 : memref<200x64xf32, #tpu.memory_space<vmem>>) target_semaphore(%arg11 : memref<!tpu.dma_semaphore, #tpu.memory_space<semaphore_mem>>)
        %add3A_511 = arith.constant 4000 : i32
        %add3A_512 = arith.addi %multiple_of3A, %add3A_511 : i32
        %dma_wait3A_513 = arith.constant 0 : i32
        %dma_wait3A_514 = tpu.memref_slice %arg2[%add3A_512, %dma_wait3A_513] : memref<100000x64xf32, #tpu.memory_space<hbm>> -> memref<200x64xf32, #tpu.memory_space<hbm>>
        %dma_wait3A_515 = arith.constant 0 : i32
        %dma_wait3A_516 = tpu.memref_slice %arg2[%add3A_512, %dma_wait3A_515] : memref<100000x64xf32, #tpu.memory_space<hbm>> -> memref<200x64xf32, #tpu.memory_space<hbm>>
        tpu.wait_dma2 semaphore(%arg9 : memref<!tpu.dma_semaphore, #tpu.memory_space<semaphore_mem>>) src(%dma_wait3A_516 : memref<200x64xf32, #tpu.memory_space<hbm>>) dst(%arg5 : memref<200x64xf32, #tpu.memory_space<vmem>>)
        %add3A_517 = arith.constant 4000 : i32
        %add3A_518 = arith.addi %add3A_20, %add3A_517 : i32
        %dma_start3A_519 = arith.constant 0 : i32
        %dma_start3A_520 = tpu.memref_slice %arg4[%add3A_518, %dma_start3A_519] : memref<200000x64xf32, #tpu.memory_space<hbm>> -> memref<200x64xf32, #tpu.memory_space<hbm>>
        %dma_start3A_521 = arith.constant 0 : i32
        %dma_start3A_522 = tpu.memref_slice %arg4[%add3A_518, %dma_start3A_521] : memref<200000x64xf32, #tpu.memory_space<hbm>> -> memref<200x64xf32, #tpu.memory_space<hbm>>
        tpu.enqueue_dma source(%arg5 : memref<200x64xf32, #tpu.memory_space<vmem>>) target(%dma_start3A_522 : memref<200x64xf32, #tpu.memory_space<hbm>>) target_semaphore(%arg13 : memref<!tpu.dma_semaphore, #tpu.memory_space<semaphore_mem>>)
        %add3A_523 = arith.constant 3800 : i32
        %add3A_524 = arith.addi %add3A_20, %add3A_523 : i32
        %dma_wait3A_525 = arith.constant 0 : i32
        %dma_wait3A_526 = tpu.memref_slice %arg4[%add3A_524, %dma_wait3A_525] : memref<200000x64xf32, #tpu.memory_space<hbm>> -> memref<200x64xf32, #tpu.memory_space<hbm>>
        %dma_wait3A_527 = arith.constant 0 : i32
        %dma_wait3A_528 = tpu.memref_slice %arg4[%add3A_524, %dma_wait3A_527] : memref<200000x64xf32, #tpu.memory_space<hbm>> -> memref<200x64xf32, #tpu.memory_space<hbm>>
        tpu.wait_dma2 semaphore(%arg16 : memref<!tpu.dma_semaphore, #tpu.memory_space<semaphore_mem>>) src(%arg8 : memref<200x64xf32, #tpu.memory_space<vmem>>) dst(%dma_wait3A_528 : memref<200x64xf32, #tpu.memory_space<hbm>>)
        %add3A_529 = arith.constant 4600 : i32
        %add3A_530 = arith.addi %multiple_of3A, %add3A_529 : i32
        %dma_start3A_531 = arith.constant 0 : i32
        %dma_start3A_532 = tpu.memref_slice %arg2[%add3A_530, %dma_start3A_531] : memref<100000x64xf32, #tpu.memory_space<hbm>> -> memref<200x64xf32, #tpu.memory_space<hbm>>
        %dma_start3A_533 = arith.constant 0 : i32
        %dma_start3A_534 = tpu.memref_slice %arg2[%add3A_530, %dma_start3A_533] : memref<100000x64xf32, #tpu.memory_space<hbm>> -> memref<200x64xf32, #tpu.memory_space<hbm>>
        tpu.enqueue_dma source(%dma_start3A_534 : memref<200x64xf32, #tpu.memory_space<hbm>>) target(%arg8 : memref<200x64xf32, #tpu.memory_space<vmem>>) target_semaphore(%arg12 : memref<!tpu.dma_semaphore, #tpu.memory_space<semaphore_mem>>)
        %add3A_535 = arith.constant 4200 : i32
        %add3A_536 = arith.addi %multiple_of3A, %add3A_535 : i32
        %dma_wait3A_537 = arith.constant 0 : i32
        %dma_wait3A_538 = tpu.memref_slice %arg2[%add3A_536, %dma_wait3A_537] : memref<100000x64xf32, #tpu.memory_space<hbm>> -> memref<200x64xf32, #tpu.memory_space<hbm>>
        %dma_wait3A_539 = arith.constant 0 : i32
        %dma_wait3A_540 = tpu.memref_slice %arg2[%add3A_536, %dma_wait3A_539] : memref<100000x64xf32, #tpu.memory_space<hbm>> -> memref<200x64xf32, #tpu.memory_space<hbm>>
        tpu.wait_dma2 semaphore(%arg10 : memref<!tpu.dma_semaphore, #tpu.memory_space<semaphore_mem>>) src(%dma_wait3A_540 : memref<200x64xf32, #tpu.memory_space<hbm>>) dst(%arg6 : memref<200x64xf32, #tpu.memory_space<vmem>>)
        %add3A_541 = arith.constant 4200 : i32
        %add3A_542 = arith.addi %add3A_20, %add3A_541 : i32
        %dma_start3A_543 = arith.constant 0 : i32
        %dma_start3A_544 = tpu.memref_slice %arg4[%add3A_542, %dma_start3A_543] : memref<200000x64xf32, #tpu.memory_space<hbm>> -> memref<200x64xf32, #tpu.memory_space<hbm>>
        %dma_start3A_545 = arith.constant 0 : i32
        %dma_start3A_546 = tpu.memref_slice %arg4[%add3A_542, %dma_start3A_545] : memref<200000x64xf32, #tpu.memory_space<hbm>> -> memref<200x64xf32, #tpu.memory_space<hbm>>
        tpu.enqueue_dma source(%arg6 : memref<200x64xf32, #tpu.memory_space<vmem>>) target(%dma_start3A_546 : memref<200x64xf32, #tpu.memory_space<hbm>>) target_semaphore(%arg14 : memref<!tpu.dma_semaphore, #tpu.memory_space<semaphore_mem>>)
        %add3A_547 = arith.constant 4000 : i32
        %add3A_548 = arith.addi %add3A_20, %add3A_547 : i32
        %dma_wait3A_549 = arith.constant 0 : i32
        %dma_wait3A_550 = tpu.memref_slice %arg4[%add3A_548, %dma_wait3A_549] : memref<200000x64xf32, #tpu.memory_space<hbm>> -> memref<200x64xf32, #tpu.memory_space<hbm>>
        %dma_wait3A_551 = arith.constant 0 : i32
        %dma_wait3A_552 = tpu.memref_slice %arg4[%add3A_548, %dma_wait3A_551] : memref<200000x64xf32, #tpu.memory_space<hbm>> -> memref<200x64xf32, #tpu.memory_space<hbm>>
        tpu.wait_dma2 semaphore(%arg13 : memref<!tpu.dma_semaphore, #tpu.memory_space<semaphore_mem>>) src(%arg5 : memref<200x64xf32, #tpu.memory_space<vmem>>) dst(%dma_wait3A_552 : memref<200x64xf32, #tpu.memory_space<hbm>>)
        %add3A_553 = arith.constant 4800 : i32
        %add3A_554 = arith.addi %multiple_of3A, %add3A_553 : i32
        %dma_start3A_555 = arith.constant 0 : i32
        %dma_start3A_556 = tpu.memref_slice %arg2[%add3A_554, %dma_start3A_555] : memref<100000x64xf32, #tpu.memory_space<hbm>> -> memref<200x64xf32, #tpu.memory_space<hbm>>
        %dma_start3A_557 = arith.constant 0 : i32
        %dma_start3A_558 = tpu.memref_slice %arg2[%add3A_554, %dma_start3A_557] : memref<100000x64xf32, #tpu.memory_space<hbm>> -> memref<200x64xf32, #tpu.memory_space<hbm>>
        tpu.enqueue_dma source(%dma_start3A_558 : memref<200x64xf32, #tpu.memory_space<hbm>>) target(%arg5 : memref<200x64xf32, #tpu.memory_space<vmem>>) target_semaphore(%arg9 : memref<!tpu.dma_semaphore, #tpu.memory_space<semaphore_mem>>)
        %add3A_559 = arith.constant 4400 : i32
        %add3A_560 = arith.addi %multiple_of3A, %add3A_559 : i32
        %dma_wait3A_561 = arith.constant 0 : i32
        %dma_wait3A_562 = tpu.memref_slice %arg2[%add3A_560, %dma_wait3A_561] : memref<100000x64xf32, #tpu.memory_space<hbm>> -> memref<200x64xf32, #tpu.memory_space<hbm>>
        %dma_wait3A_563 = arith.constant 0 : i32
        %dma_wait3A_564 = tpu.memref_slice %arg2[%add3A_560, %dma_wait3A_563] : memref<100000x64xf32, #tpu.memory_space<hbm>> -> memref<200x64xf32, #tpu.memory_space<hbm>>
        tpu.wait_dma2 semaphore(%arg11 : memref<!tpu.dma_semaphore, #tpu.memory_space<semaphore_mem>>) src(%dma_wait3A_564 : memref<200x64xf32, #tpu.memory_space<hbm>>) dst(%arg7 : memref<200x64xf32, #tpu.memory_space<vmem>>)
        %add3A_565 = arith.constant 4400 : i32
        %add3A_566 = arith.addi %add3A_20, %add3A_565 : i32
        %dma_start3A_567 = arith.constant 0 : i32
        %dma_start3A_568 = tpu.memref_slice %arg4[%add3A_566, %dma_start3A_567] : memref<200000x64xf32, #tpu.memory_space<hbm>> -> memref<200x64xf32, #tpu.memory_space<hbm>>
        %dma_start3A_569 = arith.constant 0 : i32
        %dma_start3A_570 = tpu.memref_slice %arg4[%add3A_566, %dma_start3A_569] : memref<200000x64xf32, #tpu.memory_space<hbm>> -> memref<200x64xf32, #tpu.memory_space<hbm>>
        tpu.enqueue_dma source(%arg7 : memref<200x64xf32, #tpu.memory_space<vmem>>) target(%dma_start3A_570 : memref<200x64xf32, #tpu.memory_space<hbm>>) target_semaphore(%arg15 : memref<!tpu.dma_semaphore, #tpu.memory_space<semaphore_mem>>)
        %add3A_571 = arith.constant 4200 : i32
        %add3A_572 = arith.addi %add3A_20, %add3A_571 : i32
        %dma_wait3A_573 = arith.constant 0 : i32
        %dma_wait3A_574 = tpu.memref_slice %arg4[%add3A_572, %dma_wait3A_573] : memref<200000x64xf32, #tpu.memory_space<hbm>> -> memref<200x64xf32, #tpu.memory_space<hbm>>
        %dma_wait3A_575 = arith.constant 0 : i32
        %dma_wait3A_576 = tpu.memref_slice %arg4[%add3A_572, %dma_wait3A_575] : memref<200000x64xf32, #tpu.memory_space<hbm>> -> memref<200x64xf32, #tpu.memory_space<hbm>>
        tpu.wait_dma2 semaphore(%arg14 : memref<!tpu.dma_semaphore, #tpu.memory_space<semaphore_mem>>) src(%arg6 : memref<200x64xf32, #tpu.memory_space<vmem>>) dst(%dma_wait3A_576 : memref<200x64xf32, #tpu.memory_space<hbm>>)
        %add3A_577 = arith.constant 5000 : i32
        %add3A_578 = arith.addi %multiple_of3A, %add3A_577 : i32
        %dma_start3A_579 = arith.constant 0 : i32
        %dma_start3A_580 = tpu.memref_slice %arg2[%add3A_578, %dma_start3A_579] : memref<100000x64xf32, #tpu.memory_space<hbm>> -> memref<200x64xf32, #tpu.memory_space<hbm>>
        %dma_start3A_581 = arith.constant 0 : i32
        %dma_start3A_582 = tpu.memref_slice %arg2[%add3A_578, %dma_start3A_581] : memref<100000x64xf32, #tpu.memory_space<hbm>> -> memref<200x64xf32, #tpu.memory_space<hbm>>
        tpu.enqueue_dma source(%dma_start3A_582 : memref<200x64xf32, #tpu.memory_space<hbm>>) target(%arg6 : memref<200x64xf32, #tpu.memory_space<vmem>>) target_semaphore(%arg10 : memref<!tpu.dma_semaphore, #tpu.memory_space<semaphore_mem>>)
        %add3A_583 = arith.constant 4600 : i32
        %add3A_584 = arith.addi %multiple_of3A, %add3A_583 : i32
        %dma_wait3A_585 = arith.constant 0 : i32
        %dma_wait3A_586 = tpu.memref_slice %arg2[%add3A_584, %dma_wait3A_585] : memref<100000x64xf32, #tpu.memory_space<hbm>> -> memref<200x64xf32, #tpu.memory_space<hbm>>
        %dma_wait3A_587 = arith.constant 0 : i32
        %dma_wait3A_588 = tpu.memref_slice %arg2[%add3A_584, %dma_wait3A_587] : memref<100000x64xf32, #tpu.memory_space<hbm>> -> memref<200x64xf32, #tpu.memory_space<hbm>>
        tpu.wait_dma2 semaphore(%arg12 : memref<!tpu.dma_semaphore, #tpu.memory_space<semaphore_mem>>) src(%dma_wait3A_588 : memref<200x64xf32, #tpu.memory_space<hbm>>) dst(%arg8 : memref<200x64xf32, #tpu.memory_space<vmem>>)
        %add3A_589 = arith.constant 4600 : i32
        %add3A_590 = arith.addi %add3A_20, %add3A_589 : i32
        %dma_start3A_591 = arith.constant 0 : i32
        %dma_start3A_592 = tpu.memref_slice %arg4[%add3A_590, %dma_start3A_591] : memref<200000x64xf32, #tpu.memory_space<hbm>> -> memref<200x64xf32, #tpu.memory_space<hbm>>
        %dma_start3A_593 = arith.constant 0 : i32
        %dma_start3A_594 = tpu.memref_slice %arg4[%add3A_590, %dma_start3A_593] : memref<200000x64xf32, #tpu.memory_space<hbm>> -> memref<200x64xf32, #tpu.memory_space<hbm>>
        tpu.enqueue_dma source(%arg8 : memref<200x64xf32, #tpu.memory_space<vmem>>) target(%dma_start3A_594 : memref<200x64xf32, #tpu.memory_space<hbm>>) target_semaphore(%arg16 : memref<!tpu.dma_semaphore, #tpu.memory_space<semaphore_mem>>)
        %add3A_595 = arith.constant 4400 : i32
        %add3A_596 = arith.addi %add3A_20, %add3A_595 : i32
        %dma_wait3A_597 = arith.constant 0 : i32
        %dma_wait3A_598 = tpu.memref_slice %arg4[%add3A_596, %dma_wait3A_597] : memref<200000x64xf32, #tpu.memory_space<hbm>> -> memref<200x64xf32, #tpu.memory_space<hbm>>
        %dma_wait3A_599 = arith.constant 0 : i32
        %dma_wait3A_600 = tpu.memref_slice %arg4[%add3A_596, %dma_wait3A_599] : memref<200000x64xf32, #tpu.memory_space<hbm>> -> memref<200x64xf32, #tpu.memory_space<hbm>>
        tpu.wait_dma2 semaphore(%arg15 : memref<!tpu.dma_semaphore, #tpu.memory_space<semaphore_mem>>) src(%arg7 : memref<200x64xf32, #tpu.memory_space<vmem>>) dst(%dma_wait3A_600 : memref<200x64xf32, #tpu.memory_space<hbm>>)
        %add3A_601 = arith.constant 5200 : i32
        %add3A_602 = arith.addi %multiple_of3A, %add3A_601 : i32
        %dma_start3A_603 = arith.constant 0 : i32
        %dma_start3A_604 = tpu.memref_slice %arg2[%add3A_602, %dma_start3A_603] : memref<100000x64xf32, #tpu.memory_space<hbm>> -> memref<200x64xf32, #tpu.memory_space<hbm>>
        %dma_start3A_605 = arith.constant 0 : i32
        %dma_start3A_606 = tpu.memref_slice %arg2[%add3A_602, %dma_start3A_605] : memref<100000x64xf32, #tpu.memory_space<hbm>> -> memref<200x64xf32, #tpu.memory_space<hbm>>
        tpu.enqueue_dma source(%dma_start3A_606 : memref<200x64xf32, #tpu.memory_space<hbm>>) target(%arg7 : memref<200x64xf32, #tpu.memory_space<vmem>>) target_semaphore(%arg11 : memref<!tpu.dma_semaphore, #tpu.memory_space<semaphore_mem>>)
        %add3A_607 = arith.constant 4800 : i32
        %add3A_608 = arith.addi %multiple_of3A, %add3A_607 : i32
        %dma_wait3A_609 = arith.constant 0 : i32
        %dma_wait3A_610 = tpu.memref_slice %arg2[%add3A_608, %dma_wait3A_609] : memref<100000x64xf32, #tpu.memory_space<hbm>> -> memref<200x64xf32, #tpu.memory_space<hbm>>
        %dma_wait3A_611 = arith.constant 0 : i32
        %dma_wait3A_612 = tpu.memref_slice %arg2[%add3A_608, %dma_wait3A_611] : memref<100000x64xf32, #tpu.memory_space<hbm>> -> memref<200x64xf32, #tpu.memory_space<hbm>>
        tpu.wait_dma2 semaphore(%arg9 : memref<!tpu.dma_semaphore, #tpu.memory_space<semaphore_mem>>) src(%dma_wait3A_612 : memref<200x64xf32, #tpu.memory_space<hbm>>) dst(%arg5 : memref<200x64xf32, #tpu.memory_space<vmem>>)
        %add3A_613 = arith.constant 4800 : i32
        %add3A_614 = arith.addi %add3A_20, %add3A_613 : i32
        %dma_start3A_615 = arith.constant 0 : i32
        %dma_start3A_616 = tpu.memref_slice %arg4[%add3A_614, %dma_start3A_615] : memref<200000x64xf32, #tpu.memory_space<hbm>> -> memref<200x64xf32, #tpu.memory_space<hbm>>
        %dma_start3A_617 = arith.constant 0 : i32
        %dma_start3A_618 = tpu.memref_slice %arg4[%add3A_614, %dma_start3A_617] : memref<200000x64xf32, #tpu.memory_space<hbm>> -> memref<200x64xf32, #tpu.memory_space<hbm>>
        tpu.enqueue_dma source(%arg5 : memref<200x64xf32, #tpu.memory_space<vmem>>) target(%dma_start3A_618 : memref<200x64xf32, #tpu.memory_space<hbm>>) target_semaphore(%arg13 : memref<!tpu.dma_semaphore, #tpu.memory_space<semaphore_mem>>)
        %add3A_619 = arith.constant 4600 : i32
        %add3A_620 = arith.addi %add3A_20, %add3A_619 : i32
        %dma_wait3A_621 = arith.constant 0 : i32
        %dma_wait3A_622 = tpu.memref_slice %arg4[%add3A_620, %dma_wait3A_621] : memref<200000x64xf32, #tpu.memory_space<hbm>> -> memref<200x64xf32, #tpu.memory_space<hbm>>
        %dma_wait3A_623 = arith.constant 0 : i32
        %dma_wait3A_624 = tpu.memref_slice %arg4[%add3A_620, %dma_wait3A_623] : memref<200000x64xf32, #tpu.memory_space<hbm>> -> memref<200x64xf32, #tpu.memory_space<hbm>>
        tpu.wait_dma2 semaphore(%arg16 : memref<!tpu.dma_semaphore, #tpu.memory_space<semaphore_mem>>) src(%arg8 : memref<200x64xf32, #tpu.memory_space<vmem>>) dst(%dma_wait3A_624 : memref<200x64xf32, #tpu.memory_space<hbm>>)
        %add3A_625 = arith.constant 5400 : i32
        %add3A_626 = arith.addi %multiple_of3A, %add3A_625 : i32
        %dma_start3A_627 = arith.constant 0 : i32
        %dma_start3A_628 = tpu.memref_slice %arg2[%add3A_626, %dma_start3A_627] : memref<100000x64xf32, #tpu.memory_space<hbm>> -> memref<200x64xf32, #tpu.memory_space<hbm>>
        %dma_start3A_629 = arith.constant 0 : i32
        %dma_start3A_630 = tpu.memref_slice %arg2[%add3A_626, %dma_start3A_629] : memref<100000x64xf32, #tpu.memory_space<hbm>> -> memref<200x64xf32, #tpu.memory_space<hbm>>
        tpu.enqueue_dma source(%dma_start3A_630 : memref<200x64xf32, #tpu.memory_space<hbm>>) target(%arg8 : memref<200x64xf32, #tpu.memory_space<vmem>>) target_semaphore(%arg12 : memref<!tpu.dma_semaphore, #tpu.memory_space<semaphore_mem>>)
        %add3A_631 = arith.constant 5000 : i32
        %add3A_632 = arith.addi %multiple_of3A, %add3A_631 : i32
        %dma_wait3A_633 = arith.constant 0 : i32
        %dma_wait3A_634 = tpu.memref_slice %arg2[%add3A_632, %dma_wait3A_633] : memref<100000x64xf32, #tpu.memory_space<hbm>> -> memref<200x64xf32, #tpu.memory_space<hbm>>
        %dma_wait3A_635 = arith.constant 0 : i32
        %dma_wait3A_636 = tpu.memref_slice %arg2[%add3A_632, %dma_wait3A_635] : memref<100000x64xf32, #tpu.memory_space<hbm>> -> memref<200x64xf32, #tpu.memory_space<hbm>>
        tpu.wait_dma2 semaphore(%arg10 : memref<!tpu.dma_semaphore, #tpu.memory_space<semaphore_mem>>) src(%dma_wait3A_636 : memref<200x64xf32, #tpu.memory_space<hbm>>) dst(%arg6 : memref<200x64xf32, #tpu.memory_space<vmem>>)
        %add3A_637 = arith.constant 5000 : i32
        %add3A_638 = arith.addi %add3A_20, %add3A_637 : i32
        %dma_start3A_639 = arith.constant 0 : i32
        %dma_start3A_640 = tpu.memref_slice %arg4[%add3A_638, %dma_start3A_639] : memref<200000x64xf32, #tpu.memory_space<hbm>> -> memref<200x64xf32, #tpu.memory_space<hbm>>
        %dma_start3A_641 = arith.constant 0 : i32
        %dma_start3A_642 = tpu.memref_slice %arg4[%add3A_638, %dma_start3A_641] : memref<200000x64xf32, #tpu.memory_space<hbm>> -> memref<200x64xf32, #tpu.memory_space<hbm>>
        tpu.enqueue_dma source(%arg6 : memref<200x64xf32, #tpu.memory_space<vmem>>) target(%dma_start3A_642 : memref<200x64xf32, #tpu.memory_space<hbm>>) target_semaphore(%arg14 : memref<!tpu.dma_semaphore, #tpu.memory_space<semaphore_mem>>)
        %add3A_643 = arith.constant 4800 : i32
        %add3A_644 = arith.addi %add3A_20, %add3A_643 : i32
        %dma_wait3A_645 = arith.constant 0 : i32
        %dma_wait3A_646 = tpu.memref_slice %arg4[%add3A_644, %dma_wait3A_645] : memref<200000x64xf32, #tpu.memory_space<hbm>> -> memref<200x64xf32, #tpu.memory_space<hbm>>
        %dma_wait3A_647 = arith.constant 0 : i32
        %dma_wait3A_648 = tpu.memref_slice %arg4[%add3A_644, %dma_wait3A_647] : memref<200000x64xf32, #tpu.memory_space<hbm>> -> memref<200x64xf32, #tpu.memory_space<hbm>>
        tpu.wait_dma2 semaphore(%arg13 : memref<!tpu.dma_semaphore, #tpu.memory_space<semaphore_mem>>) src(%arg5 : memref<200x64xf32, #tpu.memory_space<vmem>>) dst(%dma_wait3A_648 : memref<200x64xf32, #tpu.memory_space<hbm>>)
        %add3A_649 = arith.constant 5600 : i32
        %add3A_650 = arith.addi %multiple_of3A, %add3A_649 : i32
        %dma_start3A_651 = arith.constant 0 : i32
        %dma_start3A_652 = tpu.memref_slice %arg2[%add3A_650, %dma_start3A_651] : memref<100000x64xf32, #tpu.memory_space<hbm>> -> memref<200x64xf32, #tpu.memory_space<hbm>>
        %dma_start3A_653 = arith.constant 0 : i32
        %dma_start3A_654 = tpu.memref_slice %arg2[%add3A_650, %dma_start3A_653] : memref<100000x64xf32, #tpu.memory_space<hbm>> -> memref<200x64xf32, #tpu.memory_space<hbm>>
        tpu.enqueue_dma source(%dma_start3A_654 : memref<200x64xf32, #tpu.memory_space<hbm>>) target(%arg5 : memref<200x64xf32, #tpu.memory_space<vmem>>) target_semaphore(%arg9 : memref<!tpu.dma_semaphore, #tpu.memory_space<semaphore_mem>>)
        %add3A_655 = arith.constant 5200 : i32
        %add3A_656 = arith.addi %multiple_of3A, %add3A_655 : i32
        %dma_wait3A_657 = arith.constant 0 : i32
        %dma_wait3A_658 = tpu.memref_slice %arg2[%add3A_656, %dma_wait3A_657] : memref<100000x64xf32, #tpu.memory_space<hbm>> -> memref<200x64xf32, #tpu.memory_space<hbm>>
        %dma_wait3A_659 = arith.constant 0 : i32
        %dma_wait3A_660 = tpu.memref_slice %arg2[%add3A_656, %dma_wait3A_659] : memref<100000x64xf32, #tpu.memory_space<hbm>> -> memref<200x64xf32, #tpu.memory_space<hbm>>
        tpu.wait_dma2 semaphore(%arg11 : memref<!tpu.dma_semaphore, #tpu.memory_space<semaphore_mem>>) src(%dma_wait3A_660 : memref<200x64xf32, #tpu.memory_space<hbm>>) dst(%arg7 : memref<200x64xf32, #tpu.memory_space<vmem>>)
        %add3A_661 = arith.constant 5200 : i32
        %add3A_662 = arith.addi %add3A_20, %add3A_661 : i32
        %dma_start3A_663 = arith.constant 0 : i32
        %dma_start3A_664 = tpu.memref_slice %arg4[%add3A_662, %dma_start3A_663] : memref<200000x64xf32, #tpu.memory_space<hbm>> -> memref<200x64xf32, #tpu.memory_space<hbm>>
        %dma_start3A_665 = arith.constant 0 : i32
        %dma_start3A_666 = tpu.memref_slice %arg4[%add3A_662, %dma_start3A_665] : memref<200000x64xf32, #tpu.memory_space<hbm>> -> memref<200x64xf32, #tpu.memory_space<hbm>>
        tpu.enqueue_dma source(%arg7 : memref<200x64xf32, #tpu.memory_space<vmem>>) target(%dma_start3A_666 : memref<200x64xf32, #tpu.memory_space<hbm>>) target_semaphore(%arg15 : memref<!tpu.dma_semaphore, #tpu.memory_space<semaphore_mem>>)
        %add3A_667 = arith.constant 5000 : i32
        %add3A_668 = arith.addi %add3A_20, %add3A_667 : i32
        %dma_wait3A_669 = arith.constant 0 : i32
        %dma_wait3A_670 = tpu.memref_slice %arg4[%add3A_668, %dma_wait3A_669] : memref<200000x64xf32, #tpu.memory_space<hbm>> -> memref<200x64xf32, #tpu.memory_space<hbm>>
        %dma_wait3A_671 = arith.constant 0 : i32
        %dma_wait3A_672 = tpu.memref_slice %arg4[%add3A_668, %dma_wait3A_671] : memref<200000x64xf32, #tpu.memory_space<hbm>> -> memref<200x64xf32, #tpu.memory_space<hbm>>
        tpu.wait_dma2 semaphore(%arg14 : memref<!tpu.dma_semaphore, #tpu.memory_space<semaphore_mem>>) src(%arg6 : memref<200x64xf32, #tpu.memory_space<vmem>>) dst(%dma_wait3A_672 : memref<200x64xf32, #tpu.memory_space<hbm>>)
        %add3A_673 = arith.constant 5800 : i32
        %add3A_674 = arith.addi %multiple_of3A, %add3A_673 : i32
        %dma_start3A_675 = arith.constant 0 : i32
        %dma_start3A_676 = tpu.memref_slice %arg2[%add3A_674, %dma_start3A_675] : memref<100000x64xf32, #tpu.memory_space<hbm>> -> memref<200x64xf32, #tpu.memory_space<hbm>>
        %dma_start3A_677 = arith.constant 0 : i32
        %dma_start3A_678 = tpu.memref_slice %arg2[%add3A_674, %dma_start3A_677] : memref<100000x64xf32, #tpu.memory_space<hbm>> -> memref<200x64xf32, #tpu.memory_space<hbm>>
        tpu.enqueue_dma source(%dma_start3A_678 : memref<200x64xf32, #tpu.memory_space<hbm>>) target(%arg6 : memref<200x64xf32, #tpu.memory_space<vmem>>) target_semaphore(%arg10 : memref<!tpu.dma_semaphore, #tpu.memory_space<semaphore_mem>>)
        %add3A_679 = arith.constant 5400 : i32
        %add3A_680 = arith.addi %multiple_of3A, %add3A_679 : i32
        %dma_wait3A_681 = arith.constant 0 : i32
        %dma_wait3A_682 = tpu.memref_slice %arg2[%add3A_680, %dma_wait3A_681] : memref<100000x64xf32, #tpu.memory_space<hbm>> -> memref<200x64xf32, #tpu.memory_space<hbm>>
        %dma_wait3A_683 = arith.constant 0 : i32
        %dma_wait3A_684 = tpu.memref_slice %arg2[%add3A_680, %dma_wait3A_683] : memref<100000x64xf32, #tpu.memory_space<hbm>> -> memref<200x64xf32, #tpu.memory_space<hbm>>
        tpu.wait_dma2 semaphore(%arg12 : memref<!tpu.dma_semaphore, #tpu.memory_space<semaphore_mem>>) src(%dma_wait3A_684 : memref<200x64xf32, #tpu.memory_space<hbm>>) dst(%arg8 : memref<200x64xf32, #tpu.memory_space<vmem>>)
        %add3A_685 = arith.constant 5400 : i32
        %add3A_686 = arith.addi %add3A_20, %add3A_685 : i32
        %dma_start3A_687 = arith.constant 0 : i32
        %dma_start3A_688 = tpu.memref_slice %arg4[%add3A_686, %dma_start3A_687] : memref<200000x64xf32, #tpu.memory_space<hbm>> -> memref<200x64xf32, #tpu.memory_space<hbm>>
        %dma_start3A_689 = arith.constant 0 : i32
        %dma_start3A_690 = tpu.memref_slice %arg4[%add3A_686, %dma_start3A_689] : memref<200000x64xf32, #tpu.memory_space<hbm>> -> memref<200x64xf32, #tpu.memory_space<hbm>>
        tpu.enqueue_dma source(%arg8 : memref<200x64xf32, #tpu.memory_space<vmem>>) target(%dma_start3A_690 : memref<200x64xf32, #tpu.memory_space<hbm>>) target_semaphore(%arg16 : memref<!tpu.dma_semaphore, #tpu.memory_space<semaphore_mem>>)
        %add3A_691 = arith.constant 5200 : i32
        %add3A_692 = arith.addi %add3A_20, %add3A_691 : i32
        %dma_wait3A_693 = arith.constant 0 : i32
        %dma_wait3A_694 = tpu.memref_slice %arg4[%add3A_692, %dma_wait3A_693] : memref<200000x64xf32, #tpu.memory_space<hbm>> -> memref<200x64xf32, #tpu.memory_space<hbm>>
        %dma_wait3A_695 = arith.constant 0 : i32
        %dma_wait3A_696 = tpu.memref_slice %arg4[%add3A_692, %dma_wait3A_695] : memref<200000x64xf32, #tpu.memory_space<hbm>> -> memref<200x64xf32, #tpu.memory_space<hbm>>
        tpu.wait_dma2 semaphore(%arg15 : memref<!tpu.dma_semaphore, #tpu.memory_space<semaphore_mem>>) src(%arg7 : memref<200x64xf32, #tpu.memory_space<vmem>>) dst(%dma_wait3A_696 : memref<200x64xf32, #tpu.memory_space<hbm>>)
        %add3A_697 = arith.constant 6000 : i32
        %add3A_698 = arith.addi %multiple_of3A, %add3A_697 : i32
        %dma_start3A_699 = arith.constant 0 : i32
        %dma_start3A_700 = tpu.memref_slice %arg2[%add3A_698, %dma_start3A_699] : memref<100000x64xf32, #tpu.memory_space<hbm>> -> memref<200x64xf32, #tpu.memory_space<hbm>>
        %dma_start3A_701 = arith.constant 0 : i32
        %dma_start3A_702 = tpu.memref_slice %arg2[%add3A_698, %dma_start3A_701] : memref<100000x64xf32, #tpu.memory_space<hbm>> -> memref<200x64xf32, #tpu.memory_space<hbm>>
        tpu.enqueue_dma source(%dma_start3A_702 : memref<200x64xf32, #tpu.memory_space<hbm>>) target(%arg7 : memref<200x64xf32, #tpu.memory_space<vmem>>) target_semaphore(%arg11 : memref<!tpu.dma_semaphore, #tpu.memory_space<semaphore_mem>>)
        %add3A_703 = arith.constant 5600 : i32
        %add3A_704 = arith.addi %multiple_of3A, %add3A_703 : i32
        %dma_wait3A_705 = arith.constant 0 : i32
        %dma_wait3A_706 = tpu.memref_slice %arg2[%add3A_704, %dma_wait3A_705] : memref<100000x64xf32, #tpu.memory_space<hbm>> -> memref<200x64xf32, #tpu.memory_space<hbm>>
        %dma_wait3A_707 = arith.constant 0 : i32
        %dma_wait3A_708 = tpu.memref_slice %arg2[%add3A_704, %dma_wait3A_707] : memref<100000x64xf32, #tpu.memory_space<hbm>> -> memref<200x64xf32, #tpu.memory_space<hbm>>
        tpu.wait_dma2 semaphore(%arg9 : memref<!tpu.dma_semaphore, #tpu.memory_space<semaphore_mem>>) src(%dma_wait3A_708 : memref<200x64xf32, #tpu.memory_space<hbm>>) dst(%arg5 : memref<200x64xf32, #tpu.memory_space<vmem>>)
        %add3A_709 = arith.constant 5600 : i32
        %add3A_710 = arith.addi %add3A_20, %add3A_709 : i32
        %dma_start3A_711 = arith.constant 0 : i32
        %dma_start3A_712 = tpu.memref_slice %arg4[%add3A_710, %dma_start3A_711] : memref<200000x64xf32, #tpu.memory_space<hbm>> -> memref<200x64xf32, #tpu.memory_space<hbm>>
        %dma_start3A_713 = arith.constant 0 : i32
        %dma_start3A_714 = tpu.memref_slice %arg4[%add3A_710, %dma_start3A_713] : memref<200000x64xf32, #tpu.memory_space<hbm>> -> memref<200x64xf32, #tpu.memory_space<hbm>>
        tpu.enqueue_dma source(%arg5 : memref<200x64xf32, #tpu.memory_space<vmem>>) target(%dma_start3A_714 : memref<200x64xf32, #tpu.memory_space<hbm>>) target_semaphore(%arg13 : memref<!tpu.dma_semaphore, #tpu.memory_space<semaphore_mem>>)
        %add3A_715 = arith.constant 5400 : i32
        %add3A_716 = arith.addi %add3A_20, %add3A_715 : i32
        %dma_wait3A_717 = arith.constant 0 : i32
        %dma_wait3A_718 = tpu.memref_slice %arg4[%add3A_716, %dma_wait3A_717] : memref<200000x64xf32, #tpu.memory_space<hbm>> -> memref<200x64xf32, #tpu.memory_space<hbm>>
        %dma_wait3A_719 = arith.constant 0 : i32
        %dma_wait3A_720 = tpu.memref_slice %arg4[%add3A_716, %dma_wait3A_719] : memref<200000x64xf32, #tpu.memory_space<hbm>> -> memref<200x64xf32, #tpu.memory_space<hbm>>
        tpu.wait_dma2 semaphore(%arg16 : memref<!tpu.dma_semaphore, #tpu.memory_space<semaphore_mem>>) src(%arg8 : memref<200x64xf32, #tpu.memory_space<vmem>>) dst(%dma_wait3A_720 : memref<200x64xf32, #tpu.memory_space<hbm>>)
        %add3A_721 = arith.constant 6200 : i32
        %add3A_722 = arith.addi %multiple_of3A, %add3A_721 : i32
        %dma_start3A_723 = arith.constant 0 : i32
        %dma_start3A_724 = tpu.memref_slice %arg2[%add3A_722, %dma_start3A_723] : memref<100000x64xf32, #tpu.memory_space<hbm>> -> memref<200x64xf32, #tpu.memory_space<hbm>>
        %dma_start3A_725 = arith.constant 0 : i32
        %dma_start3A_726 = tpu.memref_slice %arg2[%add3A_722, %dma_start3A_725] : memref<100000x64xf32, #tpu.memory_space<hbm>> -> memref<200x64xf32, #tpu.memory_space<hbm>>
        tpu.enqueue_dma source(%dma_start3A_726 : memref<200x64xf32, #tpu.memory_space<hbm>>) target(%arg8 : memref<200x64xf32, #tpu.memory_space<vmem>>) target_semaphore(%arg12 : memref<!tpu.dma_semaphore, #tpu.memory_space<semaphore_mem>>)
        %add3A_727 = arith.constant 5800 : i32
        %add3A_728 = arith.addi %multiple_of3A, %add3A_727 : i32
        %dma_wait3A_729 = arith.constant 0 : i32
        %dma_wait3A_730 = tpu.memref_slice %arg2[%add3A_728, %dma_wait3A_729] : memref<100000x64xf32, #tpu.memory_space<hbm>> -> memref<200x64xf32, #tpu.memory_space<hbm>>
        %dma_wait3A_731 = arith.constant 0 : i32
        %dma_wait3A_732 = tpu.memref_slice %arg2[%add3A_728, %dma_wait3A_731] : memref<100000x64xf32, #tpu.memory_space<hbm>> -> memref<200x64xf32, #tpu.memory_space<hbm>>
        tpu.wait_dma2 semaphore(%arg10 : memref<!tpu.dma_semaphore, #tpu.memory_space<semaphore_mem>>) src(%dma_wait3A_732 : memref<200x64xf32, #tpu.memory_space<hbm>>) dst(%arg6 : memref<200x64xf32, #tpu.memory_space<vmem>>)
        %add3A_733 = arith.constant 5800 : i32
        %add3A_734 = arith.addi %add3A_20, %add3A_733 : i32
        %dma_start3A_735 = arith.constant 0 : i32
        %dma_start3A_736 = tpu.memref_slice %arg4[%add3A_734, %dma_start3A_735] : memref<200000x64xf32, #tpu.memory_space<hbm>> -> memref<200x64xf32, #tpu.memory_space<hbm>>
        %dma_start3A_737 = arith.constant 0 : i32
        %dma_start3A_738 = tpu.memref_slice %arg4[%add3A_734, %dma_start3A_737] : memref<200000x64xf32, #tpu.memory_space<hbm>> -> memref<200x64xf32, #tpu.memory_space<hbm>>
        tpu.enqueue_dma source(%arg6 : memref<200x64xf32, #tpu.memory_space<vmem>>) target(%dma_start3A_738 : memref<200x64xf32, #tpu.memory_space<hbm>>) target_semaphore(%arg14 : memref<!tpu.dma_semaphore, #tpu.memory_space<semaphore_mem>>)
        %add3A_739 = arith.constant 6000 : i32
        %add3A_740 = arith.addi %multiple_of3A, %add3A_739 : i32
        %dma_wait3A_741 = arith.constant 0 : i32
        %dma_wait3A_742 = tpu.memref_slice %arg2[%add3A_740, %dma_wait3A_741] : memref<100000x64xf32, #tpu.memory_space<hbm>> -> memref<200x64xf32, #tpu.memory_space<hbm>>
        %dma_wait3A_743 = arith.constant 0 : i32
        %dma_wait3A_744 = tpu.memref_slice %arg2[%add3A_740, %dma_wait3A_743] : memref<100000x64xf32, #tpu.memory_space<hbm>> -> memref<200x64xf32, #tpu.memory_space<hbm>>
        tpu.wait_dma2 semaphore(%arg11 : memref<!tpu.dma_semaphore, #tpu.memory_space<semaphore_mem>>) src(%dma_wait3A_744 : memref<200x64xf32, #tpu.memory_space<hbm>>) dst(%arg7 : memref<200x64xf32, #tpu.memory_space<vmem>>)
        %add3A_745 = arith.constant 6000 : i32
        %add3A_746 = arith.addi %add3A_20, %add3A_745 : i32
        %dma_start3A_747 = arith.constant 0 : i32
        %dma_start3A_748 = tpu.memref_slice %arg4[%add3A_746, %dma_start3A_747] : memref<200000x64xf32, #tpu.memory_space<hbm>> -> memref<200x64xf32, #tpu.memory_space<hbm>>
        %dma_start3A_749 = arith.constant 0 : i32
        %dma_start3A_750 = tpu.memref_slice %arg4[%add3A_746, %dma_start3A_749] : memref<200000x64xf32, #tpu.memory_space<hbm>> -> memref<200x64xf32, #tpu.memory_space<hbm>>
        tpu.enqueue_dma source(%arg7 : memref<200x64xf32, #tpu.memory_space<vmem>>) target(%dma_start3A_750 : memref<200x64xf32, #tpu.memory_space<hbm>>) target_semaphore(%arg15 : memref<!tpu.dma_semaphore, #tpu.memory_space<semaphore_mem>>)
        %add3A_751 = arith.constant 6200 : i32
        %add3A_752 = arith.addi %multiple_of3A, %add3A_751 : i32
        %dma_wait3A_753 = arith.constant 0 : i32
        %dma_wait3A_754 = tpu.memref_slice %arg2[%add3A_752, %dma_wait3A_753] : memref<100000x64xf32, #tpu.memory_space<hbm>> -> memref<200x64xf32, #tpu.memory_space<hbm>>
        %dma_wait3A_755 = arith.constant 0 : i32
        %dma_wait3A_756 = tpu.memref_slice %arg2[%add3A_752, %dma_wait3A_755] : memref<100000x64xf32, #tpu.memory_space<hbm>> -> memref<200x64xf32, #tpu.memory_space<hbm>>
        tpu.wait_dma2 semaphore(%arg12 : memref<!tpu.dma_semaphore, #tpu.memory_space<semaphore_mem>>) src(%dma_wait3A_756 : memref<200x64xf32, #tpu.memory_space<hbm>>) dst(%arg8 : memref<200x64xf32, #tpu.memory_space<vmem>>)
        %add3A_757 = arith.constant 6200 : i32
        %add3A_758 = arith.addi %add3A_20, %add3A_757 : i32
        %dma_start3A_759 = arith.constant 0 : i32
        %dma_start3A_760 = tpu.memref_slice %arg4[%add3A_758, %dma_start3A_759] : memref<200000x64xf32, #tpu.memory_space<hbm>> -> memref<200x64xf32, #tpu.memory_space<hbm>>
        %dma_start3A_761 = arith.constant 0 : i32
        %dma_start3A_762 = tpu.memref_slice %arg4[%add3A_758, %dma_start3A_761] : memref<200000x64xf32, #tpu.memory_space<hbm>> -> memref<200x64xf32, #tpu.memory_space<hbm>>
        tpu.enqueue_dma source(%arg8 : memref<200x64xf32, #tpu.memory_space<vmem>>) target(%dma_start3A_762 : memref<200x64xf32, #tpu.memory_space<hbm>>) target_semaphore(%arg16 : memref<!tpu.dma_semaphore, #tpu.memory_space<semaphore_mem>>)
        %add3A_763 = arith.constant 5600 : i32
        %add3A_764 = arith.addi %add3A_20, %add3A_763 : i32
        %dma_wait3A_765 = arith.constant 0 : i32
        %dma_wait3A_766 = tpu.memref_slice %arg4[%add3A_764, %dma_wait3A_765] : memref<200000x64xf32, #tpu.memory_space<hbm>> -> memref<200x64xf32, #tpu.memory_space<hbm>>
        %dma_wait3A_767 = arith.constant 0 : i32
        %dma_wait3A_768 = tpu.memref_slice %arg4[%add3A_764, %dma_wait3A_767] : memref<200000x64xf32, #tpu.memory_space<hbm>> -> memref<200x64xf32, #tpu.memory_space<hbm>>
        tpu.wait_dma2 semaphore(%arg13 : memref<!tpu.dma_semaphore, #tpu.memory_space<semaphore_mem>>) src(%arg5 : memref<200x64xf32, #tpu.memory_space<vmem>>) dst(%dma_wait3A_768 : memref<200x64xf32, #tpu.memory_space<hbm>>)
        %add3A_769 = arith.constant 5800 : i32
        %add3A_770 = arith.addi %add3A_20, %add3A_769 : i32
        %dma_wait3A_771 = arith.constant 0 : i32
        %dma_wait3A_772 = tpu.memref_slice %arg4[%add3A_770, %dma_wait3A_771] : memref<200000x64xf32, #tpu.memory_space<hbm>> -> memref<200x64xf32, #tpu.memory_space<hbm>>
        %dma_wait3A_773 = arith.constant 0 : i32
        %dma_wait3A_774 = tpu.memref_slice %arg4[%add3A_770, %dma_wait3A_773] : memref<200000x64xf32, #tpu.memory_space<hbm>> -> memref<200x64xf32, #tpu.memory_space<hbm>>
        tpu.wait_dma2 semaphore(%arg14 : memref<!tpu.dma_semaphore, #tpu.memory_space<semaphore_mem>>) src(%arg6 : memref<200x64xf32, #tpu.memory_space<vmem>>) dst(%dma_wait3A_774 : memref<200x64xf32, #tpu.memory_space<hbm>>)
        %add3A_775 = arith.constant 6000 : i32
        %add3A_776 = arith.addi %add3A_20, %add3A_775 : i32
        %dma_wait3A_777 = arith.constant 0 : i32
        %dma_wait3A_778 = tpu.memref_slice %arg4[%add3A_776, %dma_wait3A_777] : memref<200000x64xf32, #tpu.memory_space<hbm>> -> memref<200x64xf32, #tpu.memory_space<hbm>>
        %dma_wait3A_779 = arith.constant 0 : i32
        %dma_wait3A_780 = tpu.memref_slice %arg4[%add3A_776, %dma_wait3A_779] : memref<200000x64xf32, #tpu.memory_space<hbm>> -> memref<200x64xf32, #tpu.memory_space<hbm>>
        tpu.wait_dma2 semaphore(%arg15 : memref<!tpu.dma_semaphore, #tpu.memory_space<semaphore_mem>>) src(%arg7 : memref<200x64xf32, #tpu.memory_space<vmem>>) dst(%dma_wait3A_780 : memref<200x64xf32, #tpu.memory_space<hbm>>)
        %add3A_781 = arith.constant 6200 : i32
        %add3A_782 = arith.addi %add3A_20, %add3A_781 : i32
        %dma_wait3A_783 = arith.constant 0 : i32
        %dma_wait3A_784 = tpu.memref_slice %arg4[%add3A_782, %dma_wait3A_783] : memref<200000x64xf32, #tpu.memory_space<hbm>> -> memref<200x64xf32, #tpu.memory_space<hbm>>
        %dma_wait3A_785 = arith.constant 0 : i32
        %dma_wait3A_786 = tpu.memref_slice %arg4[%add3A_782, %dma_wait3A_785] : memref<200000x64xf32, #tpu.memory_space<hbm>> -> memref<200x64xf32, #tpu.memory_space<hbm>>
        tpu.wait_dma2 semaphore(%arg16 : memref<!tpu.dma_semaphore, #tpu.memory_space<semaphore_mem>>) src(%arg8 : memref<200x64xf32, #tpu.memory_space<vmem>>) dst(%dma_wait3A_786 : memref<200x64xf32, #tpu.memory_space<hbm>>)
      } else {
      }
      %ge3A_12 = arith.constant 13 : i32
      %ge3A_13 = arith.cmpi sge, %add3A, %ge3A_12 : i32
      %convert_element_type3A_14 = arith.extui %ge3A_13 : i1 to i32
      %cond3A_15 = arith.constant 0 : i32
      %cond3A_16 = arith.cmpi ne, %convert_element_type3A_14, %cond3A_15 : i32
      scf.if %cond3A_16 {
        %sub3A = arith.constant 13 : i32
        %sub3A_17 = arith.subi %add3A, %sub3A : i32
        %mul3A_18 = arith.constant 5600 : i32
        %mul3A_19 = arith.muli %sub3A_17, %mul3A_18 : i32
        %add3A_20 = arith.constant 83200 : i32
        %add3A_21 = arith.addi %add3A_20, %mul3A_19 : i32
        %multiple_of3A = tpu.assume_multiple %add3A_21, 8 : i32
        %add3A_22 = arith.constant 0 : i32
        %add3A_23 = arith.addi %add3A_22, %multiple_of3A : i32
        %add3A_24 = arith.constant 0 : i32
        %add3A_25 = arith.addi %multiple_of3A, %add3A_24 : i32
        %dma_start3A = arith.constant 0 : i32
        %dma_start3A_26 = tpu.memref_slice %arg2[%add3A_25, %dma_start3A] : memref<100000x64xf32, #tpu.memory_space<hbm>> -> memref<200x64xf32, #tpu.memory_space<hbm>>
        %dma_start3A_27 = arith.constant 0 : i32
        %dma_start3A_28 = tpu.memref_slice %arg2[%add3A_25, %dma_start3A_27] : memref<100000x64xf32, #tpu.memory_space<hbm>> -> memref<200x64xf32, #tpu.memory_space<hbm>>
        tpu.enqueue_dma source(%dma_start3A_28 : memref<200x64xf32, #tpu.memory_space<hbm>>) target(%arg5 : memref<200x64xf32, #tpu.memory_space<vmem>>) target_semaphore(%arg9 : memref<!tpu.dma_semaphore, #tpu.memory_space<semaphore_mem>>)
        %add3A_29 = arith.constant 200 : i32
        %add3A_30 = arith.addi %multiple_of3A, %add3A_29 : i32
        %dma_start3A_31 = arith.constant 0 : i32
        %dma_start3A_32 = tpu.memref_slice %arg2[%add3A_30, %dma_start3A_31] : memref<100000x64xf32, #tpu.memory_space<hbm>> -> memref<200x64xf32, #tpu.memory_space<hbm>>
        %dma_start3A_33 = arith.constant 0 : i32
        %dma_start3A_34 = tpu.memref_slice %arg2[%add3A_30, %dma_start3A_33] : memref<100000x64xf32, #tpu.memory_space<hbm>> -> memref<200x64xf32, #tpu.memory_space<hbm>>
        tpu.enqueue_dma source(%dma_start3A_34 : memref<200x64xf32, #tpu.memory_space<hbm>>) target(%arg6 : memref<200x64xf32, #tpu.memory_space<vmem>>) target_semaphore(%arg10 : memref<!tpu.dma_semaphore, #tpu.memory_space<semaphore_mem>>)
        %add3A_35 = arith.constant 400 : i32
        %add3A_36 = arith.addi %multiple_of3A, %add3A_35 : i32
        %dma_start3A_37 = arith.constant 0 : i32
        %dma_start3A_38 = tpu.memref_slice %arg2[%add3A_36, %dma_start3A_37] : memref<100000x64xf32, #tpu.memory_space<hbm>> -> memref<200x64xf32, #tpu.memory_space<hbm>>
        %dma_start3A_39 = arith.constant 0 : i32
        %dma_start3A_40 = tpu.memref_slice %arg2[%add3A_36, %dma_start3A_39] : memref<100000x64xf32, #tpu.memory_space<hbm>> -> memref<200x64xf32, #tpu.memory_space<hbm>>
        tpu.enqueue_dma source(%dma_start3A_40 : memref<200x64xf32, #tpu.memory_space<hbm>>) target(%arg7 : memref<200x64xf32, #tpu.memory_space<vmem>>) target_semaphore(%arg11 : memref<!tpu.dma_semaphore, #tpu.memory_space<semaphore_mem>>)
        %add3A_41 = arith.constant 0 : i32
        %add3A_42 = arith.addi %multiple_of3A, %add3A_41 : i32
        %dma_wait3A = arith.constant 0 : i32
        %dma_wait3A_43 = tpu.memref_slice %arg2[%add3A_42, %dma_wait3A] : memref<100000x64xf32, #tpu.memory_space<hbm>> -> memref<200x64xf32, #tpu.memory_space<hbm>>
        %dma_wait3A_44 = arith.constant 0 : i32
        %dma_wait3A_45 = tpu.memref_slice %arg2[%add3A_42, %dma_wait3A_44] : memref<100000x64xf32, #tpu.memory_space<hbm>> -> memref<200x64xf32, #tpu.memory_space<hbm>>
        tpu.wait_dma2 semaphore(%arg9 : memref<!tpu.dma_semaphore, #tpu.memory_space<semaphore_mem>>) src(%dma_wait3A_45 : memref<200x64xf32, #tpu.memory_space<hbm>>) dst(%arg5 : memref<200x64xf32, #tpu.memory_space<vmem>>)
        %add3A_46 = arith.constant 0 : i32
        %add3A_47 = arith.addi %add3A_23, %add3A_46 : i32
        %dma_start3A_48 = arith.constant 0 : i32
        %dma_start3A_49 = tpu.memref_slice %arg4[%add3A_47, %dma_start3A_48] : memref<200000x64xf32, #tpu.memory_space<hbm>> -> memref<200x64xf32, #tpu.memory_space<hbm>>
        %dma_start3A_50 = arith.constant 0 : i32
        %dma_start3A_51 = tpu.memref_slice %arg4[%add3A_47, %dma_start3A_50] : memref<200000x64xf32, #tpu.memory_space<hbm>> -> memref<200x64xf32, #tpu.memory_space<hbm>>
        tpu.enqueue_dma source(%arg5 : memref<200x64xf32, #tpu.memory_space<vmem>>) target(%dma_start3A_51 : memref<200x64xf32, #tpu.memory_space<hbm>>) target_semaphore(%arg13 : memref<!tpu.dma_semaphore, #tpu.memory_space<semaphore_mem>>)
        %add3A_52 = arith.constant 600 : i32
        %add3A_53 = arith.addi %multiple_of3A, %add3A_52 : i32
        %dma_start3A_54 = arith.constant 0 : i32
        %dma_start3A_55 = tpu.memref_slice %arg2[%add3A_53, %dma_start3A_54] : memref<100000x64xf32, #tpu.memory_space<hbm>> -> memref<200x64xf32, #tpu.memory_space<hbm>>
        %dma_start3A_56 = arith.constant 0 : i32
        %dma_start3A_57 = tpu.memref_slice %arg2[%add3A_53, %dma_start3A_56] : memref<100000x64xf32, #tpu.memory_space<hbm>> -> memref<200x64xf32, #tpu.memory_space<hbm>>
        tpu.enqueue_dma source(%dma_start3A_57 : memref<200x64xf32, #tpu.memory_space<hbm>>) target(%arg8 : memref<200x64xf32, #tpu.memory_space<vmem>>) target_semaphore(%arg12 : memref<!tpu.dma_semaphore, #tpu.memory_space<semaphore_mem>>)
        %add3A_58 = arith.constant 200 : i32
        %add3A_59 = arith.addi %multiple_of3A, %add3A_58 : i32
        %dma_wait3A_60 = arith.constant 0 : i32
        %dma_wait3A_61 = tpu.memref_slice %arg2[%add3A_59, %dma_wait3A_60] : memref<100000x64xf32, #tpu.memory_space<hbm>> -> memref<200x64xf32, #tpu.memory_space<hbm>>
        %dma_wait3A_62 = arith.constant 0 : i32
        %dma_wait3A_63 = tpu.memref_slice %arg2[%add3A_59, %dma_wait3A_62] : memref<100000x64xf32, #tpu.memory_space<hbm>> -> memref<200x64xf32, #tpu.memory_space<hbm>>
        tpu.wait_dma2 semaphore(%arg10 : memref<!tpu.dma_semaphore, #tpu.memory_space<semaphore_mem>>) src(%dma_wait3A_63 : memref<200x64xf32, #tpu.memory_space<hbm>>) dst(%arg6 : memref<200x64xf32, #tpu.memory_space<vmem>>)
        %add3A_64 = arith.constant 200 : i32
        %add3A_65 = arith.addi %add3A_23, %add3A_64 : i32
        %dma_start3A_66 = arith.constant 0 : i32
        %dma_start3A_67 = tpu.memref_slice %arg4[%add3A_65, %dma_start3A_66] : memref<200000x64xf32, #tpu.memory_space<hbm>> -> memref<200x64xf32, #tpu.memory_space<hbm>>
        %dma_start3A_68 = arith.constant 0 : i32
        %dma_start3A_69 = tpu.memref_slice %arg4[%add3A_65, %dma_start3A_68] : memref<200000x64xf32, #tpu.memory_space<hbm>> -> memref<200x64xf32, #tpu.memory_space<hbm>>
        tpu.enqueue_dma source(%arg6 : memref<200x64xf32, #tpu.memory_space<vmem>>) target(%dma_start3A_69 : memref<200x64xf32, #tpu.memory_space<hbm>>) target_semaphore(%arg14 : memref<!tpu.dma_semaphore, #tpu.memory_space<semaphore_mem>>)
        %add3A_70 = arith.constant 0 : i32
        %add3A_71 = arith.addi %add3A_23, %add3A_70 : i32
        %dma_wait3A_72 = arith.constant 0 : i32
        %dma_wait3A_73 = tpu.memref_slice %arg4[%add3A_71, %dma_wait3A_72] : memref<200000x64xf32, #tpu.memory_space<hbm>> -> memref<200x64xf32, #tpu.memory_space<hbm>>
        %dma_wait3A_74 = arith.constant 0 : i32
        %dma_wait3A_75 = tpu.memref_slice %arg4[%add3A_71, %dma_wait3A_74] : memref<200000x64xf32, #tpu.memory_space<hbm>> -> memref<200x64xf32, #tpu.memory_space<hbm>>
        tpu.wait_dma2 semaphore(%arg13 : memref<!tpu.dma_semaphore, #tpu.memory_space<semaphore_mem>>) src(%arg5 : memref<200x64xf32, #tpu.memory_space<vmem>>) dst(%dma_wait3A_75 : memref<200x64xf32, #tpu.memory_space<hbm>>)
        %add3A_76 = arith.constant 800 : i32
        %add3A_77 = arith.addi %multiple_of3A, %add3A_76 : i32
        %dma_start3A_78 = arith.constant 0 : i32
        %dma_start3A_79 = tpu.memref_slice %arg2[%add3A_77, %dma_start3A_78] : memref<100000x64xf32, #tpu.memory_space<hbm>> -> memref<200x64xf32, #tpu.memory_space<hbm>>
        %dma_start3A_80 = arith.constant 0 : i32
        %dma_start3A_81 = tpu.memref_slice %arg2[%add3A_77, %dma_start3A_80] : memref<100000x64xf32, #tpu.memory_space<hbm>> -> memref<200x64xf32, #tpu.memory_space<hbm>>
        tpu.enqueue_dma source(%dma_start3A_81 : memref<200x64xf32, #tpu.memory_space<hbm>>) target(%arg5 : memref<200x64xf32, #tpu.memory_space<vmem>>) target_semaphore(%arg9 : memref<!tpu.dma_semaphore, #tpu.memory_space<semaphore_mem>>)
        %add3A_82 = arith.constant 400 : i32
        %add3A_83 = arith.addi %multiple_of3A, %add3A_82 : i32
        %dma_wait3A_84 = arith.constant 0 : i32
        %dma_wait3A_85 = tpu.memref_slice %arg2[%add3A_83, %dma_wait3A_84] : memref<100000x64xf32, #tpu.memory_space<hbm>> -> memref<200x64xf32, #tpu.memory_space<hbm>>
        %dma_wait3A_86 = arith.constant 0 : i32
        %dma_wait3A_87 = tpu.memref_slice %arg2[%add3A_83, %dma_wait3A_86] : memref<100000x64xf32, #tpu.memory_space<hbm>> -> memref<200x64xf32, #tpu.memory_space<hbm>>
        tpu.wait_dma2 semaphore(%arg11 : memref<!tpu.dma_semaphore, #tpu.memory_space<semaphore_mem>>) src(%dma_wait3A_87 : memref<200x64xf32, #tpu.memory_space<hbm>>) dst(%arg7 : memref<200x64xf32, #tpu.memory_space<vmem>>)
        %add3A_88 = arith.constant 400 : i32
        %add3A_89 = arith.addi %add3A_23, %add3A_88 : i32
        %dma_start3A_90 = arith.constant 0 : i32
        %dma_start3A_91 = tpu.memref_slice %arg4[%add3A_89, %dma_start3A_90] : memref<200000x64xf32, #tpu.memory_space<hbm>> -> memref<200x64xf32, #tpu.memory_space<hbm>>
        %dma_start3A_92 = arith.constant 0 : i32
        %dma_start3A_93 = tpu.memref_slice %arg4[%add3A_89, %dma_start3A_92] : memref<200000x64xf32, #tpu.memory_space<hbm>> -> memref<200x64xf32, #tpu.memory_space<hbm>>
        tpu.enqueue_dma source(%arg7 : memref<200x64xf32, #tpu.memory_space<vmem>>) target(%dma_start3A_93 : memref<200x64xf32, #tpu.memory_space<hbm>>) target_semaphore(%arg15 : memref<!tpu.dma_semaphore, #tpu.memory_space<semaphore_mem>>)
        %add3A_94 = arith.constant 200 : i32
        %add3A_95 = arith.addi %add3A_23, %add3A_94 : i32
        %dma_wait3A_96 = arith.constant 0 : i32
        %dma_wait3A_97 = tpu.memref_slice %arg4[%add3A_95, %dma_wait3A_96] : memref<200000x64xf32, #tpu.memory_space<hbm>> -> memref<200x64xf32, #tpu.memory_space<hbm>>
        %dma_wait3A_98 = arith.constant 0 : i32
        %dma_wait3A_99 = tpu.memref_slice %arg4[%add3A_95, %dma_wait3A_98] : memref<200000x64xf32, #tpu.memory_space<hbm>> -> memref<200x64xf32, #tpu.memory_space<hbm>>
        tpu.wait_dma2 semaphore(%arg14 : memref<!tpu.dma_semaphore, #tpu.memory_space<semaphore_mem>>) src(%arg6 : memref<200x64xf32, #tpu.memory_space<vmem>>) dst(%dma_wait3A_99 : memref<200x64xf32, #tpu.memory_space<hbm>>)
        %add3A_100 = arith.constant 1000 : i32
        %add3A_101 = arith.addi %multiple_of3A, %add3A_100 : i32
        %dma_start3A_102 = arith.constant 0 : i32
        %dma_start3A_103 = tpu.memref_slice %arg2[%add3A_101, %dma_start3A_102] : memref<100000x64xf32, #tpu.memory_space<hbm>> -> memref<200x64xf32, #tpu.memory_space<hbm>>
        %dma_start3A_104 = arith.constant 0 : i32
        %dma_start3A_105 = tpu.memref_slice %arg2[%add3A_101, %dma_start3A_104] : memref<100000x64xf32, #tpu.memory_space<hbm>> -> memref<200x64xf32, #tpu.memory_space<hbm>>
        tpu.enqueue_dma source(%dma_start3A_105 : memref<200x64xf32, #tpu.memory_space<hbm>>) target(%arg6 : memref<200x64xf32, #tpu.memory_space<vmem>>) target_semaphore(%arg10 : memref<!tpu.dma_semaphore, #tpu.memory_space<semaphore_mem>>)
        %add3A_106 = arith.constant 600 : i32
        %add3A_107 = arith.addi %multiple_of3A, %add3A_106 : i32
        %dma_wait3A_108 = arith.constant 0 : i32
        %dma_wait3A_109 = tpu.memref_slice %arg2[%add3A_107, %dma_wait3A_108] : memref<100000x64xf32, #tpu.memory_space<hbm>> -> memref<200x64xf32, #tpu.memory_space<hbm>>
        %dma_wait3A_110 = arith.constant 0 : i32
        %dma_wait3A_111 = tpu.memref_slice %arg2[%add3A_107, %dma_wait3A_110] : memref<100000x64xf32, #tpu.memory_space<hbm>> -> memref<200x64xf32, #tpu.memory_space<hbm>>
        tpu.wait_dma2 semaphore(%arg12 : memref<!tpu.dma_semaphore, #tpu.memory_space<semaphore_mem>>) src(%dma_wait3A_111 : memref<200x64xf32, #tpu.memory_space<hbm>>) dst(%arg8 : memref<200x64xf32, #tpu.memory_space<vmem>>)
        %add3A_112 = arith.constant 600 : i32
        %add3A_113 = arith.addi %add3A_23, %add3A_112 : i32
        %dma_start3A_114 = arith.constant 0 : i32
        %dma_start3A_115 = tpu.memref_slice %arg4[%add3A_113, %dma_start3A_114] : memref<200000x64xf32, #tpu.memory_space<hbm>> -> memref<200x64xf32, #tpu.memory_space<hbm>>
        %dma_start3A_116 = arith.constant 0 : i32
        %dma_start3A_117 = tpu.memref_slice %arg4[%add3A_113, %dma_start3A_116] : memref<200000x64xf32, #tpu.memory_space<hbm>> -> memref<200x64xf32, #tpu.memory_space<hbm>>
        tpu.enqueue_dma source(%arg8 : memref<200x64xf32, #tpu.memory_space<vmem>>) target(%dma_start3A_117 : memref<200x64xf32, #tpu.memory_space<hbm>>) target_semaphore(%arg16 : memref<!tpu.dma_semaphore, #tpu.memory_space<semaphore_mem>>)
        %add3A_118 = arith.constant 400 : i32
        %add3A_119 = arith.addi %add3A_23, %add3A_118 : i32
        %dma_wait3A_120 = arith.constant 0 : i32
        %dma_wait3A_121 = tpu.memref_slice %arg4[%add3A_119, %dma_wait3A_120] : memref<200000x64xf32, #tpu.memory_space<hbm>> -> memref<200x64xf32, #tpu.memory_space<hbm>>
        %dma_wait3A_122 = arith.constant 0 : i32
        %dma_wait3A_123 = tpu.memref_slice %arg4[%add3A_119, %dma_wait3A_122] : memref<200000x64xf32, #tpu.memory_space<hbm>> -> memref<200x64xf32, #tpu.memory_space<hbm>>
        tpu.wait_dma2 semaphore(%arg15 : memref<!tpu.dma_semaphore, #tpu.memory_space<semaphore_mem>>) src(%arg7 : memref<200x64xf32, #tpu.memory_space<vmem>>) dst(%dma_wait3A_123 : memref<200x64xf32, #tpu.memory_space<hbm>>)
        %add3A_124 = arith.constant 1200 : i32
        %add3A_125 = arith.addi %multiple_of3A, %add3A_124 : i32
        %dma_start3A_126 = arith.constant 0 : i32
        %dma_start3A_127 = tpu.memref_slice %arg2[%add3A_125, %dma_start3A_126] : memref<100000x64xf32, #tpu.memory_space<hbm>> -> memref<200x64xf32, #tpu.memory_space<hbm>>
        %dma_start3A_128 = arith.constant 0 : i32
        %dma_start3A_129 = tpu.memref_slice %arg2[%add3A_125, %dma_start3A_128] : memref<100000x64xf32, #tpu.memory_space<hbm>> -> memref<200x64xf32, #tpu.memory_space<hbm>>
        tpu.enqueue_dma source(%dma_start3A_129 : memref<200x64xf32, #tpu.memory_space<hbm>>) target(%arg7 : memref<200x64xf32, #tpu.memory_space<vmem>>) target_semaphore(%arg11 : memref<!tpu.dma_semaphore, #tpu.memory_space<semaphore_mem>>)
        %add3A_130 = arith.constant 800 : i32
        %add3A_131 = arith.addi %multiple_of3A, %add3A_130 : i32
        %dma_wait3A_132 = arith.constant 0 : i32
        %dma_wait3A_133 = tpu.memref_slice %arg2[%add3A_131, %dma_wait3A_132] : memref<100000x64xf32, #tpu.memory_space<hbm>> -> memref<200x64xf32, #tpu.memory_space<hbm>>
        %dma_wait3A_134 = arith.constant 0 : i32
        %dma_wait3A_135 = tpu.memref_slice %arg2[%add3A_131, %dma_wait3A_134] : memref<100000x64xf32, #tpu.memory_space<hbm>> -> memref<200x64xf32, #tpu.memory_space<hbm>>
        tpu.wait_dma2 semaphore(%arg9 : memref<!tpu.dma_semaphore, #tpu.memory_space<semaphore_mem>>) src(%dma_wait3A_135 : memref<200x64xf32, #tpu.memory_space<hbm>>) dst(%arg5 : memref<200x64xf32, #tpu.memory_space<vmem>>)
        %add3A_136 = arith.constant 800 : i32
        %add3A_137 = arith.addi %add3A_23, %add3A_136 : i32
        %dma_start3A_138 = arith.constant 0 : i32
        %dma_start3A_139 = tpu.memref_slice %arg4[%add3A_137, %dma_start3A_138] : memref<200000x64xf32, #tpu.memory_space<hbm>> -> memref<200x64xf32, #tpu.memory_space<hbm>>
        %dma_start3A_140 = arith.constant 0 : i32
        %dma_start3A_141 = tpu.memref_slice %arg4[%add3A_137, %dma_start3A_140] : memref<200000x64xf32, #tpu.memory_space<hbm>> -> memref<200x64xf32, #tpu.memory_space<hbm>>
        tpu.enqueue_dma source(%arg5 : memref<200x64xf32, #tpu.memory_space<vmem>>) target(%dma_start3A_141 : memref<200x64xf32, #tpu.memory_space<hbm>>) target_semaphore(%arg13 : memref<!tpu.dma_semaphore, #tpu.memory_space<semaphore_mem>>)
        %add3A_142 = arith.constant 600 : i32
        %add3A_143 = arith.addi %add3A_23, %add3A_142 : i32
        %dma_wait3A_144 = arith.constant 0 : i32
        %dma_wait3A_145 = tpu.memref_slice %arg4[%add3A_143, %dma_wait3A_144] : memref<200000x64xf32, #tpu.memory_space<hbm>> -> memref<200x64xf32, #tpu.memory_space<hbm>>
        %dma_wait3A_146 = arith.constant 0 : i32
        %dma_wait3A_147 = tpu.memref_slice %arg4[%add3A_143, %dma_wait3A_146] : memref<200000x64xf32, #tpu.memory_space<hbm>> -> memref<200x64xf32, #tpu.memory_space<hbm>>
        tpu.wait_dma2 semaphore(%arg16 : memref<!tpu.dma_semaphore, #tpu.memory_space<semaphore_mem>>) src(%arg8 : memref<200x64xf32, #tpu.memory_space<vmem>>) dst(%dma_wait3A_147 : memref<200x64xf32, #tpu.memory_space<hbm>>)
        %add3A_148 = arith.constant 1400 : i32
        %add3A_149 = arith.addi %multiple_of3A, %add3A_148 : i32
        %dma_start3A_150 = arith.constant 0 : i32
        %dma_start3A_151 = tpu.memref_slice %arg2[%add3A_149, %dma_start3A_150] : memref<100000x64xf32, #tpu.memory_space<hbm>> -> memref<200x64xf32, #tpu.memory_space<hbm>>
        %dma_start3A_152 = arith.constant 0 : i32
        %dma_start3A_153 = tpu.memref_slice %arg2[%add3A_149, %dma_start3A_152] : memref<100000x64xf32, #tpu.memory_space<hbm>> -> memref<200x64xf32, #tpu.memory_space<hbm>>
        tpu.enqueue_dma source(%dma_start3A_153 : memref<200x64xf32, #tpu.memory_space<hbm>>) target(%arg8 : memref<200x64xf32, #tpu.memory_space<vmem>>) target_semaphore(%arg12 : memref<!tpu.dma_semaphore, #tpu.memory_space<semaphore_mem>>)
        %add3A_154 = arith.constant 1000 : i32
        %add3A_155 = arith.addi %multiple_of3A, %add3A_154 : i32
        %dma_wait3A_156 = arith.constant 0 : i32
        %dma_wait3A_157 = tpu.memref_slice %arg2[%add3A_155, %dma_wait3A_156] : memref<100000x64xf32, #tpu.memory_space<hbm>> -> memref<200x64xf32, #tpu.memory_space<hbm>>
        %dma_wait3A_158 = arith.constant 0 : i32
        %dma_wait3A_159 = tpu.memref_slice %arg2[%add3A_155, %dma_wait3A_158] : memref<100000x64xf32, #tpu.memory_space<hbm>> -> memref<200x64xf32, #tpu.memory_space<hbm>>
        tpu.wait_dma2 semaphore(%arg10 : memref<!tpu.dma_semaphore, #tpu.memory_space<semaphore_mem>>) src(%dma_wait3A_159 : memref<200x64xf32, #tpu.memory_space<hbm>>) dst(%arg6 : memref<200x64xf32, #tpu.memory_space<vmem>>)
        %add3A_160 = arith.constant 1000 : i32
        %add3A_161 = arith.addi %add3A_23, %add3A_160 : i32
        %dma_start3A_162 = arith.constant 0 : i32
        %dma_start3A_163 = tpu.memref_slice %arg4[%add3A_161, %dma_start3A_162] : memref<200000x64xf32, #tpu.memory_space<hbm>> -> memref<200x64xf32, #tpu.memory_space<hbm>>
        %dma_start3A_164 = arith.constant 0 : i32
        %dma_start3A_165 = tpu.memref_slice %arg4[%add3A_161, %dma_start3A_164] : memref<200000x64xf32, #tpu.memory_space<hbm>> -> memref<200x64xf32, #tpu.memory_space<hbm>>
        tpu.enqueue_dma source(%arg6 : memref<200x64xf32, #tpu.memory_space<vmem>>) target(%dma_start3A_165 : memref<200x64xf32, #tpu.memory_space<hbm>>) target_semaphore(%arg14 : memref<!tpu.dma_semaphore, #tpu.memory_space<semaphore_mem>>)
        %add3A_166 = arith.constant 800 : i32
        %add3A_167 = arith.addi %add3A_23, %add3A_166 : i32
        %dma_wait3A_168 = arith.constant 0 : i32
        %dma_wait3A_169 = tpu.memref_slice %arg4[%add3A_167, %dma_wait3A_168] : memref<200000x64xf32, #tpu.memory_space<hbm>> -> memref<200x64xf32, #tpu.memory_space<hbm>>
        %dma_wait3A_170 = arith.constant 0 : i32
        %dma_wait3A_171 = tpu.memref_slice %arg4[%add3A_167, %dma_wait3A_170] : memref<200000x64xf32, #tpu.memory_space<hbm>> -> memref<200x64xf32, #tpu.memory_space<hbm>>
        tpu.wait_dma2 semaphore(%arg13 : memref<!tpu.dma_semaphore, #tpu.memory_space<semaphore_mem>>) src(%arg5 : memref<200x64xf32, #tpu.memory_space<vmem>>) dst(%dma_wait3A_171 : memref<200x64xf32, #tpu.memory_space<hbm>>)
        %add3A_172 = arith.constant 1600 : i32
        %add3A_173 = arith.addi %multiple_of3A, %add3A_172 : i32
        %dma_start3A_174 = arith.constant 0 : i32
        %dma_start3A_175 = tpu.memref_slice %arg2[%add3A_173, %dma_start3A_174] : memref<100000x64xf32, #tpu.memory_space<hbm>> -> memref<200x64xf32, #tpu.memory_space<hbm>>
        %dma_start3A_176 = arith.constant 0 : i32
        %dma_start3A_177 = tpu.memref_slice %arg2[%add3A_173, %dma_start3A_176] : memref<100000x64xf32, #tpu.memory_space<hbm>> -> memref<200x64xf32, #tpu.memory_space<hbm>>
        tpu.enqueue_dma source(%dma_start3A_177 : memref<200x64xf32, #tpu.memory_space<hbm>>) target(%arg5 : memref<200x64xf32, #tpu.memory_space<vmem>>) target_semaphore(%arg9 : memref<!tpu.dma_semaphore, #tpu.memory_space<semaphore_mem>>)
        %add3A_178 = arith.constant 1200 : i32
        %add3A_179 = arith.addi %multiple_of3A, %add3A_178 : i32
        %dma_wait3A_180 = arith.constant 0 : i32
        %dma_wait3A_181 = tpu.memref_slice %arg2[%add3A_179, %dma_wait3A_180] : memref<100000x64xf32, #tpu.memory_space<hbm>> -> memref<200x64xf32, #tpu.memory_space<hbm>>
        %dma_wait3A_182 = arith.constant 0 : i32
        %dma_wait3A_183 = tpu.memref_slice %arg2[%add3A_179, %dma_wait3A_182] : memref<100000x64xf32, #tpu.memory_space<hbm>> -> memref<200x64xf32, #tpu.memory_space<hbm>>
        tpu.wait_dma2 semaphore(%arg11 : memref<!tpu.dma_semaphore, #tpu.memory_space<semaphore_mem>>) src(%dma_wait3A_183 : memref<200x64xf32, #tpu.memory_space<hbm>>) dst(%arg7 : memref<200x64xf32, #tpu.memory_space<vmem>>)
        %add3A_184 = arith.constant 1200 : i32
        %add3A_185 = arith.addi %add3A_23, %add3A_184 : i32
        %dma_start3A_186 = arith.constant 0 : i32
        %dma_start3A_187 = tpu.memref_slice %arg4[%add3A_185, %dma_start3A_186] : memref<200000x64xf32, #tpu.memory_space<hbm>> -> memref<200x64xf32, #tpu.memory_space<hbm>>
        %dma_start3A_188 = arith.constant 0 : i32
        %dma_start3A_189 = tpu.memref_slice %arg4[%add3A_185, %dma_start3A_188] : memref<200000x64xf32, #tpu.memory_space<hbm>> -> memref<200x64xf32, #tpu.memory_space<hbm>>
        tpu.enqueue_dma source(%arg7 : memref<200x64xf32, #tpu.memory_space<vmem>>) target(%dma_start3A_189 : memref<200x64xf32, #tpu.memory_space<hbm>>) target_semaphore(%arg15 : memref<!tpu.dma_semaphore, #tpu.memory_space<semaphore_mem>>)
        %add3A_190 = arith.constant 1000 : i32
        %add3A_191 = arith.addi %add3A_23, %add3A_190 : i32
        %dma_wait3A_192 = arith.constant 0 : i32
        %dma_wait3A_193 = tpu.memref_slice %arg4[%add3A_191, %dma_wait3A_192] : memref<200000x64xf32, #tpu.memory_space<hbm>> -> memref<200x64xf32, #tpu.memory_space<hbm>>
        %dma_wait3A_194 = arith.constant 0 : i32
        %dma_wait3A_195 = tpu.memref_slice %arg4[%add3A_191, %dma_wait3A_194] : memref<200000x64xf32, #tpu.memory_space<hbm>> -> memref<200x64xf32, #tpu.memory_space<hbm>>
        tpu.wait_dma2 semaphore(%arg14 : memref<!tpu.dma_semaphore, #tpu.memory_space<semaphore_mem>>) src(%arg6 : memref<200x64xf32, #tpu.memory_space<vmem>>) dst(%dma_wait3A_195 : memref<200x64xf32, #tpu.memory_space<hbm>>)
        %add3A_196 = arith.constant 1800 : i32
        %add3A_197 = arith.addi %multiple_of3A, %add3A_196 : i32
        %dma_start3A_198 = arith.constant 0 : i32
        %dma_start3A_199 = tpu.memref_slice %arg2[%add3A_197, %dma_start3A_198] : memref<100000x64xf32, #tpu.memory_space<hbm>> -> memref<200x64xf32, #tpu.memory_space<hbm>>
        %dma_start3A_200 = arith.constant 0 : i32
        %dma_start3A_201 = tpu.memref_slice %arg2[%add3A_197, %dma_start3A_200] : memref<100000x64xf32, #tpu.memory_space<hbm>> -> memref<200x64xf32, #tpu.memory_space<hbm>>
        tpu.enqueue_dma source(%dma_start3A_201 : memref<200x64xf32, #tpu.memory_space<hbm>>) target(%arg6 : memref<200x64xf32, #tpu.memory_space<vmem>>) target_semaphore(%arg10 : memref<!tpu.dma_semaphore, #tpu.memory_space<semaphore_mem>>)
        %add3A_202 = arith.constant 1400 : i32
        %add3A_203 = arith.addi %multiple_of3A, %add3A_202 : i32
        %dma_wait3A_204 = arith.constant 0 : i32
        %dma_wait3A_205 = tpu.memref_slice %arg2[%add3A_203, %dma_wait3A_204] : memref<100000x64xf32, #tpu.memory_space<hbm>> -> memref<200x64xf32, #tpu.memory_space<hbm>>
        %dma_wait3A_206 = arith.constant 0 : i32
        %dma_wait3A_207 = tpu.memref_slice %arg2[%add3A_203, %dma_wait3A_206] : memref<100000x64xf32, #tpu.memory_space<hbm>> -> memref<200x64xf32, #tpu.memory_space<hbm>>
        tpu.wait_dma2 semaphore(%arg12 : memref<!tpu.dma_semaphore, #tpu.memory_space<semaphore_mem>>) src(%dma_wait3A_207 : memref<200x64xf32, #tpu.memory_space<hbm>>) dst(%arg8 : memref<200x64xf32, #tpu.memory_space<vmem>>)
        %add3A_208 = arith.constant 1400 : i32
        %add3A_209 = arith.addi %add3A_23, %add3A_208 : i32
        %dma_start3A_210 = arith.constant 0 : i32
        %dma_start3A_211 = tpu.memref_slice %arg4[%add3A_209, %dma_start3A_210] : memref<200000x64xf32, #tpu.memory_space<hbm>> -> memref<200x64xf32, #tpu.memory_space<hbm>>
        %dma_start3A_212 = arith.constant 0 : i32
        %dma_start3A_213 = tpu.memref_slice %arg4[%add3A_209, %dma_start3A_212] : memref<200000x64xf32, #tpu.memory_space<hbm>> -> memref<200x64xf32, #tpu.memory_space<hbm>>
        tpu.enqueue_dma source(%arg8 : memref<200x64xf32, #tpu.memory_space<vmem>>) target(%dma_start3A_213 : memref<200x64xf32, #tpu.memory_space<hbm>>) target_semaphore(%arg16 : memref<!tpu.dma_semaphore, #tpu.memory_space<semaphore_mem>>)
        %add3A_214 = arith.constant 1200 : i32
        %add3A_215 = arith.addi %add3A_23, %add3A_214 : i32
        %dma_wait3A_216 = arith.constant 0 : i32
        %dma_wait3A_217 = tpu.memref_slice %arg4[%add3A_215, %dma_wait3A_216] : memref<200000x64xf32, #tpu.memory_space<hbm>> -> memref<200x64xf32, #tpu.memory_space<hbm>>
        %dma_wait3A_218 = arith.constant 0 : i32
        %dma_wait3A_219 = tpu.memref_slice %arg4[%add3A_215, %dma_wait3A_218] : memref<200000x64xf32, #tpu.memory_space<hbm>> -> memref<200x64xf32, #tpu.memory_space<hbm>>
        tpu.wait_dma2 semaphore(%arg15 : memref<!tpu.dma_semaphore, #tpu.memory_space<semaphore_mem>>) src(%arg7 : memref<200x64xf32, #tpu.memory_space<vmem>>) dst(%dma_wait3A_219 : memref<200x64xf32, #tpu.memory_space<hbm>>)
        %add3A_220 = arith.constant 2000 : i32
        %add3A_221 = arith.addi %multiple_of3A, %add3A_220 : i32
        %dma_start3A_222 = arith.constant 0 : i32
        %dma_start3A_223 = tpu.memref_slice %arg2[%add3A_221, %dma_start3A_222] : memref<100000x64xf32, #tpu.memory_space<hbm>> -> memref<200x64xf32, #tpu.memory_space<hbm>>
        %dma_start3A_224 = arith.constant 0 : i32
        %dma_start3A_225 = tpu.memref_slice %arg2[%add3A_221, %dma_start3A_224] : memref<100000x64xf32, #tpu.memory_space<hbm>> -> memref<200x64xf32, #tpu.memory_space<hbm>>
        tpu.enqueue_dma source(%dma_start3A_225 : memref<200x64xf32, #tpu.memory_space<hbm>>) target(%arg7 : memref<200x64xf32, #tpu.memory_space<vmem>>) target_semaphore(%arg11 : memref<!tpu.dma_semaphore, #tpu.memory_space<semaphore_mem>>)
        %add3A_226 = arith.constant 1600 : i32
        %add3A_227 = arith.addi %multiple_of3A, %add3A_226 : i32
        %dma_wait3A_228 = arith.constant 0 : i32
        %dma_wait3A_229 = tpu.memref_slice %arg2[%add3A_227, %dma_wait3A_228] : memref<100000x64xf32, #tpu.memory_space<hbm>> -> memref<200x64xf32, #tpu.memory_space<hbm>>
        %dma_wait3A_230 = arith.constant 0 : i32
        %dma_wait3A_231 = tpu.memref_slice %arg2[%add3A_227, %dma_wait3A_230] : memref<100000x64xf32, #tpu.memory_space<hbm>> -> memref<200x64xf32, #tpu.memory_space<hbm>>
        tpu.wait_dma2 semaphore(%arg9 : memref<!tpu.dma_semaphore, #tpu.memory_space<semaphore_mem>>) src(%dma_wait3A_231 : memref<200x64xf32, #tpu.memory_space<hbm>>) dst(%arg5 : memref<200x64xf32, #tpu.memory_space<vmem>>)
        %add3A_232 = arith.constant 1600 : i32
        %add3A_233 = arith.addi %add3A_23, %add3A_232 : i32
        %dma_start3A_234 = arith.constant 0 : i32
        %dma_start3A_235 = tpu.memref_slice %arg4[%add3A_233, %dma_start3A_234] : memref<200000x64xf32, #tpu.memory_space<hbm>> -> memref<200x64xf32, #tpu.memory_space<hbm>>
        %dma_start3A_236 = arith.constant 0 : i32
        %dma_start3A_237 = tpu.memref_slice %arg4[%add3A_233, %dma_start3A_236] : memref<200000x64xf32, #tpu.memory_space<hbm>> -> memref<200x64xf32, #tpu.memory_space<hbm>>
        tpu.enqueue_dma source(%arg5 : memref<200x64xf32, #tpu.memory_space<vmem>>) target(%dma_start3A_237 : memref<200x64xf32, #tpu.memory_space<hbm>>) target_semaphore(%arg13 : memref<!tpu.dma_semaphore, #tpu.memory_space<semaphore_mem>>)
        %add3A_238 = arith.constant 1400 : i32
        %add3A_239 = arith.addi %add3A_23, %add3A_238 : i32
        %dma_wait3A_240 = arith.constant 0 : i32
        %dma_wait3A_241 = tpu.memref_slice %arg4[%add3A_239, %dma_wait3A_240] : memref<200000x64xf32, #tpu.memory_space<hbm>> -> memref<200x64xf32, #tpu.memory_space<hbm>>
        %dma_wait3A_242 = arith.constant 0 : i32
        %dma_wait3A_243 = tpu.memref_slice %arg4[%add3A_239, %dma_wait3A_242] : memref<200000x64xf32, #tpu.memory_space<hbm>> -> memref<200x64xf32, #tpu.memory_space<hbm>>
        tpu.wait_dma2 semaphore(%arg16 : memref<!tpu.dma_semaphore, #tpu.memory_space<semaphore_mem>>) src(%arg8 : memref<200x64xf32, #tpu.memory_space<vmem>>) dst(%dma_wait3A_243 : memref<200x64xf32, #tpu.memory_space<hbm>>)
        %add3A_244 = arith.constant 2200 : i32
        %add3A_245 = arith.addi %multiple_of3A, %add3A_244 : i32
        %dma_start3A_246 = arith.constant 0 : i32
        %dma_start3A_247 = tpu.memref_slice %arg2[%add3A_245, %dma_start3A_246] : memref<100000x64xf32, #tpu.memory_space<hbm>> -> memref<200x64xf32, #tpu.memory_space<hbm>>
        %dma_start3A_248 = arith.constant 0 : i32
        %dma_start3A_249 = tpu.memref_slice %arg2[%add3A_245, %dma_start3A_248] : memref<100000x64xf32, #tpu.memory_space<hbm>> -> memref<200x64xf32, #tpu.memory_space<hbm>>
        tpu.enqueue_dma source(%dma_start3A_249 : memref<200x64xf32, #tpu.memory_space<hbm>>) target(%arg8 : memref<200x64xf32, #tpu.memory_space<vmem>>) target_semaphore(%arg12 : memref<!tpu.dma_semaphore, #tpu.memory_space<semaphore_mem>>)
        %add3A_250 = arith.constant 1800 : i32
        %add3A_251 = arith.addi %multiple_of3A, %add3A_250 : i32
        %dma_wait3A_252 = arith.constant 0 : i32
        %dma_wait3A_253 = tpu.memref_slice %arg2[%add3A_251, %dma_wait3A_252] : memref<100000x64xf32, #tpu.memory_space<hbm>> -> memref<200x64xf32, #tpu.memory_space<hbm>>
        %dma_wait3A_254 = arith.constant 0 : i32
        %dma_wait3A_255 = tpu.memref_slice %arg2[%add3A_251, %dma_wait3A_254] : memref<100000x64xf32, #tpu.memory_space<hbm>> -> memref<200x64xf32, #tpu.memory_space<hbm>>
        tpu.wait_dma2 semaphore(%arg10 : memref<!tpu.dma_semaphore, #tpu.memory_space<semaphore_mem>>) src(%dma_wait3A_255 : memref<200x64xf32, #tpu.memory_space<hbm>>) dst(%arg6 : memref<200x64xf32, #tpu.memory_space<vmem>>)
        %add3A_256 = arith.constant 1800 : i32
        %add3A_257 = arith.addi %add3A_23, %add3A_256 : i32
        %dma_start3A_258 = arith.constant 0 : i32
        %dma_start3A_259 = tpu.memref_slice %arg4[%add3A_257, %dma_start3A_258] : memref<200000x64xf32, #tpu.memory_space<hbm>> -> memref<200x64xf32, #tpu.memory_space<hbm>>
        %dma_start3A_260 = arith.constant 0 : i32
        %dma_start3A_261 = tpu.memref_slice %arg4[%add3A_257, %dma_start3A_260] : memref<200000x64xf32, #tpu.memory_space<hbm>> -> memref<200x64xf32, #tpu.memory_space<hbm>>
        tpu.enqueue_dma source(%arg6 : memref<200x64xf32, #tpu.memory_space<vmem>>) target(%dma_start3A_261 : memref<200x64xf32, #tpu.memory_space<hbm>>) target_semaphore(%arg14 : memref<!tpu.dma_semaphore, #tpu.memory_space<semaphore_mem>>)
        %add3A_262 = arith.constant 1600 : i32
        %add3A_263 = arith.addi %add3A_23, %add3A_262 : i32
        %dma_wait3A_264 = arith.constant 0 : i32
        %dma_wait3A_265 = tpu.memref_slice %arg4[%add3A_263, %dma_wait3A_264] : memref<200000x64xf32, #tpu.memory_space<hbm>> -> memref<200x64xf32, #tpu.memory_space<hbm>>
        %dma_wait3A_266 = arith.constant 0 : i32
        %dma_wait3A_267 = tpu.memref_slice %arg4[%add3A_263, %dma_wait3A_266] : memref<200000x64xf32, #tpu.memory_space<hbm>> -> memref<200x64xf32, #tpu.memory_space<hbm>>
        tpu.wait_dma2 semaphore(%arg13 : memref<!tpu.dma_semaphore, #tpu.memory_space<semaphore_mem>>) src(%arg5 : memref<200x64xf32, #tpu.memory_space<vmem>>) dst(%dma_wait3A_267 : memref<200x64xf32, #tpu.memory_space<hbm>>)
        %add3A_268 = arith.constant 2400 : i32
        %add3A_269 = arith.addi %multiple_of3A, %add3A_268 : i32
        %dma_start3A_270 = arith.constant 0 : i32
        %dma_start3A_271 = tpu.memref_slice %arg2[%add3A_269, %dma_start3A_270] : memref<100000x64xf32, #tpu.memory_space<hbm>> -> memref<200x64xf32, #tpu.memory_space<hbm>>
        %dma_start3A_272 = arith.constant 0 : i32
        %dma_start3A_273 = tpu.memref_slice %arg2[%add3A_269, %dma_start3A_272] : memref<100000x64xf32, #tpu.memory_space<hbm>> -> memref<200x64xf32, #tpu.memory_space<hbm>>
        tpu.enqueue_dma source(%dma_start3A_273 : memref<200x64xf32, #tpu.memory_space<hbm>>) target(%arg5 : memref<200x64xf32, #tpu.memory_space<vmem>>) target_semaphore(%arg9 : memref<!tpu.dma_semaphore, #tpu.memory_space<semaphore_mem>>)
        %add3A_274 = arith.constant 2000 : i32
        %add3A_275 = arith.addi %multiple_of3A, %add3A_274 : i32
        %dma_wait3A_276 = arith.constant 0 : i32
        %dma_wait3A_277 = tpu.memref_slice %arg2[%add3A_275, %dma_wait3A_276] : memref<100000x64xf32, #tpu.memory_space<hbm>> -> memref<200x64xf32, #tpu.memory_space<hbm>>
        %dma_wait3A_278 = arith.constant 0 : i32
        %dma_wait3A_279 = tpu.memref_slice %arg2[%add3A_275, %dma_wait3A_278] : memref<100000x64xf32, #tpu.memory_space<hbm>> -> memref<200x64xf32, #tpu.memory_space<hbm>>
        tpu.wait_dma2 semaphore(%arg11 : memref<!tpu.dma_semaphore, #tpu.memory_space<semaphore_mem>>) src(%dma_wait3A_279 : memref<200x64xf32, #tpu.memory_space<hbm>>) dst(%arg7 : memref<200x64xf32, #tpu.memory_space<vmem>>)
        %add3A_280 = arith.constant 2000 : i32
        %add3A_281 = arith.addi %add3A_23, %add3A_280 : i32
        %dma_start3A_282 = arith.constant 0 : i32
        %dma_start3A_283 = tpu.memref_slice %arg4[%add3A_281, %dma_start3A_282] : memref<200000x64xf32, #tpu.memory_space<hbm>> -> memref<200x64xf32, #tpu.memory_space<hbm>>
        %dma_start3A_284 = arith.constant 0 : i32
        %dma_start3A_285 = tpu.memref_slice %arg4[%add3A_281, %dma_start3A_284] : memref<200000x64xf32, #tpu.memory_space<hbm>> -> memref<200x64xf32, #tpu.memory_space<hbm>>
        tpu.enqueue_dma source(%arg7 : memref<200x64xf32, #tpu.memory_space<vmem>>) target(%dma_start3A_285 : memref<200x64xf32, #tpu.memory_space<hbm>>) target_semaphore(%arg15 : memref<!tpu.dma_semaphore, #tpu.memory_space<semaphore_mem>>)
        %add3A_286 = arith.constant 1800 : i32
        %add3A_287 = arith.addi %add3A_23, %add3A_286 : i32
        %dma_wait3A_288 = arith.constant 0 : i32
        %dma_wait3A_289 = tpu.memref_slice %arg4[%add3A_287, %dma_wait3A_288] : memref<200000x64xf32, #tpu.memory_space<hbm>> -> memref<200x64xf32, #tpu.memory_space<hbm>>
        %dma_wait3A_290 = arith.constant 0 : i32
        %dma_wait3A_291 = tpu.memref_slice %arg4[%add3A_287, %dma_wait3A_290] : memref<200000x64xf32, #tpu.memory_space<hbm>> -> memref<200x64xf32, #tpu.memory_space<hbm>>
        tpu.wait_dma2 semaphore(%arg14 : memref<!tpu.dma_semaphore, #tpu.memory_space<semaphore_mem>>) src(%arg6 : memref<200x64xf32, #tpu.memory_space<vmem>>) dst(%dma_wait3A_291 : memref<200x64xf32, #tpu.memory_space<hbm>>)
        %add3A_292 = arith.constant 2600 : i32
        %add3A_293 = arith.addi %multiple_of3A, %add3A_292 : i32
        %dma_start3A_294 = arith.constant 0 : i32
        %dma_start3A_295 = tpu.memref_slice %arg2[%add3A_293, %dma_start3A_294] : memref<100000x64xf32, #tpu.memory_space<hbm>> -> memref<200x64xf32, #tpu.memory_space<hbm>>
        %dma_start3A_296 = arith.constant 0 : i32
        %dma_start3A_297 = tpu.memref_slice %arg2[%add3A_293, %dma_start3A_296] : memref<100000x64xf32, #tpu.memory_space<hbm>> -> memref<200x64xf32, #tpu.memory_space<hbm>>
        tpu.enqueue_dma source(%dma_start3A_297 : memref<200x64xf32, #tpu.memory_space<hbm>>) target(%arg6 : memref<200x64xf32, #tpu.memory_space<vmem>>) target_semaphore(%arg10 : memref<!tpu.dma_semaphore, #tpu.memory_space<semaphore_mem>>)
        %add3A_298 = arith.constant 2200 : i32
        %add3A_299 = arith.addi %multiple_of3A, %add3A_298 : i32
        %dma_wait3A_300 = arith.constant 0 : i32
        %dma_wait3A_301 = tpu.memref_slice %arg2[%add3A_299, %dma_wait3A_300] : memref<100000x64xf32, #tpu.memory_space<hbm>> -> memref<200x64xf32, #tpu.memory_space<hbm>>
        %dma_wait3A_302 = arith.constant 0 : i32
        %dma_wait3A_303 = tpu.memref_slice %arg2[%add3A_299, %dma_wait3A_302] : memref<100000x64xf32, #tpu.memory_space<hbm>> -> memref<200x64xf32, #tpu.memory_space<hbm>>
        tpu.wait_dma2 semaphore(%arg12 : memref<!tpu.dma_semaphore, #tpu.memory_space<semaphore_mem>>) src(%dma_wait3A_303 : memref<200x64xf32, #tpu.memory_space<hbm>>) dst(%arg8 : memref<200x64xf32, #tpu.memory_space<vmem>>)
        %add3A_304 = arith.constant 2200 : i32
        %add3A_305 = arith.addi %add3A_23, %add3A_304 : i32
        %dma_start3A_306 = arith.constant 0 : i32
        %dma_start3A_307 = tpu.memref_slice %arg4[%add3A_305, %dma_start3A_306] : memref<200000x64xf32, #tpu.memory_space<hbm>> -> memref<200x64xf32, #tpu.memory_space<hbm>>
        %dma_start3A_308 = arith.constant 0 : i32
        %dma_start3A_309 = tpu.memref_slice %arg4[%add3A_305, %dma_start3A_308] : memref<200000x64xf32, #tpu.memory_space<hbm>> -> memref<200x64xf32, #tpu.memory_space<hbm>>
        tpu.enqueue_dma source(%arg8 : memref<200x64xf32, #tpu.memory_space<vmem>>) target(%dma_start3A_309 : memref<200x64xf32, #tpu.memory_space<hbm>>) target_semaphore(%arg16 : memref<!tpu.dma_semaphore, #tpu.memory_space<semaphore_mem>>)
        %add3A_310 = arith.constant 2000 : i32
        %add3A_311 = arith.addi %add3A_23, %add3A_310 : i32
        %dma_wait3A_312 = arith.constant 0 : i32
        %dma_wait3A_313 = tpu.memref_slice %arg4[%add3A_311, %dma_wait3A_312] : memref<200000x64xf32, #tpu.memory_space<hbm>> -> memref<200x64xf32, #tpu.memory_space<hbm>>
        %dma_wait3A_314 = arith.constant 0 : i32
        %dma_wait3A_315 = tpu.memref_slice %arg4[%add3A_311, %dma_wait3A_314] : memref<200000x64xf32, #tpu.memory_space<hbm>> -> memref<200x64xf32, #tpu.memory_space<hbm>>
        tpu.wait_dma2 semaphore(%arg15 : memref<!tpu.dma_semaphore, #tpu.memory_space<semaphore_mem>>) src(%arg7 : memref<200x64xf32, #tpu.memory_space<vmem>>) dst(%dma_wait3A_315 : memref<200x64xf32, #tpu.memory_space<hbm>>)
        %add3A_316 = arith.constant 2800 : i32
        %add3A_317 = arith.addi %multiple_of3A, %add3A_316 : i32
        %dma_start3A_318 = arith.constant 0 : i32
        %dma_start3A_319 = tpu.memref_slice %arg2[%add3A_317, %dma_start3A_318] : memref<100000x64xf32, #tpu.memory_space<hbm>> -> memref<200x64xf32, #tpu.memory_space<hbm>>
        %dma_start3A_320 = arith.constant 0 : i32
        %dma_start3A_321 = tpu.memref_slice %arg2[%add3A_317, %dma_start3A_320] : memref<100000x64xf32, #tpu.memory_space<hbm>> -> memref<200x64xf32, #tpu.memory_space<hbm>>
        tpu.enqueue_dma source(%dma_start3A_321 : memref<200x64xf32, #tpu.memory_space<hbm>>) target(%arg7 : memref<200x64xf32, #tpu.memory_space<vmem>>) target_semaphore(%arg11 : memref<!tpu.dma_semaphore, #tpu.memory_space<semaphore_mem>>)
        %add3A_322 = arith.constant 2400 : i32
        %add3A_323 = arith.addi %multiple_of3A, %add3A_322 : i32
        %dma_wait3A_324 = arith.constant 0 : i32
        %dma_wait3A_325 = tpu.memref_slice %arg2[%add3A_323, %dma_wait3A_324] : memref<100000x64xf32, #tpu.memory_space<hbm>> -> memref<200x64xf32, #tpu.memory_space<hbm>>
        %dma_wait3A_326 = arith.constant 0 : i32
        %dma_wait3A_327 = tpu.memref_slice %arg2[%add3A_323, %dma_wait3A_326] : memref<100000x64xf32, #tpu.memory_space<hbm>> -> memref<200x64xf32, #tpu.memory_space<hbm>>
        tpu.wait_dma2 semaphore(%arg9 : memref<!tpu.dma_semaphore, #tpu.memory_space<semaphore_mem>>) src(%dma_wait3A_327 : memref<200x64xf32, #tpu.memory_space<hbm>>) dst(%arg5 : memref<200x64xf32, #tpu.memory_space<vmem>>)
        %add3A_328 = arith.constant 2400 : i32
        %add3A_329 = arith.addi %add3A_23, %add3A_328 : i32
        %dma_start3A_330 = arith.constant 0 : i32
        %dma_start3A_331 = tpu.memref_slice %arg4[%add3A_329, %dma_start3A_330] : memref<200000x64xf32, #tpu.memory_space<hbm>> -> memref<200x64xf32, #tpu.memory_space<hbm>>
        %dma_start3A_332 = arith.constant 0 : i32
        %dma_start3A_333 = tpu.memref_slice %arg4[%add3A_329, %dma_start3A_332] : memref<200000x64xf32, #tpu.memory_space<hbm>> -> memref<200x64xf32, #tpu.memory_space<hbm>>
        tpu.enqueue_dma source(%arg5 : memref<200x64xf32, #tpu.memory_space<vmem>>) target(%dma_start3A_333 : memref<200x64xf32, #tpu.memory_space<hbm>>) target_semaphore(%arg13 : memref<!tpu.dma_semaphore, #tpu.memory_space<semaphore_mem>>)
        %add3A_334 = arith.constant 2200 : i32
        %add3A_335 = arith.addi %add3A_23, %add3A_334 : i32
        %dma_wait3A_336 = arith.constant 0 : i32
        %dma_wait3A_337 = tpu.memref_slice %arg4[%add3A_335, %dma_wait3A_336] : memref<200000x64xf32, #tpu.memory_space<hbm>> -> memref<200x64xf32, #tpu.memory_space<hbm>>
        %dma_wait3A_338 = arith.constant 0 : i32
        %dma_wait3A_339 = tpu.memref_slice %arg4[%add3A_335, %dma_wait3A_338] : memref<200000x64xf32, #tpu.memory_space<hbm>> -> memref<200x64xf32, #tpu.memory_space<hbm>>
        tpu.wait_dma2 semaphore(%arg16 : memref<!tpu.dma_semaphore, #tpu.memory_space<semaphore_mem>>) src(%arg8 : memref<200x64xf32, #tpu.memory_space<vmem>>) dst(%dma_wait3A_339 : memref<200x64xf32, #tpu.memory_space<hbm>>)
        %add3A_340 = arith.constant 3000 : i32
        %add3A_341 = arith.addi %multiple_of3A, %add3A_340 : i32
        %dma_start3A_342 = arith.constant 0 : i32
        %dma_start3A_343 = tpu.memref_slice %arg2[%add3A_341, %dma_start3A_342] : memref<100000x64xf32, #tpu.memory_space<hbm>> -> memref<200x64xf32, #tpu.memory_space<hbm>>
        %dma_start3A_344 = arith.constant 0 : i32
        %dma_start3A_345 = tpu.memref_slice %arg2[%add3A_341, %dma_start3A_344] : memref<100000x64xf32, #tpu.memory_space<hbm>> -> memref<200x64xf32, #tpu.memory_space<hbm>>
        tpu.enqueue_dma source(%dma_start3A_345 : memref<200x64xf32, #tpu.memory_space<hbm>>) target(%arg8 : memref<200x64xf32, #tpu.memory_space<vmem>>) target_semaphore(%arg12 : memref<!tpu.dma_semaphore, #tpu.memory_space<semaphore_mem>>)
        %add3A_346 = arith.constant 2600 : i32
        %add3A_347 = arith.addi %multiple_of3A, %add3A_346 : i32
        %dma_wait3A_348 = arith.constant 0 : i32
        %dma_wait3A_349 = tpu.memref_slice %arg2[%add3A_347, %dma_wait3A_348] : memref<100000x64xf32, #tpu.memory_space<hbm>> -> memref<200x64xf32, #tpu.memory_space<hbm>>
        %dma_wait3A_350 = arith.constant 0 : i32
        %dma_wait3A_351 = tpu.memref_slice %arg2[%add3A_347, %dma_wait3A_350] : memref<100000x64xf32, #tpu.memory_space<hbm>> -> memref<200x64xf32, #tpu.memory_space<hbm>>
        tpu.wait_dma2 semaphore(%arg10 : memref<!tpu.dma_semaphore, #tpu.memory_space<semaphore_mem>>) src(%dma_wait3A_351 : memref<200x64xf32, #tpu.memory_space<hbm>>) dst(%arg6 : memref<200x64xf32, #tpu.memory_space<vmem>>)
        %add3A_352 = arith.constant 2600 : i32
        %add3A_353 = arith.addi %add3A_23, %add3A_352 : i32
        %dma_start3A_354 = arith.constant 0 : i32
        %dma_start3A_355 = tpu.memref_slice %arg4[%add3A_353, %dma_start3A_354] : memref<200000x64xf32, #tpu.memory_space<hbm>> -> memref<200x64xf32, #tpu.memory_space<hbm>>
        %dma_start3A_356 = arith.constant 0 : i32
        %dma_start3A_357 = tpu.memref_slice %arg4[%add3A_353, %dma_start3A_356] : memref<200000x64xf32, #tpu.memory_space<hbm>> -> memref<200x64xf32, #tpu.memory_space<hbm>>
        tpu.enqueue_dma source(%arg6 : memref<200x64xf32, #tpu.memory_space<vmem>>) target(%dma_start3A_357 : memref<200x64xf32, #tpu.memory_space<hbm>>) target_semaphore(%arg14 : memref<!tpu.dma_semaphore, #tpu.memory_space<semaphore_mem>>)
        %add3A_358 = arith.constant 2400 : i32
        %add3A_359 = arith.addi %add3A_23, %add3A_358 : i32
        %dma_wait3A_360 = arith.constant 0 : i32
        %dma_wait3A_361 = tpu.memref_slice %arg4[%add3A_359, %dma_wait3A_360] : memref<200000x64xf32, #tpu.memory_space<hbm>> -> memref<200x64xf32, #tpu.memory_space<hbm>>
        %dma_wait3A_362 = arith.constant 0 : i32
        %dma_wait3A_363 = tpu.memref_slice %arg4[%add3A_359, %dma_wait3A_362] : memref<200000x64xf32, #tpu.memory_space<hbm>> -> memref<200x64xf32, #tpu.memory_space<hbm>>
        tpu.wait_dma2 semaphore(%arg13 : memref<!tpu.dma_semaphore, #tpu.memory_space<semaphore_mem>>) src(%arg5 : memref<200x64xf32, #tpu.memory_space<vmem>>) dst(%dma_wait3A_363 : memref<200x64xf32, #tpu.memory_space<hbm>>)
        %add3A_364 = arith.constant 3200 : i32
        %add3A_365 = arith.addi %multiple_of3A, %add3A_364 : i32
        %dma_start3A_366 = arith.constant 0 : i32
        %dma_start3A_367 = tpu.memref_slice %arg2[%add3A_365, %dma_start3A_366] : memref<100000x64xf32, #tpu.memory_space<hbm>> -> memref<200x64xf32, #tpu.memory_space<hbm>>
        %dma_start3A_368 = arith.constant 0 : i32
        %dma_start3A_369 = tpu.memref_slice %arg2[%add3A_365, %dma_start3A_368] : memref<100000x64xf32, #tpu.memory_space<hbm>> -> memref<200x64xf32, #tpu.memory_space<hbm>>
        tpu.enqueue_dma source(%dma_start3A_369 : memref<200x64xf32, #tpu.memory_space<hbm>>) target(%arg5 : memref<200x64xf32, #tpu.memory_space<vmem>>) target_semaphore(%arg9 : memref<!tpu.dma_semaphore, #tpu.memory_space<semaphore_mem>>)
        %add3A_370 = arith.constant 2800 : i32
        %add3A_371 = arith.addi %multiple_of3A, %add3A_370 : i32
        %dma_wait3A_372 = arith.constant 0 : i32
        %dma_wait3A_373 = tpu.memref_slice %arg2[%add3A_371, %dma_wait3A_372] : memref<100000x64xf32, #tpu.memory_space<hbm>> -> memref<200x64xf32, #tpu.memory_space<hbm>>
        %dma_wait3A_374 = arith.constant 0 : i32
        %dma_wait3A_375 = tpu.memref_slice %arg2[%add3A_371, %dma_wait3A_374] : memref<100000x64xf32, #tpu.memory_space<hbm>> -> memref<200x64xf32, #tpu.memory_space<hbm>>
        tpu.wait_dma2 semaphore(%arg11 : memref<!tpu.dma_semaphore, #tpu.memory_space<semaphore_mem>>) src(%dma_wait3A_375 : memref<200x64xf32, #tpu.memory_space<hbm>>) dst(%arg7 : memref<200x64xf32, #tpu.memory_space<vmem>>)
        %add3A_376 = arith.constant 2800 : i32
        %add3A_377 = arith.addi %add3A_23, %add3A_376 : i32
        %dma_start3A_378 = arith.constant 0 : i32
        %dma_start3A_379 = tpu.memref_slice %arg4[%add3A_377, %dma_start3A_378] : memref<200000x64xf32, #tpu.memory_space<hbm>> -> memref<200x64xf32, #tpu.memory_space<hbm>>
        %dma_start3A_380 = arith.constant 0 : i32
        %dma_start3A_381 = tpu.memref_slice %arg4[%add3A_377, %dma_start3A_380] : memref<200000x64xf32, #tpu.memory_space<hbm>> -> memref<200x64xf32, #tpu.memory_space<hbm>>
        tpu.enqueue_dma source(%arg7 : memref<200x64xf32, #tpu.memory_space<vmem>>) target(%dma_start3A_381 : memref<200x64xf32, #tpu.memory_space<hbm>>) target_semaphore(%arg15 : memref<!tpu.dma_semaphore, #tpu.memory_space<semaphore_mem>>)
        %add3A_382 = arith.constant 2600 : i32
        %add3A_383 = arith.addi %add3A_23, %add3A_382 : i32
        %dma_wait3A_384 = arith.constant 0 : i32
        %dma_wait3A_385 = tpu.memref_slice %arg4[%add3A_383, %dma_wait3A_384] : memref<200000x64xf32, #tpu.memory_space<hbm>> -> memref<200x64xf32, #tpu.memory_space<hbm>>
        %dma_wait3A_386 = arith.constant 0 : i32
        %dma_wait3A_387 = tpu.memref_slice %arg4[%add3A_383, %dma_wait3A_386] : memref<200000x64xf32, #tpu.memory_space<hbm>> -> memref<200x64xf32, #tpu.memory_space<hbm>>
        tpu.wait_dma2 semaphore(%arg14 : memref<!tpu.dma_semaphore, #tpu.memory_space<semaphore_mem>>) src(%arg6 : memref<200x64xf32, #tpu.memory_space<vmem>>) dst(%dma_wait3A_387 : memref<200x64xf32, #tpu.memory_space<hbm>>)
        %add3A_388 = arith.constant 3400 : i32
        %add3A_389 = arith.addi %multiple_of3A, %add3A_388 : i32
        %dma_start3A_390 = arith.constant 0 : i32
        %dma_start3A_391 = tpu.memref_slice %arg2[%add3A_389, %dma_start3A_390] : memref<100000x64xf32, #tpu.memory_space<hbm>> -> memref<200x64xf32, #tpu.memory_space<hbm>>
        %dma_start3A_392 = arith.constant 0 : i32
        %dma_start3A_393 = tpu.memref_slice %arg2[%add3A_389, %dma_start3A_392] : memref<100000x64xf32, #tpu.memory_space<hbm>> -> memref<200x64xf32, #tpu.memory_space<hbm>>
        tpu.enqueue_dma source(%dma_start3A_393 : memref<200x64xf32, #tpu.memory_space<hbm>>) target(%arg6 : memref<200x64xf32, #tpu.memory_space<vmem>>) target_semaphore(%arg10 : memref<!tpu.dma_semaphore, #tpu.memory_space<semaphore_mem>>)
        %add3A_394 = arith.constant 3000 : i32
        %add3A_395 = arith.addi %multiple_of3A, %add3A_394 : i32
        %dma_wait3A_396 = arith.constant 0 : i32
        %dma_wait3A_397 = tpu.memref_slice %arg2[%add3A_395, %dma_wait3A_396] : memref<100000x64xf32, #tpu.memory_space<hbm>> -> memref<200x64xf32, #tpu.memory_space<hbm>>
        %dma_wait3A_398 = arith.constant 0 : i32
        %dma_wait3A_399 = tpu.memref_slice %arg2[%add3A_395, %dma_wait3A_398] : memref<100000x64xf32, #tpu.memory_space<hbm>> -> memref<200x64xf32, #tpu.memory_space<hbm>>
        tpu.wait_dma2 semaphore(%arg12 : memref<!tpu.dma_semaphore, #tpu.memory_space<semaphore_mem>>) src(%dma_wait3A_399 : memref<200x64xf32, #tpu.memory_space<hbm>>) dst(%arg8 : memref<200x64xf32, #tpu.memory_space<vmem>>)
        %add3A_400 = arith.constant 3000 : i32
        %add3A_401 = arith.addi %add3A_23, %add3A_400 : i32
        %dma_start3A_402 = arith.constant 0 : i32
        %dma_start3A_403 = tpu.memref_slice %arg4[%add3A_401, %dma_start3A_402] : memref<200000x64xf32, #tpu.memory_space<hbm>> -> memref<200x64xf32, #tpu.memory_space<hbm>>
        %dma_start3A_404 = arith.constant 0 : i32
        %dma_start3A_405 = tpu.memref_slice %arg4[%add3A_401, %dma_start3A_404] : memref<200000x64xf32, #tpu.memory_space<hbm>> -> memref<200x64xf32, #tpu.memory_space<hbm>>
        tpu.enqueue_dma source(%arg8 : memref<200x64xf32, #tpu.memory_space<vmem>>) target(%dma_start3A_405 : memref<200x64xf32, #tpu.memory_space<hbm>>) target_semaphore(%arg16 : memref<!tpu.dma_semaphore, #tpu.memory_space<semaphore_mem>>)
        %add3A_406 = arith.constant 2800 : i32
        %add3A_407 = arith.addi %add3A_23, %add3A_406 : i32
        %dma_wait3A_408 = arith.constant 0 : i32
        %dma_wait3A_409 = tpu.memref_slice %arg4[%add3A_407, %dma_wait3A_408] : memref<200000x64xf32, #tpu.memory_space<hbm>> -> memref<200x64xf32, #tpu.memory_space<hbm>>
        %dma_wait3A_410 = arith.constant 0 : i32
        %dma_wait3A_411 = tpu.memref_slice %arg4[%add3A_407, %dma_wait3A_410] : memref<200000x64xf32, #tpu.memory_space<hbm>> -> memref<200x64xf32, #tpu.memory_space<hbm>>
        tpu.wait_dma2 semaphore(%arg15 : memref<!tpu.dma_semaphore, #tpu.memory_space<semaphore_mem>>) src(%arg7 : memref<200x64xf32, #tpu.memory_space<vmem>>) dst(%dma_wait3A_411 : memref<200x64xf32, #tpu.memory_space<hbm>>)
        %add3A_412 = arith.constant 3600 : i32
        %add3A_413 = arith.addi %multiple_of3A, %add3A_412 : i32
        %dma_start3A_414 = arith.constant 0 : i32
        %dma_start3A_415 = tpu.memref_slice %arg2[%add3A_413, %dma_start3A_414] : memref<100000x64xf32, #tpu.memory_space<hbm>> -> memref<200x64xf32, #tpu.memory_space<hbm>>
        %dma_start3A_416 = arith.constant 0 : i32
        %dma_start3A_417 = tpu.memref_slice %arg2[%add3A_413, %dma_start3A_416] : memref<100000x64xf32, #tpu.memory_space<hbm>> -> memref<200x64xf32, #tpu.memory_space<hbm>>
        tpu.enqueue_dma source(%dma_start3A_417 : memref<200x64xf32, #tpu.memory_space<hbm>>) target(%arg7 : memref<200x64xf32, #tpu.memory_space<vmem>>) target_semaphore(%arg11 : memref<!tpu.dma_semaphore, #tpu.memory_space<semaphore_mem>>)
        %add3A_418 = arith.constant 3200 : i32
        %add3A_419 = arith.addi %multiple_of3A, %add3A_418 : i32
        %dma_wait3A_420 = arith.constant 0 : i32
        %dma_wait3A_421 = tpu.memref_slice %arg2[%add3A_419, %dma_wait3A_420] : memref<100000x64xf32, #tpu.memory_space<hbm>> -> memref<200x64xf32, #tpu.memory_space<hbm>>
        %dma_wait3A_422 = arith.constant 0 : i32
        %dma_wait3A_423 = tpu.memref_slice %arg2[%add3A_419, %dma_wait3A_422] : memref<100000x64xf32, #tpu.memory_space<hbm>> -> memref<200x64xf32, #tpu.memory_space<hbm>>
        tpu.wait_dma2 semaphore(%arg9 : memref<!tpu.dma_semaphore, #tpu.memory_space<semaphore_mem>>) src(%dma_wait3A_423 : memref<200x64xf32, #tpu.memory_space<hbm>>) dst(%arg5 : memref<200x64xf32, #tpu.memory_space<vmem>>)
        %add3A_424 = arith.constant 3200 : i32
        %add3A_425 = arith.addi %add3A_23, %add3A_424 : i32
        %dma_start3A_426 = arith.constant 0 : i32
        %dma_start3A_427 = tpu.memref_slice %arg4[%add3A_425, %dma_start3A_426] : memref<200000x64xf32, #tpu.memory_space<hbm>> -> memref<200x64xf32, #tpu.memory_space<hbm>>
        %dma_start3A_428 = arith.constant 0 : i32
        %dma_start3A_429 = tpu.memref_slice %arg4[%add3A_425, %dma_start3A_428] : memref<200000x64xf32, #tpu.memory_space<hbm>> -> memref<200x64xf32, #tpu.memory_space<hbm>>
        tpu.enqueue_dma source(%arg5 : memref<200x64xf32, #tpu.memory_space<vmem>>) target(%dma_start3A_429 : memref<200x64xf32, #tpu.memory_space<hbm>>) target_semaphore(%arg13 : memref<!tpu.dma_semaphore, #tpu.memory_space<semaphore_mem>>)
        %add3A_430 = arith.constant 3000 : i32
        %add3A_431 = arith.addi %add3A_23, %add3A_430 : i32
        %dma_wait3A_432 = arith.constant 0 : i32
        %dma_wait3A_433 = tpu.memref_slice %arg4[%add3A_431, %dma_wait3A_432] : memref<200000x64xf32, #tpu.memory_space<hbm>> -> memref<200x64xf32, #tpu.memory_space<hbm>>
        %dma_wait3A_434 = arith.constant 0 : i32
        %dma_wait3A_435 = tpu.memref_slice %arg4[%add3A_431, %dma_wait3A_434] : memref<200000x64xf32, #tpu.memory_space<hbm>> -> memref<200x64xf32, #tpu.memory_space<hbm>>
        tpu.wait_dma2 semaphore(%arg16 : memref<!tpu.dma_semaphore, #tpu.memory_space<semaphore_mem>>) src(%arg8 : memref<200x64xf32, #tpu.memory_space<vmem>>) dst(%dma_wait3A_435 : memref<200x64xf32, #tpu.memory_space<hbm>>)
        %add3A_436 = arith.constant 3800 : i32
        %add3A_437 = arith.addi %multiple_of3A, %add3A_436 : i32
        %dma_start3A_438 = arith.constant 0 : i32
        %dma_start3A_439 = tpu.memref_slice %arg2[%add3A_437, %dma_start3A_438] : memref<100000x64xf32, #tpu.memory_space<hbm>> -> memref<200x64xf32, #tpu.memory_space<hbm>>
        %dma_start3A_440 = arith.constant 0 : i32
        %dma_start3A_441 = tpu.memref_slice %arg2[%add3A_437, %dma_start3A_440] : memref<100000x64xf32, #tpu.memory_space<hbm>> -> memref<200x64xf32, #tpu.memory_space<hbm>>
        tpu.enqueue_dma source(%dma_start3A_441 : memref<200x64xf32, #tpu.memory_space<hbm>>) target(%arg8 : memref<200x64xf32, #tpu.memory_space<vmem>>) target_semaphore(%arg12 : memref<!tpu.dma_semaphore, #tpu.memory_space<semaphore_mem>>)
        %add3A_442 = arith.constant 3400 : i32
        %add3A_443 = arith.addi %multiple_of3A, %add3A_442 : i32
        %dma_wait3A_444 = arith.constant 0 : i32
        %dma_wait3A_445 = tpu.memref_slice %arg2[%add3A_443, %dma_wait3A_444] : memref<100000x64xf32, #tpu.memory_space<hbm>> -> memref<200x64xf32, #tpu.memory_space<hbm>>
        %dma_wait3A_446 = arith.constant 0 : i32
        %dma_wait3A_447 = tpu.memref_slice %arg2[%add3A_443, %dma_wait3A_446] : memref<100000x64xf32, #tpu.memory_space<hbm>> -> memref<200x64xf32, #tpu.memory_space<hbm>>
        tpu.wait_dma2 semaphore(%arg10 : memref<!tpu.dma_semaphore, #tpu.memory_space<semaphore_mem>>) src(%dma_wait3A_447 : memref<200x64xf32, #tpu.memory_space<hbm>>) dst(%arg6 : memref<200x64xf32, #tpu.memory_space<vmem>>)
        %add3A_448 = arith.constant 3400 : i32
        %add3A_449 = arith.addi %add3A_23, %add3A_448 : i32
        %dma_start3A_450 = arith.constant 0 : i32
        %dma_start3A_451 = tpu.memref_slice %arg4[%add3A_449, %dma_start3A_450] : memref<200000x64xf32, #tpu.memory_space<hbm>> -> memref<200x64xf32, #tpu.memory_space<hbm>>
        %dma_start3A_452 = arith.constant 0 : i32
        %dma_start3A_453 = tpu.memref_slice %arg4[%add3A_449, %dma_start3A_452] : memref<200000x64xf32, #tpu.memory_space<hbm>> -> memref<200x64xf32, #tpu.memory_space<hbm>>
        tpu.enqueue_dma source(%arg6 : memref<200x64xf32, #tpu.memory_space<vmem>>) target(%dma_start3A_453 : memref<200x64xf32, #tpu.memory_space<hbm>>) target_semaphore(%arg14 : memref<!tpu.dma_semaphore, #tpu.memory_space<semaphore_mem>>)
        %add3A_454 = arith.constant 3200 : i32
        %add3A_455 = arith.addi %add3A_23, %add3A_454 : i32
        %dma_wait3A_456 = arith.constant 0 : i32
        %dma_wait3A_457 = tpu.memref_slice %arg4[%add3A_455, %dma_wait3A_456] : memref<200000x64xf32, #tpu.memory_space<hbm>> -> memref<200x64xf32, #tpu.memory_space<hbm>>
        %dma_wait3A_458 = arith.constant 0 : i32
        %dma_wait3A_459 = tpu.memref_slice %arg4[%add3A_455, %dma_wait3A_458] : memref<200000x64xf32, #tpu.memory_space<hbm>> -> memref<200x64xf32, #tpu.memory_space<hbm>>
        tpu.wait_dma2 semaphore(%arg13 : memref<!tpu.dma_semaphore, #tpu.memory_space<semaphore_mem>>) src(%arg5 : memref<200x64xf32, #tpu.memory_space<vmem>>) dst(%dma_wait3A_459 : memref<200x64xf32, #tpu.memory_space<hbm>>)
        %add3A_460 = arith.constant 4000 : i32
        %add3A_461 = arith.addi %multiple_of3A, %add3A_460 : i32
        %dma_start3A_462 = arith.constant 0 : i32
        %dma_start3A_463 = tpu.memref_slice %arg2[%add3A_461, %dma_start3A_462] : memref<100000x64xf32, #tpu.memory_space<hbm>> -> memref<200x64xf32, #tpu.memory_space<hbm>>
        %dma_start3A_464 = arith.constant 0 : i32
        %dma_start3A_465 = tpu.memref_slice %arg2[%add3A_461, %dma_start3A_464] : memref<100000x64xf32, #tpu.memory_space<hbm>> -> memref<200x64xf32, #tpu.memory_space<hbm>>
        tpu.enqueue_dma source(%dma_start3A_465 : memref<200x64xf32, #tpu.memory_space<hbm>>) target(%arg5 : memref<200x64xf32, #tpu.memory_space<vmem>>) target_semaphore(%arg9 : memref<!tpu.dma_semaphore, #tpu.memory_space<semaphore_mem>>)
        %add3A_466 = arith.constant 3600 : i32
        %add3A_467 = arith.addi %multiple_of3A, %add3A_466 : i32
        %dma_wait3A_468 = arith.constant 0 : i32
        %dma_wait3A_469 = tpu.memref_slice %arg2[%add3A_467, %dma_wait3A_468] : memref<100000x64xf32, #tpu.memory_space<hbm>> -> memref<200x64xf32, #tpu.memory_space<hbm>>
        %dma_wait3A_470 = arith.constant 0 : i32
        %dma_wait3A_471 = tpu.memref_slice %arg2[%add3A_467, %dma_wait3A_470] : memref<100000x64xf32, #tpu.memory_space<hbm>> -> memref<200x64xf32, #tpu.memory_space<hbm>>
        tpu.wait_dma2 semaphore(%arg11 : memref<!tpu.dma_semaphore, #tpu.memory_space<semaphore_mem>>) src(%dma_wait3A_471 : memref<200x64xf32, #tpu.memory_space<hbm>>) dst(%arg7 : memref<200x64xf32, #tpu.memory_space<vmem>>)
        %add3A_472 = arith.constant 3600 : i32
        %add3A_473 = arith.addi %add3A_23, %add3A_472 : i32
        %dma_start3A_474 = arith.constant 0 : i32
        %dma_start3A_475 = tpu.memref_slice %arg4[%add3A_473, %dma_start3A_474] : memref<200000x64xf32, #tpu.memory_space<hbm>> -> memref<200x64xf32, #tpu.memory_space<hbm>>
        %dma_start3A_476 = arith.constant 0 : i32
        %dma_start3A_477 = tpu.memref_slice %arg4[%add3A_473, %dma_start3A_476] : memref<200000x64xf32, #tpu.memory_space<hbm>> -> memref<200x64xf32, #tpu.memory_space<hbm>>
        tpu.enqueue_dma source(%arg7 : memref<200x64xf32, #tpu.memory_space<vmem>>) target(%dma_start3A_477 : memref<200x64xf32, #tpu.memory_space<hbm>>) target_semaphore(%arg15 : memref<!tpu.dma_semaphore, #tpu.memory_space<semaphore_mem>>)
        %add3A_478 = arith.constant 3400 : i32
        %add3A_479 = arith.addi %add3A_23, %add3A_478 : i32
        %dma_wait3A_480 = arith.constant 0 : i32
        %dma_wait3A_481 = tpu.memref_slice %arg4[%add3A_479, %dma_wait3A_480] : memref<200000x64xf32, #tpu.memory_space<hbm>> -> memref<200x64xf32, #tpu.memory_space<hbm>>
        %dma_wait3A_482 = arith.constant 0 : i32
        %dma_wait3A_483 = tpu.memref_slice %arg4[%add3A_479, %dma_wait3A_482] : memref<200000x64xf32, #tpu.memory_space<hbm>> -> memref<200x64xf32, #tpu.memory_space<hbm>>
        tpu.wait_dma2 semaphore(%arg14 : memref<!tpu.dma_semaphore, #tpu.memory_space<semaphore_mem>>) src(%arg6 : memref<200x64xf32, #tpu.memory_space<vmem>>) dst(%dma_wait3A_483 : memref<200x64xf32, #tpu.memory_space<hbm>>)
        %add3A_484 = arith.constant 4200 : i32
        %add3A_485 = arith.addi %multiple_of3A, %add3A_484 : i32
        %dma_start3A_486 = arith.constant 0 : i32
        %dma_start3A_487 = tpu.memref_slice %arg2[%add3A_485, %dma_start3A_486] : memref<100000x64xf32, #tpu.memory_space<hbm>> -> memref<200x64xf32, #tpu.memory_space<hbm>>
        %dma_start3A_488 = arith.constant 0 : i32
        %dma_start3A_489 = tpu.memref_slice %arg2[%add3A_485, %dma_start3A_488] : memref<100000x64xf32, #tpu.memory_space<hbm>> -> memref<200x64xf32, #tpu.memory_space<hbm>>
        tpu.enqueue_dma source(%dma_start3A_489 : memref<200x64xf32, #tpu.memory_space<hbm>>) target(%arg6 : memref<200x64xf32, #tpu.memory_space<vmem>>) target_semaphore(%arg10 : memref<!tpu.dma_semaphore, #tpu.memory_space<semaphore_mem>>)
        %add3A_490 = arith.constant 3800 : i32
        %add3A_491 = arith.addi %multiple_of3A, %add3A_490 : i32
        %dma_wait3A_492 = arith.constant 0 : i32
        %dma_wait3A_493 = tpu.memref_slice %arg2[%add3A_491, %dma_wait3A_492] : memref<100000x64xf32, #tpu.memory_space<hbm>> -> memref<200x64xf32, #tpu.memory_space<hbm>>
        %dma_wait3A_494 = arith.constant 0 : i32
        %dma_wait3A_495 = tpu.memref_slice %arg2[%add3A_491, %dma_wait3A_494] : memref<100000x64xf32, #tpu.memory_space<hbm>> -> memref<200x64xf32, #tpu.memory_space<hbm>>
        tpu.wait_dma2 semaphore(%arg12 : memref<!tpu.dma_semaphore, #tpu.memory_space<semaphore_mem>>) src(%dma_wait3A_495 : memref<200x64xf32, #tpu.memory_space<hbm>>) dst(%arg8 : memref<200x64xf32, #tpu.memory_space<vmem>>)
        %add3A_496 = arith.constant 3800 : i32
        %add3A_497 = arith.addi %add3A_23, %add3A_496 : i32
        %dma_start3A_498 = arith.constant 0 : i32
        %dma_start3A_499 = tpu.memref_slice %arg4[%add3A_497, %dma_start3A_498] : memref<200000x64xf32, #tpu.memory_space<hbm>> -> memref<200x64xf32, #tpu.memory_space<hbm>>
        %dma_start3A_500 = arith.constant 0 : i32
        %dma_start3A_501 = tpu.memref_slice %arg4[%add3A_497, %dma_start3A_500] : memref<200000x64xf32, #tpu.memory_space<hbm>> -> memref<200x64xf32, #tpu.memory_space<hbm>>
        tpu.enqueue_dma source(%arg8 : memref<200x64xf32, #tpu.memory_space<vmem>>) target(%dma_start3A_501 : memref<200x64xf32, #tpu.memory_space<hbm>>) target_semaphore(%arg16 : memref<!tpu.dma_semaphore, #tpu.memory_space<semaphore_mem>>)
        %add3A_502 = arith.constant 3600 : i32
        %add3A_503 = arith.addi %add3A_23, %add3A_502 : i32
        %dma_wait3A_504 = arith.constant 0 : i32
        %dma_wait3A_505 = tpu.memref_slice %arg4[%add3A_503, %dma_wait3A_504] : memref<200000x64xf32, #tpu.memory_space<hbm>> -> memref<200x64xf32, #tpu.memory_space<hbm>>
        %dma_wait3A_506 = arith.constant 0 : i32
        %dma_wait3A_507 = tpu.memref_slice %arg4[%add3A_503, %dma_wait3A_506] : memref<200000x64xf32, #tpu.memory_space<hbm>> -> memref<200x64xf32, #tpu.memory_space<hbm>>
        tpu.wait_dma2 semaphore(%arg15 : memref<!tpu.dma_semaphore, #tpu.memory_space<semaphore_mem>>) src(%arg7 : memref<200x64xf32, #tpu.memory_space<vmem>>) dst(%dma_wait3A_507 : memref<200x64xf32, #tpu.memory_space<hbm>>)
        %add3A_508 = arith.constant 4400 : i32
        %add3A_509 = arith.addi %multiple_of3A, %add3A_508 : i32
        %dma_start3A_510 = arith.constant 0 : i32
        %dma_start3A_511 = tpu.memref_slice %arg2[%add3A_509, %dma_start3A_510] : memref<100000x64xf32, #tpu.memory_space<hbm>> -> memref<200x64xf32, #tpu.memory_space<hbm>>
        %dma_start3A_512 = arith.constant 0 : i32
        %dma_start3A_513 = tpu.memref_slice %arg2[%add3A_509, %dma_start3A_512] : memref<100000x64xf32, #tpu.memory_space<hbm>> -> memref<200x64xf32, #tpu.memory_space<hbm>>
        tpu.enqueue_dma source(%dma_start3A_513 : memref<200x64xf32, #tpu.memory_space<hbm>>) target(%arg7 : memref<200x64xf32, #tpu.memory_space<vmem>>) target_semaphore(%arg11 : memref<!tpu.dma_semaphore, #tpu.memory_space<semaphore_mem>>)
        %add3A_514 = arith.constant 4000 : i32
        %add3A_515 = arith.addi %multiple_of3A, %add3A_514 : i32
        %dma_wait3A_516 = arith.constant 0 : i32
        %dma_wait3A_517 = tpu.memref_slice %arg2[%add3A_515, %dma_wait3A_516] : memref<100000x64xf32, #tpu.memory_space<hbm>> -> memref<200x64xf32, #tpu.memory_space<hbm>>
        %dma_wait3A_518 = arith.constant 0 : i32
        %dma_wait3A_519 = tpu.memref_slice %arg2[%add3A_515, %dma_wait3A_518] : memref<100000x64xf32, #tpu.memory_space<hbm>> -> memref<200x64xf32, #tpu.memory_space<hbm>>
        tpu.wait_dma2 semaphore(%arg9 : memref<!tpu.dma_semaphore, #tpu.memory_space<semaphore_mem>>) src(%dma_wait3A_519 : memref<200x64xf32, #tpu.memory_space<hbm>>) dst(%arg5 : memref<200x64xf32, #tpu.memory_space<vmem>>)
        %add3A_520 = arith.constant 4000 : i32
        %add3A_521 = arith.addi %add3A_23, %add3A_520 : i32
        %dma_start3A_522 = arith.constant 0 : i32
        %dma_start3A_523 = tpu.memref_slice %arg4[%add3A_521, %dma_start3A_522] : memref<200000x64xf32, #tpu.memory_space<hbm>> -> memref<200x64xf32, #tpu.memory_space<hbm>>
        %dma_start3A_524 = arith.constant 0 : i32
        %dma_start3A_525 = tpu.memref_slice %arg4[%add3A_521, %dma_start3A_524] : memref<200000x64xf32, #tpu.memory_space<hbm>> -> memref<200x64xf32, #tpu.memory_space<hbm>>
        tpu.enqueue_dma source(%arg5 : memref<200x64xf32, #tpu.memory_space<vmem>>) target(%dma_start3A_525 : memref<200x64xf32, #tpu.memory_space<hbm>>) target_semaphore(%arg13 : memref<!tpu.dma_semaphore, #tpu.memory_space<semaphore_mem>>)
        %add3A_526 = arith.constant 3800 : i32
        %add3A_527 = arith.addi %add3A_23, %add3A_526 : i32
        %dma_wait3A_528 = arith.constant 0 : i32
        %dma_wait3A_529 = tpu.memref_slice %arg4[%add3A_527, %dma_wait3A_528] : memref<200000x64xf32, #tpu.memory_space<hbm>> -> memref<200x64xf32, #tpu.memory_space<hbm>>
        %dma_wait3A_530 = arith.constant 0 : i32
        %dma_wait3A_531 = tpu.memref_slice %arg4[%add3A_527, %dma_wait3A_530] : memref<200000x64xf32, #tpu.memory_space<hbm>> -> memref<200x64xf32, #tpu.memory_space<hbm>>
        tpu.wait_dma2 semaphore(%arg16 : memref<!tpu.dma_semaphore, #tpu.memory_space<semaphore_mem>>) src(%arg8 : memref<200x64xf32, #tpu.memory_space<vmem>>) dst(%dma_wait3A_531 : memref<200x64xf32, #tpu.memory_space<hbm>>)
        %add3A_532 = arith.constant 4600 : i32
        %add3A_533 = arith.addi %multiple_of3A, %add3A_532 : i32
        %dma_start3A_534 = arith.constant 0 : i32
        %dma_start3A_535 = tpu.memref_slice %arg2[%add3A_533, %dma_start3A_534] : memref<100000x64xf32, #tpu.memory_space<hbm>> -> memref<200x64xf32, #tpu.memory_space<hbm>>
        %dma_start3A_536 = arith.constant 0 : i32
        %dma_start3A_537 = tpu.memref_slice %arg2[%add3A_533, %dma_start3A_536] : memref<100000x64xf32, #tpu.memory_space<hbm>> -> memref<200x64xf32, #tpu.memory_space<hbm>>
        tpu.enqueue_dma source(%dma_start3A_537 : memref<200x64xf32, #tpu.memory_space<hbm>>) target(%arg8 : memref<200x64xf32, #tpu.memory_space<vmem>>) target_semaphore(%arg12 : memref<!tpu.dma_semaphore, #tpu.memory_space<semaphore_mem>>)
        %add3A_538 = arith.constant 4200 : i32
        %add3A_539 = arith.addi %multiple_of3A, %add3A_538 : i32
        %dma_wait3A_540 = arith.constant 0 : i32
        %dma_wait3A_541 = tpu.memref_slice %arg2[%add3A_539, %dma_wait3A_540] : memref<100000x64xf32, #tpu.memory_space<hbm>> -> memref<200x64xf32, #tpu.memory_space<hbm>>
        %dma_wait3A_542 = arith.constant 0 : i32
        %dma_wait3A_543 = tpu.memref_slice %arg2[%add3A_539, %dma_wait3A_542] : memref<100000x64xf32, #tpu.memory_space<hbm>> -> memref<200x64xf32, #tpu.memory_space<hbm>>
        tpu.wait_dma2 semaphore(%arg10 : memref<!tpu.dma_semaphore, #tpu.memory_space<semaphore_mem>>) src(%dma_wait3A_543 : memref<200x64xf32, #tpu.memory_space<hbm>>) dst(%arg6 : memref<200x64xf32, #tpu.memory_space<vmem>>)
        %add3A_544 = arith.constant 4200 : i32
        %add3A_545 = arith.addi %add3A_23, %add3A_544 : i32
        %dma_start3A_546 = arith.constant 0 : i32
        %dma_start3A_547 = tpu.memref_slice %arg4[%add3A_545, %dma_start3A_546] : memref<200000x64xf32, #tpu.memory_space<hbm>> -> memref<200x64xf32, #tpu.memory_space<hbm>>
        %dma_start3A_548 = arith.constant 0 : i32
        %dma_start3A_549 = tpu.memref_slice %arg4[%add3A_545, %dma_start3A_548] : memref<200000x64xf32, #tpu.memory_space<hbm>> -> memref<200x64xf32, #tpu.memory_space<hbm>>
        tpu.enqueue_dma source(%arg6 : memref<200x64xf32, #tpu.memory_space<vmem>>) target(%dma_start3A_549 : memref<200x64xf32, #tpu.memory_space<hbm>>) target_semaphore(%arg14 : memref<!tpu.dma_semaphore, #tpu.memory_space<semaphore_mem>>)
        %add3A_550 = arith.constant 4000 : i32
        %add3A_551 = arith.addi %add3A_23, %add3A_550 : i32
        %dma_wait3A_552 = arith.constant 0 : i32
        %dma_wait3A_553 = tpu.memref_slice %arg4[%add3A_551, %dma_wait3A_552] : memref<200000x64xf32, #tpu.memory_space<hbm>> -> memref<200x64xf32, #tpu.memory_space<hbm>>
        %dma_wait3A_554 = arith.constant 0 : i32
        %dma_wait3A_555 = tpu.memref_slice %arg4[%add3A_551, %dma_wait3A_554] : memref<200000x64xf32, #tpu.memory_space<hbm>> -> memref<200x64xf32, #tpu.memory_space<hbm>>
        tpu.wait_dma2 semaphore(%arg13 : memref<!tpu.dma_semaphore, #tpu.memory_space<semaphore_mem>>) src(%arg5 : memref<200x64xf32, #tpu.memory_space<vmem>>) dst(%dma_wait3A_555 : memref<200x64xf32, #tpu.memory_space<hbm>>)
        %add3A_556 = arith.constant 4800 : i32
        %add3A_557 = arith.addi %multiple_of3A, %add3A_556 : i32
        %dma_start3A_558 = arith.constant 0 : i32
        %dma_start3A_559 = tpu.memref_slice %arg2[%add3A_557, %dma_start3A_558] : memref<100000x64xf32, #tpu.memory_space<hbm>> -> memref<200x64xf32, #tpu.memory_space<hbm>>
        %dma_start3A_560 = arith.constant 0 : i32
        %dma_start3A_561 = tpu.memref_slice %arg2[%add3A_557, %dma_start3A_560] : memref<100000x64xf32, #tpu.memory_space<hbm>> -> memref<200x64xf32, #tpu.memory_space<hbm>>
        tpu.enqueue_dma source(%dma_start3A_561 : memref<200x64xf32, #tpu.memory_space<hbm>>) target(%arg5 : memref<200x64xf32, #tpu.memory_space<vmem>>) target_semaphore(%arg9 : memref<!tpu.dma_semaphore, #tpu.memory_space<semaphore_mem>>)
        %add3A_562 = arith.constant 4400 : i32
        %add3A_563 = arith.addi %multiple_of3A, %add3A_562 : i32
        %dma_wait3A_564 = arith.constant 0 : i32
        %dma_wait3A_565 = tpu.memref_slice %arg2[%add3A_563, %dma_wait3A_564] : memref<100000x64xf32, #tpu.memory_space<hbm>> -> memref<200x64xf32, #tpu.memory_space<hbm>>
        %dma_wait3A_566 = arith.constant 0 : i32
        %dma_wait3A_567 = tpu.memref_slice %arg2[%add3A_563, %dma_wait3A_566] : memref<100000x64xf32, #tpu.memory_space<hbm>> -> memref<200x64xf32, #tpu.memory_space<hbm>>
        tpu.wait_dma2 semaphore(%arg11 : memref<!tpu.dma_semaphore, #tpu.memory_space<semaphore_mem>>) src(%dma_wait3A_567 : memref<200x64xf32, #tpu.memory_space<hbm>>) dst(%arg7 : memref<200x64xf32, #tpu.memory_space<vmem>>)
        %add3A_568 = arith.constant 4400 : i32
        %add3A_569 = arith.addi %add3A_23, %add3A_568 : i32
        %dma_start3A_570 = arith.constant 0 : i32
        %dma_start3A_571 = tpu.memref_slice %arg4[%add3A_569, %dma_start3A_570] : memref<200000x64xf32, #tpu.memory_space<hbm>> -> memref<200x64xf32, #tpu.memory_space<hbm>>
        %dma_start3A_572 = arith.constant 0 : i32
        %dma_start3A_573 = tpu.memref_slice %arg4[%add3A_569, %dma_start3A_572] : memref<200000x64xf32, #tpu.memory_space<hbm>> -> memref<200x64xf32, #tpu.memory_space<hbm>>
        tpu.enqueue_dma source(%arg7 : memref<200x64xf32, #tpu.memory_space<vmem>>) target(%dma_start3A_573 : memref<200x64xf32, #tpu.memory_space<hbm>>) target_semaphore(%arg15 : memref<!tpu.dma_semaphore, #tpu.memory_space<semaphore_mem>>)
        %add3A_574 = arith.constant 4200 : i32
        %add3A_575 = arith.addi %add3A_23, %add3A_574 : i32
        %dma_wait3A_576 = arith.constant 0 : i32
        %dma_wait3A_577 = tpu.memref_slice %arg4[%add3A_575, %dma_wait3A_576] : memref<200000x64xf32, #tpu.memory_space<hbm>> -> memref<200x64xf32, #tpu.memory_space<hbm>>
        %dma_wait3A_578 = arith.constant 0 : i32
        %dma_wait3A_579 = tpu.memref_slice %arg4[%add3A_575, %dma_wait3A_578] : memref<200000x64xf32, #tpu.memory_space<hbm>> -> memref<200x64xf32, #tpu.memory_space<hbm>>
        tpu.wait_dma2 semaphore(%arg14 : memref<!tpu.dma_semaphore, #tpu.memory_space<semaphore_mem>>) src(%arg6 : memref<200x64xf32, #tpu.memory_space<vmem>>) dst(%dma_wait3A_579 : memref<200x64xf32, #tpu.memory_space<hbm>>)
        %add3A_580 = arith.constant 5000 : i32
        %add3A_581 = arith.addi %multiple_of3A, %add3A_580 : i32
        %dma_start3A_582 = arith.constant 0 : i32
        %dma_start3A_583 = tpu.memref_slice %arg2[%add3A_581, %dma_start3A_582] : memref<100000x64xf32, #tpu.memory_space<hbm>> -> memref<200x64xf32, #tpu.memory_space<hbm>>
        %dma_start3A_584 = arith.constant 0 : i32
        %dma_start3A_585 = tpu.memref_slice %arg2[%add3A_581, %dma_start3A_584] : memref<100000x64xf32, #tpu.memory_space<hbm>> -> memref<200x64xf32, #tpu.memory_space<hbm>>
        tpu.enqueue_dma source(%dma_start3A_585 : memref<200x64xf32, #tpu.memory_space<hbm>>) target(%arg6 : memref<200x64xf32, #tpu.memory_space<vmem>>) target_semaphore(%arg10 : memref<!tpu.dma_semaphore, #tpu.memory_space<semaphore_mem>>)
        %add3A_586 = arith.constant 4600 : i32
        %add3A_587 = arith.addi %multiple_of3A, %add3A_586 : i32
        %dma_wait3A_588 = arith.constant 0 : i32
        %dma_wait3A_589 = tpu.memref_slice %arg2[%add3A_587, %dma_wait3A_588] : memref<100000x64xf32, #tpu.memory_space<hbm>> -> memref<200x64xf32, #tpu.memory_space<hbm>>
        %dma_wait3A_590 = arith.constant 0 : i32
        %dma_wait3A_591 = tpu.memref_slice %arg2[%add3A_587, %dma_wait3A_590] : memref<100000x64xf32, #tpu.memory_space<hbm>> -> memref<200x64xf32, #tpu.memory_space<hbm>>
        tpu.wait_dma2 semaphore(%arg12 : memref<!tpu.dma_semaphore, #tpu.memory_space<semaphore_mem>>) src(%dma_wait3A_591 : memref<200x64xf32, #tpu.memory_space<hbm>>) dst(%arg8 : memref<200x64xf32, #tpu.memory_space<vmem>>)
        %add3A_592 = arith.constant 4600 : i32
        %add3A_593 = arith.addi %add3A_23, %add3A_592 : i32
        %dma_start3A_594 = arith.constant 0 : i32
        %dma_start3A_595 = tpu.memref_slice %arg4[%add3A_593, %dma_start3A_594] : memref<200000x64xf32, #tpu.memory_space<hbm>> -> memref<200x64xf32, #tpu.memory_space<hbm>>
        %dma_start3A_596 = arith.constant 0 : i32
        %dma_start3A_597 = tpu.memref_slice %arg4[%add3A_593, %dma_start3A_596] : memref<200000x64xf32, #tpu.memory_space<hbm>> -> memref<200x64xf32, #tpu.memory_space<hbm>>
        tpu.enqueue_dma source(%arg8 : memref<200x64xf32, #tpu.memory_space<vmem>>) target(%dma_start3A_597 : memref<200x64xf32, #tpu.memory_space<hbm>>) target_semaphore(%arg16 : memref<!tpu.dma_semaphore, #tpu.memory_space<semaphore_mem>>)
        %add3A_598 = arith.constant 4400 : i32
        %add3A_599 = arith.addi %add3A_23, %add3A_598 : i32
        %dma_wait3A_600 = arith.constant 0 : i32
        %dma_wait3A_601 = tpu.memref_slice %arg4[%add3A_599, %dma_wait3A_600] : memref<200000x64xf32, #tpu.memory_space<hbm>> -> memref<200x64xf32, #tpu.memory_space<hbm>>
        %dma_wait3A_602 = arith.constant 0 : i32
        %dma_wait3A_603 = tpu.memref_slice %arg4[%add3A_599, %dma_wait3A_602] : memref<200000x64xf32, #tpu.memory_space<hbm>> -> memref<200x64xf32, #tpu.memory_space<hbm>>
        tpu.wait_dma2 semaphore(%arg15 : memref<!tpu.dma_semaphore, #tpu.memory_space<semaphore_mem>>) src(%arg7 : memref<200x64xf32, #tpu.memory_space<vmem>>) dst(%dma_wait3A_603 : memref<200x64xf32, #tpu.memory_space<hbm>>)
        %add3A_604 = arith.constant 5200 : i32
        %add3A_605 = arith.addi %multiple_of3A, %add3A_604 : i32
        %dma_start3A_606 = arith.constant 0 : i32
        %dma_start3A_607 = tpu.memref_slice %arg2[%add3A_605, %dma_start3A_606] : memref<100000x64xf32, #tpu.memory_space<hbm>> -> memref<200x64xf32, #tpu.memory_space<hbm>>
        %dma_start3A_608 = arith.constant 0 : i32
        %dma_start3A_609 = tpu.memref_slice %arg2[%add3A_605, %dma_start3A_608] : memref<100000x64xf32, #tpu.memory_space<hbm>> -> memref<200x64xf32, #tpu.memory_space<hbm>>
        tpu.enqueue_dma source(%dma_start3A_609 : memref<200x64xf32, #tpu.memory_space<hbm>>) target(%arg7 : memref<200x64xf32, #tpu.memory_space<vmem>>) target_semaphore(%arg11 : memref<!tpu.dma_semaphore, #tpu.memory_space<semaphore_mem>>)
        %add3A_610 = arith.constant 4800 : i32
        %add3A_611 = arith.addi %multiple_of3A, %add3A_610 : i32
        %dma_wait3A_612 = arith.constant 0 : i32
        %dma_wait3A_613 = tpu.memref_slice %arg2[%add3A_611, %dma_wait3A_612] : memref<100000x64xf32, #tpu.memory_space<hbm>> -> memref<200x64xf32, #tpu.memory_space<hbm>>
        %dma_wait3A_614 = arith.constant 0 : i32
        %dma_wait3A_615 = tpu.memref_slice %arg2[%add3A_611, %dma_wait3A_614] : memref<100000x64xf32, #tpu.memory_space<hbm>> -> memref<200x64xf32, #tpu.memory_space<hbm>>
        tpu.wait_dma2 semaphore(%arg9 : memref<!tpu.dma_semaphore, #tpu.memory_space<semaphore_mem>>) src(%dma_wait3A_615 : memref<200x64xf32, #tpu.memory_space<hbm>>) dst(%arg5 : memref<200x64xf32, #tpu.memory_space<vmem>>)
        %add3A_616 = arith.constant 4800 : i32
        %add3A_617 = arith.addi %add3A_23, %add3A_616 : i32
        %dma_start3A_618 = arith.constant 0 : i32
        %dma_start3A_619 = tpu.memref_slice %arg4[%add3A_617, %dma_start3A_618] : memref<200000x64xf32, #tpu.memory_space<hbm>> -> memref<200x64xf32, #tpu.memory_space<hbm>>
        %dma_start3A_620 = arith.constant 0 : i32
        %dma_start3A_621 = tpu.memref_slice %arg4[%add3A_617, %dma_start3A_620] : memref<200000x64xf32, #tpu.memory_space<hbm>> -> memref<200x64xf32, #tpu.memory_space<hbm>>
        tpu.enqueue_dma source(%arg5 : memref<200x64xf32, #tpu.memory_space<vmem>>) target(%dma_start3A_621 : memref<200x64xf32, #tpu.memory_space<hbm>>) target_semaphore(%arg13 : memref<!tpu.dma_semaphore, #tpu.memory_space<semaphore_mem>>)
        %add3A_622 = arith.constant 4600 : i32
        %add3A_623 = arith.addi %add3A_23, %add3A_622 : i32
        %dma_wait3A_624 = arith.constant 0 : i32
        %dma_wait3A_625 = tpu.memref_slice %arg4[%add3A_623, %dma_wait3A_624] : memref<200000x64xf32, #tpu.memory_space<hbm>> -> memref<200x64xf32, #tpu.memory_space<hbm>>
        %dma_wait3A_626 = arith.constant 0 : i32
        %dma_wait3A_627 = tpu.memref_slice %arg4[%add3A_623, %dma_wait3A_626] : memref<200000x64xf32, #tpu.memory_space<hbm>> -> memref<200x64xf32, #tpu.memory_space<hbm>>
        tpu.wait_dma2 semaphore(%arg16 : memref<!tpu.dma_semaphore, #tpu.memory_space<semaphore_mem>>) src(%arg8 : memref<200x64xf32, #tpu.memory_space<vmem>>) dst(%dma_wait3A_627 : memref<200x64xf32, #tpu.memory_space<hbm>>)
        %add3A_628 = arith.constant 5400 : i32
        %add3A_629 = arith.addi %multiple_of3A, %add3A_628 : i32
        %dma_start3A_630 = arith.constant 0 : i32
        %dma_start3A_631 = tpu.memref_slice %arg2[%add3A_629, %dma_start3A_630] : memref<100000x64xf32, #tpu.memory_space<hbm>> -> memref<200x64xf32, #tpu.memory_space<hbm>>
        %dma_start3A_632 = arith.constant 0 : i32
        %dma_start3A_633 = tpu.memref_slice %arg2[%add3A_629, %dma_start3A_632] : memref<100000x64xf32, #tpu.memory_space<hbm>> -> memref<200x64xf32, #tpu.memory_space<hbm>>
        tpu.enqueue_dma source(%dma_start3A_633 : memref<200x64xf32, #tpu.memory_space<hbm>>) target(%arg8 : memref<200x64xf32, #tpu.memory_space<vmem>>) target_semaphore(%arg12 : memref<!tpu.dma_semaphore, #tpu.memory_space<semaphore_mem>>)
        %add3A_634 = arith.constant 5000 : i32
        %add3A_635 = arith.addi %multiple_of3A, %add3A_634 : i32
        %dma_wait3A_636 = arith.constant 0 : i32
        %dma_wait3A_637 = tpu.memref_slice %arg2[%add3A_635, %dma_wait3A_636] : memref<100000x64xf32, #tpu.memory_space<hbm>> -> memref<200x64xf32, #tpu.memory_space<hbm>>
        %dma_wait3A_638 = arith.constant 0 : i32
        %dma_wait3A_639 = tpu.memref_slice %arg2[%add3A_635, %dma_wait3A_638] : memref<100000x64xf32, #tpu.memory_space<hbm>> -> memref<200x64xf32, #tpu.memory_space<hbm>>
        tpu.wait_dma2 semaphore(%arg10 : memref<!tpu.dma_semaphore, #tpu.memory_space<semaphore_mem>>) src(%dma_wait3A_639 : memref<200x64xf32, #tpu.memory_space<hbm>>) dst(%arg6 : memref<200x64xf32, #tpu.memory_space<vmem>>)
        %add3A_640 = arith.constant 5000 : i32
        %add3A_641 = arith.addi %add3A_23, %add3A_640 : i32
        %dma_start3A_642 = arith.constant 0 : i32
        %dma_start3A_643 = tpu.memref_slice %arg4[%add3A_641, %dma_start3A_642] : memref<200000x64xf32, #tpu.memory_space<hbm>> -> memref<200x64xf32, #tpu.memory_space<hbm>>
        %dma_start3A_644 = arith.constant 0 : i32
        %dma_start3A_645 = tpu.memref_slice %arg4[%add3A_641, %dma_start3A_644] : memref<200000x64xf32, #tpu.memory_space<hbm>> -> memref<200x64xf32, #tpu.memory_space<hbm>>
        tpu.enqueue_dma source(%arg6 : memref<200x64xf32, #tpu.memory_space<vmem>>) target(%dma_start3A_645 : memref<200x64xf32, #tpu.memory_space<hbm>>) target_semaphore(%arg14 : memref<!tpu.dma_semaphore, #tpu.memory_space<semaphore_mem>>)
        %add3A_646 = arith.constant 5200 : i32
        %add3A_647 = arith.addi %multiple_of3A, %add3A_646 : i32
        %dma_wait3A_648 = arith.constant 0 : i32
        %dma_wait3A_649 = tpu.memref_slice %arg2[%add3A_647, %dma_wait3A_648] : memref<100000x64xf32, #tpu.memory_space<hbm>> -> memref<200x64xf32, #tpu.memory_space<hbm>>
        %dma_wait3A_650 = arith.constant 0 : i32
        %dma_wait3A_651 = tpu.memref_slice %arg2[%add3A_647, %dma_wait3A_650] : memref<100000x64xf32, #tpu.memory_space<hbm>> -> memref<200x64xf32, #tpu.memory_space<hbm>>
        tpu.wait_dma2 semaphore(%arg11 : memref<!tpu.dma_semaphore, #tpu.memory_space<semaphore_mem>>) src(%dma_wait3A_651 : memref<200x64xf32, #tpu.memory_space<hbm>>) dst(%arg7 : memref<200x64xf32, #tpu.memory_space<vmem>>)
        %add3A_652 = arith.constant 5200 : i32
        %add3A_653 = arith.addi %add3A_23, %add3A_652 : i32
        %dma_start3A_654 = arith.constant 0 : i32
        %dma_start3A_655 = tpu.memref_slice %arg4[%add3A_653, %dma_start3A_654] : memref<200000x64xf32, #tpu.memory_space<hbm>> -> memref<200x64xf32, #tpu.memory_space<hbm>>
        %dma_start3A_656 = arith.constant 0 : i32
        %dma_start3A_657 = tpu.memref_slice %arg4[%add3A_653, %dma_start3A_656] : memref<200000x64xf32, #tpu.memory_space<hbm>> -> memref<200x64xf32, #tpu.memory_space<hbm>>
        tpu.enqueue_dma source(%arg7 : memref<200x64xf32, #tpu.memory_space<vmem>>) target(%dma_start3A_657 : memref<200x64xf32, #tpu.memory_space<hbm>>) target_semaphore(%arg15 : memref<!tpu.dma_semaphore, #tpu.memory_space<semaphore_mem>>)
        %add3A_658 = arith.constant 5400 : i32
        %add3A_659 = arith.addi %multiple_of3A, %add3A_658 : i32
        %dma_wait3A_660 = arith.constant 0 : i32
        %dma_wait3A_661 = tpu.memref_slice %arg2[%add3A_659, %dma_wait3A_660] : memref<100000x64xf32, #tpu.memory_space<hbm>> -> memref<200x64xf32, #tpu.memory_space<hbm>>
        %dma_wait3A_662 = arith.constant 0 : i32
        %dma_wait3A_663 = tpu.memref_slice %arg2[%add3A_659, %dma_wait3A_662] : memref<100000x64xf32, #tpu.memory_space<hbm>> -> memref<200x64xf32, #tpu.memory_space<hbm>>
        tpu.wait_dma2 semaphore(%arg12 : memref<!tpu.dma_semaphore, #tpu.memory_space<semaphore_mem>>) src(%dma_wait3A_663 : memref<200x64xf32, #tpu.memory_space<hbm>>) dst(%arg8 : memref<200x64xf32, #tpu.memory_space<vmem>>)
        %add3A_664 = arith.constant 5400 : i32
        %add3A_665 = arith.addi %add3A_23, %add3A_664 : i32
        %dma_start3A_666 = arith.constant 0 : i32
        %dma_start3A_667 = tpu.memref_slice %arg4[%add3A_665, %dma_start3A_666] : memref<200000x64xf32, #tpu.memory_space<hbm>> -> memref<200x64xf32, #tpu.memory_space<hbm>>
        %dma_start3A_668 = arith.constant 0 : i32
        %dma_start3A_669 = tpu.memref_slice %arg4[%add3A_665, %dma_start3A_668] : memref<200000x64xf32, #tpu.memory_space<hbm>> -> memref<200x64xf32, #tpu.memory_space<hbm>>
        tpu.enqueue_dma source(%arg8 : memref<200x64xf32, #tpu.memory_space<vmem>>) target(%dma_start3A_669 : memref<200x64xf32, #tpu.memory_space<hbm>>) target_semaphore(%arg16 : memref<!tpu.dma_semaphore, #tpu.memory_space<semaphore_mem>>)
        %add3A_670 = arith.constant 4800 : i32
        %add3A_671 = arith.addi %add3A_23, %add3A_670 : i32
        %dma_wait3A_672 = arith.constant 0 : i32
        %dma_wait3A_673 = tpu.memref_slice %arg4[%add3A_671, %dma_wait3A_672] : memref<200000x64xf32, #tpu.memory_space<hbm>> -> memref<200x64xf32, #tpu.memory_space<hbm>>
        %dma_wait3A_674 = arith.constant 0 : i32
        %dma_wait3A_675 = tpu.memref_slice %arg4[%add3A_671, %dma_wait3A_674] : memref<200000x64xf32, #tpu.memory_space<hbm>> -> memref<200x64xf32, #tpu.memory_space<hbm>>
        tpu.wait_dma2 semaphore(%arg13 : memref<!tpu.dma_semaphore, #tpu.memory_space<semaphore_mem>>) src(%arg5 : memref<200x64xf32, #tpu.memory_space<vmem>>) dst(%dma_wait3A_675 : memref<200x64xf32, #tpu.memory_space<hbm>>)
        %add3A_676 = arith.constant 5000 : i32
        %add3A_677 = arith.addi %add3A_23, %add3A_676 : i32
        %dma_wait3A_678 = arith.constant 0 : i32
        %dma_wait3A_679 = tpu.memref_slice %arg4[%add3A_677, %dma_wait3A_678] : memref<200000x64xf32, #tpu.memory_space<hbm>> -> memref<200x64xf32, #tpu.memory_space<hbm>>
        %dma_wait3A_680 = arith.constant 0 : i32
        %dma_wait3A_681 = tpu.memref_slice %arg4[%add3A_677, %dma_wait3A_680] : memref<200000x64xf32, #tpu.memory_space<hbm>> -> memref<200x64xf32, #tpu.memory_space<hbm>>
        tpu.wait_dma2 semaphore(%arg14 : memref<!tpu.dma_semaphore, #tpu.memory_space<semaphore_mem>>) src(%arg6 : memref<200x64xf32, #tpu.memory_space<vmem>>) dst(%dma_wait3A_681 : memref<200x64xf32, #tpu.memory_space<hbm>>)
        %add3A_682 = arith.constant 5200 : i32
        %add3A_683 = arith.addi %add3A_23, %add3A_682 : i32
        %dma_wait3A_684 = arith.constant 0 : i32
        %dma_wait3A_685 = tpu.memref_slice %arg4[%add3A_683, %dma_wait3A_684] : memref<200000x64xf32, #tpu.memory_space<hbm>> -> memref<200x64xf32, #tpu.memory_space<hbm>>
        %dma_wait3A_686 = arith.constant 0 : i32
        %dma_wait3A_687 = tpu.memref_slice %arg4[%add3A_683, %dma_wait3A_686] : memref<200000x64xf32, #tpu.memory_space<hbm>> -> memref<200x64xf32, #tpu.memory_space<hbm>>
        tpu.wait_dma2 semaphore(%arg15 : memref<!tpu.dma_semaphore, #tpu.memory_space<semaphore_mem>>) src(%arg7 : memref<200x64xf32, #tpu.memory_space<vmem>>) dst(%dma_wait3A_687 : memref<200x64xf32, #tpu.memory_space<hbm>>)
        %add3A_688 = arith.constant 5400 : i32
        %add3A_689 = arith.addi %add3A_23, %add3A_688 : i32
        %dma_wait3A_690 = arith.constant 0 : i32
        %dma_wait3A_691 = tpu.memref_slice %arg4[%add3A_689, %dma_wait3A_690] : memref<200000x64xf32, #tpu.memory_space<hbm>> -> memref<200x64xf32, #tpu.memory_space<hbm>>
        %dma_wait3A_692 = arith.constant 0 : i32
        %dma_wait3A_693 = tpu.memref_slice %arg4[%add3A_689, %dma_wait3A_692] : memref<200000x64xf32, #tpu.memory_space<hbm>> -> memref<200x64xf32, #tpu.memory_space<hbm>>
        tpu.wait_dma2 semaphore(%arg16 : memref<!tpu.dma_semaphore, #tpu.memory_space<semaphore_mem>>) src(%arg8 : memref<200x64xf32, #tpu.memory_space<vmem>>) dst(%dma_wait3A_693 : memref<200x64xf32, #tpu.memory_space<hbm>>)
      } else {
      }
    } else {
    }
    %ge3A = arith.constant 16 : i32
    %ge3A_3 = arith.cmpi sge, %add3A, %ge3A : i32
    %convert_element_type3A_4 = arith.extui %ge3A_3 : i1 to i32
    %cond3A_5 = arith.constant 0 : i32
    %cond3A_6 = arith.cmpi ne, %convert_element_type3A_4, %cond3A_5 : i32
    scf.if %cond3A_6 {
      %sub3A = arith.constant 16 : i32
      %sub3A_7 = arith.subi %add3A, %sub3A : i32
      %lt3A_8 = arith.constant 13 : i32
      %lt3A_9 = arith.cmpi slt, %sub3A_7, %lt3A_8 : i32
      %convert_element_type3A_10 = arith.extui %lt3A_9 : i1 to i32
      %cond3A_11 = arith.constant 0 : i32
      %cond3A_12 = arith.cmpi ne, %convert_element_type3A_10, %cond3A_11 : i32
      scf.if %cond3A_12 {
        %mul3A_18 = arith.constant 6400 : i32
        %mul3A_19 = arith.muli %sub3A_7, %mul3A_18 : i32
        %multiple_of3A = tpu.assume_multiple %mul3A_19, 8 : i32
        %add3A_20 = arith.constant 100000 : i32
        %add3A_21 = arith.addi %add3A_20, %multiple_of3A : i32
        %add3A_22 = arith.constant 0 : i32
        %add3A_23 = arith.addi %multiple_of3A, %add3A_22 : i32
        %dma_start3A = arith.constant 0 : i32
        %dma_start3A_24 = tpu.memref_slice %arg3[%add3A_23, %dma_start3A] : memref<100000x64xf32, #tpu.memory_space<hbm>> -> memref<200x64xf32, #tpu.memory_space<hbm>>
        %dma_start3A_25 = arith.constant 0 : i32
        %dma_start3A_26 = tpu.memref_slice %arg3[%add3A_23, %dma_start3A_25] : memref<100000x64xf32, #tpu.memory_space<hbm>> -> memref<200x64xf32, #tpu.memory_space<hbm>>
        tpu.enqueue_dma source(%dma_start3A_26 : memref<200x64xf32, #tpu.memory_space<hbm>>) target(%arg5 : memref<200x64xf32, #tpu.memory_space<vmem>>) target_semaphore(%arg9 : memref<!tpu.dma_semaphore, #tpu.memory_space<semaphore_mem>>)
        %add3A_27 = arith.constant 200 : i32
        %add3A_28 = arith.addi %multiple_of3A, %add3A_27 : i32
        %dma_start3A_29 = arith.constant 0 : i32
        %dma_start3A_30 = tpu.memref_slice %arg3[%add3A_28, %dma_start3A_29] : memref<100000x64xf32, #tpu.memory_space<hbm>> -> memref<200x64xf32, #tpu.memory_space<hbm>>
        %dma_start3A_31 = arith.constant 0 : i32
        %dma_start3A_32 = tpu.memref_slice %arg3[%add3A_28, %dma_start3A_31] : memref<100000x64xf32, #tpu.memory_space<hbm>> -> memref<200x64xf32, #tpu.memory_space<hbm>>
        tpu.enqueue_dma source(%dma_start3A_32 : memref<200x64xf32, #tpu.memory_space<hbm>>) target(%arg6 : memref<200x64xf32, #tpu.memory_space<vmem>>) target_semaphore(%arg10 : memref<!tpu.dma_semaphore, #tpu.memory_space<semaphore_mem>>)
        %add3A_33 = arith.constant 400 : i32
        %add3A_34 = arith.addi %multiple_of3A, %add3A_33 : i32
        %dma_start3A_35 = arith.constant 0 : i32
        %dma_start3A_36 = tpu.memref_slice %arg3[%add3A_34, %dma_start3A_35] : memref<100000x64xf32, #tpu.memory_space<hbm>> -> memref<200x64xf32, #tpu.memory_space<hbm>>
        %dma_start3A_37 = arith.constant 0 : i32
        %dma_start3A_38 = tpu.memref_slice %arg3[%add3A_34, %dma_start3A_37] : memref<100000x64xf32, #tpu.memory_space<hbm>> -> memref<200x64xf32, #tpu.memory_space<hbm>>
        tpu.enqueue_dma source(%dma_start3A_38 : memref<200x64xf32, #tpu.memory_space<hbm>>) target(%arg7 : memref<200x64xf32, #tpu.memory_space<vmem>>) target_semaphore(%arg11 : memref<!tpu.dma_semaphore, #tpu.memory_space<semaphore_mem>>)
        %add3A_39 = arith.constant 0 : i32
        %add3A_40 = arith.addi %multiple_of3A, %add3A_39 : i32
        %dma_wait3A = arith.constant 0 : i32
        %dma_wait3A_41 = tpu.memref_slice %arg3[%add3A_40, %dma_wait3A] : memref<100000x64xf32, #tpu.memory_space<hbm>> -> memref<200x64xf32, #tpu.memory_space<hbm>>
        %dma_wait3A_42 = arith.constant 0 : i32
        %dma_wait3A_43 = tpu.memref_slice %arg3[%add3A_40, %dma_wait3A_42] : memref<100000x64xf32, #tpu.memory_space<hbm>> -> memref<200x64xf32, #tpu.memory_space<hbm>>
        tpu.wait_dma2 semaphore(%arg9 : memref<!tpu.dma_semaphore, #tpu.memory_space<semaphore_mem>>) src(%dma_wait3A_43 : memref<200x64xf32, #tpu.memory_space<hbm>>) dst(%arg5 : memref<200x64xf32, #tpu.memory_space<vmem>>)
        %add3A_44 = arith.constant 0 : i32
        %add3A_45 = arith.addi %add3A_21, %add3A_44 : i32
        %dma_start3A_46 = arith.constant 0 : i32
        %dma_start3A_47 = tpu.memref_slice %arg4[%add3A_45, %dma_start3A_46] : memref<200000x64xf32, #tpu.memory_space<hbm>> -> memref<200x64xf32, #tpu.memory_space<hbm>>
        %dma_start3A_48 = arith.constant 0 : i32
        %dma_start3A_49 = tpu.memref_slice %arg4[%add3A_45, %dma_start3A_48] : memref<200000x64xf32, #tpu.memory_space<hbm>> -> memref<200x64xf32, #tpu.memory_space<hbm>>
        tpu.enqueue_dma source(%arg5 : memref<200x64xf32, #tpu.memory_space<vmem>>) target(%dma_start3A_49 : memref<200x64xf32, #tpu.memory_space<hbm>>) target_semaphore(%arg13 : memref<!tpu.dma_semaphore, #tpu.memory_space<semaphore_mem>>)
        %add3A_50 = arith.constant 600 : i32
        %add3A_51 = arith.addi %multiple_of3A, %add3A_50 : i32
        %dma_start3A_52 = arith.constant 0 : i32
        %dma_start3A_53 = tpu.memref_slice %arg3[%add3A_51, %dma_start3A_52] : memref<100000x64xf32, #tpu.memory_space<hbm>> -> memref<200x64xf32, #tpu.memory_space<hbm>>
        %dma_start3A_54 = arith.constant 0 : i32
        %dma_start3A_55 = tpu.memref_slice %arg3[%add3A_51, %dma_start3A_54] : memref<100000x64xf32, #tpu.memory_space<hbm>> -> memref<200x64xf32, #tpu.memory_space<hbm>>
        tpu.enqueue_dma source(%dma_start3A_55 : memref<200x64xf32, #tpu.memory_space<hbm>>) target(%arg8 : memref<200x64xf32, #tpu.memory_space<vmem>>) target_semaphore(%arg12 : memref<!tpu.dma_semaphore, #tpu.memory_space<semaphore_mem>>)
        %add3A_56 = arith.constant 200 : i32
        %add3A_57 = arith.addi %multiple_of3A, %add3A_56 : i32
        %dma_wait3A_58 = arith.constant 0 : i32
        %dma_wait3A_59 = tpu.memref_slice %arg3[%add3A_57, %dma_wait3A_58] : memref<100000x64xf32, #tpu.memory_space<hbm>> -> memref<200x64xf32, #tpu.memory_space<hbm>>
        %dma_wait3A_60 = arith.constant 0 : i32
        %dma_wait3A_61 = tpu.memref_slice %arg3[%add3A_57, %dma_wait3A_60] : memref<100000x64xf32, #tpu.memory_space<hbm>> -> memref<200x64xf32, #tpu.memory_space<hbm>>
        tpu.wait_dma2 semaphore(%arg10 : memref<!tpu.dma_semaphore, #tpu.memory_space<semaphore_mem>>) src(%dma_wait3A_61 : memref<200x64xf32, #tpu.memory_space<hbm>>) dst(%arg6 : memref<200x64xf32, #tpu.memory_space<vmem>>)
        %add3A_62 = arith.constant 200 : i32
        %add3A_63 = arith.addi %add3A_21, %add3A_62 : i32
        %dma_start3A_64 = arith.constant 0 : i32
        %dma_start3A_65 = tpu.memref_slice %arg4[%add3A_63, %dma_start3A_64] : memref<200000x64xf32, #tpu.memory_space<hbm>> -> memref<200x64xf32, #tpu.memory_space<hbm>>
        %dma_start3A_66 = arith.constant 0 : i32
        %dma_start3A_67 = tpu.memref_slice %arg4[%add3A_63, %dma_start3A_66] : memref<200000x64xf32, #tpu.memory_space<hbm>> -> memref<200x64xf32, #tpu.memory_space<hbm>>
        tpu.enqueue_dma source(%arg6 : memref<200x64xf32, #tpu.memory_space<vmem>>) target(%dma_start3A_67 : memref<200x64xf32, #tpu.memory_space<hbm>>) target_semaphore(%arg14 : memref<!tpu.dma_semaphore, #tpu.memory_space<semaphore_mem>>)
        %add3A_68 = arith.constant 0 : i32
        %add3A_69 = arith.addi %add3A_21, %add3A_68 : i32
        %dma_wait3A_70 = arith.constant 0 : i32
        %dma_wait3A_71 = tpu.memref_slice %arg4[%add3A_69, %dma_wait3A_70] : memref<200000x64xf32, #tpu.memory_space<hbm>> -> memref<200x64xf32, #tpu.memory_space<hbm>>
        %dma_wait3A_72 = arith.constant 0 : i32
        %dma_wait3A_73 = tpu.memref_slice %arg4[%add3A_69, %dma_wait3A_72] : memref<200000x64xf32, #tpu.memory_space<hbm>> -> memref<200x64xf32, #tpu.memory_space<hbm>>
        tpu.wait_dma2 semaphore(%arg13 : memref<!tpu.dma_semaphore, #tpu.memory_space<semaphore_mem>>) src(%arg5 : memref<200x64xf32, #tpu.memory_space<vmem>>) dst(%dma_wait3A_73 : memref<200x64xf32, #tpu.memory_space<hbm>>)
        %add3A_74 = arith.constant 800 : i32
        %add3A_75 = arith.addi %multiple_of3A, %add3A_74 : i32
        %dma_start3A_76 = arith.constant 0 : i32
        %dma_start3A_77 = tpu.memref_slice %arg3[%add3A_75, %dma_start3A_76] : memref<100000x64xf32, #tpu.memory_space<hbm>> -> memref<200x64xf32, #tpu.memory_space<hbm>>
        %dma_start3A_78 = arith.constant 0 : i32
        %dma_start3A_79 = tpu.memref_slice %arg3[%add3A_75, %dma_start3A_78] : memref<100000x64xf32, #tpu.memory_space<hbm>> -> memref<200x64xf32, #tpu.memory_space<hbm>>
        tpu.enqueue_dma source(%dma_start3A_79 : memref<200x64xf32, #tpu.memory_space<hbm>>) target(%arg5 : memref<200x64xf32, #tpu.memory_space<vmem>>) target_semaphore(%arg9 : memref<!tpu.dma_semaphore, #tpu.memory_space<semaphore_mem>>)
        %add3A_80 = arith.constant 400 : i32
        %add3A_81 = arith.addi %multiple_of3A, %add3A_80 : i32
        %dma_wait3A_82 = arith.constant 0 : i32
        %dma_wait3A_83 = tpu.memref_slice %arg3[%add3A_81, %dma_wait3A_82] : memref<100000x64xf32, #tpu.memory_space<hbm>> -> memref<200x64xf32, #tpu.memory_space<hbm>>
        %dma_wait3A_84 = arith.constant 0 : i32
        %dma_wait3A_85 = tpu.memref_slice %arg3[%add3A_81, %dma_wait3A_84] : memref<100000x64xf32, #tpu.memory_space<hbm>> -> memref<200x64xf32, #tpu.memory_space<hbm>>
        tpu.wait_dma2 semaphore(%arg11 : memref<!tpu.dma_semaphore, #tpu.memory_space<semaphore_mem>>) src(%dma_wait3A_85 : memref<200x64xf32, #tpu.memory_space<hbm>>) dst(%arg7 : memref<200x64xf32, #tpu.memory_space<vmem>>)
        %add3A_86 = arith.constant 400 : i32
        %add3A_87 = arith.addi %add3A_21, %add3A_86 : i32
        %dma_start3A_88 = arith.constant 0 : i32
        %dma_start3A_89 = tpu.memref_slice %arg4[%add3A_87, %dma_start3A_88] : memref<200000x64xf32, #tpu.memory_space<hbm>> -> memref<200x64xf32, #tpu.memory_space<hbm>>
        %dma_start3A_90 = arith.constant 0 : i32
        %dma_start3A_91 = tpu.memref_slice %arg4[%add3A_87, %dma_start3A_90] : memref<200000x64xf32, #tpu.memory_space<hbm>> -> memref<200x64xf32, #tpu.memory_space<hbm>>
        tpu.enqueue_dma source(%arg7 : memref<200x64xf32, #tpu.memory_space<vmem>>) target(%dma_start3A_91 : memref<200x64xf32, #tpu.memory_space<hbm>>) target_semaphore(%arg15 : memref<!tpu.dma_semaphore, #tpu.memory_space<semaphore_mem>>)
        %add3A_92 = arith.constant 200 : i32
        %add3A_93 = arith.addi %add3A_21, %add3A_92 : i32
        %dma_wait3A_94 = arith.constant 0 : i32
        %dma_wait3A_95 = tpu.memref_slice %arg4[%add3A_93, %dma_wait3A_94] : memref<200000x64xf32, #tpu.memory_space<hbm>> -> memref<200x64xf32, #tpu.memory_space<hbm>>
        %dma_wait3A_96 = arith.constant 0 : i32
        %dma_wait3A_97 = tpu.memref_slice %arg4[%add3A_93, %dma_wait3A_96] : memref<200000x64xf32, #tpu.memory_space<hbm>> -> memref<200x64xf32, #tpu.memory_space<hbm>>
        tpu.wait_dma2 semaphore(%arg14 : memref<!tpu.dma_semaphore, #tpu.memory_space<semaphore_mem>>) src(%arg6 : memref<200x64xf32, #tpu.memory_space<vmem>>) dst(%dma_wait3A_97 : memref<200x64xf32, #tpu.memory_space<hbm>>)
        %add3A_98 = arith.constant 1000 : i32
        %add3A_99 = arith.addi %multiple_of3A, %add3A_98 : i32
        %dma_start3A_100 = arith.constant 0 : i32
        %dma_start3A_101 = tpu.memref_slice %arg3[%add3A_99, %dma_start3A_100] : memref<100000x64xf32, #tpu.memory_space<hbm>> -> memref<200x64xf32, #tpu.memory_space<hbm>>
        %dma_start3A_102 = arith.constant 0 : i32
        %dma_start3A_103 = tpu.memref_slice %arg3[%add3A_99, %dma_start3A_102] : memref<100000x64xf32, #tpu.memory_space<hbm>> -> memref<200x64xf32, #tpu.memory_space<hbm>>
        tpu.enqueue_dma source(%dma_start3A_103 : memref<200x64xf32, #tpu.memory_space<hbm>>) target(%arg6 : memref<200x64xf32, #tpu.memory_space<vmem>>) target_semaphore(%arg10 : memref<!tpu.dma_semaphore, #tpu.memory_space<semaphore_mem>>)
        %add3A_104 = arith.constant 600 : i32
        %add3A_105 = arith.addi %multiple_of3A, %add3A_104 : i32
        %dma_wait3A_106 = arith.constant 0 : i32
        %dma_wait3A_107 = tpu.memref_slice %arg3[%add3A_105, %dma_wait3A_106] : memref<100000x64xf32, #tpu.memory_space<hbm>> -> memref<200x64xf32, #tpu.memory_space<hbm>>
        %dma_wait3A_108 = arith.constant 0 : i32
        %dma_wait3A_109 = tpu.memref_slice %arg3[%add3A_105, %dma_wait3A_108] : memref<100000x64xf32, #tpu.memory_space<hbm>> -> memref<200x64xf32, #tpu.memory_space<hbm>>
        tpu.wait_dma2 semaphore(%arg12 : memref<!tpu.dma_semaphore, #tpu.memory_space<semaphore_mem>>) src(%dma_wait3A_109 : memref<200x64xf32, #tpu.memory_space<hbm>>) dst(%arg8 : memref<200x64xf32, #tpu.memory_space<vmem>>)
        %add3A_110 = arith.constant 600 : i32
        %add3A_111 = arith.addi %add3A_21, %add3A_110 : i32
        %dma_start3A_112 = arith.constant 0 : i32
        %dma_start3A_113 = tpu.memref_slice %arg4[%add3A_111, %dma_start3A_112] : memref<200000x64xf32, #tpu.memory_space<hbm>> -> memref<200x64xf32, #tpu.memory_space<hbm>>
        %dma_start3A_114 = arith.constant 0 : i32
        %dma_start3A_115 = tpu.memref_slice %arg4[%add3A_111, %dma_start3A_114] : memref<200000x64xf32, #tpu.memory_space<hbm>> -> memref<200x64xf32, #tpu.memory_space<hbm>>
        tpu.enqueue_dma source(%arg8 : memref<200x64xf32, #tpu.memory_space<vmem>>) target(%dma_start3A_115 : memref<200x64xf32, #tpu.memory_space<hbm>>) target_semaphore(%arg16 : memref<!tpu.dma_semaphore, #tpu.memory_space<semaphore_mem>>)
        %add3A_116 = arith.constant 400 : i32
        %add3A_117 = arith.addi %add3A_21, %add3A_116 : i32
        %dma_wait3A_118 = arith.constant 0 : i32
        %dma_wait3A_119 = tpu.memref_slice %arg4[%add3A_117, %dma_wait3A_118] : memref<200000x64xf32, #tpu.memory_space<hbm>> -> memref<200x64xf32, #tpu.memory_space<hbm>>
        %dma_wait3A_120 = arith.constant 0 : i32
        %dma_wait3A_121 = tpu.memref_slice %arg4[%add3A_117, %dma_wait3A_120] : memref<200000x64xf32, #tpu.memory_space<hbm>> -> memref<200x64xf32, #tpu.memory_space<hbm>>
        tpu.wait_dma2 semaphore(%arg15 : memref<!tpu.dma_semaphore, #tpu.memory_space<semaphore_mem>>) src(%arg7 : memref<200x64xf32, #tpu.memory_space<vmem>>) dst(%dma_wait3A_121 : memref<200x64xf32, #tpu.memory_space<hbm>>)
        %add3A_122 = arith.constant 1200 : i32
        %add3A_123 = arith.addi %multiple_of3A, %add3A_122 : i32
        %dma_start3A_124 = arith.constant 0 : i32
        %dma_start3A_125 = tpu.memref_slice %arg3[%add3A_123, %dma_start3A_124] : memref<100000x64xf32, #tpu.memory_space<hbm>> -> memref<200x64xf32, #tpu.memory_space<hbm>>
        %dma_start3A_126 = arith.constant 0 : i32
        %dma_start3A_127 = tpu.memref_slice %arg3[%add3A_123, %dma_start3A_126] : memref<100000x64xf32, #tpu.memory_space<hbm>> -> memref<200x64xf32, #tpu.memory_space<hbm>>
        tpu.enqueue_dma source(%dma_start3A_127 : memref<200x64xf32, #tpu.memory_space<hbm>>) target(%arg7 : memref<200x64xf32, #tpu.memory_space<vmem>>) target_semaphore(%arg11 : memref<!tpu.dma_semaphore, #tpu.memory_space<semaphore_mem>>)
        %add3A_128 = arith.constant 800 : i32
        %add3A_129 = arith.addi %multiple_of3A, %add3A_128 : i32
        %dma_wait3A_130 = arith.constant 0 : i32
        %dma_wait3A_131 = tpu.memref_slice %arg3[%add3A_129, %dma_wait3A_130] : memref<100000x64xf32, #tpu.memory_space<hbm>> -> memref<200x64xf32, #tpu.memory_space<hbm>>
        %dma_wait3A_132 = arith.constant 0 : i32
        %dma_wait3A_133 = tpu.memref_slice %arg3[%add3A_129, %dma_wait3A_132] : memref<100000x64xf32, #tpu.memory_space<hbm>> -> memref<200x64xf32, #tpu.memory_space<hbm>>
        tpu.wait_dma2 semaphore(%arg9 : memref<!tpu.dma_semaphore, #tpu.memory_space<semaphore_mem>>) src(%dma_wait3A_133 : memref<200x64xf32, #tpu.memory_space<hbm>>) dst(%arg5 : memref<200x64xf32, #tpu.memory_space<vmem>>)
        %add3A_134 = arith.constant 800 : i32
        %add3A_135 = arith.addi %add3A_21, %add3A_134 : i32
        %dma_start3A_136 = arith.constant 0 : i32
        %dma_start3A_137 = tpu.memref_slice %arg4[%add3A_135, %dma_start3A_136] : memref<200000x64xf32, #tpu.memory_space<hbm>> -> memref<200x64xf32, #tpu.memory_space<hbm>>
        %dma_start3A_138 = arith.constant 0 : i32
        %dma_start3A_139 = tpu.memref_slice %arg4[%add3A_135, %dma_start3A_138] : memref<200000x64xf32, #tpu.memory_space<hbm>> -> memref<200x64xf32, #tpu.memory_space<hbm>>
        tpu.enqueue_dma source(%arg5 : memref<200x64xf32, #tpu.memory_space<vmem>>) target(%dma_start3A_139 : memref<200x64xf32, #tpu.memory_space<hbm>>) target_semaphore(%arg13 : memref<!tpu.dma_semaphore, #tpu.memory_space<semaphore_mem>>)
        %add3A_140 = arith.constant 600 : i32
        %add3A_141 = arith.addi %add3A_21, %add3A_140 : i32
        %dma_wait3A_142 = arith.constant 0 : i32
        %dma_wait3A_143 = tpu.memref_slice %arg4[%add3A_141, %dma_wait3A_142] : memref<200000x64xf32, #tpu.memory_space<hbm>> -> memref<200x64xf32, #tpu.memory_space<hbm>>
        %dma_wait3A_144 = arith.constant 0 : i32
        %dma_wait3A_145 = tpu.memref_slice %arg4[%add3A_141, %dma_wait3A_144] : memref<200000x64xf32, #tpu.memory_space<hbm>> -> memref<200x64xf32, #tpu.memory_space<hbm>>
        tpu.wait_dma2 semaphore(%arg16 : memref<!tpu.dma_semaphore, #tpu.memory_space<semaphore_mem>>) src(%arg8 : memref<200x64xf32, #tpu.memory_space<vmem>>) dst(%dma_wait3A_145 : memref<200x64xf32, #tpu.memory_space<hbm>>)
        %add3A_146 = arith.constant 1400 : i32
        %add3A_147 = arith.addi %multiple_of3A, %add3A_146 : i32
        %dma_start3A_148 = arith.constant 0 : i32
        %dma_start3A_149 = tpu.memref_slice %arg3[%add3A_147, %dma_start3A_148] : memref<100000x64xf32, #tpu.memory_space<hbm>> -> memref<200x64xf32, #tpu.memory_space<hbm>>
        %dma_start3A_150 = arith.constant 0 : i32
        %dma_start3A_151 = tpu.memref_slice %arg3[%add3A_147, %dma_start3A_150] : memref<100000x64xf32, #tpu.memory_space<hbm>> -> memref<200x64xf32, #tpu.memory_space<hbm>>
        tpu.enqueue_dma source(%dma_start3A_151 : memref<200x64xf32, #tpu.memory_space<hbm>>) target(%arg8 : memref<200x64xf32, #tpu.memory_space<vmem>>) target_semaphore(%arg12 : memref<!tpu.dma_semaphore, #tpu.memory_space<semaphore_mem>>)
        %add3A_152 = arith.constant 1000 : i32
        %add3A_153 = arith.addi %multiple_of3A, %add3A_152 : i32
        %dma_wait3A_154 = arith.constant 0 : i32
        %dma_wait3A_155 = tpu.memref_slice %arg3[%add3A_153, %dma_wait3A_154] : memref<100000x64xf32, #tpu.memory_space<hbm>> -> memref<200x64xf32, #tpu.memory_space<hbm>>
        %dma_wait3A_156 = arith.constant 0 : i32
        %dma_wait3A_157 = tpu.memref_slice %arg3[%add3A_153, %dma_wait3A_156] : memref<100000x64xf32, #tpu.memory_space<hbm>> -> memref<200x64xf32, #tpu.memory_space<hbm>>
        tpu.wait_dma2 semaphore(%arg10 : memref<!tpu.dma_semaphore, #tpu.memory_space<semaphore_mem>>) src(%dma_wait3A_157 : memref<200x64xf32, #tpu.memory_space<hbm>>) dst(%arg6 : memref<200x64xf32, #tpu.memory_space<vmem>>)
        %add3A_158 = arith.constant 1000 : i32
        %add3A_159 = arith.addi %add3A_21, %add3A_158 : i32
        %dma_start3A_160 = arith.constant 0 : i32
        %dma_start3A_161 = tpu.memref_slice %arg4[%add3A_159, %dma_start3A_160] : memref<200000x64xf32, #tpu.memory_space<hbm>> -> memref<200x64xf32, #tpu.memory_space<hbm>>
        %dma_start3A_162 = arith.constant 0 : i32
        %dma_start3A_163 = tpu.memref_slice %arg4[%add3A_159, %dma_start3A_162] : memref<200000x64xf32, #tpu.memory_space<hbm>> -> memref<200x64xf32, #tpu.memory_space<hbm>>
        tpu.enqueue_dma source(%arg6 : memref<200x64xf32, #tpu.memory_space<vmem>>) target(%dma_start3A_163 : memref<200x64xf32, #tpu.memory_space<hbm>>) target_semaphore(%arg14 : memref<!tpu.dma_semaphore, #tpu.memory_space<semaphore_mem>>)
        %add3A_164 = arith.constant 800 : i32
        %add3A_165 = arith.addi %add3A_21, %add3A_164 : i32
        %dma_wait3A_166 = arith.constant 0 : i32
        %dma_wait3A_167 = tpu.memref_slice %arg4[%add3A_165, %dma_wait3A_166] : memref<200000x64xf32, #tpu.memory_space<hbm>> -> memref<200x64xf32, #tpu.memory_space<hbm>>
        %dma_wait3A_168 = arith.constant 0 : i32
        %dma_wait3A_169 = tpu.memref_slice %arg4[%add3A_165, %dma_wait3A_168] : memref<200000x64xf32, #tpu.memory_space<hbm>> -> memref<200x64xf32, #tpu.memory_space<hbm>>
        tpu.wait_dma2 semaphore(%arg13 : memref<!tpu.dma_semaphore, #tpu.memory_space<semaphore_mem>>) src(%arg5 : memref<200x64xf32, #tpu.memory_space<vmem>>) dst(%dma_wait3A_169 : memref<200x64xf32, #tpu.memory_space<hbm>>)
        %add3A_170 = arith.constant 1600 : i32
        %add3A_171 = arith.addi %multiple_of3A, %add3A_170 : i32
        %dma_start3A_172 = arith.constant 0 : i32
        %dma_start3A_173 = tpu.memref_slice %arg3[%add3A_171, %dma_start3A_172] : memref<100000x64xf32, #tpu.memory_space<hbm>> -> memref<200x64xf32, #tpu.memory_space<hbm>>
        %dma_start3A_174 = arith.constant 0 : i32
        %dma_start3A_175 = tpu.memref_slice %arg3[%add3A_171, %dma_start3A_174] : memref<100000x64xf32, #tpu.memory_space<hbm>> -> memref<200x64xf32, #tpu.memory_space<hbm>>
        tpu.enqueue_dma source(%dma_start3A_175 : memref<200x64xf32, #tpu.memory_space<hbm>>) target(%arg5 : memref<200x64xf32, #tpu.memory_space<vmem>>) target_semaphore(%arg9 : memref<!tpu.dma_semaphore, #tpu.memory_space<semaphore_mem>>)
        %add3A_176 = arith.constant 1200 : i32
        %add3A_177 = arith.addi %multiple_of3A, %add3A_176 : i32
        %dma_wait3A_178 = arith.constant 0 : i32
        %dma_wait3A_179 = tpu.memref_slice %arg3[%add3A_177, %dma_wait3A_178] : memref<100000x64xf32, #tpu.memory_space<hbm>> -> memref<200x64xf32, #tpu.memory_space<hbm>>
        %dma_wait3A_180 = arith.constant 0 : i32
        %dma_wait3A_181 = tpu.memref_slice %arg3[%add3A_177, %dma_wait3A_180] : memref<100000x64xf32, #tpu.memory_space<hbm>> -> memref<200x64xf32, #tpu.memory_space<hbm>>
        tpu.wait_dma2 semaphore(%arg11 : memref<!tpu.dma_semaphore, #tpu.memory_space<semaphore_mem>>) src(%dma_wait3A_181 : memref<200x64xf32, #tpu.memory_space<hbm>>) dst(%arg7 : memref<200x64xf32, #tpu.memory_space<vmem>>)
        %add3A_182 = arith.constant 1200 : i32
        %add3A_183 = arith.addi %add3A_21, %add3A_182 : i32
        %dma_start3A_184 = arith.constant 0 : i32
        %dma_start3A_185 = tpu.memref_slice %arg4[%add3A_183, %dma_start3A_184] : memref<200000x64xf32, #tpu.memory_space<hbm>> -> memref<200x64xf32, #tpu.memory_space<hbm>>
        %dma_start3A_186 = arith.constant 0 : i32
        %dma_start3A_187 = tpu.memref_slice %arg4[%add3A_183, %dma_start3A_186] : memref<200000x64xf32, #tpu.memory_space<hbm>> -> memref<200x64xf32, #tpu.memory_space<hbm>>
        tpu.enqueue_dma source(%arg7 : memref<200x64xf32, #tpu.memory_space<vmem>>) target(%dma_start3A_187 : memref<200x64xf32, #tpu.memory_space<hbm>>) target_semaphore(%arg15 : memref<!tpu.dma_semaphore, #tpu.memory_space<semaphore_mem>>)
        %add3A_188 = arith.constant 1000 : i32
        %add3A_189 = arith.addi %add3A_21, %add3A_188 : i32
        %dma_wait3A_190 = arith.constant 0 : i32
        %dma_wait3A_191 = tpu.memref_slice %arg4[%add3A_189, %dma_wait3A_190] : memref<200000x64xf32, #tpu.memory_space<hbm>> -> memref<200x64xf32, #tpu.memory_space<hbm>>
        %dma_wait3A_192 = arith.constant 0 : i32
        %dma_wait3A_193 = tpu.memref_slice %arg4[%add3A_189, %dma_wait3A_192] : memref<200000x64xf32, #tpu.memory_space<hbm>> -> memref<200x64xf32, #tpu.memory_space<hbm>>
        tpu.wait_dma2 semaphore(%arg14 : memref<!tpu.dma_semaphore, #tpu.memory_space<semaphore_mem>>) src(%arg6 : memref<200x64xf32, #tpu.memory_space<vmem>>) dst(%dma_wait3A_193 : memref<200x64xf32, #tpu.memory_space<hbm>>)
        %add3A_194 = arith.constant 1800 : i32
        %add3A_195 = arith.addi %multiple_of3A, %add3A_194 : i32
        %dma_start3A_196 = arith.constant 0 : i32
        %dma_start3A_197 = tpu.memref_slice %arg3[%add3A_195, %dma_start3A_196] : memref<100000x64xf32, #tpu.memory_space<hbm>> -> memref<200x64xf32, #tpu.memory_space<hbm>>
        %dma_start3A_198 = arith.constant 0 : i32
        %dma_start3A_199 = tpu.memref_slice %arg3[%add3A_195, %dma_start3A_198] : memref<100000x64xf32, #tpu.memory_space<hbm>> -> memref<200x64xf32, #tpu.memory_space<hbm>>
        tpu.enqueue_dma source(%dma_start3A_199 : memref<200x64xf32, #tpu.memory_space<hbm>>) target(%arg6 : memref<200x64xf32, #tpu.memory_space<vmem>>) target_semaphore(%arg10 : memref<!tpu.dma_semaphore, #tpu.memory_space<semaphore_mem>>)
        %add3A_200 = arith.constant 1400 : i32
        %add3A_201 = arith.addi %multiple_of3A, %add3A_200 : i32
        %dma_wait3A_202 = arith.constant 0 : i32
        %dma_wait3A_203 = tpu.memref_slice %arg3[%add3A_201, %dma_wait3A_202] : memref<100000x64xf32, #tpu.memory_space<hbm>> -> memref<200x64xf32, #tpu.memory_space<hbm>>
        %dma_wait3A_204 = arith.constant 0 : i32
        %dma_wait3A_205 = tpu.memref_slice %arg3[%add3A_201, %dma_wait3A_204] : memref<100000x64xf32, #tpu.memory_space<hbm>> -> memref<200x64xf32, #tpu.memory_space<hbm>>
        tpu.wait_dma2 semaphore(%arg12 : memref<!tpu.dma_semaphore, #tpu.memory_space<semaphore_mem>>) src(%dma_wait3A_205 : memref<200x64xf32, #tpu.memory_space<hbm>>) dst(%arg8 : memref<200x64xf32, #tpu.memory_space<vmem>>)
        %add3A_206 = arith.constant 1400 : i32
        %add3A_207 = arith.addi %add3A_21, %add3A_206 : i32
        %dma_start3A_208 = arith.constant 0 : i32
        %dma_start3A_209 = tpu.memref_slice %arg4[%add3A_207, %dma_start3A_208] : memref<200000x64xf32, #tpu.memory_space<hbm>> -> memref<200x64xf32, #tpu.memory_space<hbm>>
        %dma_start3A_210 = arith.constant 0 : i32
        %dma_start3A_211 = tpu.memref_slice %arg4[%add3A_207, %dma_start3A_210] : memref<200000x64xf32, #tpu.memory_space<hbm>> -> memref<200x64xf32, #tpu.memory_space<hbm>>
        tpu.enqueue_dma source(%arg8 : memref<200x64xf32, #tpu.memory_space<vmem>>) target(%dma_start3A_211 : memref<200x64xf32, #tpu.memory_space<hbm>>) target_semaphore(%arg16 : memref<!tpu.dma_semaphore, #tpu.memory_space<semaphore_mem>>)
        %add3A_212 = arith.constant 1200 : i32
        %add3A_213 = arith.addi %add3A_21, %add3A_212 : i32
        %dma_wait3A_214 = arith.constant 0 : i32
        %dma_wait3A_215 = tpu.memref_slice %arg4[%add3A_213, %dma_wait3A_214] : memref<200000x64xf32, #tpu.memory_space<hbm>> -> memref<200x64xf32, #tpu.memory_space<hbm>>
        %dma_wait3A_216 = arith.constant 0 : i32
        %dma_wait3A_217 = tpu.memref_slice %arg4[%add3A_213, %dma_wait3A_216] : memref<200000x64xf32, #tpu.memory_space<hbm>> -> memref<200x64xf32, #tpu.memory_space<hbm>>
        tpu.wait_dma2 semaphore(%arg15 : memref<!tpu.dma_semaphore, #tpu.memory_space<semaphore_mem>>) src(%arg7 : memref<200x64xf32, #tpu.memory_space<vmem>>) dst(%dma_wait3A_217 : memref<200x64xf32, #tpu.memory_space<hbm>>)
        %add3A_218 = arith.constant 2000 : i32
        %add3A_219 = arith.addi %multiple_of3A, %add3A_218 : i32
        %dma_start3A_220 = arith.constant 0 : i32
        %dma_start3A_221 = tpu.memref_slice %arg3[%add3A_219, %dma_start3A_220] : memref<100000x64xf32, #tpu.memory_space<hbm>> -> memref<200x64xf32, #tpu.memory_space<hbm>>
        %dma_start3A_222 = arith.constant 0 : i32
        %dma_start3A_223 = tpu.memref_slice %arg3[%add3A_219, %dma_start3A_222] : memref<100000x64xf32, #tpu.memory_space<hbm>> -> memref<200x64xf32, #tpu.memory_space<hbm>>
        tpu.enqueue_dma source(%dma_start3A_223 : memref<200x64xf32, #tpu.memory_space<hbm>>) target(%arg7 : memref<200x64xf32, #tpu.memory_space<vmem>>) target_semaphore(%arg11 : memref<!tpu.dma_semaphore, #tpu.memory_space<semaphore_mem>>)
        %add3A_224 = arith.constant 1600 : i32
        %add3A_225 = arith.addi %multiple_of3A, %add3A_224 : i32
        %dma_wait3A_226 = arith.constant 0 : i32
        %dma_wait3A_227 = tpu.memref_slice %arg3[%add3A_225, %dma_wait3A_226] : memref<100000x64xf32, #tpu.memory_space<hbm>> -> memref<200x64xf32, #tpu.memory_space<hbm>>
        %dma_wait3A_228 = arith.constant 0 : i32
        %dma_wait3A_229 = tpu.memref_slice %arg3[%add3A_225, %dma_wait3A_228] : memref<100000x64xf32, #tpu.memory_space<hbm>> -> memref<200x64xf32, #tpu.memory_space<hbm>>
        tpu.wait_dma2 semaphore(%arg9 : memref<!tpu.dma_semaphore, #tpu.memory_space<semaphore_mem>>) src(%dma_wait3A_229 : memref<200x64xf32, #tpu.memory_space<hbm>>) dst(%arg5 : memref<200x64xf32, #tpu.memory_space<vmem>>)
        %add3A_230 = arith.constant 1600 : i32
        %add3A_231 = arith.addi %add3A_21, %add3A_230 : i32
        %dma_start3A_232 = arith.constant 0 : i32
        %dma_start3A_233 = tpu.memref_slice %arg4[%add3A_231, %dma_start3A_232] : memref<200000x64xf32, #tpu.memory_space<hbm>> -> memref<200x64xf32, #tpu.memory_space<hbm>>
        %dma_start3A_234 = arith.constant 0 : i32
        %dma_start3A_235 = tpu.memref_slice %arg4[%add3A_231, %dma_start3A_234] : memref<200000x64xf32, #tpu.memory_space<hbm>> -> memref<200x64xf32, #tpu.memory_space<hbm>>
        tpu.enqueue_dma source(%arg5 : memref<200x64xf32, #tpu.memory_space<vmem>>) target(%dma_start3A_235 : memref<200x64xf32, #tpu.memory_space<hbm>>) target_semaphore(%arg13 : memref<!tpu.dma_semaphore, #tpu.memory_space<semaphore_mem>>)
        %add3A_236 = arith.constant 1400 : i32
        %add3A_237 = arith.addi %add3A_21, %add3A_236 : i32
        %dma_wait3A_238 = arith.constant 0 : i32
        %dma_wait3A_239 = tpu.memref_slice %arg4[%add3A_237, %dma_wait3A_238] : memref<200000x64xf32, #tpu.memory_space<hbm>> -> memref<200x64xf32, #tpu.memory_space<hbm>>
        %dma_wait3A_240 = arith.constant 0 : i32
        %dma_wait3A_241 = tpu.memref_slice %arg4[%add3A_237, %dma_wait3A_240] : memref<200000x64xf32, #tpu.memory_space<hbm>> -> memref<200x64xf32, #tpu.memory_space<hbm>>
        tpu.wait_dma2 semaphore(%arg16 : memref<!tpu.dma_semaphore, #tpu.memory_space<semaphore_mem>>) src(%arg8 : memref<200x64xf32, #tpu.memory_space<vmem>>) dst(%dma_wait3A_241 : memref<200x64xf32, #tpu.memory_space<hbm>>)
        %add3A_242 = arith.constant 2200 : i32
        %add3A_243 = arith.addi %multiple_of3A, %add3A_242 : i32
        %dma_start3A_244 = arith.constant 0 : i32
        %dma_start3A_245 = tpu.memref_slice %arg3[%add3A_243, %dma_start3A_244] : memref<100000x64xf32, #tpu.memory_space<hbm>> -> memref<200x64xf32, #tpu.memory_space<hbm>>
        %dma_start3A_246 = arith.constant 0 : i32
        %dma_start3A_247 = tpu.memref_slice %arg3[%add3A_243, %dma_start3A_246] : memref<100000x64xf32, #tpu.memory_space<hbm>> -> memref<200x64xf32, #tpu.memory_space<hbm>>
        tpu.enqueue_dma source(%dma_start3A_247 : memref<200x64xf32, #tpu.memory_space<hbm>>) target(%arg8 : memref<200x64xf32, #tpu.memory_space<vmem>>) target_semaphore(%arg12 : memref<!tpu.dma_semaphore, #tpu.memory_space<semaphore_mem>>)
        %add3A_248 = arith.constant 1800 : i32
        %add3A_249 = arith.addi %multiple_of3A, %add3A_248 : i32
        %dma_wait3A_250 = arith.constant 0 : i32
        %dma_wait3A_251 = tpu.memref_slice %arg3[%add3A_249, %dma_wait3A_250] : memref<100000x64xf32, #tpu.memory_space<hbm>> -> memref<200x64xf32, #tpu.memory_space<hbm>>
        %dma_wait3A_252 = arith.constant 0 : i32
        %dma_wait3A_253 = tpu.memref_slice %arg3[%add3A_249, %dma_wait3A_252] : memref<100000x64xf32, #tpu.memory_space<hbm>> -> memref<200x64xf32, #tpu.memory_space<hbm>>
        tpu.wait_dma2 semaphore(%arg10 : memref<!tpu.dma_semaphore, #tpu.memory_space<semaphore_mem>>) src(%dma_wait3A_253 : memref<200x64xf32, #tpu.memory_space<hbm>>) dst(%arg6 : memref<200x64xf32, #tpu.memory_space<vmem>>)
        %add3A_254 = arith.constant 1800 : i32
        %add3A_255 = arith.addi %add3A_21, %add3A_254 : i32
        %dma_start3A_256 = arith.constant 0 : i32
        %dma_start3A_257 = tpu.memref_slice %arg4[%add3A_255, %dma_start3A_256] : memref<200000x64xf32, #tpu.memory_space<hbm>> -> memref<200x64xf32, #tpu.memory_space<hbm>>
        %dma_start3A_258 = arith.constant 0 : i32
        %dma_start3A_259 = tpu.memref_slice %arg4[%add3A_255, %dma_start3A_258] : memref<200000x64xf32, #tpu.memory_space<hbm>> -> memref<200x64xf32, #tpu.memory_space<hbm>>
        tpu.enqueue_dma source(%arg6 : memref<200x64xf32, #tpu.memory_space<vmem>>) target(%dma_start3A_259 : memref<200x64xf32, #tpu.memory_space<hbm>>) target_semaphore(%arg14 : memref<!tpu.dma_semaphore, #tpu.memory_space<semaphore_mem>>)
        %add3A_260 = arith.constant 1600 : i32
        %add3A_261 = arith.addi %add3A_21, %add3A_260 : i32
        %dma_wait3A_262 = arith.constant 0 : i32
        %dma_wait3A_263 = tpu.memref_slice %arg4[%add3A_261, %dma_wait3A_262] : memref<200000x64xf32, #tpu.memory_space<hbm>> -> memref<200x64xf32, #tpu.memory_space<hbm>>
        %dma_wait3A_264 = arith.constant 0 : i32
        %dma_wait3A_265 = tpu.memref_slice %arg4[%add3A_261, %dma_wait3A_264] : memref<200000x64xf32, #tpu.memory_space<hbm>> -> memref<200x64xf32, #tpu.memory_space<hbm>>
        tpu.wait_dma2 semaphore(%arg13 : memref<!tpu.dma_semaphore, #tpu.memory_space<semaphore_mem>>) src(%arg5 : memref<200x64xf32, #tpu.memory_space<vmem>>) dst(%dma_wait3A_265 : memref<200x64xf32, #tpu.memory_space<hbm>>)
        %add3A_266 = arith.constant 2400 : i32
        %add3A_267 = arith.addi %multiple_of3A, %add3A_266 : i32
        %dma_start3A_268 = arith.constant 0 : i32
        %dma_start3A_269 = tpu.memref_slice %arg3[%add3A_267, %dma_start3A_268] : memref<100000x64xf32, #tpu.memory_space<hbm>> -> memref<200x64xf32, #tpu.memory_space<hbm>>
        %dma_start3A_270 = arith.constant 0 : i32
        %dma_start3A_271 = tpu.memref_slice %arg3[%add3A_267, %dma_start3A_270] : memref<100000x64xf32, #tpu.memory_space<hbm>> -> memref<200x64xf32, #tpu.memory_space<hbm>>
        tpu.enqueue_dma source(%dma_start3A_271 : memref<200x64xf32, #tpu.memory_space<hbm>>) target(%arg5 : memref<200x64xf32, #tpu.memory_space<vmem>>) target_semaphore(%arg9 : memref<!tpu.dma_semaphore, #tpu.memory_space<semaphore_mem>>)
        %add3A_272 = arith.constant 2000 : i32
        %add3A_273 = arith.addi %multiple_of3A, %add3A_272 : i32
        %dma_wait3A_274 = arith.constant 0 : i32
        %dma_wait3A_275 = tpu.memref_slice %arg3[%add3A_273, %dma_wait3A_274] : memref<100000x64xf32, #tpu.memory_space<hbm>> -> memref<200x64xf32, #tpu.memory_space<hbm>>
        %dma_wait3A_276 = arith.constant 0 : i32
        %dma_wait3A_277 = tpu.memref_slice %arg3[%add3A_273, %dma_wait3A_276] : memref<100000x64xf32, #tpu.memory_space<hbm>> -> memref<200x64xf32, #tpu.memory_space<hbm>>
        tpu.wait_dma2 semaphore(%arg11 : memref<!tpu.dma_semaphore, #tpu.memory_space<semaphore_mem>>) src(%dma_wait3A_277 : memref<200x64xf32, #tpu.memory_space<hbm>>) dst(%arg7 : memref<200x64xf32, #tpu.memory_space<vmem>>)
        %add3A_278 = arith.constant 2000 : i32
        %add3A_279 = arith.addi %add3A_21, %add3A_278 : i32
        %dma_start3A_280 = arith.constant 0 : i32
        %dma_start3A_281 = tpu.memref_slice %arg4[%add3A_279, %dma_start3A_280] : memref<200000x64xf32, #tpu.memory_space<hbm>> -> memref<200x64xf32, #tpu.memory_space<hbm>>
        %dma_start3A_282 = arith.constant 0 : i32
        %dma_start3A_283 = tpu.memref_slice %arg4[%add3A_279, %dma_start3A_282] : memref<200000x64xf32, #tpu.memory_space<hbm>> -> memref<200x64xf32, #tpu.memory_space<hbm>>
        tpu.enqueue_dma source(%arg7 : memref<200x64xf32, #tpu.memory_space<vmem>>) target(%dma_start3A_283 : memref<200x64xf32, #tpu.memory_space<hbm>>) target_semaphore(%arg15 : memref<!tpu.dma_semaphore, #tpu.memory_space<semaphore_mem>>)
        %add3A_284 = arith.constant 1800 : i32
        %add3A_285 = arith.addi %add3A_21, %add3A_284 : i32
        %dma_wait3A_286 = arith.constant 0 : i32
        %dma_wait3A_287 = tpu.memref_slice %arg4[%add3A_285, %dma_wait3A_286] : memref<200000x64xf32, #tpu.memory_space<hbm>> -> memref<200x64xf32, #tpu.memory_space<hbm>>
        %dma_wait3A_288 = arith.constant 0 : i32
        %dma_wait3A_289 = tpu.memref_slice %arg4[%add3A_285, %dma_wait3A_288] : memref<200000x64xf32, #tpu.memory_space<hbm>> -> memref<200x64xf32, #tpu.memory_space<hbm>>
        tpu.wait_dma2 semaphore(%arg14 : memref<!tpu.dma_semaphore, #tpu.memory_space<semaphore_mem>>) src(%arg6 : memref<200x64xf32, #tpu.memory_space<vmem>>) dst(%dma_wait3A_289 : memref<200x64xf32, #tpu.memory_space<hbm>>)
        %add3A_290 = arith.constant 2600 : i32
        %add3A_291 = arith.addi %multiple_of3A, %add3A_290 : i32
        %dma_start3A_292 = arith.constant 0 : i32
        %dma_start3A_293 = tpu.memref_slice %arg3[%add3A_291, %dma_start3A_292] : memref<100000x64xf32, #tpu.memory_space<hbm>> -> memref<200x64xf32, #tpu.memory_space<hbm>>
        %dma_start3A_294 = arith.constant 0 : i32
        %dma_start3A_295 = tpu.memref_slice %arg3[%add3A_291, %dma_start3A_294] : memref<100000x64xf32, #tpu.memory_space<hbm>> -> memref<200x64xf32, #tpu.memory_space<hbm>>
        tpu.enqueue_dma source(%dma_start3A_295 : memref<200x64xf32, #tpu.memory_space<hbm>>) target(%arg6 : memref<200x64xf32, #tpu.memory_space<vmem>>) target_semaphore(%arg10 : memref<!tpu.dma_semaphore, #tpu.memory_space<semaphore_mem>>)
        %add3A_296 = arith.constant 2200 : i32
        %add3A_297 = arith.addi %multiple_of3A, %add3A_296 : i32
        %dma_wait3A_298 = arith.constant 0 : i32
        %dma_wait3A_299 = tpu.memref_slice %arg3[%add3A_297, %dma_wait3A_298] : memref<100000x64xf32, #tpu.memory_space<hbm>> -> memref<200x64xf32, #tpu.memory_space<hbm>>
        %dma_wait3A_300 = arith.constant 0 : i32
        %dma_wait3A_301 = tpu.memref_slice %arg3[%add3A_297, %dma_wait3A_300] : memref<100000x64xf32, #tpu.memory_space<hbm>> -> memref<200x64xf32, #tpu.memory_space<hbm>>
        tpu.wait_dma2 semaphore(%arg12 : memref<!tpu.dma_semaphore, #tpu.memory_space<semaphore_mem>>) src(%dma_wait3A_301 : memref<200x64xf32, #tpu.memory_space<hbm>>) dst(%arg8 : memref<200x64xf32, #tpu.memory_space<vmem>>)
        %add3A_302 = arith.constant 2200 : i32
        %add3A_303 = arith.addi %add3A_21, %add3A_302 : i32
        %dma_start3A_304 = arith.constant 0 : i32
        %dma_start3A_305 = tpu.memref_slice %arg4[%add3A_303, %dma_start3A_304] : memref<200000x64xf32, #tpu.memory_space<hbm>> -> memref<200x64xf32, #tpu.memory_space<hbm>>
        %dma_start3A_306 = arith.constant 0 : i32
        %dma_start3A_307 = tpu.memref_slice %arg4[%add3A_303, %dma_start3A_306] : memref<200000x64xf32, #tpu.memory_space<hbm>> -> memref<200x64xf32, #tpu.memory_space<hbm>>
        tpu.enqueue_dma source(%arg8 : memref<200x64xf32, #tpu.memory_space<vmem>>) target(%dma_start3A_307 : memref<200x64xf32, #tpu.memory_space<hbm>>) target_semaphore(%arg16 : memref<!tpu.dma_semaphore, #tpu.memory_space<semaphore_mem>>)
        %add3A_308 = arith.constant 2000 : i32
        %add3A_309 = arith.addi %add3A_21, %add3A_308 : i32
        %dma_wait3A_310 = arith.constant 0 : i32
        %dma_wait3A_311 = tpu.memref_slice %arg4[%add3A_309, %dma_wait3A_310] : memref<200000x64xf32, #tpu.memory_space<hbm>> -> memref<200x64xf32, #tpu.memory_space<hbm>>
        %dma_wait3A_312 = arith.constant 0 : i32
        %dma_wait3A_313 = tpu.memref_slice %arg4[%add3A_309, %dma_wait3A_312] : memref<200000x64xf32, #tpu.memory_space<hbm>> -> memref<200x64xf32, #tpu.memory_space<hbm>>
        tpu.wait_dma2 semaphore(%arg15 : memref<!tpu.dma_semaphore, #tpu.memory_space<semaphore_mem>>) src(%arg7 : memref<200x64xf32, #tpu.memory_space<vmem>>) dst(%dma_wait3A_313 : memref<200x64xf32, #tpu.memory_space<hbm>>)
        %add3A_314 = arith.constant 2800 : i32
        %add3A_315 = arith.addi %multiple_of3A, %add3A_314 : i32
        %dma_start3A_316 = arith.constant 0 : i32
        %dma_start3A_317 = tpu.memref_slice %arg3[%add3A_315, %dma_start3A_316] : memref<100000x64xf32, #tpu.memory_space<hbm>> -> memref<200x64xf32, #tpu.memory_space<hbm>>
        %dma_start3A_318 = arith.constant 0 : i32
        %dma_start3A_319 = tpu.memref_slice %arg3[%add3A_315, %dma_start3A_318] : memref<100000x64xf32, #tpu.memory_space<hbm>> -> memref<200x64xf32, #tpu.memory_space<hbm>>
        tpu.enqueue_dma source(%dma_start3A_319 : memref<200x64xf32, #tpu.memory_space<hbm>>) target(%arg7 : memref<200x64xf32, #tpu.memory_space<vmem>>) target_semaphore(%arg11 : memref<!tpu.dma_semaphore, #tpu.memory_space<semaphore_mem>>)
        %add3A_320 = arith.constant 2400 : i32
        %add3A_321 = arith.addi %multiple_of3A, %add3A_320 : i32
        %dma_wait3A_322 = arith.constant 0 : i32
        %dma_wait3A_323 = tpu.memref_slice %arg3[%add3A_321, %dma_wait3A_322] : memref<100000x64xf32, #tpu.memory_space<hbm>> -> memref<200x64xf32, #tpu.memory_space<hbm>>
        %dma_wait3A_324 = arith.constant 0 : i32
        %dma_wait3A_325 = tpu.memref_slice %arg3[%add3A_321, %dma_wait3A_324] : memref<100000x64xf32, #tpu.memory_space<hbm>> -> memref<200x64xf32, #tpu.memory_space<hbm>>
        tpu.wait_dma2 semaphore(%arg9 : memref<!tpu.dma_semaphore, #tpu.memory_space<semaphore_mem>>) src(%dma_wait3A_325 : memref<200x64xf32, #tpu.memory_space<hbm>>) dst(%arg5 : memref<200x64xf32, #tpu.memory_space<vmem>>)
        %add3A_326 = arith.constant 2400 : i32
        %add3A_327 = arith.addi %add3A_21, %add3A_326 : i32
        %dma_start3A_328 = arith.constant 0 : i32
        %dma_start3A_329 = tpu.memref_slice %arg4[%add3A_327, %dma_start3A_328] : memref<200000x64xf32, #tpu.memory_space<hbm>> -> memref<200x64xf32, #tpu.memory_space<hbm>>
        %dma_start3A_330 = arith.constant 0 : i32
        %dma_start3A_331 = tpu.memref_slice %arg4[%add3A_327, %dma_start3A_330] : memref<200000x64xf32, #tpu.memory_space<hbm>> -> memref<200x64xf32, #tpu.memory_space<hbm>>
        tpu.enqueue_dma source(%arg5 : memref<200x64xf32, #tpu.memory_space<vmem>>) target(%dma_start3A_331 : memref<200x64xf32, #tpu.memory_space<hbm>>) target_semaphore(%arg13 : memref<!tpu.dma_semaphore, #tpu.memory_space<semaphore_mem>>)
        %add3A_332 = arith.constant 2200 : i32
        %add3A_333 = arith.addi %add3A_21, %add3A_332 : i32
        %dma_wait3A_334 = arith.constant 0 : i32
        %dma_wait3A_335 = tpu.memref_slice %arg4[%add3A_333, %dma_wait3A_334] : memref<200000x64xf32, #tpu.memory_space<hbm>> -> memref<200x64xf32, #tpu.memory_space<hbm>>
        %dma_wait3A_336 = arith.constant 0 : i32
        %dma_wait3A_337 = tpu.memref_slice %arg4[%add3A_333, %dma_wait3A_336] : memref<200000x64xf32, #tpu.memory_space<hbm>> -> memref<200x64xf32, #tpu.memory_space<hbm>>
        tpu.wait_dma2 semaphore(%arg16 : memref<!tpu.dma_semaphore, #tpu.memory_space<semaphore_mem>>) src(%arg8 : memref<200x64xf32, #tpu.memory_space<vmem>>) dst(%dma_wait3A_337 : memref<200x64xf32, #tpu.memory_space<hbm>>)
        %add3A_338 = arith.constant 3000 : i32
        %add3A_339 = arith.addi %multiple_of3A, %add3A_338 : i32
        %dma_start3A_340 = arith.constant 0 : i32
        %dma_start3A_341 = tpu.memref_slice %arg3[%add3A_339, %dma_start3A_340] : memref<100000x64xf32, #tpu.memory_space<hbm>> -> memref<200x64xf32, #tpu.memory_space<hbm>>
        %dma_start3A_342 = arith.constant 0 : i32
        %dma_start3A_343 = tpu.memref_slice %arg3[%add3A_339, %dma_start3A_342] : memref<100000x64xf32, #tpu.memory_space<hbm>> -> memref<200x64xf32, #tpu.memory_space<hbm>>
        tpu.enqueue_dma source(%dma_start3A_343 : memref<200x64xf32, #tpu.memory_space<hbm>>) target(%arg8 : memref<200x64xf32, #tpu.memory_space<vmem>>) target_semaphore(%arg12 : memref<!tpu.dma_semaphore, #tpu.memory_space<semaphore_mem>>)
        %add3A_344 = arith.constant 2600 : i32
        %add3A_345 = arith.addi %multiple_of3A, %add3A_344 : i32
        %dma_wait3A_346 = arith.constant 0 : i32
        %dma_wait3A_347 = tpu.memref_slice %arg3[%add3A_345, %dma_wait3A_346] : memref<100000x64xf32, #tpu.memory_space<hbm>> -> memref<200x64xf32, #tpu.memory_space<hbm>>
        %dma_wait3A_348 = arith.constant 0 : i32
        %dma_wait3A_349 = tpu.memref_slice %arg3[%add3A_345, %dma_wait3A_348] : memref<100000x64xf32, #tpu.memory_space<hbm>> -> memref<200x64xf32, #tpu.memory_space<hbm>>
        tpu.wait_dma2 semaphore(%arg10 : memref<!tpu.dma_semaphore, #tpu.memory_space<semaphore_mem>>) src(%dma_wait3A_349 : memref<200x64xf32, #tpu.memory_space<hbm>>) dst(%arg6 : memref<200x64xf32, #tpu.memory_space<vmem>>)
        %add3A_350 = arith.constant 2600 : i32
        %add3A_351 = arith.addi %add3A_21, %add3A_350 : i32
        %dma_start3A_352 = arith.constant 0 : i32
        %dma_start3A_353 = tpu.memref_slice %arg4[%add3A_351, %dma_start3A_352] : memref<200000x64xf32, #tpu.memory_space<hbm>> -> memref<200x64xf32, #tpu.memory_space<hbm>>
        %dma_start3A_354 = arith.constant 0 : i32
        %dma_start3A_355 = tpu.memref_slice %arg4[%add3A_351, %dma_start3A_354] : memref<200000x64xf32, #tpu.memory_space<hbm>> -> memref<200x64xf32, #tpu.memory_space<hbm>>
        tpu.enqueue_dma source(%arg6 : memref<200x64xf32, #tpu.memory_space<vmem>>) target(%dma_start3A_355 : memref<200x64xf32, #tpu.memory_space<hbm>>) target_semaphore(%arg14 : memref<!tpu.dma_semaphore, #tpu.memory_space<semaphore_mem>>)
        %add3A_356 = arith.constant 2400 : i32
        %add3A_357 = arith.addi %add3A_21, %add3A_356 : i32
        %dma_wait3A_358 = arith.constant 0 : i32
        %dma_wait3A_359 = tpu.memref_slice %arg4[%add3A_357, %dma_wait3A_358] : memref<200000x64xf32, #tpu.memory_space<hbm>> -> memref<200x64xf32, #tpu.memory_space<hbm>>
        %dma_wait3A_360 = arith.constant 0 : i32
        %dma_wait3A_361 = tpu.memref_slice %arg4[%add3A_357, %dma_wait3A_360] : memref<200000x64xf32, #tpu.memory_space<hbm>> -> memref<200x64xf32, #tpu.memory_space<hbm>>
        tpu.wait_dma2 semaphore(%arg13 : memref<!tpu.dma_semaphore, #tpu.memory_space<semaphore_mem>>) src(%arg5 : memref<200x64xf32, #tpu.memory_space<vmem>>) dst(%dma_wait3A_361 : memref<200x64xf32, #tpu.memory_space<hbm>>)
        %add3A_362 = arith.constant 3200 : i32
        %add3A_363 = arith.addi %multiple_of3A, %add3A_362 : i32
        %dma_start3A_364 = arith.constant 0 : i32
        %dma_start3A_365 = tpu.memref_slice %arg3[%add3A_363, %dma_start3A_364] : memref<100000x64xf32, #tpu.memory_space<hbm>> -> memref<200x64xf32, #tpu.memory_space<hbm>>
        %dma_start3A_366 = arith.constant 0 : i32
        %dma_start3A_367 = tpu.memref_slice %arg3[%add3A_363, %dma_start3A_366] : memref<100000x64xf32, #tpu.memory_space<hbm>> -> memref<200x64xf32, #tpu.memory_space<hbm>>
        tpu.enqueue_dma source(%dma_start3A_367 : memref<200x64xf32, #tpu.memory_space<hbm>>) target(%arg5 : memref<200x64xf32, #tpu.memory_space<vmem>>) target_semaphore(%arg9 : memref<!tpu.dma_semaphore, #tpu.memory_space<semaphore_mem>>)
        %add3A_368 = arith.constant 2800 : i32
        %add3A_369 = arith.addi %multiple_of3A, %add3A_368 : i32
        %dma_wait3A_370 = arith.constant 0 : i32
        %dma_wait3A_371 = tpu.memref_slice %arg3[%add3A_369, %dma_wait3A_370] : memref<100000x64xf32, #tpu.memory_space<hbm>> -> memref<200x64xf32, #tpu.memory_space<hbm>>
        %dma_wait3A_372 = arith.constant 0 : i32
        %dma_wait3A_373 = tpu.memref_slice %arg3[%add3A_369, %dma_wait3A_372] : memref<100000x64xf32, #tpu.memory_space<hbm>> -> memref<200x64xf32, #tpu.memory_space<hbm>>
        tpu.wait_dma2 semaphore(%arg11 : memref<!tpu.dma_semaphore, #tpu.memory_space<semaphore_mem>>) src(%dma_wait3A_373 : memref<200x64xf32, #tpu.memory_space<hbm>>) dst(%arg7 : memref<200x64xf32, #tpu.memory_space<vmem>>)
        %add3A_374 = arith.constant 2800 : i32
        %add3A_375 = arith.addi %add3A_21, %add3A_374 : i32
        %dma_start3A_376 = arith.constant 0 : i32
        %dma_start3A_377 = tpu.memref_slice %arg4[%add3A_375, %dma_start3A_376] : memref<200000x64xf32, #tpu.memory_space<hbm>> -> memref<200x64xf32, #tpu.memory_space<hbm>>
        %dma_start3A_378 = arith.constant 0 : i32
        %dma_start3A_379 = tpu.memref_slice %arg4[%add3A_375, %dma_start3A_378] : memref<200000x64xf32, #tpu.memory_space<hbm>> -> memref<200x64xf32, #tpu.memory_space<hbm>>
        tpu.enqueue_dma source(%arg7 : memref<200x64xf32, #tpu.memory_space<vmem>>) target(%dma_start3A_379 : memref<200x64xf32, #tpu.memory_space<hbm>>) target_semaphore(%arg15 : memref<!tpu.dma_semaphore, #tpu.memory_space<semaphore_mem>>)
        %add3A_380 = arith.constant 2600 : i32
        %add3A_381 = arith.addi %add3A_21, %add3A_380 : i32
        %dma_wait3A_382 = arith.constant 0 : i32
        %dma_wait3A_383 = tpu.memref_slice %arg4[%add3A_381, %dma_wait3A_382] : memref<200000x64xf32, #tpu.memory_space<hbm>> -> memref<200x64xf32, #tpu.memory_space<hbm>>
        %dma_wait3A_384 = arith.constant 0 : i32
        %dma_wait3A_385 = tpu.memref_slice %arg4[%add3A_381, %dma_wait3A_384] : memref<200000x64xf32, #tpu.memory_space<hbm>> -> memref<200x64xf32, #tpu.memory_space<hbm>>
        tpu.wait_dma2 semaphore(%arg14 : memref<!tpu.dma_semaphore, #tpu.memory_space<semaphore_mem>>) src(%arg6 : memref<200x64xf32, #tpu.memory_space<vmem>>) dst(%dma_wait3A_385 : memref<200x64xf32, #tpu.memory_space<hbm>>)
        %add3A_386 = arith.constant 3400 : i32
        %add3A_387 = arith.addi %multiple_of3A, %add3A_386 : i32
        %dma_start3A_388 = arith.constant 0 : i32
        %dma_start3A_389 = tpu.memref_slice %arg3[%add3A_387, %dma_start3A_388] : memref<100000x64xf32, #tpu.memory_space<hbm>> -> memref<200x64xf32, #tpu.memory_space<hbm>>
        %dma_start3A_390 = arith.constant 0 : i32
        %dma_start3A_391 = tpu.memref_slice %arg3[%add3A_387, %dma_start3A_390] : memref<100000x64xf32, #tpu.memory_space<hbm>> -> memref<200x64xf32, #tpu.memory_space<hbm>>
        tpu.enqueue_dma source(%dma_start3A_391 : memref<200x64xf32, #tpu.memory_space<hbm>>) target(%arg6 : memref<200x64xf32, #tpu.memory_space<vmem>>) target_semaphore(%arg10 : memref<!tpu.dma_semaphore, #tpu.memory_space<semaphore_mem>>)
        %add3A_392 = arith.constant 3000 : i32
        %add3A_393 = arith.addi %multiple_of3A, %add3A_392 : i32
        %dma_wait3A_394 = arith.constant 0 : i32
        %dma_wait3A_395 = tpu.memref_slice %arg3[%add3A_393, %dma_wait3A_394] : memref<100000x64xf32, #tpu.memory_space<hbm>> -> memref<200x64xf32, #tpu.memory_space<hbm>>
        %dma_wait3A_396 = arith.constant 0 : i32
        %dma_wait3A_397 = tpu.memref_slice %arg3[%add3A_393, %dma_wait3A_396] : memref<100000x64xf32, #tpu.memory_space<hbm>> -> memref<200x64xf32, #tpu.memory_space<hbm>>
        tpu.wait_dma2 semaphore(%arg12 : memref<!tpu.dma_semaphore, #tpu.memory_space<semaphore_mem>>) src(%dma_wait3A_397 : memref<200x64xf32, #tpu.memory_space<hbm>>) dst(%arg8 : memref<200x64xf32, #tpu.memory_space<vmem>>)
        %add3A_398 = arith.constant 3000 : i32
        %add3A_399 = arith.addi %add3A_21, %add3A_398 : i32
        %dma_start3A_400 = arith.constant 0 : i32
        %dma_start3A_401 = tpu.memref_slice %arg4[%add3A_399, %dma_start3A_400] : memref<200000x64xf32, #tpu.memory_space<hbm>> -> memref<200x64xf32, #tpu.memory_space<hbm>>
        %dma_start3A_402 = arith.constant 0 : i32
        %dma_start3A_403 = tpu.memref_slice %arg4[%add3A_399, %dma_start3A_402] : memref<200000x64xf32, #tpu.memory_space<hbm>> -> memref<200x64xf32, #tpu.memory_space<hbm>>
        tpu.enqueue_dma source(%arg8 : memref<200x64xf32, #tpu.memory_space<vmem>>) target(%dma_start3A_403 : memref<200x64xf32, #tpu.memory_space<hbm>>) target_semaphore(%arg16 : memref<!tpu.dma_semaphore, #tpu.memory_space<semaphore_mem>>)
        %add3A_404 = arith.constant 2800 : i32
        %add3A_405 = arith.addi %add3A_21, %add3A_404 : i32
        %dma_wait3A_406 = arith.constant 0 : i32
        %dma_wait3A_407 = tpu.memref_slice %arg4[%add3A_405, %dma_wait3A_406] : memref<200000x64xf32, #tpu.memory_space<hbm>> -> memref<200x64xf32, #tpu.memory_space<hbm>>
        %dma_wait3A_408 = arith.constant 0 : i32
        %dma_wait3A_409 = tpu.memref_slice %arg4[%add3A_405, %dma_wait3A_408] : memref<200000x64xf32, #tpu.memory_space<hbm>> -> memref<200x64xf32, #tpu.memory_space<hbm>>
        tpu.wait_dma2 semaphore(%arg15 : memref<!tpu.dma_semaphore, #tpu.memory_space<semaphore_mem>>) src(%arg7 : memref<200x64xf32, #tpu.memory_space<vmem>>) dst(%dma_wait3A_409 : memref<200x64xf32, #tpu.memory_space<hbm>>)
        %add3A_410 = arith.constant 3600 : i32
        %add3A_411 = arith.addi %multiple_of3A, %add3A_410 : i32
        %dma_start3A_412 = arith.constant 0 : i32
        %dma_start3A_413 = tpu.memref_slice %arg3[%add3A_411, %dma_start3A_412] : memref<100000x64xf32, #tpu.memory_space<hbm>> -> memref<200x64xf32, #tpu.memory_space<hbm>>
        %dma_start3A_414 = arith.constant 0 : i32
        %dma_start3A_415 = tpu.memref_slice %arg3[%add3A_411, %dma_start3A_414] : memref<100000x64xf32, #tpu.memory_space<hbm>> -> memref<200x64xf32, #tpu.memory_space<hbm>>
        tpu.enqueue_dma source(%dma_start3A_415 : memref<200x64xf32, #tpu.memory_space<hbm>>) target(%arg7 : memref<200x64xf32, #tpu.memory_space<vmem>>) target_semaphore(%arg11 : memref<!tpu.dma_semaphore, #tpu.memory_space<semaphore_mem>>)
        %add3A_416 = arith.constant 3200 : i32
        %add3A_417 = arith.addi %multiple_of3A, %add3A_416 : i32
        %dma_wait3A_418 = arith.constant 0 : i32
        %dma_wait3A_419 = tpu.memref_slice %arg3[%add3A_417, %dma_wait3A_418] : memref<100000x64xf32, #tpu.memory_space<hbm>> -> memref<200x64xf32, #tpu.memory_space<hbm>>
        %dma_wait3A_420 = arith.constant 0 : i32
        %dma_wait3A_421 = tpu.memref_slice %arg3[%add3A_417, %dma_wait3A_420] : memref<100000x64xf32, #tpu.memory_space<hbm>> -> memref<200x64xf32, #tpu.memory_space<hbm>>
        tpu.wait_dma2 semaphore(%arg9 : memref<!tpu.dma_semaphore, #tpu.memory_space<semaphore_mem>>) src(%dma_wait3A_421 : memref<200x64xf32, #tpu.memory_space<hbm>>) dst(%arg5 : memref<200x64xf32, #tpu.memory_space<vmem>>)
        %add3A_422 = arith.constant 3200 : i32
        %add3A_423 = arith.addi %add3A_21, %add3A_422 : i32
        %dma_start3A_424 = arith.constant 0 : i32
        %dma_start3A_425 = tpu.memref_slice %arg4[%add3A_423, %dma_start3A_424] : memref<200000x64xf32, #tpu.memory_space<hbm>> -> memref<200x64xf32, #tpu.memory_space<hbm>>
        %dma_start3A_426 = arith.constant 0 : i32
        %dma_start3A_427 = tpu.memref_slice %arg4[%add3A_423, %dma_start3A_426] : memref<200000x64xf32, #tpu.memory_space<hbm>> -> memref<200x64xf32, #tpu.memory_space<hbm>>
        tpu.enqueue_dma source(%arg5 : memref<200x64xf32, #tpu.memory_space<vmem>>) target(%dma_start3A_427 : memref<200x64xf32, #tpu.memory_space<hbm>>) target_semaphore(%arg13 : memref<!tpu.dma_semaphore, #tpu.memory_space<semaphore_mem>>)
        %add3A_428 = arith.constant 3000 : i32
        %add3A_429 = arith.addi %add3A_21, %add3A_428 : i32
        %dma_wait3A_430 = arith.constant 0 : i32
        %dma_wait3A_431 = tpu.memref_slice %arg4[%add3A_429, %dma_wait3A_430] : memref<200000x64xf32, #tpu.memory_space<hbm>> -> memref<200x64xf32, #tpu.memory_space<hbm>>
        %dma_wait3A_432 = arith.constant 0 : i32
        %dma_wait3A_433 = tpu.memref_slice %arg4[%add3A_429, %dma_wait3A_432] : memref<200000x64xf32, #tpu.memory_space<hbm>> -> memref<200x64xf32, #tpu.memory_space<hbm>>
        tpu.wait_dma2 semaphore(%arg16 : memref<!tpu.dma_semaphore, #tpu.memory_space<semaphore_mem>>) src(%arg8 : memref<200x64xf32, #tpu.memory_space<vmem>>) dst(%dma_wait3A_433 : memref<200x64xf32, #tpu.memory_space<hbm>>)
        %add3A_434 = arith.constant 3800 : i32
        %add3A_435 = arith.addi %multiple_of3A, %add3A_434 : i32
        %dma_start3A_436 = arith.constant 0 : i32
        %dma_start3A_437 = tpu.memref_slice %arg3[%add3A_435, %dma_start3A_436] : memref<100000x64xf32, #tpu.memory_space<hbm>> -> memref<200x64xf32, #tpu.memory_space<hbm>>
        %dma_start3A_438 = arith.constant 0 : i32
        %dma_start3A_439 = tpu.memref_slice %arg3[%add3A_435, %dma_start3A_438] : memref<100000x64xf32, #tpu.memory_space<hbm>> -> memref<200x64xf32, #tpu.memory_space<hbm>>
        tpu.enqueue_dma source(%dma_start3A_439 : memref<200x64xf32, #tpu.memory_space<hbm>>) target(%arg8 : memref<200x64xf32, #tpu.memory_space<vmem>>) target_semaphore(%arg12 : memref<!tpu.dma_semaphore, #tpu.memory_space<semaphore_mem>>)
        %add3A_440 = arith.constant 3400 : i32
        %add3A_441 = arith.addi %multiple_of3A, %add3A_440 : i32
        %dma_wait3A_442 = arith.constant 0 : i32
        %dma_wait3A_443 = tpu.memref_slice %arg3[%add3A_441, %dma_wait3A_442] : memref<100000x64xf32, #tpu.memory_space<hbm>> -> memref<200x64xf32, #tpu.memory_space<hbm>>
        %dma_wait3A_444 = arith.constant 0 : i32
        %dma_wait3A_445 = tpu.memref_slice %arg3[%add3A_441, %dma_wait3A_444] : memref<100000x64xf32, #tpu.memory_space<hbm>> -> memref<200x64xf32, #tpu.memory_space<hbm>>
        tpu.wait_dma2 semaphore(%arg10 : memref<!tpu.dma_semaphore, #tpu.memory_space<semaphore_mem>>) src(%dma_wait3A_445 : memref<200x64xf32, #tpu.memory_space<hbm>>) dst(%arg6 : memref<200x64xf32, #tpu.memory_space<vmem>>)
        %add3A_446 = arith.constant 3400 : i32
        %add3A_447 = arith.addi %add3A_21, %add3A_446 : i32
        %dma_start3A_448 = arith.constant 0 : i32
        %dma_start3A_449 = tpu.memref_slice %arg4[%add3A_447, %dma_start3A_448] : memref<200000x64xf32, #tpu.memory_space<hbm>> -> memref<200x64xf32, #tpu.memory_space<hbm>>
        %dma_start3A_450 = arith.constant 0 : i32
        %dma_start3A_451 = tpu.memref_slice %arg4[%add3A_447, %dma_start3A_450] : memref<200000x64xf32, #tpu.memory_space<hbm>> -> memref<200x64xf32, #tpu.memory_space<hbm>>
        tpu.enqueue_dma source(%arg6 : memref<200x64xf32, #tpu.memory_space<vmem>>) target(%dma_start3A_451 : memref<200x64xf32, #tpu.memory_space<hbm>>) target_semaphore(%arg14 : memref<!tpu.dma_semaphore, #tpu.memory_space<semaphore_mem>>)
        %add3A_452 = arith.constant 3200 : i32
        %add3A_453 = arith.addi %add3A_21, %add3A_452 : i32
        %dma_wait3A_454 = arith.constant 0 : i32
        %dma_wait3A_455 = tpu.memref_slice %arg4[%add3A_453, %dma_wait3A_454] : memref<200000x64xf32, #tpu.memory_space<hbm>> -> memref<200x64xf32, #tpu.memory_space<hbm>>
        %dma_wait3A_456 = arith.constant 0 : i32
        %dma_wait3A_457 = tpu.memref_slice %arg4[%add3A_453, %dma_wait3A_456] : memref<200000x64xf32, #tpu.memory_space<hbm>> -> memref<200x64xf32, #tpu.memory_space<hbm>>
        tpu.wait_dma2 semaphore(%arg13 : memref<!tpu.dma_semaphore, #tpu.memory_space<semaphore_mem>>) src(%arg5 : memref<200x64xf32, #tpu.memory_space<vmem>>) dst(%dma_wait3A_457 : memref<200x64xf32, #tpu.memory_space<hbm>>)
        %add3A_458 = arith.constant 4000 : i32
        %add3A_459 = arith.addi %multiple_of3A, %add3A_458 : i32
        %dma_start3A_460 = arith.constant 0 : i32
        %dma_start3A_461 = tpu.memref_slice %arg3[%add3A_459, %dma_start3A_460] : memref<100000x64xf32, #tpu.memory_space<hbm>> -> memref<200x64xf32, #tpu.memory_space<hbm>>
        %dma_start3A_462 = arith.constant 0 : i32
        %dma_start3A_463 = tpu.memref_slice %arg3[%add3A_459, %dma_start3A_462] : memref<100000x64xf32, #tpu.memory_space<hbm>> -> memref<200x64xf32, #tpu.memory_space<hbm>>
        tpu.enqueue_dma source(%dma_start3A_463 : memref<200x64xf32, #tpu.memory_space<hbm>>) target(%arg5 : memref<200x64xf32, #tpu.memory_space<vmem>>) target_semaphore(%arg9 : memref<!tpu.dma_semaphore, #tpu.memory_space<semaphore_mem>>)
        %add3A_464 = arith.constant 3600 : i32
        %add3A_465 = arith.addi %multiple_of3A, %add3A_464 : i32
        %dma_wait3A_466 = arith.constant 0 : i32
        %dma_wait3A_467 = tpu.memref_slice %arg3[%add3A_465, %dma_wait3A_466] : memref<100000x64xf32, #tpu.memory_space<hbm>> -> memref<200x64xf32, #tpu.memory_space<hbm>>
        %dma_wait3A_468 = arith.constant 0 : i32
        %dma_wait3A_469 = tpu.memref_slice %arg3[%add3A_465, %dma_wait3A_468] : memref<100000x64xf32, #tpu.memory_space<hbm>> -> memref<200x64xf32, #tpu.memory_space<hbm>>
        tpu.wait_dma2 semaphore(%arg11 : memref<!tpu.dma_semaphore, #tpu.memory_space<semaphore_mem>>) src(%dma_wait3A_469 : memref<200x64xf32, #tpu.memory_space<hbm>>) dst(%arg7 : memref<200x64xf32, #tpu.memory_space<vmem>>)
        %add3A_470 = arith.constant 3600 : i32
        %add3A_471 = arith.addi %add3A_21, %add3A_470 : i32
        %dma_start3A_472 = arith.constant 0 : i32
        %dma_start3A_473 = tpu.memref_slice %arg4[%add3A_471, %dma_start3A_472] : memref<200000x64xf32, #tpu.memory_space<hbm>> -> memref<200x64xf32, #tpu.memory_space<hbm>>
        %dma_start3A_474 = arith.constant 0 : i32
        %dma_start3A_475 = tpu.memref_slice %arg4[%add3A_471, %dma_start3A_474] : memref<200000x64xf32, #tpu.memory_space<hbm>> -> memref<200x64xf32, #tpu.memory_space<hbm>>
        tpu.enqueue_dma source(%arg7 : memref<200x64xf32, #tpu.memory_space<vmem>>) target(%dma_start3A_475 : memref<200x64xf32, #tpu.memory_space<hbm>>) target_semaphore(%arg15 : memref<!tpu.dma_semaphore, #tpu.memory_space<semaphore_mem>>)
        %add3A_476 = arith.constant 3400 : i32
        %add3A_477 = arith.addi %add3A_21, %add3A_476 : i32
        %dma_wait3A_478 = arith.constant 0 : i32
        %dma_wait3A_479 = tpu.memref_slice %arg4[%add3A_477, %dma_wait3A_478] : memref<200000x64xf32, #tpu.memory_space<hbm>> -> memref<200x64xf32, #tpu.memory_space<hbm>>
        %dma_wait3A_480 = arith.constant 0 : i32
        %dma_wait3A_481 = tpu.memref_slice %arg4[%add3A_477, %dma_wait3A_480] : memref<200000x64xf32, #tpu.memory_space<hbm>> -> memref<200x64xf32, #tpu.memory_space<hbm>>
        tpu.wait_dma2 semaphore(%arg14 : memref<!tpu.dma_semaphore, #tpu.memory_space<semaphore_mem>>) src(%arg6 : memref<200x64xf32, #tpu.memory_space<vmem>>) dst(%dma_wait3A_481 : memref<200x64xf32, #tpu.memory_space<hbm>>)
        %add3A_482 = arith.constant 4200 : i32
        %add3A_483 = arith.addi %multiple_of3A, %add3A_482 : i32
        %dma_start3A_484 = arith.constant 0 : i32
        %dma_start3A_485 = tpu.memref_slice %arg3[%add3A_483, %dma_start3A_484] : memref<100000x64xf32, #tpu.memory_space<hbm>> -> memref<200x64xf32, #tpu.memory_space<hbm>>
        %dma_start3A_486 = arith.constant 0 : i32
        %dma_start3A_487 = tpu.memref_slice %arg3[%add3A_483, %dma_start3A_486] : memref<100000x64xf32, #tpu.memory_space<hbm>> -> memref<200x64xf32, #tpu.memory_space<hbm>>
        tpu.enqueue_dma source(%dma_start3A_487 : memref<200x64xf32, #tpu.memory_space<hbm>>) target(%arg6 : memref<200x64xf32, #tpu.memory_space<vmem>>) target_semaphore(%arg10 : memref<!tpu.dma_semaphore, #tpu.memory_space<semaphore_mem>>)
        %add3A_488 = arith.constant 3800 : i32
        %add3A_489 = arith.addi %multiple_of3A, %add3A_488 : i32
        %dma_wait3A_490 = arith.constant 0 : i32
        %dma_wait3A_491 = tpu.memref_slice %arg3[%add3A_489, %dma_wait3A_490] : memref<100000x64xf32, #tpu.memory_space<hbm>> -> memref<200x64xf32, #tpu.memory_space<hbm>>
        %dma_wait3A_492 = arith.constant 0 : i32
        %dma_wait3A_493 = tpu.memref_slice %arg3[%add3A_489, %dma_wait3A_492] : memref<100000x64xf32, #tpu.memory_space<hbm>> -> memref<200x64xf32, #tpu.memory_space<hbm>>
        tpu.wait_dma2 semaphore(%arg12 : memref<!tpu.dma_semaphore, #tpu.memory_space<semaphore_mem>>) src(%dma_wait3A_493 : memref<200x64xf32, #tpu.memory_space<hbm>>) dst(%arg8 : memref<200x64xf32, #tpu.memory_space<vmem>>)
        %add3A_494 = arith.constant 3800 : i32
        %add3A_495 = arith.addi %add3A_21, %add3A_494 : i32
        %dma_start3A_496 = arith.constant 0 : i32
        %dma_start3A_497 = tpu.memref_slice %arg4[%add3A_495, %dma_start3A_496] : memref<200000x64xf32, #tpu.memory_space<hbm>> -> memref<200x64xf32, #tpu.memory_space<hbm>>
        %dma_start3A_498 = arith.constant 0 : i32
        %dma_start3A_499 = tpu.memref_slice %arg4[%add3A_495, %dma_start3A_498] : memref<200000x64xf32, #tpu.memory_space<hbm>> -> memref<200x64xf32, #tpu.memory_space<hbm>>
        tpu.enqueue_dma source(%arg8 : memref<200x64xf32, #tpu.memory_space<vmem>>) target(%dma_start3A_499 : memref<200x64xf32, #tpu.memory_space<hbm>>) target_semaphore(%arg16 : memref<!tpu.dma_semaphore, #tpu.memory_space<semaphore_mem>>)
        %add3A_500 = arith.constant 3600 : i32
        %add3A_501 = arith.addi %add3A_21, %add3A_500 : i32
        %dma_wait3A_502 = arith.constant 0 : i32
        %dma_wait3A_503 = tpu.memref_slice %arg4[%add3A_501, %dma_wait3A_502] : memref<200000x64xf32, #tpu.memory_space<hbm>> -> memref<200x64xf32, #tpu.memory_space<hbm>>
        %dma_wait3A_504 = arith.constant 0 : i32
        %dma_wait3A_505 = tpu.memref_slice %arg4[%add3A_501, %dma_wait3A_504] : memref<200000x64xf32, #tpu.memory_space<hbm>> -> memref<200x64xf32, #tpu.memory_space<hbm>>
        tpu.wait_dma2 semaphore(%arg15 : memref<!tpu.dma_semaphore, #tpu.memory_space<semaphore_mem>>) src(%arg7 : memref<200x64xf32, #tpu.memory_space<vmem>>) dst(%dma_wait3A_505 : memref<200x64xf32, #tpu.memory_space<hbm>>)
        %add3A_506 = arith.constant 4400 : i32
        %add3A_507 = arith.addi %multiple_of3A, %add3A_506 : i32
        %dma_start3A_508 = arith.constant 0 : i32
        %dma_start3A_509 = tpu.memref_slice %arg3[%add3A_507, %dma_start3A_508] : memref<100000x64xf32, #tpu.memory_space<hbm>> -> memref<200x64xf32, #tpu.memory_space<hbm>>
        %dma_start3A_510 = arith.constant 0 : i32
        %dma_start3A_511 = tpu.memref_slice %arg3[%add3A_507, %dma_start3A_510] : memref<100000x64xf32, #tpu.memory_space<hbm>> -> memref<200x64xf32, #tpu.memory_space<hbm>>
        tpu.enqueue_dma source(%dma_start3A_511 : memref<200x64xf32, #tpu.memory_space<hbm>>) target(%arg7 : memref<200x64xf32, #tpu.memory_space<vmem>>) target_semaphore(%arg11 : memref<!tpu.dma_semaphore, #tpu.memory_space<semaphore_mem>>)
        %add3A_512 = arith.constant 4000 : i32
        %add3A_513 = arith.addi %multiple_of3A, %add3A_512 : i32
        %dma_wait3A_514 = arith.constant 0 : i32
        %dma_wait3A_515 = tpu.memref_slice %arg3[%add3A_513, %dma_wait3A_514] : memref<100000x64xf32, #tpu.memory_space<hbm>> -> memref<200x64xf32, #tpu.memory_space<hbm>>
        %dma_wait3A_516 = arith.constant 0 : i32
        %dma_wait3A_517 = tpu.memref_slice %arg3[%add3A_513, %dma_wait3A_516] : memref<100000x64xf32, #tpu.memory_space<hbm>> -> memref<200x64xf32, #tpu.memory_space<hbm>>
        tpu.wait_dma2 semaphore(%arg9 : memref<!tpu.dma_semaphore, #tpu.memory_space<semaphore_mem>>) src(%dma_wait3A_517 : memref<200x64xf32, #tpu.memory_space<hbm>>) dst(%arg5 : memref<200x64xf32, #tpu.memory_space<vmem>>)
        %add3A_518 = arith.constant 4000 : i32
        %add3A_519 = arith.addi %add3A_21, %add3A_518 : i32
        %dma_start3A_520 = arith.constant 0 : i32
        %dma_start3A_521 = tpu.memref_slice %arg4[%add3A_519, %dma_start3A_520] : memref<200000x64xf32, #tpu.memory_space<hbm>> -> memref<200x64xf32, #tpu.memory_space<hbm>>
        %dma_start3A_522 = arith.constant 0 : i32
        %dma_start3A_523 = tpu.memref_slice %arg4[%add3A_519, %dma_start3A_522] : memref<200000x64xf32, #tpu.memory_space<hbm>> -> memref<200x64xf32, #tpu.memory_space<hbm>>
        tpu.enqueue_dma source(%arg5 : memref<200x64xf32, #tpu.memory_space<vmem>>) target(%dma_start3A_523 : memref<200x64xf32, #tpu.memory_space<hbm>>) target_semaphore(%arg13 : memref<!tpu.dma_semaphore, #tpu.memory_space<semaphore_mem>>)
        %add3A_524 = arith.constant 3800 : i32
        %add3A_525 = arith.addi %add3A_21, %add3A_524 : i32
        %dma_wait3A_526 = arith.constant 0 : i32
        %dma_wait3A_527 = tpu.memref_slice %arg4[%add3A_525, %dma_wait3A_526] : memref<200000x64xf32, #tpu.memory_space<hbm>> -> memref<200x64xf32, #tpu.memory_space<hbm>>
        %dma_wait3A_528 = arith.constant 0 : i32
        %dma_wait3A_529 = tpu.memref_slice %arg4[%add3A_525, %dma_wait3A_528] : memref<200000x64xf32, #tpu.memory_space<hbm>> -> memref<200x64xf32, #tpu.memory_space<hbm>>
        tpu.wait_dma2 semaphore(%arg16 : memref<!tpu.dma_semaphore, #tpu.memory_space<semaphore_mem>>) src(%arg8 : memref<200x64xf32, #tpu.memory_space<vmem>>) dst(%dma_wait3A_529 : memref<200x64xf32, #tpu.memory_space<hbm>>)
        %add3A_530 = arith.constant 4600 : i32
        %add3A_531 = arith.addi %multiple_of3A, %add3A_530 : i32
        %dma_start3A_532 = arith.constant 0 : i32
        %dma_start3A_533 = tpu.memref_slice %arg3[%add3A_531, %dma_start3A_532] : memref<100000x64xf32, #tpu.memory_space<hbm>> -> memref<200x64xf32, #tpu.memory_space<hbm>>
        %dma_start3A_534 = arith.constant 0 : i32
        %dma_start3A_535 = tpu.memref_slice %arg3[%add3A_531, %dma_start3A_534] : memref<100000x64xf32, #tpu.memory_space<hbm>> -> memref<200x64xf32, #tpu.memory_space<hbm>>
        tpu.enqueue_dma source(%dma_start3A_535 : memref<200x64xf32, #tpu.memory_space<hbm>>) target(%arg8 : memref<200x64xf32, #tpu.memory_space<vmem>>) target_semaphore(%arg12 : memref<!tpu.dma_semaphore, #tpu.memory_space<semaphore_mem>>)
        %add3A_536 = arith.constant 4200 : i32
        %add3A_537 = arith.addi %multiple_of3A, %add3A_536 : i32
        %dma_wait3A_538 = arith.constant 0 : i32
        %dma_wait3A_539 = tpu.memref_slice %arg3[%add3A_537, %dma_wait3A_538] : memref<100000x64xf32, #tpu.memory_space<hbm>> -> memref<200x64xf32, #tpu.memory_space<hbm>>
        %dma_wait3A_540 = arith.constant 0 : i32
        %dma_wait3A_541 = tpu.memref_slice %arg3[%add3A_537, %dma_wait3A_540] : memref<100000x64xf32, #tpu.memory_space<hbm>> -> memref<200x64xf32, #tpu.memory_space<hbm>>
        tpu.wait_dma2 semaphore(%arg10 : memref<!tpu.dma_semaphore, #tpu.memory_space<semaphore_mem>>) src(%dma_wait3A_541 : memref<200x64xf32, #tpu.memory_space<hbm>>) dst(%arg6 : memref<200x64xf32, #tpu.memory_space<vmem>>)
        %add3A_542 = arith.constant 4200 : i32
        %add3A_543 = arith.addi %add3A_21, %add3A_542 : i32
        %dma_start3A_544 = arith.constant 0 : i32
        %dma_start3A_545 = tpu.memref_slice %arg4[%add3A_543, %dma_start3A_544] : memref<200000x64xf32, #tpu.memory_space<hbm>> -> memref<200x64xf32, #tpu.memory_space<hbm>>
        %dma_start3A_546 = arith.constant 0 : i32
        %dma_start3A_547 = tpu.memref_slice %arg4[%add3A_543, %dma_start3A_546] : memref<200000x64xf32, #tpu.memory_space<hbm>> -> memref<200x64xf32, #tpu.memory_space<hbm>>
        tpu.enqueue_dma source(%arg6 : memref<200x64xf32, #tpu.memory_space<vmem>>) target(%dma_start3A_547 : memref<200x64xf32, #tpu.memory_space<hbm>>) target_semaphore(%arg14 : memref<!tpu.dma_semaphore, #tpu.memory_space<semaphore_mem>>)
        %add3A_548 = arith.constant 4000 : i32
        %add3A_549 = arith.addi %add3A_21, %add3A_548 : i32
        %dma_wait3A_550 = arith.constant 0 : i32
        %dma_wait3A_551 = tpu.memref_slice %arg4[%add3A_549, %dma_wait3A_550] : memref<200000x64xf32, #tpu.memory_space<hbm>> -> memref<200x64xf32, #tpu.memory_space<hbm>>
        %dma_wait3A_552 = arith.constant 0 : i32
        %dma_wait3A_553 = tpu.memref_slice %arg4[%add3A_549, %dma_wait3A_552] : memref<200000x64xf32, #tpu.memory_space<hbm>> -> memref<200x64xf32, #tpu.memory_space<hbm>>
        tpu.wait_dma2 semaphore(%arg13 : memref<!tpu.dma_semaphore, #tpu.memory_space<semaphore_mem>>) src(%arg5 : memref<200x64xf32, #tpu.memory_space<vmem>>) dst(%dma_wait3A_553 : memref<200x64xf32, #tpu.memory_space<hbm>>)
        %add3A_554 = arith.constant 4800 : i32
        %add3A_555 = arith.addi %multiple_of3A, %add3A_554 : i32
        %dma_start3A_556 = arith.constant 0 : i32
        %dma_start3A_557 = tpu.memref_slice %arg3[%add3A_555, %dma_start3A_556] : memref<100000x64xf32, #tpu.memory_space<hbm>> -> memref<200x64xf32, #tpu.memory_space<hbm>>
        %dma_start3A_558 = arith.constant 0 : i32
        %dma_start3A_559 = tpu.memref_slice %arg3[%add3A_555, %dma_start3A_558] : memref<100000x64xf32, #tpu.memory_space<hbm>> -> memref<200x64xf32, #tpu.memory_space<hbm>>
        tpu.enqueue_dma source(%dma_start3A_559 : memref<200x64xf32, #tpu.memory_space<hbm>>) target(%arg5 : memref<200x64xf32, #tpu.memory_space<vmem>>) target_semaphore(%arg9 : memref<!tpu.dma_semaphore, #tpu.memory_space<semaphore_mem>>)
        %add3A_560 = arith.constant 4400 : i32
        %add3A_561 = arith.addi %multiple_of3A, %add3A_560 : i32
        %dma_wait3A_562 = arith.constant 0 : i32
        %dma_wait3A_563 = tpu.memref_slice %arg3[%add3A_561, %dma_wait3A_562] : memref<100000x64xf32, #tpu.memory_space<hbm>> -> memref<200x64xf32, #tpu.memory_space<hbm>>
        %dma_wait3A_564 = arith.constant 0 : i32
        %dma_wait3A_565 = tpu.memref_slice %arg3[%add3A_561, %dma_wait3A_564] : memref<100000x64xf32, #tpu.memory_space<hbm>> -> memref<200x64xf32, #tpu.memory_space<hbm>>
        tpu.wait_dma2 semaphore(%arg11 : memref<!tpu.dma_semaphore, #tpu.memory_space<semaphore_mem>>) src(%dma_wait3A_565 : memref<200x64xf32, #tpu.memory_space<hbm>>) dst(%arg7 : memref<200x64xf32, #tpu.memory_space<vmem>>)
        %add3A_566 = arith.constant 4400 : i32
        %add3A_567 = arith.addi %add3A_21, %add3A_566 : i32
        %dma_start3A_568 = arith.constant 0 : i32
        %dma_start3A_569 = tpu.memref_slice %arg4[%add3A_567, %dma_start3A_568] : memref<200000x64xf32, #tpu.memory_space<hbm>> -> memref<200x64xf32, #tpu.memory_space<hbm>>
        %dma_start3A_570 = arith.constant 0 : i32
        %dma_start3A_571 = tpu.memref_slice %arg4[%add3A_567, %dma_start3A_570] : memref<200000x64xf32, #tpu.memory_space<hbm>> -> memref<200x64xf32, #tpu.memory_space<hbm>>
        tpu.enqueue_dma source(%arg7 : memref<200x64xf32, #tpu.memory_space<vmem>>) target(%dma_start3A_571 : memref<200x64xf32, #tpu.memory_space<hbm>>) target_semaphore(%arg15 : memref<!tpu.dma_semaphore, #tpu.memory_space<semaphore_mem>>)
        %add3A_572 = arith.constant 4200 : i32
        %add3A_573 = arith.addi %add3A_21, %add3A_572 : i32
        %dma_wait3A_574 = arith.constant 0 : i32
        %dma_wait3A_575 = tpu.memref_slice %arg4[%add3A_573, %dma_wait3A_574] : memref<200000x64xf32, #tpu.memory_space<hbm>> -> memref<200x64xf32, #tpu.memory_space<hbm>>
        %dma_wait3A_576 = arith.constant 0 : i32
        %dma_wait3A_577 = tpu.memref_slice %arg4[%add3A_573, %dma_wait3A_576] : memref<200000x64xf32, #tpu.memory_space<hbm>> -> memref<200x64xf32, #tpu.memory_space<hbm>>
        tpu.wait_dma2 semaphore(%arg14 : memref<!tpu.dma_semaphore, #tpu.memory_space<semaphore_mem>>) src(%arg6 : memref<200x64xf32, #tpu.memory_space<vmem>>) dst(%dma_wait3A_577 : memref<200x64xf32, #tpu.memory_space<hbm>>)
        %add3A_578 = arith.constant 5000 : i32
        %add3A_579 = arith.addi %multiple_of3A, %add3A_578 : i32
        %dma_start3A_580 = arith.constant 0 : i32
        %dma_start3A_581 = tpu.memref_slice %arg3[%add3A_579, %dma_start3A_580] : memref<100000x64xf32, #tpu.memory_space<hbm>> -> memref<200x64xf32, #tpu.memory_space<hbm>>
        %dma_start3A_582 = arith.constant 0 : i32
        %dma_start3A_583 = tpu.memref_slice %arg3[%add3A_579, %dma_start3A_582] : memref<100000x64xf32, #tpu.memory_space<hbm>> -> memref<200x64xf32, #tpu.memory_space<hbm>>
        tpu.enqueue_dma source(%dma_start3A_583 : memref<200x64xf32, #tpu.memory_space<hbm>>) target(%arg6 : memref<200x64xf32, #tpu.memory_space<vmem>>) target_semaphore(%arg10 : memref<!tpu.dma_semaphore, #tpu.memory_space<semaphore_mem>>)
        %add3A_584 = arith.constant 4600 : i32
        %add3A_585 = arith.addi %multiple_of3A, %add3A_584 : i32
        %dma_wait3A_586 = arith.constant 0 : i32
        %dma_wait3A_587 = tpu.memref_slice %arg3[%add3A_585, %dma_wait3A_586] : memref<100000x64xf32, #tpu.memory_space<hbm>> -> memref<200x64xf32, #tpu.memory_space<hbm>>
        %dma_wait3A_588 = arith.constant 0 : i32
        %dma_wait3A_589 = tpu.memref_slice %arg3[%add3A_585, %dma_wait3A_588] : memref<100000x64xf32, #tpu.memory_space<hbm>> -> memref<200x64xf32, #tpu.memory_space<hbm>>
        tpu.wait_dma2 semaphore(%arg12 : memref<!tpu.dma_semaphore, #tpu.memory_space<semaphore_mem>>) src(%dma_wait3A_589 : memref<200x64xf32, #tpu.memory_space<hbm>>) dst(%arg8 : memref<200x64xf32, #tpu.memory_space<vmem>>)
        %add3A_590 = arith.constant 4600 : i32
        %add3A_591 = arith.addi %add3A_21, %add3A_590 : i32
        %dma_start3A_592 = arith.constant 0 : i32
        %dma_start3A_593 = tpu.memref_slice %arg4[%add3A_591, %dma_start3A_592] : memref<200000x64xf32, #tpu.memory_space<hbm>> -> memref<200x64xf32, #tpu.memory_space<hbm>>
        %dma_start3A_594 = arith.constant 0 : i32
        %dma_start3A_595 = tpu.memref_slice %arg4[%add3A_591, %dma_start3A_594] : memref<200000x64xf32, #tpu.memory_space<hbm>> -> memref<200x64xf32, #tpu.memory_space<hbm>>
        tpu.enqueue_dma source(%arg8 : memref<200x64xf32, #tpu.memory_space<vmem>>) target(%dma_start3A_595 : memref<200x64xf32, #tpu.memory_space<hbm>>) target_semaphore(%arg16 : memref<!tpu.dma_semaphore, #tpu.memory_space<semaphore_mem>>)
        %add3A_596 = arith.constant 4400 : i32
        %add3A_597 = arith.addi %add3A_21, %add3A_596 : i32
        %dma_wait3A_598 = arith.constant 0 : i32
        %dma_wait3A_599 = tpu.memref_slice %arg4[%add3A_597, %dma_wait3A_598] : memref<200000x64xf32, #tpu.memory_space<hbm>> -> memref<200x64xf32, #tpu.memory_space<hbm>>
        %dma_wait3A_600 = arith.constant 0 : i32
        %dma_wait3A_601 = tpu.memref_slice %arg4[%add3A_597, %dma_wait3A_600] : memref<200000x64xf32, #tpu.memory_space<hbm>> -> memref<200x64xf32, #tpu.memory_space<hbm>>
        tpu.wait_dma2 semaphore(%arg15 : memref<!tpu.dma_semaphore, #tpu.memory_space<semaphore_mem>>) src(%arg7 : memref<200x64xf32, #tpu.memory_space<vmem>>) dst(%dma_wait3A_601 : memref<200x64xf32, #tpu.memory_space<hbm>>)
        %add3A_602 = arith.constant 5200 : i32
        %add3A_603 = arith.addi %multiple_of3A, %add3A_602 : i32
        %dma_start3A_604 = arith.constant 0 : i32
        %dma_start3A_605 = tpu.memref_slice %arg3[%add3A_603, %dma_start3A_604] : memref<100000x64xf32, #tpu.memory_space<hbm>> -> memref<200x64xf32, #tpu.memory_space<hbm>>
        %dma_start3A_606 = arith.constant 0 : i32
        %dma_start3A_607 = tpu.memref_slice %arg3[%add3A_603, %dma_start3A_606] : memref<100000x64xf32, #tpu.memory_space<hbm>> -> memref<200x64xf32, #tpu.memory_space<hbm>>
        tpu.enqueue_dma source(%dma_start3A_607 : memref<200x64xf32, #tpu.memory_space<hbm>>) target(%arg7 : memref<200x64xf32, #tpu.memory_space<vmem>>) target_semaphore(%arg11 : memref<!tpu.dma_semaphore, #tpu.memory_space<semaphore_mem>>)
        %add3A_608 = arith.constant 4800 : i32
        %add3A_609 = arith.addi %multiple_of3A, %add3A_608 : i32
        %dma_wait3A_610 = arith.constant 0 : i32
        %dma_wait3A_611 = tpu.memref_slice %arg3[%add3A_609, %dma_wait3A_610] : memref<100000x64xf32, #tpu.memory_space<hbm>> -> memref<200x64xf32, #tpu.memory_space<hbm>>
        %dma_wait3A_612 = arith.constant 0 : i32
        %dma_wait3A_613 = tpu.memref_slice %arg3[%add3A_609, %dma_wait3A_612] : memref<100000x64xf32, #tpu.memory_space<hbm>> -> memref<200x64xf32, #tpu.memory_space<hbm>>
        tpu.wait_dma2 semaphore(%arg9 : memref<!tpu.dma_semaphore, #tpu.memory_space<semaphore_mem>>) src(%dma_wait3A_613 : memref<200x64xf32, #tpu.memory_space<hbm>>) dst(%arg5 : memref<200x64xf32, #tpu.memory_space<vmem>>)
        %add3A_614 = arith.constant 4800 : i32
        %add3A_615 = arith.addi %add3A_21, %add3A_614 : i32
        %dma_start3A_616 = arith.constant 0 : i32
        %dma_start3A_617 = tpu.memref_slice %arg4[%add3A_615, %dma_start3A_616] : memref<200000x64xf32, #tpu.memory_space<hbm>> -> memref<200x64xf32, #tpu.memory_space<hbm>>
        %dma_start3A_618 = arith.constant 0 : i32
        %dma_start3A_619 = tpu.memref_slice %arg4[%add3A_615, %dma_start3A_618] : memref<200000x64xf32, #tpu.memory_space<hbm>> -> memref<200x64xf32, #tpu.memory_space<hbm>>
        tpu.enqueue_dma source(%arg5 : memref<200x64xf32, #tpu.memory_space<vmem>>) target(%dma_start3A_619 : memref<200x64xf32, #tpu.memory_space<hbm>>) target_semaphore(%arg13 : memref<!tpu.dma_semaphore, #tpu.memory_space<semaphore_mem>>)
        %add3A_620 = arith.constant 4600 : i32
        %add3A_621 = arith.addi %add3A_21, %add3A_620 : i32
        %dma_wait3A_622 = arith.constant 0 : i32
        %dma_wait3A_623 = tpu.memref_slice %arg4[%add3A_621, %dma_wait3A_622] : memref<200000x64xf32, #tpu.memory_space<hbm>> -> memref<200x64xf32, #tpu.memory_space<hbm>>
        %dma_wait3A_624 = arith.constant 0 : i32
        %dma_wait3A_625 = tpu.memref_slice %arg4[%add3A_621, %dma_wait3A_624] : memref<200000x64xf32, #tpu.memory_space<hbm>> -> memref<200x64xf32, #tpu.memory_space<hbm>>
        tpu.wait_dma2 semaphore(%arg16 : memref<!tpu.dma_semaphore, #tpu.memory_space<semaphore_mem>>) src(%arg8 : memref<200x64xf32, #tpu.memory_space<vmem>>) dst(%dma_wait3A_625 : memref<200x64xf32, #tpu.memory_space<hbm>>)
        %add3A_626 = arith.constant 5400 : i32
        %add3A_627 = arith.addi %multiple_of3A, %add3A_626 : i32
        %dma_start3A_628 = arith.constant 0 : i32
        %dma_start3A_629 = tpu.memref_slice %arg3[%add3A_627, %dma_start3A_628] : memref<100000x64xf32, #tpu.memory_space<hbm>> -> memref<200x64xf32, #tpu.memory_space<hbm>>
        %dma_start3A_630 = arith.constant 0 : i32
        %dma_start3A_631 = tpu.memref_slice %arg3[%add3A_627, %dma_start3A_630] : memref<100000x64xf32, #tpu.memory_space<hbm>> -> memref<200x64xf32, #tpu.memory_space<hbm>>
        tpu.enqueue_dma source(%dma_start3A_631 : memref<200x64xf32, #tpu.memory_space<hbm>>) target(%arg8 : memref<200x64xf32, #tpu.memory_space<vmem>>) target_semaphore(%arg12 : memref<!tpu.dma_semaphore, #tpu.memory_space<semaphore_mem>>)
        %add3A_632 = arith.constant 5000 : i32
        %add3A_633 = arith.addi %multiple_of3A, %add3A_632 : i32
        %dma_wait3A_634 = arith.constant 0 : i32
        %dma_wait3A_635 = tpu.memref_slice %arg3[%add3A_633, %dma_wait3A_634] : memref<100000x64xf32, #tpu.memory_space<hbm>> -> memref<200x64xf32, #tpu.memory_space<hbm>>
        %dma_wait3A_636 = arith.constant 0 : i32
        %dma_wait3A_637 = tpu.memref_slice %arg3[%add3A_633, %dma_wait3A_636] : memref<100000x64xf32, #tpu.memory_space<hbm>> -> memref<200x64xf32, #tpu.memory_space<hbm>>
        tpu.wait_dma2 semaphore(%arg10 : memref<!tpu.dma_semaphore, #tpu.memory_space<semaphore_mem>>) src(%dma_wait3A_637 : memref<200x64xf32, #tpu.memory_space<hbm>>) dst(%arg6 : memref<200x64xf32, #tpu.memory_space<vmem>>)
        %add3A_638 = arith.constant 5000 : i32
        %add3A_639 = arith.addi %add3A_21, %add3A_638 : i32
        %dma_start3A_640 = arith.constant 0 : i32
        %dma_start3A_641 = tpu.memref_slice %arg4[%add3A_639, %dma_start3A_640] : memref<200000x64xf32, #tpu.memory_space<hbm>> -> memref<200x64xf32, #tpu.memory_space<hbm>>
        %dma_start3A_642 = arith.constant 0 : i32
        %dma_start3A_643 = tpu.memref_slice %arg4[%add3A_639, %dma_start3A_642] : memref<200000x64xf32, #tpu.memory_space<hbm>> -> memref<200x64xf32, #tpu.memory_space<hbm>>
        tpu.enqueue_dma source(%arg6 : memref<200x64xf32, #tpu.memory_space<vmem>>) target(%dma_start3A_643 : memref<200x64xf32, #tpu.memory_space<hbm>>) target_semaphore(%arg14 : memref<!tpu.dma_semaphore, #tpu.memory_space<semaphore_mem>>)
        %add3A_644 = arith.constant 4800 : i32
        %add3A_645 = arith.addi %add3A_21, %add3A_644 : i32
        %dma_wait3A_646 = arith.constant 0 : i32
        %dma_wait3A_647 = tpu.memref_slice %arg4[%add3A_645, %dma_wait3A_646] : memref<200000x64xf32, #tpu.memory_space<hbm>> -> memref<200x64xf32, #tpu.memory_space<hbm>>
        %dma_wait3A_648 = arith.constant 0 : i32
        %dma_wait3A_649 = tpu.memref_slice %arg4[%add3A_645, %dma_wait3A_648] : memref<200000x64xf32, #tpu.memory_space<hbm>> -> memref<200x64xf32, #tpu.memory_space<hbm>>
        tpu.wait_dma2 semaphore(%arg13 : memref<!tpu.dma_semaphore, #tpu.memory_space<semaphore_mem>>) src(%arg5 : memref<200x64xf32, #tpu.memory_space<vmem>>) dst(%dma_wait3A_649 : memref<200x64xf32, #tpu.memory_space<hbm>>)
        %add3A_650 = arith.constant 5600 : i32
        %add3A_651 = arith.addi %multiple_of3A, %add3A_650 : i32
        %dma_start3A_652 = arith.constant 0 : i32
        %dma_start3A_653 = tpu.memref_slice %arg3[%add3A_651, %dma_start3A_652] : memref<100000x64xf32, #tpu.memory_space<hbm>> -> memref<200x64xf32, #tpu.memory_space<hbm>>
        %dma_start3A_654 = arith.constant 0 : i32
        %dma_start3A_655 = tpu.memref_slice %arg3[%add3A_651, %dma_start3A_654] : memref<100000x64xf32, #tpu.memory_space<hbm>> -> memref<200x64xf32, #tpu.memory_space<hbm>>
        tpu.enqueue_dma source(%dma_start3A_655 : memref<200x64xf32, #tpu.memory_space<hbm>>) target(%arg5 : memref<200x64xf32, #tpu.memory_space<vmem>>) target_semaphore(%arg9 : memref<!tpu.dma_semaphore, #tpu.memory_space<semaphore_mem>>)
        %add3A_656 = arith.constant 5200 : i32
        %add3A_657 = arith.addi %multiple_of3A, %add3A_656 : i32
        %dma_wait3A_658 = arith.constant 0 : i32
        %dma_wait3A_659 = tpu.memref_slice %arg3[%add3A_657, %dma_wait3A_658] : memref<100000x64xf32, #tpu.memory_space<hbm>> -> memref<200x64xf32, #tpu.memory_space<hbm>>
        %dma_wait3A_660 = arith.constant 0 : i32
        %dma_wait3A_661 = tpu.memref_slice %arg3[%add3A_657, %dma_wait3A_660] : memref<100000x64xf32, #tpu.memory_space<hbm>> -> memref<200x64xf32, #tpu.memory_space<hbm>>
        tpu.wait_dma2 semaphore(%arg11 : memref<!tpu.dma_semaphore, #tpu.memory_space<semaphore_mem>>) src(%dma_wait3A_661 : memref<200x64xf32, #tpu.memory_space<hbm>>) dst(%arg7 : memref<200x64xf32, #tpu.memory_space<vmem>>)
        %add3A_662 = arith.constant 5200 : i32
        %add3A_663 = arith.addi %add3A_21, %add3A_662 : i32
        %dma_start3A_664 = arith.constant 0 : i32
        %dma_start3A_665 = tpu.memref_slice %arg4[%add3A_663, %dma_start3A_664] : memref<200000x64xf32, #tpu.memory_space<hbm>> -> memref<200x64xf32, #tpu.memory_space<hbm>>
        %dma_start3A_666 = arith.constant 0 : i32
        %dma_start3A_667 = tpu.memref_slice %arg4[%add3A_663, %dma_start3A_666] : memref<200000x64xf32, #tpu.memory_space<hbm>> -> memref<200x64xf32, #tpu.memory_space<hbm>>
        tpu.enqueue_dma source(%arg7 : memref<200x64xf32, #tpu.memory_space<vmem>>) target(%dma_start3A_667 : memref<200x64xf32, #tpu.memory_space<hbm>>) target_semaphore(%arg15 : memref<!tpu.dma_semaphore, #tpu.memory_space<semaphore_mem>>)
        %add3A_668 = arith.constant 5000 : i32
        %add3A_669 = arith.addi %add3A_21, %add3A_668 : i32
        %dma_wait3A_670 = arith.constant 0 : i32
        %dma_wait3A_671 = tpu.memref_slice %arg4[%add3A_669, %dma_wait3A_670] : memref<200000x64xf32, #tpu.memory_space<hbm>> -> memref<200x64xf32, #tpu.memory_space<hbm>>
        %dma_wait3A_672 = arith.constant 0 : i32
        %dma_wait3A_673 = tpu.memref_slice %arg4[%add3A_669, %dma_wait3A_672] : memref<200000x64xf32, #tpu.memory_space<hbm>> -> memref<200x64xf32, #tpu.memory_space<hbm>>
        tpu.wait_dma2 semaphore(%arg14 : memref<!tpu.dma_semaphore, #tpu.memory_space<semaphore_mem>>) src(%arg6 : memref<200x64xf32, #tpu.memory_space<vmem>>) dst(%dma_wait3A_673 : memref<200x64xf32, #tpu.memory_space<hbm>>)
        %add3A_674 = arith.constant 5800 : i32
        %add3A_675 = arith.addi %multiple_of3A, %add3A_674 : i32
        %dma_start3A_676 = arith.constant 0 : i32
        %dma_start3A_677 = tpu.memref_slice %arg3[%add3A_675, %dma_start3A_676] : memref<100000x64xf32, #tpu.memory_space<hbm>> -> memref<200x64xf32, #tpu.memory_space<hbm>>
        %dma_start3A_678 = arith.constant 0 : i32
        %dma_start3A_679 = tpu.memref_slice %arg3[%add3A_675, %dma_start3A_678] : memref<100000x64xf32, #tpu.memory_space<hbm>> -> memref<200x64xf32, #tpu.memory_space<hbm>>
        tpu.enqueue_dma source(%dma_start3A_679 : memref<200x64xf32, #tpu.memory_space<hbm>>) target(%arg6 : memref<200x64xf32, #tpu.memory_space<vmem>>) target_semaphore(%arg10 : memref<!tpu.dma_semaphore, #tpu.memory_space<semaphore_mem>>)
        %add3A_680 = arith.constant 5400 : i32
        %add3A_681 = arith.addi %multiple_of3A, %add3A_680 : i32
        %dma_wait3A_682 = arith.constant 0 : i32
        %dma_wait3A_683 = tpu.memref_slice %arg3[%add3A_681, %dma_wait3A_682] : memref<100000x64xf32, #tpu.memory_space<hbm>> -> memref<200x64xf32, #tpu.memory_space<hbm>>
        %dma_wait3A_684 = arith.constant 0 : i32
        %dma_wait3A_685 = tpu.memref_slice %arg3[%add3A_681, %dma_wait3A_684] : memref<100000x64xf32, #tpu.memory_space<hbm>> -> memref<200x64xf32, #tpu.memory_space<hbm>>
        tpu.wait_dma2 semaphore(%arg12 : memref<!tpu.dma_semaphore, #tpu.memory_space<semaphore_mem>>) src(%dma_wait3A_685 : memref<200x64xf32, #tpu.memory_space<hbm>>) dst(%arg8 : memref<200x64xf32, #tpu.memory_space<vmem>>)
        %add3A_686 = arith.constant 5400 : i32
        %add3A_687 = arith.addi %add3A_21, %add3A_686 : i32
        %dma_start3A_688 = arith.constant 0 : i32
        %dma_start3A_689 = tpu.memref_slice %arg4[%add3A_687, %dma_start3A_688] : memref<200000x64xf32, #tpu.memory_space<hbm>> -> memref<200x64xf32, #tpu.memory_space<hbm>>
        %dma_start3A_690 = arith.constant 0 : i32
        %dma_start3A_691 = tpu.memref_slice %arg4[%add3A_687, %dma_start3A_690] : memref<200000x64xf32, #tpu.memory_space<hbm>> -> memref<200x64xf32, #tpu.memory_space<hbm>>
        tpu.enqueue_dma source(%arg8 : memref<200x64xf32, #tpu.memory_space<vmem>>) target(%dma_start3A_691 : memref<200x64xf32, #tpu.memory_space<hbm>>) target_semaphore(%arg16 : memref<!tpu.dma_semaphore, #tpu.memory_space<semaphore_mem>>)
        %add3A_692 = arith.constant 5200 : i32
        %add3A_693 = arith.addi %add3A_21, %add3A_692 : i32
        %dma_wait3A_694 = arith.constant 0 : i32
        %dma_wait3A_695 = tpu.memref_slice %arg4[%add3A_693, %dma_wait3A_694] : memref<200000x64xf32, #tpu.memory_space<hbm>> -> memref<200x64xf32, #tpu.memory_space<hbm>>
        %dma_wait3A_696 = arith.constant 0 : i32
        %dma_wait3A_697 = tpu.memref_slice %arg4[%add3A_693, %dma_wait3A_696] : memref<200000x64xf32, #tpu.memory_space<hbm>> -> memref<200x64xf32, #tpu.memory_space<hbm>>
        tpu.wait_dma2 semaphore(%arg15 : memref<!tpu.dma_semaphore, #tpu.memory_space<semaphore_mem>>) src(%arg7 : memref<200x64xf32, #tpu.memory_space<vmem>>) dst(%dma_wait3A_697 : memref<200x64xf32, #tpu.memory_space<hbm>>)
        %add3A_698 = arith.constant 6000 : i32
        %add3A_699 = arith.addi %multiple_of3A, %add3A_698 : i32
        %dma_start3A_700 = arith.constant 0 : i32
        %dma_start3A_701 = tpu.memref_slice %arg3[%add3A_699, %dma_start3A_700] : memref<100000x64xf32, #tpu.memory_space<hbm>> -> memref<200x64xf32, #tpu.memory_space<hbm>>
        %dma_start3A_702 = arith.constant 0 : i32
        %dma_start3A_703 = tpu.memref_slice %arg3[%add3A_699, %dma_start3A_702] : memref<100000x64xf32, #tpu.memory_space<hbm>> -> memref<200x64xf32, #tpu.memory_space<hbm>>
        tpu.enqueue_dma source(%dma_start3A_703 : memref<200x64xf32, #tpu.memory_space<hbm>>) target(%arg7 : memref<200x64xf32, #tpu.memory_space<vmem>>) target_semaphore(%arg11 : memref<!tpu.dma_semaphore, #tpu.memory_space<semaphore_mem>>)
        %add3A_704 = arith.constant 5600 : i32
        %add3A_705 = arith.addi %multiple_of3A, %add3A_704 : i32
        %dma_wait3A_706 = arith.constant 0 : i32
        %dma_wait3A_707 = tpu.memref_slice %arg3[%add3A_705, %dma_wait3A_706] : memref<100000x64xf32, #tpu.memory_space<hbm>> -> memref<200x64xf32, #tpu.memory_space<hbm>>
        %dma_wait3A_708 = arith.constant 0 : i32
        %dma_wait3A_709 = tpu.memref_slice %arg3[%add3A_705, %dma_wait3A_708] : memref<100000x64xf32, #tpu.memory_space<hbm>> -> memref<200x64xf32, #tpu.memory_space<hbm>>
        tpu.wait_dma2 semaphore(%arg9 : memref<!tpu.dma_semaphore, #tpu.memory_space<semaphore_mem>>) src(%dma_wait3A_709 : memref<200x64xf32, #tpu.memory_space<hbm>>) dst(%arg5 : memref<200x64xf32, #tpu.memory_space<vmem>>)
        %add3A_710 = arith.constant 5600 : i32
        %add3A_711 = arith.addi %add3A_21, %add3A_710 : i32
        %dma_start3A_712 = arith.constant 0 : i32
        %dma_start3A_713 = tpu.memref_slice %arg4[%add3A_711, %dma_start3A_712] : memref<200000x64xf32, #tpu.memory_space<hbm>> -> memref<200x64xf32, #tpu.memory_space<hbm>>
        %dma_start3A_714 = arith.constant 0 : i32
        %dma_start3A_715 = tpu.memref_slice %arg4[%add3A_711, %dma_start3A_714] : memref<200000x64xf32, #tpu.memory_space<hbm>> -> memref<200x64xf32, #tpu.memory_space<hbm>>
        tpu.enqueue_dma source(%arg5 : memref<200x64xf32, #tpu.memory_space<vmem>>) target(%dma_start3A_715 : memref<200x64xf32, #tpu.memory_space<hbm>>) target_semaphore(%arg13 : memref<!tpu.dma_semaphore, #tpu.memory_space<semaphore_mem>>)
        %add3A_716 = arith.constant 5400 : i32
        %add3A_717 = arith.addi %add3A_21, %add3A_716 : i32
        %dma_wait3A_718 = arith.constant 0 : i32
        %dma_wait3A_719 = tpu.memref_slice %arg4[%add3A_717, %dma_wait3A_718] : memref<200000x64xf32, #tpu.memory_space<hbm>> -> memref<200x64xf32, #tpu.memory_space<hbm>>
        %dma_wait3A_720 = arith.constant 0 : i32
        %dma_wait3A_721 = tpu.memref_slice %arg4[%add3A_717, %dma_wait3A_720] : memref<200000x64xf32, #tpu.memory_space<hbm>> -> memref<200x64xf32, #tpu.memory_space<hbm>>
        tpu.wait_dma2 semaphore(%arg16 : memref<!tpu.dma_semaphore, #tpu.memory_space<semaphore_mem>>) src(%arg8 : memref<200x64xf32, #tpu.memory_space<vmem>>) dst(%dma_wait3A_721 : memref<200x64xf32, #tpu.memory_space<hbm>>)
        %add3A_722 = arith.constant 6200 : i32
        %add3A_723 = arith.addi %multiple_of3A, %add3A_722 : i32
        %dma_start3A_724 = arith.constant 0 : i32
        %dma_start3A_725 = tpu.memref_slice %arg3[%add3A_723, %dma_start3A_724] : memref<100000x64xf32, #tpu.memory_space<hbm>> -> memref<200x64xf32, #tpu.memory_space<hbm>>
        %dma_start3A_726 = arith.constant 0 : i32
        %dma_start3A_727 = tpu.memref_slice %arg3[%add3A_723, %dma_start3A_726] : memref<100000x64xf32, #tpu.memory_space<hbm>> -> memref<200x64xf32, #tpu.memory_space<hbm>>
        tpu.enqueue_dma source(%dma_start3A_727 : memref<200x64xf32, #tpu.memory_space<hbm>>) target(%arg8 : memref<200x64xf32, #tpu.memory_space<vmem>>) target_semaphore(%arg12 : memref<!tpu.dma_semaphore, #tpu.memory_space<semaphore_mem>>)
        %add3A_728 = arith.constant 5800 : i32
        %add3A_729 = arith.addi %multiple_of3A, %add3A_728 : i32
        %dma_wait3A_730 = arith.constant 0 : i32
        %dma_wait3A_731 = tpu.memref_slice %arg3[%add3A_729, %dma_wait3A_730] : memref<100000x64xf32, #tpu.memory_space<hbm>> -> memref<200x64xf32, #tpu.memory_space<hbm>>
        %dma_wait3A_732 = arith.constant 0 : i32
        %dma_wait3A_733 = tpu.memref_slice %arg3[%add3A_729, %dma_wait3A_732] : memref<100000x64xf32, #tpu.memory_space<hbm>> -> memref<200x64xf32, #tpu.memory_space<hbm>>
        tpu.wait_dma2 semaphore(%arg10 : memref<!tpu.dma_semaphore, #tpu.memory_space<semaphore_mem>>) src(%dma_wait3A_733 : memref<200x64xf32, #tpu.memory_space<hbm>>) dst(%arg6 : memref<200x64xf32, #tpu.memory_space<vmem>>)
        %add3A_734 = arith.constant 5800 : i32
        %add3A_735 = arith.addi %add3A_21, %add3A_734 : i32
        %dma_start3A_736 = arith.constant 0 : i32
        %dma_start3A_737 = tpu.memref_slice %arg4[%add3A_735, %dma_start3A_736] : memref<200000x64xf32, #tpu.memory_space<hbm>> -> memref<200x64xf32, #tpu.memory_space<hbm>>
        %dma_start3A_738 = arith.constant 0 : i32
        %dma_start3A_739 = tpu.memref_slice %arg4[%add3A_735, %dma_start3A_738] : memref<200000x64xf32, #tpu.memory_space<hbm>> -> memref<200x64xf32, #tpu.memory_space<hbm>>
        tpu.enqueue_dma source(%arg6 : memref<200x64xf32, #tpu.memory_space<vmem>>) target(%dma_start3A_739 : memref<200x64xf32, #tpu.memory_space<hbm>>) target_semaphore(%arg14 : memref<!tpu.dma_semaphore, #tpu.memory_space<semaphore_mem>>)
        %add3A_740 = arith.constant 6000 : i32
        %add3A_741 = arith.addi %multiple_of3A, %add3A_740 : i32
        %dma_wait3A_742 = arith.constant 0 : i32
        %dma_wait3A_743 = tpu.memref_slice %arg3[%add3A_741, %dma_wait3A_742] : memref<100000x64xf32, #tpu.memory_space<hbm>> -> memref<200x64xf32, #tpu.memory_space<hbm>>
        %dma_wait3A_744 = arith.constant 0 : i32
        %dma_wait3A_745 = tpu.memref_slice %arg3[%add3A_741, %dma_wait3A_744] : memref<100000x64xf32, #tpu.memory_space<hbm>> -> memref<200x64xf32, #tpu.memory_space<hbm>>
        tpu.wait_dma2 semaphore(%arg11 : memref<!tpu.dma_semaphore, #tpu.memory_space<semaphore_mem>>) src(%dma_wait3A_745 : memref<200x64xf32, #tpu.memory_space<hbm>>) dst(%arg7 : memref<200x64xf32, #tpu.memory_space<vmem>>)
        %add3A_746 = arith.constant 6000 : i32
        %add3A_747 = arith.addi %add3A_21, %add3A_746 : i32
        %dma_start3A_748 = arith.constant 0 : i32
        %dma_start3A_749 = tpu.memref_slice %arg4[%add3A_747, %dma_start3A_748] : memref<200000x64xf32, #tpu.memory_space<hbm>> -> memref<200x64xf32, #tpu.memory_space<hbm>>
        %dma_start3A_750 = arith.constant 0 : i32
        %dma_start3A_751 = tpu.memref_slice %arg4[%add3A_747, %dma_start3A_750] : memref<200000x64xf32, #tpu.memory_space<hbm>> -> memref<200x64xf32, #tpu.memory_space<hbm>>
        tpu.enqueue_dma source(%arg7 : memref<200x64xf32, #tpu.memory_space<vmem>>) target(%dma_start3A_751 : memref<200x64xf32, #tpu.memory_space<hbm>>) target_semaphore(%arg15 : memref<!tpu.dma_semaphore, #tpu.memory_space<semaphore_mem>>)
        %add3A_752 = arith.constant 6200 : i32
        %add3A_753 = arith.addi %multiple_of3A, %add3A_752 : i32
        %dma_wait3A_754 = arith.constant 0 : i32
        %dma_wait3A_755 = tpu.memref_slice %arg3[%add3A_753, %dma_wait3A_754] : memref<100000x64xf32, #tpu.memory_space<hbm>> -> memref<200x64xf32, #tpu.memory_space<hbm>>
        %dma_wait3A_756 = arith.constant 0 : i32
        %dma_wait3A_757 = tpu.memref_slice %arg3[%add3A_753, %dma_wait3A_756] : memref<100000x64xf32, #tpu.memory_space<hbm>> -> memref<200x64xf32, #tpu.memory_space<hbm>>
        tpu.wait_dma2 semaphore(%arg12 : memref<!tpu.dma_semaphore, #tpu.memory_space<semaphore_mem>>) src(%dma_wait3A_757 : memref<200x64xf32, #tpu.memory_space<hbm>>) dst(%arg8 : memref<200x64xf32, #tpu.memory_space<vmem>>)
        %add3A_758 = arith.constant 6200 : i32
        %add3A_759 = arith.addi %add3A_21, %add3A_758 : i32
        %dma_start3A_760 = arith.constant 0 : i32
        %dma_start3A_761 = tpu.memref_slice %arg4[%add3A_759, %dma_start3A_760] : memref<200000x64xf32, #tpu.memory_space<hbm>> -> memref<200x64xf32, #tpu.memory_space<hbm>>
        %dma_start3A_762 = arith.constant 0 : i32
        %dma_start3A_763 = tpu.memref_slice %arg4[%add3A_759, %dma_start3A_762] : memref<200000x64xf32, #tpu.memory_space<hbm>> -> memref<200x64xf32, #tpu.memory_space<hbm>>
        tpu.enqueue_dma source(%arg8 : memref<200x64xf32, #tpu.memory_space<vmem>>) target(%dma_start3A_763 : memref<200x64xf32, #tpu.memory_space<hbm>>) target_semaphore(%arg16 : memref<!tpu.dma_semaphore, #tpu.memory_space<semaphore_mem>>)
        %add3A_764 = arith.constant 5600 : i32
        %add3A_765 = arith.addi %add3A_21, %add3A_764 : i32
        %dma_wait3A_766 = arith.constant 0 : i32
        %dma_wait3A_767 = tpu.memref_slice %arg4[%add3A_765, %dma_wait3A_766] : memref<200000x64xf32, #tpu.memory_space<hbm>> -> memref<200x64xf32, #tpu.memory_space<hbm>>
        %dma_wait3A_768 = arith.constant 0 : i32
        %dma_wait3A_769 = tpu.memref_slice %arg4[%add3A_765, %dma_wait3A_768] : memref<200000x64xf32, #tpu.memory_space<hbm>> -> memref<200x64xf32, #tpu.memory_space<hbm>>
        tpu.wait_dma2 semaphore(%arg13 : memref<!tpu.dma_semaphore, #tpu.memory_space<semaphore_mem>>) src(%arg5 : memref<200x64xf32, #tpu.memory_space<vmem>>) dst(%dma_wait3A_769 : memref<200x64xf32, #tpu.memory_space<hbm>>)
        %add3A_770 = arith.constant 5800 : i32
        %add3A_771 = arith.addi %add3A_21, %add3A_770 : i32
        %dma_wait3A_772 = arith.constant 0 : i32
        %dma_wait3A_773 = tpu.memref_slice %arg4[%add3A_771, %dma_wait3A_772] : memref<200000x64xf32, #tpu.memory_space<hbm>> -> memref<200x64xf32, #tpu.memory_space<hbm>>
        %dma_wait3A_774 = arith.constant 0 : i32
        %dma_wait3A_775 = tpu.memref_slice %arg4[%add3A_771, %dma_wait3A_774] : memref<200000x64xf32, #tpu.memory_space<hbm>> -> memref<200x64xf32, #tpu.memory_space<hbm>>
        tpu.wait_dma2 semaphore(%arg14 : memref<!tpu.dma_semaphore, #tpu.memory_space<semaphore_mem>>) src(%arg6 : memref<200x64xf32, #tpu.memory_space<vmem>>) dst(%dma_wait3A_775 : memref<200x64xf32, #tpu.memory_space<hbm>>)
        %add3A_776 = arith.constant 6000 : i32
        %add3A_777 = arith.addi %add3A_21, %add3A_776 : i32
        %dma_wait3A_778 = arith.constant 0 : i32
        %dma_wait3A_779 = tpu.memref_slice %arg4[%add3A_777, %dma_wait3A_778] : memref<200000x64xf32, #tpu.memory_space<hbm>> -> memref<200x64xf32, #tpu.memory_space<hbm>>
        %dma_wait3A_780 = arith.constant 0 : i32
        %dma_wait3A_781 = tpu.memref_slice %arg4[%add3A_777, %dma_wait3A_780] : memref<200000x64xf32, #tpu.memory_space<hbm>> -> memref<200x64xf32, #tpu.memory_space<hbm>>
        tpu.wait_dma2 semaphore(%arg15 : memref<!tpu.dma_semaphore, #tpu.memory_space<semaphore_mem>>) src(%arg7 : memref<200x64xf32, #tpu.memory_space<vmem>>) dst(%dma_wait3A_781 : memref<200x64xf32, #tpu.memory_space<hbm>>)
        %add3A_782 = arith.constant 6200 : i32
        %add3A_783 = arith.addi %add3A_21, %add3A_782 : i32
        %dma_wait3A_784 = arith.constant 0 : i32
        %dma_wait3A_785 = tpu.memref_slice %arg4[%add3A_783, %dma_wait3A_784] : memref<200000x64xf32, #tpu.memory_space<hbm>> -> memref<200x64xf32, #tpu.memory_space<hbm>>
        %dma_wait3A_786 = arith.constant 0 : i32
        %dma_wait3A_787 = tpu.memref_slice %arg4[%add3A_783, %dma_wait3A_786] : memref<200000x64xf32, #tpu.memory_space<hbm>> -> memref<200x64xf32, #tpu.memory_space<hbm>>
        tpu.wait_dma2 semaphore(%arg16 : memref<!tpu.dma_semaphore, #tpu.memory_space<semaphore_mem>>) src(%arg8 : memref<200x64xf32, #tpu.memory_space<vmem>>) dst(%dma_wait3A_787 : memref<200x64xf32, #tpu.memory_space<hbm>>)
      } else {
      }
      %ge3A_13 = arith.constant 13 : i32
      %ge3A_14 = arith.cmpi sge, %sub3A_7, %ge3A_13 : i32
      %convert_element_type3A_15 = arith.extui %ge3A_14 : i1 to i32
      %cond3A_16 = arith.constant 0 : i32
      %cond3A_17 = arith.cmpi ne, %convert_element_type3A_15, %cond3A_16 : i32
      scf.if %cond3A_17 {
        %sub3A_18 = arith.constant 13 : i32
        %sub3A_19 = arith.subi %sub3A_7, %sub3A_18 : i32
        %mul3A_20 = arith.constant 5600 : i32
        %mul3A_21 = arith.muli %sub3A_19, %mul3A_20 : i32
        %add3A_22 = arith.constant 83200 : i32
        %add3A_23 = arith.addi %add3A_22, %mul3A_21 : i32
        %multiple_of3A = tpu.assume_multiple %add3A_23, 8 : i32
        %add3A_24 = arith.constant 100000 : i32
        %add3A_25 = arith.addi %add3A_24, %multiple_of3A : i32
        %add3A_26 = arith.constant 0 : i32
        %add3A_27 = arith.addi %multiple_of3A, %add3A_26 : i32
        %dma_start3A = arith.constant 0 : i32
        %dma_start3A_28 = tpu.memref_slice %arg3[%add3A_27, %dma_start3A] : memref<100000x64xf32, #tpu.memory_space<hbm>> -> memref<200x64xf32, #tpu.memory_space<hbm>>
        %dma_start3A_29 = arith.constant 0 : i32
        %dma_start3A_30 = tpu.memref_slice %arg3[%add3A_27, %dma_start3A_29] : memref<100000x64xf32, #tpu.memory_space<hbm>> -> memref<200x64xf32, #tpu.memory_space<hbm>>
        tpu.enqueue_dma source(%dma_start3A_30 : memref<200x64xf32, #tpu.memory_space<hbm>>) target(%arg5 : memref<200x64xf32, #tpu.memory_space<vmem>>) target_semaphore(%arg9 : memref<!tpu.dma_semaphore, #tpu.memory_space<semaphore_mem>>)
        %add3A_31 = arith.constant 200 : i32
        %add3A_32 = arith.addi %multiple_of3A, %add3A_31 : i32
        %dma_start3A_33 = arith.constant 0 : i32
        %dma_start3A_34 = tpu.memref_slice %arg3[%add3A_32, %dma_start3A_33] : memref<100000x64xf32, #tpu.memory_space<hbm>> -> memref<200x64xf32, #tpu.memory_space<hbm>>
        %dma_start3A_35 = arith.constant 0 : i32
        %dma_start3A_36 = tpu.memref_slice %arg3[%add3A_32, %dma_start3A_35] : memref<100000x64xf32, #tpu.memory_space<hbm>> -> memref<200x64xf32, #tpu.memory_space<hbm>>
        tpu.enqueue_dma source(%dma_start3A_36 : memref<200x64xf32, #tpu.memory_space<hbm>>) target(%arg6 : memref<200x64xf32, #tpu.memory_space<vmem>>) target_semaphore(%arg10 : memref<!tpu.dma_semaphore, #tpu.memory_space<semaphore_mem>>)
        %add3A_37 = arith.constant 400 : i32
        %add3A_38 = arith.addi %multiple_of3A, %add3A_37 : i32
        %dma_start3A_39 = arith.constant 0 : i32
        %dma_start3A_40 = tpu.memref_slice %arg3[%add3A_38, %dma_start3A_39] : memref<100000x64xf32, #tpu.memory_space<hbm>> -> memref<200x64xf32, #tpu.memory_space<hbm>>
        %dma_start3A_41 = arith.constant 0 : i32
        %dma_start3A_42 = tpu.memref_slice %arg3[%add3A_38, %dma_start3A_41] : memref<100000x64xf32, #tpu.memory_space<hbm>> -> memref<200x64xf32, #tpu.memory_space<hbm>>
        tpu.enqueue_dma source(%dma_start3A_42 : memref<200x64xf32, #tpu.memory_space<hbm>>) target(%arg7 : memref<200x64xf32, #tpu.memory_space<vmem>>) target_semaphore(%arg11 : memref<!tpu.dma_semaphore, #tpu.memory_space<semaphore_mem>>)
        %add3A_43 = arith.constant 0 : i32
        %add3A_44 = arith.addi %multiple_of3A, %add3A_43 : i32
        %dma_wait3A = arith.constant 0 : i32
        %dma_wait3A_45 = tpu.memref_slice %arg3[%add3A_44, %dma_wait3A] : memref<100000x64xf32, #tpu.memory_space<hbm>> -> memref<200x64xf32, #tpu.memory_space<hbm>>
        %dma_wait3A_46 = arith.constant 0 : i32
        %dma_wait3A_47 = tpu.memref_slice %arg3[%add3A_44, %dma_wait3A_46] : memref<100000x64xf32, #tpu.memory_space<hbm>> -> memref<200x64xf32, #tpu.memory_space<hbm>>
        tpu.wait_dma2 semaphore(%arg9 : memref<!tpu.dma_semaphore, #tpu.memory_space<semaphore_mem>>) src(%dma_wait3A_47 : memref<200x64xf32, #tpu.memory_space<hbm>>) dst(%arg5 : memref<200x64xf32, #tpu.memory_space<vmem>>)
        %add3A_48 = arith.constant 0 : i32
        %add3A_49 = arith.addi %add3A_25, %add3A_48 : i32
        %dma_start3A_50 = arith.constant 0 : i32
        %dma_start3A_51 = tpu.memref_slice %arg4[%add3A_49, %dma_start3A_50] : memref<200000x64xf32, #tpu.memory_space<hbm>> -> memref<200x64xf32, #tpu.memory_space<hbm>>
        %dma_start3A_52 = arith.constant 0 : i32
        %dma_start3A_53 = tpu.memref_slice %arg4[%add3A_49, %dma_start3A_52] : memref<200000x64xf32, #tpu.memory_space<hbm>> -> memref<200x64xf32, #tpu.memory_space<hbm>>
        tpu.enqueue_dma source(%arg5 : memref<200x64xf32, #tpu.memory_space<vmem>>) target(%dma_start3A_53 : memref<200x64xf32, #tpu.memory_space<hbm>>) target_semaphore(%arg13 : memref<!tpu.dma_semaphore, #tpu.memory_space<semaphore_mem>>)
        %add3A_54 = arith.constant 600 : i32
        %add3A_55 = arith.addi %multiple_of3A, %add3A_54 : i32
        %dma_start3A_56 = arith.constant 0 : i32
        %dma_start3A_57 = tpu.memref_slice %arg3[%add3A_55, %dma_start3A_56] : memref<100000x64xf32, #tpu.memory_space<hbm>> -> memref<200x64xf32, #tpu.memory_space<hbm>>
        %dma_start3A_58 = arith.constant 0 : i32
        %dma_start3A_59 = tpu.memref_slice %arg3[%add3A_55, %dma_start3A_58] : memref<100000x64xf32, #tpu.memory_space<hbm>> -> memref<200x64xf32, #tpu.memory_space<hbm>>
        tpu.enqueue_dma source(%dma_start3A_59 : memref<200x64xf32, #tpu.memory_space<hbm>>) target(%arg8 : memref<200x64xf32, #tpu.memory_space<vmem>>) target_semaphore(%arg12 : memref<!tpu.dma_semaphore, #tpu.memory_space<semaphore_mem>>)
        %add3A_60 = arith.constant 200 : i32
        %add3A_61 = arith.addi %multiple_of3A, %add3A_60 : i32
        %dma_wait3A_62 = arith.constant 0 : i32
        %dma_wait3A_63 = tpu.memref_slice %arg3[%add3A_61, %dma_wait3A_62] : memref<100000x64xf32, #tpu.memory_space<hbm>> -> memref<200x64xf32, #tpu.memory_space<hbm>>
        %dma_wait3A_64 = arith.constant 0 : i32
        %dma_wait3A_65 = tpu.memref_slice %arg3[%add3A_61, %dma_wait3A_64] : memref<100000x64xf32, #tpu.memory_space<hbm>> -> memref<200x64xf32, #tpu.memory_space<hbm>>
        tpu.wait_dma2 semaphore(%arg10 : memref<!tpu.dma_semaphore, #tpu.memory_space<semaphore_mem>>) src(%dma_wait3A_65 : memref<200x64xf32, #tpu.memory_space<hbm>>) dst(%arg6 : memref<200x64xf32, #tpu.memory_space<vmem>>)
        %add3A_66 = arith.constant 200 : i32
        %add3A_67 = arith.addi %add3A_25, %add3A_66 : i32
        %dma_start3A_68 = arith.constant 0 : i32
        %dma_start3A_69 = tpu.memref_slice %arg4[%add3A_67, %dma_start3A_68] : memref<200000x64xf32, #tpu.memory_space<hbm>> -> memref<200x64xf32, #tpu.memory_space<hbm>>
        %dma_start3A_70 = arith.constant 0 : i32
        %dma_start3A_71 = tpu.memref_slice %arg4[%add3A_67, %dma_start3A_70] : memref<200000x64xf32, #tpu.memory_space<hbm>> -> memref<200x64xf32, #tpu.memory_space<hbm>>
        tpu.enqueue_dma source(%arg6 : memref<200x64xf32, #tpu.memory_space<vmem>>) target(%dma_start3A_71 : memref<200x64xf32, #tpu.memory_space<hbm>>) target_semaphore(%arg14 : memref<!tpu.dma_semaphore, #tpu.memory_space<semaphore_mem>>)
        %add3A_72 = arith.constant 0 : i32
        %add3A_73 = arith.addi %add3A_25, %add3A_72 : i32
        %dma_wait3A_74 = arith.constant 0 : i32
        %dma_wait3A_75 = tpu.memref_slice %arg4[%add3A_73, %dma_wait3A_74] : memref<200000x64xf32, #tpu.memory_space<hbm>> -> memref<200x64xf32, #tpu.memory_space<hbm>>
        %dma_wait3A_76 = arith.constant 0 : i32
        %dma_wait3A_77 = tpu.memref_slice %arg4[%add3A_73, %dma_wait3A_76] : memref<200000x64xf32, #tpu.memory_space<hbm>> -> memref<200x64xf32, #tpu.memory_space<hbm>>
        tpu.wait_dma2 semaphore(%arg13 : memref<!tpu.dma_semaphore, #tpu.memory_space<semaphore_mem>>) src(%arg5 : memref<200x64xf32, #tpu.memory_space<vmem>>) dst(%dma_wait3A_77 : memref<200x64xf32, #tpu.memory_space<hbm>>)
        %add3A_78 = arith.constant 800 : i32
        %add3A_79 = arith.addi %multiple_of3A, %add3A_78 : i32
        %dma_start3A_80 = arith.constant 0 : i32
        %dma_start3A_81 = tpu.memref_slice %arg3[%add3A_79, %dma_start3A_80] : memref<100000x64xf32, #tpu.memory_space<hbm>> -> memref<200x64xf32, #tpu.memory_space<hbm>>
        %dma_start3A_82 = arith.constant 0 : i32
        %dma_start3A_83 = tpu.memref_slice %arg3[%add3A_79, %dma_start3A_82] : memref<100000x64xf32, #tpu.memory_space<hbm>> -> memref<200x64xf32, #tpu.memory_space<hbm>>
        tpu.enqueue_dma source(%dma_start3A_83 : memref<200x64xf32, #tpu.memory_space<hbm>>) target(%arg5 : memref<200x64xf32, #tpu.memory_space<vmem>>) target_semaphore(%arg9 : memref<!tpu.dma_semaphore, #tpu.memory_space<semaphore_mem>>)
        %add3A_84 = arith.constant 400 : i32
        %add3A_85 = arith.addi %multiple_of3A, %add3A_84 : i32
        %dma_wait3A_86 = arith.constant 0 : i32
        %dma_wait3A_87 = tpu.memref_slice %arg3[%add3A_85, %dma_wait3A_86] : memref<100000x64xf32, #tpu.memory_space<hbm>> -> memref<200x64xf32, #tpu.memory_space<hbm>>
        %dma_wait3A_88 = arith.constant 0 : i32
        %dma_wait3A_89 = tpu.memref_slice %arg3[%add3A_85, %dma_wait3A_88] : memref<100000x64xf32, #tpu.memory_space<hbm>> -> memref<200x64xf32, #tpu.memory_space<hbm>>
        tpu.wait_dma2 semaphore(%arg11 : memref<!tpu.dma_semaphore, #tpu.memory_space<semaphore_mem>>) src(%dma_wait3A_89 : memref<200x64xf32, #tpu.memory_space<hbm>>) dst(%arg7 : memref<200x64xf32, #tpu.memory_space<vmem>>)
        %add3A_90 = arith.constant 400 : i32
        %add3A_91 = arith.addi %add3A_25, %add3A_90 : i32
        %dma_start3A_92 = arith.constant 0 : i32
        %dma_start3A_93 = tpu.memref_slice %arg4[%add3A_91, %dma_start3A_92] : memref<200000x64xf32, #tpu.memory_space<hbm>> -> memref<200x64xf32, #tpu.memory_space<hbm>>
        %dma_start3A_94 = arith.constant 0 : i32
        %dma_start3A_95 = tpu.memref_slice %arg4[%add3A_91, %dma_start3A_94] : memref<200000x64xf32, #tpu.memory_space<hbm>> -> memref<200x64xf32, #tpu.memory_space<hbm>>
        tpu.enqueue_dma source(%arg7 : memref<200x64xf32, #tpu.memory_space<vmem>>) target(%dma_start3A_95 : memref<200x64xf32, #tpu.memory_space<hbm>>) target_semaphore(%arg15 : memref<!tpu.dma_semaphore, #tpu.memory_space<semaphore_mem>>)
        %add3A_96 = arith.constant 200 : i32
        %add3A_97 = arith.addi %add3A_25, %add3A_96 : i32
        %dma_wait3A_98 = arith.constant 0 : i32
        %dma_wait3A_99 = tpu.memref_slice %arg4[%add3A_97, %dma_wait3A_98] : memref<200000x64xf32, #tpu.memory_space<hbm>> -> memref<200x64xf32, #tpu.memory_space<hbm>>
        %dma_wait3A_100 = arith.constant 0 : i32
        %dma_wait3A_101 = tpu.memref_slice %arg4[%add3A_97, %dma_wait3A_100] : memref<200000x64xf32, #tpu.memory_space<hbm>> -> memref<200x64xf32, #tpu.memory_space<hbm>>
        tpu.wait_dma2 semaphore(%arg14 : memref<!tpu.dma_semaphore, #tpu.memory_space<semaphore_mem>>) src(%arg6 : memref<200x64xf32, #tpu.memory_space<vmem>>) dst(%dma_wait3A_101 : memref<200x64xf32, #tpu.memory_space<hbm>>)
        %add3A_102 = arith.constant 1000 : i32
        %add3A_103 = arith.addi %multiple_of3A, %add3A_102 : i32
        %dma_start3A_104 = arith.constant 0 : i32
        %dma_start3A_105 = tpu.memref_slice %arg3[%add3A_103, %dma_start3A_104] : memref<100000x64xf32, #tpu.memory_space<hbm>> -> memref<200x64xf32, #tpu.memory_space<hbm>>
        %dma_start3A_106 = arith.constant 0 : i32
        %dma_start3A_107 = tpu.memref_slice %arg3[%add3A_103, %dma_start3A_106] : memref<100000x64xf32, #tpu.memory_space<hbm>> -> memref<200x64xf32, #tpu.memory_space<hbm>>
        tpu.enqueue_dma source(%dma_start3A_107 : memref<200x64xf32, #tpu.memory_space<hbm>>) target(%arg6 : memref<200x64xf32, #tpu.memory_space<vmem>>) target_semaphore(%arg10 : memref<!tpu.dma_semaphore, #tpu.memory_space<semaphore_mem>>)
        %add3A_108 = arith.constant 600 : i32
        %add3A_109 = arith.addi %multiple_of3A, %add3A_108 : i32
        %dma_wait3A_110 = arith.constant 0 : i32
        %dma_wait3A_111 = tpu.memref_slice %arg3[%add3A_109, %dma_wait3A_110] : memref<100000x64xf32, #tpu.memory_space<hbm>> -> memref<200x64xf32, #tpu.memory_space<hbm>>
        %dma_wait3A_112 = arith.constant 0 : i32
        %dma_wait3A_113 = tpu.memref_slice %arg3[%add3A_109, %dma_wait3A_112] : memref<100000x64xf32, #tpu.memory_space<hbm>> -> memref<200x64xf32, #tpu.memory_space<hbm>>
        tpu.wait_dma2 semaphore(%arg12 : memref<!tpu.dma_semaphore, #tpu.memory_space<semaphore_mem>>) src(%dma_wait3A_113 : memref<200x64xf32, #tpu.memory_space<hbm>>) dst(%arg8 : memref<200x64xf32, #tpu.memory_space<vmem>>)
        %add3A_114 = arith.constant 600 : i32
        %add3A_115 = arith.addi %add3A_25, %add3A_114 : i32
        %dma_start3A_116 = arith.constant 0 : i32
        %dma_start3A_117 = tpu.memref_slice %arg4[%add3A_115, %dma_start3A_116] : memref<200000x64xf32, #tpu.memory_space<hbm>> -> memref<200x64xf32, #tpu.memory_space<hbm>>
        %dma_start3A_118 = arith.constant 0 : i32
        %dma_start3A_119 = tpu.memref_slice %arg4[%add3A_115, %dma_start3A_118] : memref<200000x64xf32, #tpu.memory_space<hbm>> -> memref<200x64xf32, #tpu.memory_space<hbm>>
        tpu.enqueue_dma source(%arg8 : memref<200x64xf32, #tpu.memory_space<vmem>>) target(%dma_start3A_119 : memref<200x64xf32, #tpu.memory_space<hbm>>) target_semaphore(%arg16 : memref<!tpu.dma_semaphore, #tpu.memory_space<semaphore_mem>>)
        %add3A_120 = arith.constant 400 : i32
        %add3A_121 = arith.addi %add3A_25, %add3A_120 : i32
        %dma_wait3A_122 = arith.constant 0 : i32
        %dma_wait3A_123 = tpu.memref_slice %arg4[%add3A_121, %dma_wait3A_122] : memref<200000x64xf32, #tpu.memory_space<hbm>> -> memref<200x64xf32, #tpu.memory_space<hbm>>
        %dma_wait3A_124 = arith.constant 0 : i32
        %dma_wait3A_125 = tpu.memref_slice %arg4[%add3A_121, %dma_wait3A_124] : memref<200000x64xf32, #tpu.memory_space<hbm>> -> memref<200x64xf32, #tpu.memory_space<hbm>>
        tpu.wait_dma2 semaphore(%arg15 : memref<!tpu.dma_semaphore, #tpu.memory_space<semaphore_mem>>) src(%arg7 : memref<200x64xf32, #tpu.memory_space<vmem>>) dst(%dma_wait3A_125 : memref<200x64xf32, #tpu.memory_space<hbm>>)
        %add3A_126 = arith.constant 1200 : i32
        %add3A_127 = arith.addi %multiple_of3A, %add3A_126 : i32
        %dma_start3A_128 = arith.constant 0 : i32
        %dma_start3A_129 = tpu.memref_slice %arg3[%add3A_127, %dma_start3A_128] : memref<100000x64xf32, #tpu.memory_space<hbm>> -> memref<200x64xf32, #tpu.memory_space<hbm>>
        %dma_start3A_130 = arith.constant 0 : i32
        %dma_start3A_131 = tpu.memref_slice %arg3[%add3A_127, %dma_start3A_130] : memref<100000x64xf32, #tpu.memory_space<hbm>> -> memref<200x64xf32, #tpu.memory_space<hbm>>
        tpu.enqueue_dma source(%dma_start3A_131 : memref<200x64xf32, #tpu.memory_space<hbm>>) target(%arg7 : memref<200x64xf32, #tpu.memory_space<vmem>>) target_semaphore(%arg11 : memref<!tpu.dma_semaphore, #tpu.memory_space<semaphore_mem>>)
        %add3A_132 = arith.constant 800 : i32
        %add3A_133 = arith.addi %multiple_of3A, %add3A_132 : i32
        %dma_wait3A_134 = arith.constant 0 : i32
        %dma_wait3A_135 = tpu.memref_slice %arg3[%add3A_133, %dma_wait3A_134] : memref<100000x64xf32, #tpu.memory_space<hbm>> -> memref<200x64xf32, #tpu.memory_space<hbm>>
        %dma_wait3A_136 = arith.constant 0 : i32
        %dma_wait3A_137 = tpu.memref_slice %arg3[%add3A_133, %dma_wait3A_136] : memref<100000x64xf32, #tpu.memory_space<hbm>> -> memref<200x64xf32, #tpu.memory_space<hbm>>
        tpu.wait_dma2 semaphore(%arg9 : memref<!tpu.dma_semaphore, #tpu.memory_space<semaphore_mem>>) src(%dma_wait3A_137 : memref<200x64xf32, #tpu.memory_space<hbm>>) dst(%arg5 : memref<200x64xf32, #tpu.memory_space<vmem>>)
        %add3A_138 = arith.constant 800 : i32
        %add3A_139 = arith.addi %add3A_25, %add3A_138 : i32
        %dma_start3A_140 = arith.constant 0 : i32
        %dma_start3A_141 = tpu.memref_slice %arg4[%add3A_139, %dma_start3A_140] : memref<200000x64xf32, #tpu.memory_space<hbm>> -> memref<200x64xf32, #tpu.memory_space<hbm>>
        %dma_start3A_142 = arith.constant 0 : i32
        %dma_start3A_143 = tpu.memref_slice %arg4[%add3A_139, %dma_start3A_142] : memref<200000x64xf32, #tpu.memory_space<hbm>> -> memref<200x64xf32, #tpu.memory_space<hbm>>
        tpu.enqueue_dma source(%arg5 : memref<200x64xf32, #tpu.memory_space<vmem>>) target(%dma_start3A_143 : memref<200x64xf32, #tpu.memory_space<hbm>>) target_semaphore(%arg13 : memref<!tpu.dma_semaphore, #tpu.memory_space<semaphore_mem>>)
        %add3A_144 = arith.constant 600 : i32
        %add3A_145 = arith.addi %add3A_25, %add3A_144 : i32
        %dma_wait3A_146 = arith.constant 0 : i32
        %dma_wait3A_147 = tpu.memref_slice %arg4[%add3A_145, %dma_wait3A_146] : memref<200000x64xf32, #tpu.memory_space<hbm>> -> memref<200x64xf32, #tpu.memory_space<hbm>>
        %dma_wait3A_148 = arith.constant 0 : i32
        %dma_wait3A_149 = tpu.memref_slice %arg4[%add3A_145, %dma_wait3A_148] : memref<200000x64xf32, #tpu.memory_space<hbm>> -> memref<200x64xf32, #tpu.memory_space<hbm>>
        tpu.wait_dma2 semaphore(%arg16 : memref<!tpu.dma_semaphore, #tpu.memory_space<semaphore_mem>>) src(%arg8 : memref<200x64xf32, #tpu.memory_space<vmem>>) dst(%dma_wait3A_149 : memref<200x64xf32, #tpu.memory_space<hbm>>)
        %add3A_150 = arith.constant 1400 : i32
        %add3A_151 = arith.addi %multiple_of3A, %add3A_150 : i32
        %dma_start3A_152 = arith.constant 0 : i32
        %dma_start3A_153 = tpu.memref_slice %arg3[%add3A_151, %dma_start3A_152] : memref<100000x64xf32, #tpu.memory_space<hbm>> -> memref<200x64xf32, #tpu.memory_space<hbm>>
        %dma_start3A_154 = arith.constant 0 : i32
        %dma_start3A_155 = tpu.memref_slice %arg3[%add3A_151, %dma_start3A_154] : memref<100000x64xf32, #tpu.memory_space<hbm>> -> memref<200x64xf32, #tpu.memory_space<hbm>>
        tpu.enqueue_dma source(%dma_start3A_155 : memref<200x64xf32, #tpu.memory_space<hbm>>) target(%arg8 : memref<200x64xf32, #tpu.memory_space<vmem>>) target_semaphore(%arg12 : memref<!tpu.dma_semaphore, #tpu.memory_space<semaphore_mem>>)
        %add3A_156 = arith.constant 1000 : i32
        %add3A_157 = arith.addi %multiple_of3A, %add3A_156 : i32
        %dma_wait3A_158 = arith.constant 0 : i32
        %dma_wait3A_159 = tpu.memref_slice %arg3[%add3A_157, %dma_wait3A_158] : memref<100000x64xf32, #tpu.memory_space<hbm>> -> memref<200x64xf32, #tpu.memory_space<hbm>>
        %dma_wait3A_160 = arith.constant 0 : i32
        %dma_wait3A_161 = tpu.memref_slice %arg3[%add3A_157, %dma_wait3A_160] : memref<100000x64xf32, #tpu.memory_space<hbm>> -> memref<200x64xf32, #tpu.memory_space<hbm>>
        tpu.wait_dma2 semaphore(%arg10 : memref<!tpu.dma_semaphore, #tpu.memory_space<semaphore_mem>>) src(%dma_wait3A_161 : memref<200x64xf32, #tpu.memory_space<hbm>>) dst(%arg6 : memref<200x64xf32, #tpu.memory_space<vmem>>)
        %add3A_162 = arith.constant 1000 : i32
        %add3A_163 = arith.addi %add3A_25, %add3A_162 : i32
        %dma_start3A_164 = arith.constant 0 : i32
        %dma_start3A_165 = tpu.memref_slice %arg4[%add3A_163, %dma_start3A_164] : memref<200000x64xf32, #tpu.memory_space<hbm>> -> memref<200x64xf32, #tpu.memory_space<hbm>>
        %dma_start3A_166 = arith.constant 0 : i32
        %dma_start3A_167 = tpu.memref_slice %arg4[%add3A_163, %dma_start3A_166] : memref<200000x64xf32, #tpu.memory_space<hbm>> -> memref<200x64xf32, #tpu.memory_space<hbm>>
        tpu.enqueue_dma source(%arg6 : memref<200x64xf32, #tpu.memory_space<vmem>>) target(%dma_start3A_167 : memref<200x64xf32, #tpu.memory_space<hbm>>) target_semaphore(%arg14 : memref<!tpu.dma_semaphore, #tpu.memory_space<semaphore_mem>>)
        %add3A_168 = arith.constant 800 : i32
        %add3A_169 = arith.addi %add3A_25, %add3A_168 : i32
        %dma_wait3A_170 = arith.constant 0 : i32
        %dma_wait3A_171 = tpu.memref_slice %arg4[%add3A_169, %dma_wait3A_170] : memref<200000x64xf32, #tpu.memory_space<hbm>> -> memref<200x64xf32, #tpu.memory_space<hbm>>
        %dma_wait3A_172 = arith.constant 0 : i32
        %dma_wait3A_173 = tpu.memref_slice %arg4[%add3A_169, %dma_wait3A_172] : memref<200000x64xf32, #tpu.memory_space<hbm>> -> memref<200x64xf32, #tpu.memory_space<hbm>>
        tpu.wait_dma2 semaphore(%arg13 : memref<!tpu.dma_semaphore, #tpu.memory_space<semaphore_mem>>) src(%arg5 : memref<200x64xf32, #tpu.memory_space<vmem>>) dst(%dma_wait3A_173 : memref<200x64xf32, #tpu.memory_space<hbm>>)
        %add3A_174 = arith.constant 1600 : i32
        %add3A_175 = arith.addi %multiple_of3A, %add3A_174 : i32
        %dma_start3A_176 = arith.constant 0 : i32
        %dma_start3A_177 = tpu.memref_slice %arg3[%add3A_175, %dma_start3A_176] : memref<100000x64xf32, #tpu.memory_space<hbm>> -> memref<200x64xf32, #tpu.memory_space<hbm>>
        %dma_start3A_178 = arith.constant 0 : i32
        %dma_start3A_179 = tpu.memref_slice %arg3[%add3A_175, %dma_start3A_178] : memref<100000x64xf32, #tpu.memory_space<hbm>> -> memref<200x64xf32, #tpu.memory_space<hbm>>
        tpu.enqueue_dma source(%dma_start3A_179 : memref<200x64xf32, #tpu.memory_space<hbm>>) target(%arg5 : memref<200x64xf32, #tpu.memory_space<vmem>>) target_semaphore(%arg9 : memref<!tpu.dma_semaphore, #tpu.memory_space<semaphore_mem>>)
        %add3A_180 = arith.constant 1200 : i32
        %add3A_181 = arith.addi %multiple_of3A, %add3A_180 : i32
        %dma_wait3A_182 = arith.constant 0 : i32
        %dma_wait3A_183 = tpu.memref_slice %arg3[%add3A_181, %dma_wait3A_182] : memref<100000x64xf32, #tpu.memory_space<hbm>> -> memref<200x64xf32, #tpu.memory_space<hbm>>
        %dma_wait3A_184 = arith.constant 0 : i32
        %dma_wait3A_185 = tpu.memref_slice %arg3[%add3A_181, %dma_wait3A_184] : memref<100000x64xf32, #tpu.memory_space<hbm>> -> memref<200x64xf32, #tpu.memory_space<hbm>>
        tpu.wait_dma2 semaphore(%arg11 : memref<!tpu.dma_semaphore, #tpu.memory_space<semaphore_mem>>) src(%dma_wait3A_185 : memref<200x64xf32, #tpu.memory_space<hbm>>) dst(%arg7 : memref<200x64xf32, #tpu.memory_space<vmem>>)
        %add3A_186 = arith.constant 1200 : i32
        %add3A_187 = arith.addi %add3A_25, %add3A_186 : i32
        %dma_start3A_188 = arith.constant 0 : i32
        %dma_start3A_189 = tpu.memref_slice %arg4[%add3A_187, %dma_start3A_188] : memref<200000x64xf32, #tpu.memory_space<hbm>> -> memref<200x64xf32, #tpu.memory_space<hbm>>
        %dma_start3A_190 = arith.constant 0 : i32
        %dma_start3A_191 = tpu.memref_slice %arg4[%add3A_187, %dma_start3A_190] : memref<200000x64xf32, #tpu.memory_space<hbm>> -> memref<200x64xf32, #tpu.memory_space<hbm>>
        tpu.enqueue_dma source(%arg7 : memref<200x64xf32, #tpu.memory_space<vmem>>) target(%dma_start3A_191 : memref<200x64xf32, #tpu.memory_space<hbm>>) target_semaphore(%arg15 : memref<!tpu.dma_semaphore, #tpu.memory_space<semaphore_mem>>)
        %add3A_192 = arith.constant 1000 : i32
        %add3A_193 = arith.addi %add3A_25, %add3A_192 : i32
        %dma_wait3A_194 = arith.constant 0 : i32
        %dma_wait3A_195 = tpu.memref_slice %arg4[%add3A_193, %dma_wait3A_194] : memref<200000x64xf32, #tpu.memory_space<hbm>> -> memref<200x64xf32, #tpu.memory_space<hbm>>
        %dma_wait3A_196 = arith.constant 0 : i32
        %dma_wait3A_197 = tpu.memref_slice %arg4[%add3A_193, %dma_wait3A_196] : memref<200000x64xf32, #tpu.memory_space<hbm>> -> memref<200x64xf32, #tpu.memory_space<hbm>>
        tpu.wait_dma2 semaphore(%arg14 : memref<!tpu.dma_semaphore, #tpu.memory_space<semaphore_mem>>) src(%arg6 : memref<200x64xf32, #tpu.memory_space<vmem>>) dst(%dma_wait3A_197 : memref<200x64xf32, #tpu.memory_space<hbm>>)
        %add3A_198 = arith.constant 1800 : i32
        %add3A_199 = arith.addi %multiple_of3A, %add3A_198 : i32
        %dma_start3A_200 = arith.constant 0 : i32
        %dma_start3A_201 = tpu.memref_slice %arg3[%add3A_199, %dma_start3A_200] : memref<100000x64xf32, #tpu.memory_space<hbm>> -> memref<200x64xf32, #tpu.memory_space<hbm>>
        %dma_start3A_202 = arith.constant 0 : i32
        %dma_start3A_203 = tpu.memref_slice %arg3[%add3A_199, %dma_start3A_202] : memref<100000x64xf32, #tpu.memory_space<hbm>> -> memref<200x64xf32, #tpu.memory_space<hbm>>
        tpu.enqueue_dma source(%dma_start3A_203 : memref<200x64xf32, #tpu.memory_space<hbm>>) target(%arg6 : memref<200x64xf32, #tpu.memory_space<vmem>>) target_semaphore(%arg10 : memref<!tpu.dma_semaphore, #tpu.memory_space<semaphore_mem>>)
        %add3A_204 = arith.constant 1400 : i32
        %add3A_205 = arith.addi %multiple_of3A, %add3A_204 : i32
        %dma_wait3A_206 = arith.constant 0 : i32
        %dma_wait3A_207 = tpu.memref_slice %arg3[%add3A_205, %dma_wait3A_206] : memref<100000x64xf32, #tpu.memory_space<hbm>> -> memref<200x64xf32, #tpu.memory_space<hbm>>
        %dma_wait3A_208 = arith.constant 0 : i32
        %dma_wait3A_209 = tpu.memref_slice %arg3[%add3A_205, %dma_wait3A_208] : memref<100000x64xf32, #tpu.memory_space<hbm>> -> memref<200x64xf32, #tpu.memory_space<hbm>>
        tpu.wait_dma2 semaphore(%arg12 : memref<!tpu.dma_semaphore, #tpu.memory_space<semaphore_mem>>) src(%dma_wait3A_209 : memref<200x64xf32, #tpu.memory_space<hbm>>) dst(%arg8 : memref<200x64xf32, #tpu.memory_space<vmem>>)
        %add3A_210 = arith.constant 1400 : i32
        %add3A_211 = arith.addi %add3A_25, %add3A_210 : i32
        %dma_start3A_212 = arith.constant 0 : i32
        %dma_start3A_213 = tpu.memref_slice %arg4[%add3A_211, %dma_start3A_212] : memref<200000x64xf32, #tpu.memory_space<hbm>> -> memref<200x64xf32, #tpu.memory_space<hbm>>
        %dma_start3A_214 = arith.constant 0 : i32
        %dma_start3A_215 = tpu.memref_slice %arg4[%add3A_211, %dma_start3A_214] : memref<200000x64xf32, #tpu.memory_space<hbm>> -> memref<200x64xf32, #tpu.memory_space<hbm>>
        tpu.enqueue_dma source(%arg8 : memref<200x64xf32, #tpu.memory_space<vmem>>) target(%dma_start3A_215 : memref<200x64xf32, #tpu.memory_space<hbm>>) target_semaphore(%arg16 : memref<!tpu.dma_semaphore, #tpu.memory_space<semaphore_mem>>)
        %add3A_216 = arith.constant 1200 : i32
        %add3A_217 = arith.addi %add3A_25, %add3A_216 : i32
        %dma_wait3A_218 = arith.constant 0 : i32
        %dma_wait3A_219 = tpu.memref_slice %arg4[%add3A_217, %dma_wait3A_218] : memref<200000x64xf32, #tpu.memory_space<hbm>> -> memref<200x64xf32, #tpu.memory_space<hbm>>
        %dma_wait3A_220 = arith.constant 0 : i32
        %dma_wait3A_221 = tpu.memref_slice %arg4[%add3A_217, %dma_wait3A_220] : memref<200000x64xf32, #tpu.memory_space<hbm>> -> memref<200x64xf32, #tpu.memory_space<hbm>>
        tpu.wait_dma2 semaphore(%arg15 : memref<!tpu.dma_semaphore, #tpu.memory_space<semaphore_mem>>) src(%arg7 : memref<200x64xf32, #tpu.memory_space<vmem>>) dst(%dma_wait3A_221 : memref<200x64xf32, #tpu.memory_space<hbm>>)
        %add3A_222 = arith.constant 2000 : i32
        %add3A_223 = arith.addi %multiple_of3A, %add3A_222 : i32
        %dma_start3A_224 = arith.constant 0 : i32
        %dma_start3A_225 = tpu.memref_slice %arg3[%add3A_223, %dma_start3A_224] : memref<100000x64xf32, #tpu.memory_space<hbm>> -> memref<200x64xf32, #tpu.memory_space<hbm>>
        %dma_start3A_226 = arith.constant 0 : i32
        %dma_start3A_227 = tpu.memref_slice %arg3[%add3A_223, %dma_start3A_226] : memref<100000x64xf32, #tpu.memory_space<hbm>> -> memref<200x64xf32, #tpu.memory_space<hbm>>
        tpu.enqueue_dma source(%dma_start3A_227 : memref<200x64xf32, #tpu.memory_space<hbm>>) target(%arg7 : memref<200x64xf32, #tpu.memory_space<vmem>>) target_semaphore(%arg11 : memref<!tpu.dma_semaphore, #tpu.memory_space<semaphore_mem>>)
        %add3A_228 = arith.constant 1600 : i32
        %add3A_229 = arith.addi %multiple_of3A, %add3A_228 : i32
        %dma_wait3A_230 = arith.constant 0 : i32
        %dma_wait3A_231 = tpu.memref_slice %arg3[%add3A_229, %dma_wait3A_230] : memref<100000x64xf32, #tpu.memory_space<hbm>> -> memref<200x64xf32, #tpu.memory_space<hbm>>
        %dma_wait3A_232 = arith.constant 0 : i32
        %dma_wait3A_233 = tpu.memref_slice %arg3[%add3A_229, %dma_wait3A_232] : memref<100000x64xf32, #tpu.memory_space<hbm>> -> memref<200x64xf32, #tpu.memory_space<hbm>>
        tpu.wait_dma2 semaphore(%arg9 : memref<!tpu.dma_semaphore, #tpu.memory_space<semaphore_mem>>) src(%dma_wait3A_233 : memref<200x64xf32, #tpu.memory_space<hbm>>) dst(%arg5 : memref<200x64xf32, #tpu.memory_space<vmem>>)
        %add3A_234 = arith.constant 1600 : i32
        %add3A_235 = arith.addi %add3A_25, %add3A_234 : i32
        %dma_start3A_236 = arith.constant 0 : i32
        %dma_start3A_237 = tpu.memref_slice %arg4[%add3A_235, %dma_start3A_236] : memref<200000x64xf32, #tpu.memory_space<hbm>> -> memref<200x64xf32, #tpu.memory_space<hbm>>
        %dma_start3A_238 = arith.constant 0 : i32
        %dma_start3A_239 = tpu.memref_slice %arg4[%add3A_235, %dma_start3A_238] : memref<200000x64xf32, #tpu.memory_space<hbm>> -> memref<200x64xf32, #tpu.memory_space<hbm>>
        tpu.enqueue_dma source(%arg5 : memref<200x64xf32, #tpu.memory_space<vmem>>) target(%dma_start3A_239 : memref<200x64xf32, #tpu.memory_space<hbm>>) target_semaphore(%arg13 : memref<!tpu.dma_semaphore, #tpu.memory_space<semaphore_mem>>)
        %add3A_240 = arith.constant 1400 : i32
        %add3A_241 = arith.addi %add3A_25, %add3A_240 : i32
        %dma_wait3A_242 = arith.constant 0 : i32
        %dma_wait3A_243 = tpu.memref_slice %arg4[%add3A_241, %dma_wait3A_242] : memref<200000x64xf32, #tpu.memory_space<hbm>> -> memref<200x64xf32, #tpu.memory_space<hbm>>
        %dma_wait3A_244 = arith.constant 0 : i32
        %dma_wait3A_245 = tpu.memref_slice %arg4[%add3A_241, %dma_wait3A_244] : memref<200000x64xf32, #tpu.memory_space<hbm>> -> memref<200x64xf32, #tpu.memory_space<hbm>>
        tpu.wait_dma2 semaphore(%arg16 : memref<!tpu.dma_semaphore, #tpu.memory_space<semaphore_mem>>) src(%arg8 : memref<200x64xf32, #tpu.memory_space<vmem>>) dst(%dma_wait3A_245 : memref<200x64xf32, #tpu.memory_space<hbm>>)
        %add3A_246 = arith.constant 2200 : i32
        %add3A_247 = arith.addi %multiple_of3A, %add3A_246 : i32
        %dma_start3A_248 = arith.constant 0 : i32
        %dma_start3A_249 = tpu.memref_slice %arg3[%add3A_247, %dma_start3A_248] : memref<100000x64xf32, #tpu.memory_space<hbm>> -> memref<200x64xf32, #tpu.memory_space<hbm>>
        %dma_start3A_250 = arith.constant 0 : i32
        %dma_start3A_251 = tpu.memref_slice %arg3[%add3A_247, %dma_start3A_250] : memref<100000x64xf32, #tpu.memory_space<hbm>> -> memref<200x64xf32, #tpu.memory_space<hbm>>
        tpu.enqueue_dma source(%dma_start3A_251 : memref<200x64xf32, #tpu.memory_space<hbm>>) target(%arg8 : memref<200x64xf32, #tpu.memory_space<vmem>>) target_semaphore(%arg12 : memref<!tpu.dma_semaphore, #tpu.memory_space<semaphore_mem>>)
        %add3A_252 = arith.constant 1800 : i32
        %add3A_253 = arith.addi %multiple_of3A, %add3A_252 : i32
        %dma_wait3A_254 = arith.constant 0 : i32
        %dma_wait3A_255 = tpu.memref_slice %arg3[%add3A_253, %dma_wait3A_254] : memref<100000x64xf32, #tpu.memory_space<hbm>> -> memref<200x64xf32, #tpu.memory_space<hbm>>
        %dma_wait3A_256 = arith.constant 0 : i32
        %dma_wait3A_257 = tpu.memref_slice %arg3[%add3A_253, %dma_wait3A_256] : memref<100000x64xf32, #tpu.memory_space<hbm>> -> memref<200x64xf32, #tpu.memory_space<hbm>>
        tpu.wait_dma2 semaphore(%arg10 : memref<!tpu.dma_semaphore, #tpu.memory_space<semaphore_mem>>) src(%dma_wait3A_257 : memref<200x64xf32, #tpu.memory_space<hbm>>) dst(%arg6 : memref<200x64xf32, #tpu.memory_space<vmem>>)
        %add3A_258 = arith.constant 1800 : i32
        %add3A_259 = arith.addi %add3A_25, %add3A_258 : i32
        %dma_start3A_260 = arith.constant 0 : i32
        %dma_start3A_261 = tpu.memref_slice %arg4[%add3A_259, %dma_start3A_260] : memref<200000x64xf32, #tpu.memory_space<hbm>> -> memref<200x64xf32, #tpu.memory_space<hbm>>
        %dma_start3A_262 = arith.constant 0 : i32
        %dma_start3A_263 = tpu.memref_slice %arg4[%add3A_259, %dma_start3A_262] : memref<200000x64xf32, #tpu.memory_space<hbm>> -> memref<200x64xf32, #tpu.memory_space<hbm>>
        tpu.enqueue_dma source(%arg6 : memref<200x64xf32, #tpu.memory_space<vmem>>) target(%dma_start3A_263 : memref<200x64xf32, #tpu.memory_space<hbm>>) target_semaphore(%arg14 : memref<!tpu.dma_semaphore, #tpu.memory_space<semaphore_mem>>)
        %add3A_264 = arith.constant 1600 : i32
        %add3A_265 = arith.addi %add3A_25, %add3A_264 : i32
        %dma_wait3A_266 = arith.constant 0 : i32
        %dma_wait3A_267 = tpu.memref_slice %arg4[%add3A_265, %dma_wait3A_266] : memref<200000x64xf32, #tpu.memory_space<hbm>> -> memref<200x64xf32, #tpu.memory_space<hbm>>
        %dma_wait3A_268 = arith.constant 0 : i32
        %dma_wait3A_269 = tpu.memref_slice %arg4[%add3A_265, %dma_wait3A_268] : memref<200000x64xf32, #tpu.memory_space<hbm>> -> memref<200x64xf32, #tpu.memory_space<hbm>>
        tpu.wait_dma2 semaphore(%arg13 : memref<!tpu.dma_semaphore, #tpu.memory_space<semaphore_mem>>) src(%arg5 : memref<200x64xf32, #tpu.memory_space<vmem>>) dst(%dma_wait3A_269 : memref<200x64xf32, #tpu.memory_space<hbm>>)
        %add3A_270 = arith.constant 2400 : i32
        %add3A_271 = arith.addi %multiple_of3A, %add3A_270 : i32
        %dma_start3A_272 = arith.constant 0 : i32
        %dma_start3A_273 = tpu.memref_slice %arg3[%add3A_271, %dma_start3A_272] : memref<100000x64xf32, #tpu.memory_space<hbm>> -> memref<200x64xf32, #tpu.memory_space<hbm>>
        %dma_start3A_274 = arith.constant 0 : i32
        %dma_start3A_275 = tpu.memref_slice %arg3[%add3A_271, %dma_start3A_274] : memref<100000x64xf32, #tpu.memory_space<hbm>> -> memref<200x64xf32, #tpu.memory_space<hbm>>
        tpu.enqueue_dma source(%dma_start3A_275 : memref<200x64xf32, #tpu.memory_space<hbm>>) target(%arg5 : memref<200x64xf32, #tpu.memory_space<vmem>>) target_semaphore(%arg9 : memref<!tpu.dma_semaphore, #tpu.memory_space<semaphore_mem>>)
        %add3A_276 = arith.constant 2000 : i32
        %add3A_277 = arith.addi %multiple_of3A, %add3A_276 : i32
        %dma_wait3A_278 = arith.constant 0 : i32
        %dma_wait3A_279 = tpu.memref_slice %arg3[%add3A_277, %dma_wait3A_278] : memref<100000x64xf32, #tpu.memory_space<hbm>> -> memref<200x64xf32, #tpu.memory_space<hbm>>
        %dma_wait3A_280 = arith.constant 0 : i32
        %dma_wait3A_281 = tpu.memref_slice %arg3[%add3A_277, %dma_wait3A_280] : memref<100000x64xf32, #tpu.memory_space<hbm>> -> memref<200x64xf32, #tpu.memory_space<hbm>>
        tpu.wait_dma2 semaphore(%arg11 : memref<!tpu.dma_semaphore, #tpu.memory_space<semaphore_mem>>) src(%dma_wait3A_281 : memref<200x64xf32, #tpu.memory_space<hbm>>) dst(%arg7 : memref<200x64xf32, #tpu.memory_space<vmem>>)
        %add3A_282 = arith.constant 2000 : i32
        %add3A_283 = arith.addi %add3A_25, %add3A_282 : i32
        %dma_start3A_284 = arith.constant 0 : i32
        %dma_start3A_285 = tpu.memref_slice %arg4[%add3A_283, %dma_start3A_284] : memref<200000x64xf32, #tpu.memory_space<hbm>> -> memref<200x64xf32, #tpu.memory_space<hbm>>
        %dma_start3A_286 = arith.constant 0 : i32
        %dma_start3A_287 = tpu.memref_slice %arg4[%add3A_283, %dma_start3A_286] : memref<200000x64xf32, #tpu.memory_space<hbm>> -> memref<200x64xf32, #tpu.memory_space<hbm>>
        tpu.enqueue_dma source(%arg7 : memref<200x64xf32, #tpu.memory_space<vmem>>) target(%dma_start3A_287 : memref<200x64xf32, #tpu.memory_space<hbm>>) target_semaphore(%arg15 : memref<!tpu.dma_semaphore, #tpu.memory_space<semaphore_mem>>)
        %add3A_288 = arith.constant 1800 : i32
        %add3A_289 = arith.addi %add3A_25, %add3A_288 : i32
        %dma_wait3A_290 = arith.constant 0 : i32
        %dma_wait3A_291 = tpu.memref_slice %arg4[%add3A_289, %dma_wait3A_290] : memref<200000x64xf32, #tpu.memory_space<hbm>> -> memref<200x64xf32, #tpu.memory_space<hbm>>
        %dma_wait3A_292 = arith.constant 0 : i32
        %dma_wait3A_293 = tpu.memref_slice %arg4[%add3A_289, %dma_wait3A_292] : memref<200000x64xf32, #tpu.memory_space<hbm>> -> memref<200x64xf32, #tpu.memory_space<hbm>>
        tpu.wait_dma2 semaphore(%arg14 : memref<!tpu.dma_semaphore, #tpu.memory_space<semaphore_mem>>) src(%arg6 : memref<200x64xf32, #tpu.memory_space<vmem>>) dst(%dma_wait3A_293 : memref<200x64xf32, #tpu.memory_space<hbm>>)
        %add3A_294 = arith.constant 2600 : i32
        %add3A_295 = arith.addi %multiple_of3A, %add3A_294 : i32
        %dma_start3A_296 = arith.constant 0 : i32
        %dma_start3A_297 = tpu.memref_slice %arg3[%add3A_295, %dma_start3A_296] : memref<100000x64xf32, #tpu.memory_space<hbm>> -> memref<200x64xf32, #tpu.memory_space<hbm>>
        %dma_start3A_298 = arith.constant 0 : i32
        %dma_start3A_299 = tpu.memref_slice %arg3[%add3A_295, %dma_start3A_298] : memref<100000x64xf32, #tpu.memory_space<hbm>> -> memref<200x64xf32, #tpu.memory_space<hbm>>
        tpu.enqueue_dma source(%dma_start3A_299 : memref<200x64xf32, #tpu.memory_space<hbm>>) target(%arg6 : memref<200x64xf32, #tpu.memory_space<vmem>>) target_semaphore(%arg10 : memref<!tpu.dma_semaphore, #tpu.memory_space<semaphore_mem>>)
        %add3A_300 = arith.constant 2200 : i32
        %add3A_301 = arith.addi %multiple_of3A, %add3A_300 : i32
        %dma_wait3A_302 = arith.constant 0 : i32
        %dma_wait3A_303 = tpu.memref_slice %arg3[%add3A_301, %dma_wait3A_302] : memref<100000x64xf32, #tpu.memory_space<hbm>> -> memref<200x64xf32, #tpu.memory_space<hbm>>
        %dma_wait3A_304 = arith.constant 0 : i32
        %dma_wait3A_305 = tpu.memref_slice %arg3[%add3A_301, %dma_wait3A_304] : memref<100000x64xf32, #tpu.memory_space<hbm>> -> memref<200x64xf32, #tpu.memory_space<hbm>>
        tpu.wait_dma2 semaphore(%arg12 : memref<!tpu.dma_semaphore, #tpu.memory_space<semaphore_mem>>) src(%dma_wait3A_305 : memref<200x64xf32, #tpu.memory_space<hbm>>) dst(%arg8 : memref<200x64xf32, #tpu.memory_space<vmem>>)
        %add3A_306 = arith.constant 2200 : i32
        %add3A_307 = arith.addi %add3A_25, %add3A_306 : i32
        %dma_start3A_308 = arith.constant 0 : i32
        %dma_start3A_309 = tpu.memref_slice %arg4[%add3A_307, %dma_start3A_308] : memref<200000x64xf32, #tpu.memory_space<hbm>> -> memref<200x64xf32, #tpu.memory_space<hbm>>
        %dma_start3A_310 = arith.constant 0 : i32
        %dma_start3A_311 = tpu.memref_slice %arg4[%add3A_307, %dma_start3A_310] : memref<200000x64xf32, #tpu.memory_space<hbm>> -> memref<200x64xf32, #tpu.memory_space<hbm>>
        tpu.enqueue_dma source(%arg8 : memref<200x64xf32, #tpu.memory_space<vmem>>) target(%dma_start3A_311 : memref<200x64xf32, #tpu.memory_space<hbm>>) target_semaphore(%arg16 : memref<!tpu.dma_semaphore, #tpu.memory_space<semaphore_mem>>)
        %add3A_312 = arith.constant 2000 : i32
        %add3A_313 = arith.addi %add3A_25, %add3A_312 : i32
        %dma_wait3A_314 = arith.constant 0 : i32
        %dma_wait3A_315 = tpu.memref_slice %arg4[%add3A_313, %dma_wait3A_314] : memref<200000x64xf32, #tpu.memory_space<hbm>> -> memref<200x64xf32, #tpu.memory_space<hbm>>
        %dma_wait3A_316 = arith.constant 0 : i32
        %dma_wait3A_317 = tpu.memref_slice %arg4[%add3A_313, %dma_wait3A_316] : memref<200000x64xf32, #tpu.memory_space<hbm>> -> memref<200x64xf32, #tpu.memory_space<hbm>>
        tpu.wait_dma2 semaphore(%arg15 : memref<!tpu.dma_semaphore, #tpu.memory_space<semaphore_mem>>) src(%arg7 : memref<200x64xf32, #tpu.memory_space<vmem>>) dst(%dma_wait3A_317 : memref<200x64xf32, #tpu.memory_space<hbm>>)
        %add3A_318 = arith.constant 2800 : i32
        %add3A_319 = arith.addi %multiple_of3A, %add3A_318 : i32
        %dma_start3A_320 = arith.constant 0 : i32
        %dma_start3A_321 = tpu.memref_slice %arg3[%add3A_319, %dma_start3A_320] : memref<100000x64xf32, #tpu.memory_space<hbm>> -> memref<200x64xf32, #tpu.memory_space<hbm>>
        %dma_start3A_322 = arith.constant 0 : i32
        %dma_start3A_323 = tpu.memref_slice %arg3[%add3A_319, %dma_start3A_322] : memref<100000x64xf32, #tpu.memory_space<hbm>> -> memref<200x64xf32, #tpu.memory_space<hbm>>
        tpu.enqueue_dma source(%dma_start3A_323 : memref<200x64xf32, #tpu.memory_space<hbm>>) target(%arg7 : memref<200x64xf32, #tpu.memory_space<vmem>>) target_semaphore(%arg11 : memref<!tpu.dma_semaphore, #tpu.memory_space<semaphore_mem>>)
        %add3A_324 = arith.constant 2400 : i32
        %add3A_325 = arith.addi %multiple_of3A, %add3A_324 : i32
        %dma_wait3A_326 = arith.constant 0 : i32
        %dma_wait3A_327 = tpu.memref_slice %arg3[%add3A_325, %dma_wait3A_326] : memref<100000x64xf32, #tpu.memory_space<hbm>> -> memref<200x64xf32, #tpu.memory_space<hbm>>
        %dma_wait3A_328 = arith.constant 0 : i32
        %dma_wait3A_329 = tpu.memref_slice %arg3[%add3A_325, %dma_wait3A_328] : memref<100000x64xf32, #tpu.memory_space<hbm>> -> memref<200x64xf32, #tpu.memory_space<hbm>>
        tpu.wait_dma2 semaphore(%arg9 : memref<!tpu.dma_semaphore, #tpu.memory_space<semaphore_mem>>) src(%dma_wait3A_329 : memref<200x64xf32, #tpu.memory_space<hbm>>) dst(%arg5 : memref<200x64xf32, #tpu.memory_space<vmem>>)
        %add3A_330 = arith.constant 2400 : i32
        %add3A_331 = arith.addi %add3A_25, %add3A_330 : i32
        %dma_start3A_332 = arith.constant 0 : i32
        %dma_start3A_333 = tpu.memref_slice %arg4[%add3A_331, %dma_start3A_332] : memref<200000x64xf32, #tpu.memory_space<hbm>> -> memref<200x64xf32, #tpu.memory_space<hbm>>
        %dma_start3A_334 = arith.constant 0 : i32
        %dma_start3A_335 = tpu.memref_slice %arg4[%add3A_331, %dma_start3A_334] : memref<200000x64xf32, #tpu.memory_space<hbm>> -> memref<200x64xf32, #tpu.memory_space<hbm>>
        tpu.enqueue_dma source(%arg5 : memref<200x64xf32, #tpu.memory_space<vmem>>) target(%dma_start3A_335 : memref<200x64xf32, #tpu.memory_space<hbm>>) target_semaphore(%arg13 : memref<!tpu.dma_semaphore, #tpu.memory_space<semaphore_mem>>)
        %add3A_336 = arith.constant 2200 : i32
        %add3A_337 = arith.addi %add3A_25, %add3A_336 : i32
        %dma_wait3A_338 = arith.constant 0 : i32
        %dma_wait3A_339 = tpu.memref_slice %arg4[%add3A_337, %dma_wait3A_338] : memref<200000x64xf32, #tpu.memory_space<hbm>> -> memref<200x64xf32, #tpu.memory_space<hbm>>
        %dma_wait3A_340 = arith.constant 0 : i32
        %dma_wait3A_341 = tpu.memref_slice %arg4[%add3A_337, %dma_wait3A_340] : memref<200000x64xf32, #tpu.memory_space<hbm>> -> memref<200x64xf32, #tpu.memory_space<hbm>>
        tpu.wait_dma2 semaphore(%arg16 : memref<!tpu.dma_semaphore, #tpu.memory_space<semaphore_mem>>) src(%arg8 : memref<200x64xf32, #tpu.memory_space<vmem>>) dst(%dma_wait3A_341 : memref<200x64xf32, #tpu.memory_space<hbm>>)
        %add3A_342 = arith.constant 3000 : i32
        %add3A_343 = arith.addi %multiple_of3A, %add3A_342 : i32
        %dma_start3A_344 = arith.constant 0 : i32
        %dma_start3A_345 = tpu.memref_slice %arg3[%add3A_343, %dma_start3A_344] : memref<100000x64xf32, #tpu.memory_space<hbm>> -> memref<200x64xf32, #tpu.memory_space<hbm>>
        %dma_start3A_346 = arith.constant 0 : i32
        %dma_start3A_347 = tpu.memref_slice %arg3[%add3A_343, %dma_start3A_346] : memref<100000x64xf32, #tpu.memory_space<hbm>> -> memref<200x64xf32, #tpu.memory_space<hbm>>
        tpu.enqueue_dma source(%dma_start3A_347 : memref<200x64xf32, #tpu.memory_space<hbm>>) target(%arg8 : memref<200x64xf32, #tpu.memory_space<vmem>>) target_semaphore(%arg12 : memref<!tpu.dma_semaphore, #tpu.memory_space<semaphore_mem>>)
        %add3A_348 = arith.constant 2600 : i32
        %add3A_349 = arith.addi %multiple_of3A, %add3A_348 : i32
        %dma_wait3A_350 = arith.constant 0 : i32
        %dma_wait3A_351 = tpu.memref_slice %arg3[%add3A_349, %dma_wait3A_350] : memref<100000x64xf32, #tpu.memory_space<hbm>> -> memref<200x64xf32, #tpu.memory_space<hbm>>
        %dma_wait3A_352 = arith.constant 0 : i32
        %dma_wait3A_353 = tpu.memref_slice %arg3[%add3A_349, %dma_wait3A_352] : memref<100000x64xf32, #tpu.memory_space<hbm>> -> memref<200x64xf32, #tpu.memory_space<hbm>>
        tpu.wait_dma2 semaphore(%arg10 : memref<!tpu.dma_semaphore, #tpu.memory_space<semaphore_mem>>) src(%dma_wait3A_353 : memref<200x64xf32, #tpu.memory_space<hbm>>) dst(%arg6 : memref<200x64xf32, #tpu.memory_space<vmem>>)
        %add3A_354 = arith.constant 2600 : i32
        %add3A_355 = arith.addi %add3A_25, %add3A_354 : i32
        %dma_start3A_356 = arith.constant 0 : i32
        %dma_start3A_357 = tpu.memref_slice %arg4[%add3A_355, %dma_start3A_356] : memref<200000x64xf32, #tpu.memory_space<hbm>> -> memref<200x64xf32, #tpu.memory_space<hbm>>
        %dma_start3A_358 = arith.constant 0 : i32
        %dma_start3A_359 = tpu.memref_slice %arg4[%add3A_355, %dma_start3A_358] : memref<200000x64xf32, #tpu.memory_space<hbm>> -> memref<200x64xf32, #tpu.memory_space<hbm>>
        tpu.enqueue_dma source(%arg6 : memref<200x64xf32, #tpu.memory_space<vmem>>) target(%dma_start3A_359 : memref<200x64xf32, #tpu.memory_space<hbm>>) target_semaphore(%arg14 : memref<!tpu.dma_semaphore, #tpu.memory_space<semaphore_mem>>)
        %add3A_360 = arith.constant 2400 : i32
        %add3A_361 = arith.addi %add3A_25, %add3A_360 : i32
        %dma_wait3A_362 = arith.constant 0 : i32
        %dma_wait3A_363 = tpu.memref_slice %arg4[%add3A_361, %dma_wait3A_362] : memref<200000x64xf32, #tpu.memory_space<hbm>> -> memref<200x64xf32, #tpu.memory_space<hbm>>
        %dma_wait3A_364 = arith.constant 0 : i32
        %dma_wait3A_365 = tpu.memref_slice %arg4[%add3A_361, %dma_wait3A_364] : memref<200000x64xf32, #tpu.memory_space<hbm>> -> memref<200x64xf32, #tpu.memory_space<hbm>>
        tpu.wait_dma2 semaphore(%arg13 : memref<!tpu.dma_semaphore, #tpu.memory_space<semaphore_mem>>) src(%arg5 : memref<200x64xf32, #tpu.memory_space<vmem>>) dst(%dma_wait3A_365 : memref<200x64xf32, #tpu.memory_space<hbm>>)
        %add3A_366 = arith.constant 3200 : i32
        %add3A_367 = arith.addi %multiple_of3A, %add3A_366 : i32
        %dma_start3A_368 = arith.constant 0 : i32
        %dma_start3A_369 = tpu.memref_slice %arg3[%add3A_367, %dma_start3A_368] : memref<100000x64xf32, #tpu.memory_space<hbm>> -> memref<200x64xf32, #tpu.memory_space<hbm>>
        %dma_start3A_370 = arith.constant 0 : i32
        %dma_start3A_371 = tpu.memref_slice %arg3[%add3A_367, %dma_start3A_370] : memref<100000x64xf32, #tpu.memory_space<hbm>> -> memref<200x64xf32, #tpu.memory_space<hbm>>
        tpu.enqueue_dma source(%dma_start3A_371 : memref<200x64xf32, #tpu.memory_space<hbm>>) target(%arg5 : memref<200x64xf32, #tpu.memory_space<vmem>>) target_semaphore(%arg9 : memref<!tpu.dma_semaphore, #tpu.memory_space<semaphore_mem>>)
        %add3A_372 = arith.constant 2800 : i32
        %add3A_373 = arith.addi %multiple_of3A, %add3A_372 : i32
        %dma_wait3A_374 = arith.constant 0 : i32
        %dma_wait3A_375 = tpu.memref_slice %arg3[%add3A_373, %dma_wait3A_374] : memref<100000x64xf32, #tpu.memory_space<hbm>> -> memref<200x64xf32, #tpu.memory_space<hbm>>
        %dma_wait3A_376 = arith.constant 0 : i32
        %dma_wait3A_377 = tpu.memref_slice %arg3[%add3A_373, %dma_wait3A_376] : memref<100000x64xf32, #tpu.memory_space<hbm>> -> memref<200x64xf32, #tpu.memory_space<hbm>>
        tpu.wait_dma2 semaphore(%arg11 : memref<!tpu.dma_semaphore, #tpu.memory_space<semaphore_mem>>) src(%dma_wait3A_377 : memref<200x64xf32, #tpu.memory_space<hbm>>) dst(%arg7 : memref<200x64xf32, #tpu.memory_space<vmem>>)
        %add3A_378 = arith.constant 2800 : i32
        %add3A_379 = arith.addi %add3A_25, %add3A_378 : i32
        %dma_start3A_380 = arith.constant 0 : i32
        %dma_start3A_381 = tpu.memref_slice %arg4[%add3A_379, %dma_start3A_380] : memref<200000x64xf32, #tpu.memory_space<hbm>> -> memref<200x64xf32, #tpu.memory_space<hbm>>
        %dma_start3A_382 = arith.constant 0 : i32
        %dma_start3A_383 = tpu.memref_slice %arg4[%add3A_379, %dma_start3A_382] : memref<200000x64xf32, #tpu.memory_space<hbm>> -> memref<200x64xf32, #tpu.memory_space<hbm>>
        tpu.enqueue_dma source(%arg7 : memref<200x64xf32, #tpu.memory_space<vmem>>) target(%dma_start3A_383 : memref<200x64xf32, #tpu.memory_space<hbm>>) target_semaphore(%arg15 : memref<!tpu.dma_semaphore, #tpu.memory_space<semaphore_mem>>)
        %add3A_384 = arith.constant 2600 : i32
        %add3A_385 = arith.addi %add3A_25, %add3A_384 : i32
        %dma_wait3A_386 = arith.constant 0 : i32
        %dma_wait3A_387 = tpu.memref_slice %arg4[%add3A_385, %dma_wait3A_386] : memref<200000x64xf32, #tpu.memory_space<hbm>> -> memref<200x64xf32, #tpu.memory_space<hbm>>
        %dma_wait3A_388 = arith.constant 0 : i32
        %dma_wait3A_389 = tpu.memref_slice %arg4[%add3A_385, %dma_wait3A_388] : memref<200000x64xf32, #tpu.memory_space<hbm>> -> memref<200x64xf32, #tpu.memory_space<hbm>>
        tpu.wait_dma2 semaphore(%arg14 : memref<!tpu.dma_semaphore, #tpu.memory_space<semaphore_mem>>) src(%arg6 : memref<200x64xf32, #tpu.memory_space<vmem>>) dst(%dma_wait3A_389 : memref<200x64xf32, #tpu.memory_space<hbm>>)
        %add3A_390 = arith.constant 3400 : i32
        %add3A_391 = arith.addi %multiple_of3A, %add3A_390 : i32
        %dma_start3A_392 = arith.constant 0 : i32
        %dma_start3A_393 = tpu.memref_slice %arg3[%add3A_391, %dma_start3A_392] : memref<100000x64xf32, #tpu.memory_space<hbm>> -> memref<200x64xf32, #tpu.memory_space<hbm>>
        %dma_start3A_394 = arith.constant 0 : i32
        %dma_start3A_395 = tpu.memref_slice %arg3[%add3A_391, %dma_start3A_394] : memref<100000x64xf32, #tpu.memory_space<hbm>> -> memref<200x64xf32, #tpu.memory_space<hbm>>
        tpu.enqueue_dma source(%dma_start3A_395 : memref<200x64xf32, #tpu.memory_space<hbm>>) target(%arg6 : memref<200x64xf32, #tpu.memory_space<vmem>>) target_semaphore(%arg10 : memref<!tpu.dma_semaphore, #tpu.memory_space<semaphore_mem>>)
        %add3A_396 = arith.constant 3000 : i32
        %add3A_397 = arith.addi %multiple_of3A, %add3A_396 : i32
        %dma_wait3A_398 = arith.constant 0 : i32
        %dma_wait3A_399 = tpu.memref_slice %arg3[%add3A_397, %dma_wait3A_398] : memref<100000x64xf32, #tpu.memory_space<hbm>> -> memref<200x64xf32, #tpu.memory_space<hbm>>
        %dma_wait3A_400 = arith.constant 0 : i32
        %dma_wait3A_401 = tpu.memref_slice %arg3[%add3A_397, %dma_wait3A_400] : memref<100000x64xf32, #tpu.memory_space<hbm>> -> memref<200x64xf32, #tpu.memory_space<hbm>>
        tpu.wait_dma2 semaphore(%arg12 : memref<!tpu.dma_semaphore, #tpu.memory_space<semaphore_mem>>) src(%dma_wait3A_401 : memref<200x64xf32, #tpu.memory_space<hbm>>) dst(%arg8 : memref<200x64xf32, #tpu.memory_space<vmem>>)
        %add3A_402 = arith.constant 3000 : i32
        %add3A_403 = arith.addi %add3A_25, %add3A_402 : i32
        %dma_start3A_404 = arith.constant 0 : i32
        %dma_start3A_405 = tpu.memref_slice %arg4[%add3A_403, %dma_start3A_404] : memref<200000x64xf32, #tpu.memory_space<hbm>> -> memref<200x64xf32, #tpu.memory_space<hbm>>
        %dma_start3A_406 = arith.constant 0 : i32
        %dma_start3A_407 = tpu.memref_slice %arg4[%add3A_403, %dma_start3A_406] : memref<200000x64xf32, #tpu.memory_space<hbm>> -> memref<200x64xf32, #tpu.memory_space<hbm>>
        tpu.enqueue_dma source(%arg8 : memref<200x64xf32, #tpu.memory_space<vmem>>) target(%dma_start3A_407 : memref<200x64xf32, #tpu.memory_space<hbm>>) target_semaphore(%arg16 : memref<!tpu.dma_semaphore, #tpu.memory_space<semaphore_mem>>)
        %add3A_408 = arith.constant 2800 : i32
        %add3A_409 = arith.addi %add3A_25, %add3A_408 : i32
        %dma_wait3A_410 = arith.constant 0 : i32
        %dma_wait3A_411 = tpu.memref_slice %arg4[%add3A_409, %dma_wait3A_410] : memref<200000x64xf32, #tpu.memory_space<hbm>> -> memref<200x64xf32, #tpu.memory_space<hbm>>
        %dma_wait3A_412 = arith.constant 0 : i32
        %dma_wait3A_413 = tpu.memref_slice %arg4[%add3A_409, %dma_wait3A_412] : memref<200000x64xf32, #tpu.memory_space<hbm>> -> memref<200x64xf32, #tpu.memory_space<hbm>>
        tpu.wait_dma2 semaphore(%arg15 : memref<!tpu.dma_semaphore, #tpu.memory_space<semaphore_mem>>) src(%arg7 : memref<200x64xf32, #tpu.memory_space<vmem>>) dst(%dma_wait3A_413 : memref<200x64xf32, #tpu.memory_space<hbm>>)
        %add3A_414 = arith.constant 3600 : i32
        %add3A_415 = arith.addi %multiple_of3A, %add3A_414 : i32
        %dma_start3A_416 = arith.constant 0 : i32
        %dma_start3A_417 = tpu.memref_slice %arg3[%add3A_415, %dma_start3A_416] : memref<100000x64xf32, #tpu.memory_space<hbm>> -> memref<200x64xf32, #tpu.memory_space<hbm>>
        %dma_start3A_418 = arith.constant 0 : i32
        %dma_start3A_419 = tpu.memref_slice %arg3[%add3A_415, %dma_start3A_418] : memref<100000x64xf32, #tpu.memory_space<hbm>> -> memref<200x64xf32, #tpu.memory_space<hbm>>
        tpu.enqueue_dma source(%dma_start3A_419 : memref<200x64xf32, #tpu.memory_space<hbm>>) target(%arg7 : memref<200x64xf32, #tpu.memory_space<vmem>>) target_semaphore(%arg11 : memref<!tpu.dma_semaphore, #tpu.memory_space<semaphore_mem>>)
        %add3A_420 = arith.constant 3200 : i32
        %add3A_421 = arith.addi %multiple_of3A, %add3A_420 : i32
        %dma_wait3A_422 = arith.constant 0 : i32
        %dma_wait3A_423 = tpu.memref_slice %arg3[%add3A_421, %dma_wait3A_422] : memref<100000x64xf32, #tpu.memory_space<hbm>> -> memref<200x64xf32, #tpu.memory_space<hbm>>
        %dma_wait3A_424 = arith.constant 0 : i32
        %dma_wait3A_425 = tpu.memref_slice %arg3[%add3A_421, %dma_wait3A_424] : memref<100000x64xf32, #tpu.memory_space<hbm>> -> memref<200x64xf32, #tpu.memory_space<hbm>>
        tpu.wait_dma2 semaphore(%arg9 : memref<!tpu.dma_semaphore, #tpu.memory_space<semaphore_mem>>) src(%dma_wait3A_425 : memref<200x64xf32, #tpu.memory_space<hbm>>) dst(%arg5 : memref<200x64xf32, #tpu.memory_space<vmem>>)
        %add3A_426 = arith.constant 3200 : i32
        %add3A_427 = arith.addi %add3A_25, %add3A_426 : i32
        %dma_start3A_428 = arith.constant 0 : i32
        %dma_start3A_429 = tpu.memref_slice %arg4[%add3A_427, %dma_start3A_428] : memref<200000x64xf32, #tpu.memory_space<hbm>> -> memref<200x64xf32, #tpu.memory_space<hbm>>
        %dma_start3A_430 = arith.constant 0 : i32
        %dma_start3A_431 = tpu.memref_slice %arg4[%add3A_427, %dma_start3A_430] : memref<200000x64xf32, #tpu.memory_space<hbm>> -> memref<200x64xf32, #tpu.memory_space<hbm>>
        tpu.enqueue_dma source(%arg5 : memref<200x64xf32, #tpu.memory_space<vmem>>) target(%dma_start3A_431 : memref<200x64xf32, #tpu.memory_space<hbm>>) target_semaphore(%arg13 : memref<!tpu.dma_semaphore, #tpu.memory_space<semaphore_mem>>)
        %add3A_432 = arith.constant 3000 : i32
        %add3A_433 = arith.addi %add3A_25, %add3A_432 : i32
        %dma_wait3A_434 = arith.constant 0 : i32
        %dma_wait3A_435 = tpu.memref_slice %arg4[%add3A_433, %dma_wait3A_434] : memref<200000x64xf32, #tpu.memory_space<hbm>> -> memref<200x64xf32, #tpu.memory_space<hbm>>
        %dma_wait3A_436 = arith.constant 0 : i32
        %dma_wait3A_437 = tpu.memref_slice %arg4[%add3A_433, %dma_wait3A_436] : memref<200000x64xf32, #tpu.memory_space<hbm>> -> memref<200x64xf32, #tpu.memory_space<hbm>>
        tpu.wait_dma2 semaphore(%arg16 : memref<!tpu.dma_semaphore, #tpu.memory_space<semaphore_mem>>) src(%arg8 : memref<200x64xf32, #tpu.memory_space<vmem>>) dst(%dma_wait3A_437 : memref<200x64xf32, #tpu.memory_space<hbm>>)
        %add3A_438 = arith.constant 3800 : i32
        %add3A_439 = arith.addi %multiple_of3A, %add3A_438 : i32
        %dma_start3A_440 = arith.constant 0 : i32
        %dma_start3A_441 = tpu.memref_slice %arg3[%add3A_439, %dma_start3A_440] : memref<100000x64xf32, #tpu.memory_space<hbm>> -> memref<200x64xf32, #tpu.memory_space<hbm>>
        %dma_start3A_442 = arith.constant 0 : i32
        %dma_start3A_443 = tpu.memref_slice %arg3[%add3A_439, %dma_start3A_442] : memref<100000x64xf32, #tpu.memory_space<hbm>> -> memref<200x64xf32, #tpu.memory_space<hbm>>
        tpu.enqueue_dma source(%dma_start3A_443 : memref<200x64xf32, #tpu.memory_space<hbm>>) target(%arg8 : memref<200x64xf32, #tpu.memory_space<vmem>>) target_semaphore(%arg12 : memref<!tpu.dma_semaphore, #tpu.memory_space<semaphore_mem>>)
        %add3A_444 = arith.constant 3400 : i32
        %add3A_445 = arith.addi %multiple_of3A, %add3A_444 : i32
        %dma_wait3A_446 = arith.constant 0 : i32
        %dma_wait3A_447 = tpu.memref_slice %arg3[%add3A_445, %dma_wait3A_446] : memref<100000x64xf32, #tpu.memory_space<hbm>> -> memref<200x64xf32, #tpu.memory_space<hbm>>
        %dma_wait3A_448 = arith.constant 0 : i32
        %dma_wait3A_449 = tpu.memref_slice %arg3[%add3A_445, %dma_wait3A_448] : memref<100000x64xf32, #tpu.memory_space<hbm>> -> memref<200x64xf32, #tpu.memory_space<hbm>>
        tpu.wait_dma2 semaphore(%arg10 : memref<!tpu.dma_semaphore, #tpu.memory_space<semaphore_mem>>) src(%dma_wait3A_449 : memref<200x64xf32, #tpu.memory_space<hbm>>) dst(%arg6 : memref<200x64xf32, #tpu.memory_space<vmem>>)
        %add3A_450 = arith.constant 3400 : i32
        %add3A_451 = arith.addi %add3A_25, %add3A_450 : i32
        %dma_start3A_452 = arith.constant 0 : i32
        %dma_start3A_453 = tpu.memref_slice %arg4[%add3A_451, %dma_start3A_452] : memref<200000x64xf32, #tpu.memory_space<hbm>> -> memref<200x64xf32, #tpu.memory_space<hbm>>
        %dma_start3A_454 = arith.constant 0 : i32
        %dma_start3A_455 = tpu.memref_slice %arg4[%add3A_451, %dma_start3A_454] : memref<200000x64xf32, #tpu.memory_space<hbm>> -> memref<200x64xf32, #tpu.memory_space<hbm>>
        tpu.enqueue_dma source(%arg6 : memref<200x64xf32, #tpu.memory_space<vmem>>) target(%dma_start3A_455 : memref<200x64xf32, #tpu.memory_space<hbm>>) target_semaphore(%arg14 : memref<!tpu.dma_semaphore, #tpu.memory_space<semaphore_mem>>)
        %add3A_456 = arith.constant 3200 : i32
        %add3A_457 = arith.addi %add3A_25, %add3A_456 : i32
        %dma_wait3A_458 = arith.constant 0 : i32
        %dma_wait3A_459 = tpu.memref_slice %arg4[%add3A_457, %dma_wait3A_458] : memref<200000x64xf32, #tpu.memory_space<hbm>> -> memref<200x64xf32, #tpu.memory_space<hbm>>
        %dma_wait3A_460 = arith.constant 0 : i32
        %dma_wait3A_461 = tpu.memref_slice %arg4[%add3A_457, %dma_wait3A_460] : memref<200000x64xf32, #tpu.memory_space<hbm>> -> memref<200x64xf32, #tpu.memory_space<hbm>>
        tpu.wait_dma2 semaphore(%arg13 : memref<!tpu.dma_semaphore, #tpu.memory_space<semaphore_mem>>) src(%arg5 : memref<200x64xf32, #tpu.memory_space<vmem>>) dst(%dma_wait3A_461 : memref<200x64xf32, #tpu.memory_space<hbm>>)
        %add3A_462 = arith.constant 4000 : i32
        %add3A_463 = arith.addi %multiple_of3A, %add3A_462 : i32
        %dma_start3A_464 = arith.constant 0 : i32
        %dma_start3A_465 = tpu.memref_slice %arg3[%add3A_463, %dma_start3A_464] : memref<100000x64xf32, #tpu.memory_space<hbm>> -> memref<200x64xf32, #tpu.memory_space<hbm>>
        %dma_start3A_466 = arith.constant 0 : i32
        %dma_start3A_467 = tpu.memref_slice %arg3[%add3A_463, %dma_start3A_466] : memref<100000x64xf32, #tpu.memory_space<hbm>> -> memref<200x64xf32, #tpu.memory_space<hbm>>
        tpu.enqueue_dma source(%dma_start3A_467 : memref<200x64xf32, #tpu.memory_space<hbm>>) target(%arg5 : memref<200x64xf32, #tpu.memory_space<vmem>>) target_semaphore(%arg9 : memref<!tpu.dma_semaphore, #tpu.memory_space<semaphore_mem>>)
        %add3A_468 = arith.constant 3600 : i32
        %add3A_469 = arith.addi %multiple_of3A, %add3A_468 : i32
        %dma_wait3A_470 = arith.constant 0 : i32
        %dma_wait3A_471 = tpu.memref_slice %arg3[%add3A_469, %dma_wait3A_470] : memref<100000x64xf32, #tpu.memory_space<hbm>> -> memref<200x64xf32, #tpu.memory_space<hbm>>
        %dma_wait3A_472 = arith.constant 0 : i32
        %dma_wait3A_473 = tpu.memref_slice %arg3[%add3A_469, %dma_wait3A_472] : memref<100000x64xf32, #tpu.memory_space<hbm>> -> memref<200x64xf32, #tpu.memory_space<hbm>>
        tpu.wait_dma2 semaphore(%arg11 : memref<!tpu.dma_semaphore, #tpu.memory_space<semaphore_mem>>) src(%dma_wait3A_473 : memref<200x64xf32, #tpu.memory_space<hbm>>) dst(%arg7 : memref<200x64xf32, #tpu.memory_space<vmem>>)
        %add3A_474 = arith.constant 3600 : i32
        %add3A_475 = arith.addi %add3A_25, %add3A_474 : i32
        %dma_start3A_476 = arith.constant 0 : i32
        %dma_start3A_477 = tpu.memref_slice %arg4[%add3A_475, %dma_start3A_476] : memref<200000x64xf32, #tpu.memory_space<hbm>> -> memref<200x64xf32, #tpu.memory_space<hbm>>
        %dma_start3A_478 = arith.constant 0 : i32
        %dma_start3A_479 = tpu.memref_slice %arg4[%add3A_475, %dma_start3A_478] : memref<200000x64xf32, #tpu.memory_space<hbm>> -> memref<200x64xf32, #tpu.memory_space<hbm>>
        tpu.enqueue_dma source(%arg7 : memref<200x64xf32, #tpu.memory_space<vmem>>) target(%dma_start3A_479 : memref<200x64xf32, #tpu.memory_space<hbm>>) target_semaphore(%arg15 : memref<!tpu.dma_semaphore, #tpu.memory_space<semaphore_mem>>)
        %add3A_480 = arith.constant 3400 : i32
        %add3A_481 = arith.addi %add3A_25, %add3A_480 : i32
        %dma_wait3A_482 = arith.constant 0 : i32
        %dma_wait3A_483 = tpu.memref_slice %arg4[%add3A_481, %dma_wait3A_482] : memref<200000x64xf32, #tpu.memory_space<hbm>> -> memref<200x64xf32, #tpu.memory_space<hbm>>
        %dma_wait3A_484 = arith.constant 0 : i32
        %dma_wait3A_485 = tpu.memref_slice %arg4[%add3A_481, %dma_wait3A_484] : memref<200000x64xf32, #tpu.memory_space<hbm>> -> memref<200x64xf32, #tpu.memory_space<hbm>>
        tpu.wait_dma2 semaphore(%arg14 : memref<!tpu.dma_semaphore, #tpu.memory_space<semaphore_mem>>) src(%arg6 : memref<200x64xf32, #tpu.memory_space<vmem>>) dst(%dma_wait3A_485 : memref<200x64xf32, #tpu.memory_space<hbm>>)
        %add3A_486 = arith.constant 4200 : i32
        %add3A_487 = arith.addi %multiple_of3A, %add3A_486 : i32
        %dma_start3A_488 = arith.constant 0 : i32
        %dma_start3A_489 = tpu.memref_slice %arg3[%add3A_487, %dma_start3A_488] : memref<100000x64xf32, #tpu.memory_space<hbm>> -> memref<200x64xf32, #tpu.memory_space<hbm>>
        %dma_start3A_490 = arith.constant 0 : i32
        %dma_start3A_491 = tpu.memref_slice %arg3[%add3A_487, %dma_start3A_490] : memref<100000x64xf32, #tpu.memory_space<hbm>> -> memref<200x64xf32, #tpu.memory_space<hbm>>
        tpu.enqueue_dma source(%dma_start3A_491 : memref<200x64xf32, #tpu.memory_space<hbm>>) target(%arg6 : memref<200x64xf32, #tpu.memory_space<vmem>>) target_semaphore(%arg10 : memref<!tpu.dma_semaphore, #tpu.memory_space<semaphore_mem>>)
        %add3A_492 = arith.constant 3800 : i32
        %add3A_493 = arith.addi %multiple_of3A, %add3A_492 : i32
        %dma_wait3A_494 = arith.constant 0 : i32
        %dma_wait3A_495 = tpu.memref_slice %arg3[%add3A_493, %dma_wait3A_494] : memref<100000x64xf32, #tpu.memory_space<hbm>> -> memref<200x64xf32, #tpu.memory_space<hbm>>
        %dma_wait3A_496 = arith.constant 0 : i32
        %dma_wait3A_497 = tpu.memref_slice %arg3[%add3A_493, %dma_wait3A_496] : memref<100000x64xf32, #tpu.memory_space<hbm>> -> memref<200x64xf32, #tpu.memory_space<hbm>>
        tpu.wait_dma2 semaphore(%arg12 : memref<!tpu.dma_semaphore, #tpu.memory_space<semaphore_mem>>) src(%dma_wait3A_497 : memref<200x64xf32, #tpu.memory_space<hbm>>) dst(%arg8 : memref<200x64xf32, #tpu.memory_space<vmem>>)
        %add3A_498 = arith.constant 3800 : i32
        %add3A_499 = arith.addi %add3A_25, %add3A_498 : i32
        %dma_start3A_500 = arith.constant 0 : i32
        %dma_start3A_501 = tpu.memref_slice %arg4[%add3A_499, %dma_start3A_500] : memref<200000x64xf32, #tpu.memory_space<hbm>> -> memref<200x64xf32, #tpu.memory_space<hbm>>
        %dma_start3A_502 = arith.constant 0 : i32
        %dma_start3A_503 = tpu.memref_slice %arg4[%add3A_499, %dma_start3A_502] : memref<200000x64xf32, #tpu.memory_space<hbm>> -> memref<200x64xf32, #tpu.memory_space<hbm>>
        tpu.enqueue_dma source(%arg8 : memref<200x64xf32, #tpu.memory_space<vmem>>) target(%dma_start3A_503 : memref<200x64xf32, #tpu.memory_space<hbm>>) target_semaphore(%arg16 : memref<!tpu.dma_semaphore, #tpu.memory_space<semaphore_mem>>)
        %add3A_504 = arith.constant 3600 : i32
        %add3A_505 = arith.addi %add3A_25, %add3A_504 : i32
        %dma_wait3A_506 = arith.constant 0 : i32
        %dma_wait3A_507 = tpu.memref_slice %arg4[%add3A_505, %dma_wait3A_506] : memref<200000x64xf32, #tpu.memory_space<hbm>> -> memref<200x64xf32, #tpu.memory_space<hbm>>
        %dma_wait3A_508 = arith.constant 0 : i32
        %dma_wait3A_509 = tpu.memref_slice %arg4[%add3A_505, %dma_wait3A_508] : memref<200000x64xf32, #tpu.memory_space<hbm>> -> memref<200x64xf32, #tpu.memory_space<hbm>>
        tpu.wait_dma2 semaphore(%arg15 : memref<!tpu.dma_semaphore, #tpu.memory_space<semaphore_mem>>) src(%arg7 : memref<200x64xf32, #tpu.memory_space<vmem>>) dst(%dma_wait3A_509 : memref<200x64xf32, #tpu.memory_space<hbm>>)
        %add3A_510 = arith.constant 4400 : i32
        %add3A_511 = arith.addi %multiple_of3A, %add3A_510 : i32
        %dma_start3A_512 = arith.constant 0 : i32
        %dma_start3A_513 = tpu.memref_slice %arg3[%add3A_511, %dma_start3A_512] : memref<100000x64xf32, #tpu.memory_space<hbm>> -> memref<200x64xf32, #tpu.memory_space<hbm>>
        %dma_start3A_514 = arith.constant 0 : i32
        %dma_start3A_515 = tpu.memref_slice %arg3[%add3A_511, %dma_start3A_514] : memref<100000x64xf32, #tpu.memory_space<hbm>> -> memref<200x64xf32, #tpu.memory_space<hbm>>
        tpu.enqueue_dma source(%dma_start3A_515 : memref<200x64xf32, #tpu.memory_space<hbm>>) target(%arg7 : memref<200x64xf32, #tpu.memory_space<vmem>>) target_semaphore(%arg11 : memref<!tpu.dma_semaphore, #tpu.memory_space<semaphore_mem>>)
        %add3A_516 = arith.constant 4000 : i32
        %add3A_517 = arith.addi %multiple_of3A, %add3A_516 : i32
        %dma_wait3A_518 = arith.constant 0 : i32
        %dma_wait3A_519 = tpu.memref_slice %arg3[%add3A_517, %dma_wait3A_518] : memref<100000x64xf32, #tpu.memory_space<hbm>> -> memref<200x64xf32, #tpu.memory_space<hbm>>
        %dma_wait3A_520 = arith.constant 0 : i32
        %dma_wait3A_521 = tpu.memref_slice %arg3[%add3A_517, %dma_wait3A_520] : memref<100000x64xf32, #tpu.memory_space<hbm>> -> memref<200x64xf32, #tpu.memory_space<hbm>>
        tpu.wait_dma2 semaphore(%arg9 : memref<!tpu.dma_semaphore, #tpu.memory_space<semaphore_mem>>) src(%dma_wait3A_521 : memref<200x64xf32, #tpu.memory_space<hbm>>) dst(%arg5 : memref<200x64xf32, #tpu.memory_space<vmem>>)
        %add3A_522 = arith.constant 4000 : i32
        %add3A_523 = arith.addi %add3A_25, %add3A_522 : i32
        %dma_start3A_524 = arith.constant 0 : i32
        %dma_start3A_525 = tpu.memref_slice %arg4[%add3A_523, %dma_start3A_524] : memref<200000x64xf32, #tpu.memory_space<hbm>> -> memref<200x64xf32, #tpu.memory_space<hbm>>
        %dma_start3A_526 = arith.constant 0 : i32
        %dma_start3A_527 = tpu.memref_slice %arg4[%add3A_523, %dma_start3A_526] : memref<200000x64xf32, #tpu.memory_space<hbm>> -> memref<200x64xf32, #tpu.memory_space<hbm>>
        tpu.enqueue_dma source(%arg5 : memref<200x64xf32, #tpu.memory_space<vmem>>) target(%dma_start3A_527 : memref<200x64xf32, #tpu.memory_space<hbm>>) target_semaphore(%arg13 : memref<!tpu.dma_semaphore, #tpu.memory_space<semaphore_mem>>)
        %add3A_528 = arith.constant 3800 : i32
        %add3A_529 = arith.addi %add3A_25, %add3A_528 : i32
        %dma_wait3A_530 = arith.constant 0 : i32
        %dma_wait3A_531 = tpu.memref_slice %arg4[%add3A_529, %dma_wait3A_530] : memref<200000x64xf32, #tpu.memory_space<hbm>> -> memref<200x64xf32, #tpu.memory_space<hbm>>
        %dma_wait3A_532 = arith.constant 0 : i32
        %dma_wait3A_533 = tpu.memref_slice %arg4[%add3A_529, %dma_wait3A_532] : memref<200000x64xf32, #tpu.memory_space<hbm>> -> memref<200x64xf32, #tpu.memory_space<hbm>>
        tpu.wait_dma2 semaphore(%arg16 : memref<!tpu.dma_semaphore, #tpu.memory_space<semaphore_mem>>) src(%arg8 : memref<200x64xf32, #tpu.memory_space<vmem>>) dst(%dma_wait3A_533 : memref<200x64xf32, #tpu.memory_space<hbm>>)
        %add3A_534 = arith.constant 4600 : i32
        %add3A_535 = arith.addi %multiple_of3A, %add3A_534 : i32
        %dma_start3A_536 = arith.constant 0 : i32
        %dma_start3A_537 = tpu.memref_slice %arg3[%add3A_535, %dma_start3A_536] : memref<100000x64xf32, #tpu.memory_space<hbm>> -> memref<200x64xf32, #tpu.memory_space<hbm>>
        %dma_start3A_538 = arith.constant 0 : i32
        %dma_start3A_539 = tpu.memref_slice %arg3[%add3A_535, %dma_start3A_538] : memref<100000x64xf32, #tpu.memory_space<hbm>> -> memref<200x64xf32, #tpu.memory_space<hbm>>
        tpu.enqueue_dma source(%dma_start3A_539 : memref<200x64xf32, #tpu.memory_space<hbm>>) target(%arg8 : memref<200x64xf32, #tpu.memory_space<vmem>>) target_semaphore(%arg12 : memref<!tpu.dma_semaphore, #tpu.memory_space<semaphore_mem>>)
        %add3A_540 = arith.constant 4200 : i32
        %add3A_541 = arith.addi %multiple_of3A, %add3A_540 : i32
        %dma_wait3A_542 = arith.constant 0 : i32
        %dma_wait3A_543 = tpu.memref_slice %arg3[%add3A_541, %dma_wait3A_542] : memref<100000x64xf32, #tpu.memory_space<hbm>> -> memref<200x64xf32, #tpu.memory_space<hbm>>
        %dma_wait3A_544 = arith.constant 0 : i32
        %dma_wait3A_545 = tpu.memref_slice %arg3[%add3A_541, %dma_wait3A_544] : memref<100000x64xf32, #tpu.memory_space<hbm>> -> memref<200x64xf32, #tpu.memory_space<hbm>>
        tpu.wait_dma2 semaphore(%arg10 : memref<!tpu.dma_semaphore, #tpu.memory_space<semaphore_mem>>) src(%dma_wait3A_545 : memref<200x64xf32, #tpu.memory_space<hbm>>) dst(%arg6 : memref<200x64xf32, #tpu.memory_space<vmem>>)
        %add3A_546 = arith.constant 4200 : i32
        %add3A_547 = arith.addi %add3A_25, %add3A_546 : i32
        %dma_start3A_548 = arith.constant 0 : i32
        %dma_start3A_549 = tpu.memref_slice %arg4[%add3A_547, %dma_start3A_548] : memref<200000x64xf32, #tpu.memory_space<hbm>> -> memref<200x64xf32, #tpu.memory_space<hbm>>
        %dma_start3A_550 = arith.constant 0 : i32
        %dma_start3A_551 = tpu.memref_slice %arg4[%add3A_547, %dma_start3A_550] : memref<200000x64xf32, #tpu.memory_space<hbm>> -> memref<200x64xf32, #tpu.memory_space<hbm>>
        tpu.enqueue_dma source(%arg6 : memref<200x64xf32, #tpu.memory_space<vmem>>) target(%dma_start3A_551 : memref<200x64xf32, #tpu.memory_space<hbm>>) target_semaphore(%arg14 : memref<!tpu.dma_semaphore, #tpu.memory_space<semaphore_mem>>)
        %add3A_552 = arith.constant 4000 : i32
        %add3A_553 = arith.addi %add3A_25, %add3A_552 : i32
        %dma_wait3A_554 = arith.constant 0 : i32
        %dma_wait3A_555 = tpu.memref_slice %arg4[%add3A_553, %dma_wait3A_554] : memref<200000x64xf32, #tpu.memory_space<hbm>> -> memref<200x64xf32, #tpu.memory_space<hbm>>
        %dma_wait3A_556 = arith.constant 0 : i32
        %dma_wait3A_557 = tpu.memref_slice %arg4[%add3A_553, %dma_wait3A_556] : memref<200000x64xf32, #tpu.memory_space<hbm>> -> memref<200x64xf32, #tpu.memory_space<hbm>>
        tpu.wait_dma2 semaphore(%arg13 : memref<!tpu.dma_semaphore, #tpu.memory_space<semaphore_mem>>) src(%arg5 : memref<200x64xf32, #tpu.memory_space<vmem>>) dst(%dma_wait3A_557 : memref<200x64xf32, #tpu.memory_space<hbm>>)
        %add3A_558 = arith.constant 4800 : i32
        %add3A_559 = arith.addi %multiple_of3A, %add3A_558 : i32
        %dma_start3A_560 = arith.constant 0 : i32
        %dma_start3A_561 = tpu.memref_slice %arg3[%add3A_559, %dma_start3A_560] : memref<100000x64xf32, #tpu.memory_space<hbm>> -> memref<200x64xf32, #tpu.memory_space<hbm>>
        %dma_start3A_562 = arith.constant 0 : i32
        %dma_start3A_563 = tpu.memref_slice %arg3[%add3A_559, %dma_start3A_562] : memref<100000x64xf32, #tpu.memory_space<hbm>> -> memref<200x64xf32, #tpu.memory_space<hbm>>
        tpu.enqueue_dma source(%dma_start3A_563 : memref<200x64xf32, #tpu.memory_space<hbm>>) target(%arg5 : memref<200x64xf32, #tpu.memory_space<vmem>>) target_semaphore(%arg9 : memref<!tpu.dma_semaphore, #tpu.memory_space<semaphore_mem>>)
        %add3A_564 = arith.constant 4400 : i32
        %add3A_565 = arith.addi %multiple_of3A, %add3A_564 : i32
        %dma_wait3A_566 = arith.constant 0 : i32
        %dma_wait3A_567 = tpu.memref_slice %arg3[%add3A_565, %dma_wait3A_566] : memref<100000x64xf32, #tpu.memory_space<hbm>> -> memref<200x64xf32, #tpu.memory_space<hbm>>
        %dma_wait3A_568 = arith.constant 0 : i32
        %dma_wait3A_569 = tpu.memref_slice %arg3[%add3A_565, %dma_wait3A_568] : memref<100000x64xf32, #tpu.memory_space<hbm>> -> memref<200x64xf32, #tpu.memory_space<hbm>>
        tpu.wait_dma2 semaphore(%arg11 : memref<!tpu.dma_semaphore, #tpu.memory_space<semaphore_mem>>) src(%dma_wait3A_569 : memref<200x64xf32, #tpu.memory_space<hbm>>) dst(%arg7 : memref<200x64xf32, #tpu.memory_space<vmem>>)
        %add3A_570 = arith.constant 4400 : i32
        %add3A_571 = arith.addi %add3A_25, %add3A_570 : i32
        %dma_start3A_572 = arith.constant 0 : i32
        %dma_start3A_573 = tpu.memref_slice %arg4[%add3A_571, %dma_start3A_572] : memref<200000x64xf32, #tpu.memory_space<hbm>> -> memref<200x64xf32, #tpu.memory_space<hbm>>
        %dma_start3A_574 = arith.constant 0 : i32
        %dma_start3A_575 = tpu.memref_slice %arg4[%add3A_571, %dma_start3A_574] : memref<200000x64xf32, #tpu.memory_space<hbm>> -> memref<200x64xf32, #tpu.memory_space<hbm>>
        tpu.enqueue_dma source(%arg7 : memref<200x64xf32, #tpu.memory_space<vmem>>) target(%dma_start3A_575 : memref<200x64xf32, #tpu.memory_space<hbm>>) target_semaphore(%arg15 : memref<!tpu.dma_semaphore, #tpu.memory_space<semaphore_mem>>)
        %add3A_576 = arith.constant 4200 : i32
        %add3A_577 = arith.addi %add3A_25, %add3A_576 : i32
        %dma_wait3A_578 = arith.constant 0 : i32
        %dma_wait3A_579 = tpu.memref_slice %arg4[%add3A_577, %dma_wait3A_578] : memref<200000x64xf32, #tpu.memory_space<hbm>> -> memref<200x64xf32, #tpu.memory_space<hbm>>
        %dma_wait3A_580 = arith.constant 0 : i32
        %dma_wait3A_581 = tpu.memref_slice %arg4[%add3A_577, %dma_wait3A_580] : memref<200000x64xf32, #tpu.memory_space<hbm>> -> memref<200x64xf32, #tpu.memory_space<hbm>>
        tpu.wait_dma2 semaphore(%arg14 : memref<!tpu.dma_semaphore, #tpu.memory_space<semaphore_mem>>) src(%arg6 : memref<200x64xf32, #tpu.memory_space<vmem>>) dst(%dma_wait3A_581 : memref<200x64xf32, #tpu.memory_space<hbm>>)
        %add3A_582 = arith.constant 5000 : i32
        %add3A_583 = arith.addi %multiple_of3A, %add3A_582 : i32
        %dma_start3A_584 = arith.constant 0 : i32
        %dma_start3A_585 = tpu.memref_slice %arg3[%add3A_583, %dma_start3A_584] : memref<100000x64xf32, #tpu.memory_space<hbm>> -> memref<200x64xf32, #tpu.memory_space<hbm>>
        %dma_start3A_586 = arith.constant 0 : i32
        %dma_start3A_587 = tpu.memref_slice %arg3[%add3A_583, %dma_start3A_586] : memref<100000x64xf32, #tpu.memory_space<hbm>> -> memref<200x64xf32, #tpu.memory_space<hbm>>
        tpu.enqueue_dma source(%dma_start3A_587 : memref<200x64xf32, #tpu.memory_space<hbm>>) target(%arg6 : memref<200x64xf32, #tpu.memory_space<vmem>>) target_semaphore(%arg10 : memref<!tpu.dma_semaphore, #tpu.memory_space<semaphore_mem>>)
        %add3A_588 = arith.constant 4600 : i32
        %add3A_589 = arith.addi %multiple_of3A, %add3A_588 : i32
        %dma_wait3A_590 = arith.constant 0 : i32
        %dma_wait3A_591 = tpu.memref_slice %arg3[%add3A_589, %dma_wait3A_590] : memref<100000x64xf32, #tpu.memory_space<hbm>> -> memref<200x64xf32, #tpu.memory_space<hbm>>
        %dma_wait3A_592 = arith.constant 0 : i32
        %dma_wait3A_593 = tpu.memref_slice %arg3[%add3A_589, %dma_wait3A_592] : memref<100000x64xf32, #tpu.memory_space<hbm>> -> memref<200x64xf32, #tpu.memory_space<hbm>>
        tpu.wait_dma2 semaphore(%arg12 : memref<!tpu.dma_semaphore, #tpu.memory_space<semaphore_mem>>) src(%dma_wait3A_593 : memref<200x64xf32, #tpu.memory_space<hbm>>) dst(%arg8 : memref<200x64xf32, #tpu.memory_space<vmem>>)
        %add3A_594 = arith.constant 4600 : i32
        %add3A_595 = arith.addi %add3A_25, %add3A_594 : i32
        %dma_start3A_596 = arith.constant 0 : i32
        %dma_start3A_597 = tpu.memref_slice %arg4[%add3A_595, %dma_start3A_596] : memref<200000x64xf32, #tpu.memory_space<hbm>> -> memref<200x64xf32, #tpu.memory_space<hbm>>
        %dma_start3A_598 = arith.constant 0 : i32
        %dma_start3A_599 = tpu.memref_slice %arg4[%add3A_595, %dma_start3A_598] : memref<200000x64xf32, #tpu.memory_space<hbm>> -> memref<200x64xf32, #tpu.memory_space<hbm>>
        tpu.enqueue_dma source(%arg8 : memref<200x64xf32, #tpu.memory_space<vmem>>) target(%dma_start3A_599 : memref<200x64xf32, #tpu.memory_space<hbm>>) target_semaphore(%arg16 : memref<!tpu.dma_semaphore, #tpu.memory_space<semaphore_mem>>)
        %add3A_600 = arith.constant 4400 : i32
        %add3A_601 = arith.addi %add3A_25, %add3A_600 : i32
        %dma_wait3A_602 = arith.constant 0 : i32
        %dma_wait3A_603 = tpu.memref_slice %arg4[%add3A_601, %dma_wait3A_602] : memref<200000x64xf32, #tpu.memory_space<hbm>> -> memref<200x64xf32, #tpu.memory_space<hbm>>
        %dma_wait3A_604 = arith.constant 0 : i32
        %dma_wait3A_605 = tpu.memref_slice %arg4[%add3A_601, %dma_wait3A_604] : memref<200000x64xf32, #tpu.memory_space<hbm>> -> memref<200x64xf32, #tpu.memory_space<hbm>>
        tpu.wait_dma2 semaphore(%arg15 : memref<!tpu.dma_semaphore, #tpu.memory_space<semaphore_mem>>) src(%arg7 : memref<200x64xf32, #tpu.memory_space<vmem>>) dst(%dma_wait3A_605 : memref<200x64xf32, #tpu.memory_space<hbm>>)
        %add3A_606 = arith.constant 5200 : i32
        %add3A_607 = arith.addi %multiple_of3A, %add3A_606 : i32
        %dma_start3A_608 = arith.constant 0 : i32
        %dma_start3A_609 = tpu.memref_slice %arg3[%add3A_607, %dma_start3A_608] : memref<100000x64xf32, #tpu.memory_space<hbm>> -> memref<200x64xf32, #tpu.memory_space<hbm>>
        %dma_start3A_610 = arith.constant 0 : i32
        %dma_start3A_611 = tpu.memref_slice %arg3[%add3A_607, %dma_start3A_610] : memref<100000x64xf32, #tpu.memory_space<hbm>> -> memref<200x64xf32, #tpu.memory_space<hbm>>
        tpu.enqueue_dma source(%dma_start3A_611 : memref<200x64xf32, #tpu.memory_space<hbm>>) target(%arg7 : memref<200x64xf32, #tpu.memory_space<vmem>>) target_semaphore(%arg11 : memref<!tpu.dma_semaphore, #tpu.memory_space<semaphore_mem>>)
        %add3A_612 = arith.constant 4800 : i32
        %add3A_613 = arith.addi %multiple_of3A, %add3A_612 : i32
        %dma_wait3A_614 = arith.constant 0 : i32
        %dma_wait3A_615 = tpu.memref_slice %arg3[%add3A_613, %dma_wait3A_614] : memref<100000x64xf32, #tpu.memory_space<hbm>> -> memref<200x64xf32, #tpu.memory_space<hbm>>
        %dma_wait3A_616 = arith.constant 0 : i32
        %dma_wait3A_617 = tpu.memref_slice %arg3[%add3A_613, %dma_wait3A_616] : memref<100000x64xf32, #tpu.memory_space<hbm>> -> memref<200x64xf32, #tpu.memory_space<hbm>>
        tpu.wait_dma2 semaphore(%arg9 : memref<!tpu.dma_semaphore, #tpu.memory_space<semaphore_mem>>) src(%dma_wait3A_617 : memref<200x64xf32, #tpu.memory_space<hbm>>) dst(%arg5 : memref<200x64xf32, #tpu.memory_space<vmem>>)
        %add3A_618 = arith.constant 4800 : i32
        %add3A_619 = arith.addi %add3A_25, %add3A_618 : i32
        %dma_start3A_620 = arith.constant 0 : i32
        %dma_start3A_621 = tpu.memref_slice %arg4[%add3A_619, %dma_start3A_620] : memref<200000x64xf32, #tpu.memory_space<hbm>> -> memref<200x64xf32, #tpu.memory_space<hbm>>
        %dma_start3A_622 = arith.constant 0 : i32
        %dma_start3A_623 = tpu.memref_slice %arg4[%add3A_619, %dma_start3A_622] : memref<200000x64xf32, #tpu.memory_space<hbm>> -> memref<200x64xf32, #tpu.memory_space<hbm>>
        tpu.enqueue_dma source(%arg5 : memref<200x64xf32, #tpu.memory_space<vmem>>) target(%dma_start3A_623 : memref<200x64xf32, #tpu.memory_space<hbm>>) target_semaphore(%arg13 : memref<!tpu.dma_semaphore, #tpu.memory_space<semaphore_mem>>)
        %add3A_624 = arith.constant 4600 : i32
        %add3A_625 = arith.addi %add3A_25, %add3A_624 : i32
        %dma_wait3A_626 = arith.constant 0 : i32
        %dma_wait3A_627 = tpu.memref_slice %arg4[%add3A_625, %dma_wait3A_626] : memref<200000x64xf32, #tpu.memory_space<hbm>> -> memref<200x64xf32, #tpu.memory_space<hbm>>
        %dma_wait3A_628 = arith.constant 0 : i32
        %dma_wait3A_629 = tpu.memref_slice %arg4[%add3A_625, %dma_wait3A_628] : memref<200000x64xf32, #tpu.memory_space<hbm>> -> memref<200x64xf32, #tpu.memory_space<hbm>>
        tpu.wait_dma2 semaphore(%arg16 : memref<!tpu.dma_semaphore, #tpu.memory_space<semaphore_mem>>) src(%arg8 : memref<200x64xf32, #tpu.memory_space<vmem>>) dst(%dma_wait3A_629 : memref<200x64xf32, #tpu.memory_space<hbm>>)
        %add3A_630 = arith.constant 5400 : i32
        %add3A_631 = arith.addi %multiple_of3A, %add3A_630 : i32
        %dma_start3A_632 = arith.constant 0 : i32
        %dma_start3A_633 = tpu.memref_slice %arg3[%add3A_631, %dma_start3A_632] : memref<100000x64xf32, #tpu.memory_space<hbm>> -> memref<200x64xf32, #tpu.memory_space<hbm>>
        %dma_start3A_634 = arith.constant 0 : i32
        %dma_start3A_635 = tpu.memref_slice %arg3[%add3A_631, %dma_start3A_634] : memref<100000x64xf32, #tpu.memory_space<hbm>> -> memref<200x64xf32, #tpu.memory_space<hbm>>
        tpu.enqueue_dma source(%dma_start3A_635 : memref<200x64xf32, #tpu.memory_space<hbm>>) target(%arg8 : memref<200x64xf32, #tpu.memory_space<vmem>>) target_semaphore(%arg12 : memref<!tpu.dma_semaphore, #tpu.memory_space<semaphore_mem>>)
        %add3A_636 = arith.constant 5000 : i32
        %add3A_637 = arith.addi %multiple_of3A, %add3A_636 : i32
        %dma_wait3A_638 = arith.constant 0 : i32
        %dma_wait3A_639 = tpu.memref_slice %arg3[%add3A_637, %dma_wait3A_638] : memref<100000x64xf32, #tpu.memory_space<hbm>> -> memref<200x64xf32, #tpu.memory_space<hbm>>
        %dma_wait3A_640 = arith.constant 0 : i32
        %dma_wait3A_641 = tpu.memref_slice %arg3[%add3A_637, %dma_wait3A_640] : memref<100000x64xf32, #tpu.memory_space<hbm>> -> memref<200x64xf32, #tpu.memory_space<hbm>>
        tpu.wait_dma2 semaphore(%arg10 : memref<!tpu.dma_semaphore, #tpu.memory_space<semaphore_mem>>) src(%dma_wait3A_641 : memref<200x64xf32, #tpu.memory_space<hbm>>) dst(%arg6 : memref<200x64xf32, #tpu.memory_space<vmem>>)
        %add3A_642 = arith.constant 5000 : i32
        %add3A_643 = arith.addi %add3A_25, %add3A_642 : i32
        %dma_start3A_644 = arith.constant 0 : i32
        %dma_start3A_645 = tpu.memref_slice %arg4[%add3A_643, %dma_start3A_644] : memref<200000x64xf32, #tpu.memory_space<hbm>> -> memref<200x64xf32, #tpu.memory_space<hbm>>
        %dma_start3A_646 = arith.constant 0 : i32
        %dma_start3A_647 = tpu.memref_slice %arg4[%add3A_643, %dma_start3A_646] : memref<200000x64xf32, #tpu.memory_space<hbm>> -> memref<200x64xf32, #tpu.memory_space<hbm>>
        tpu.enqueue_dma source(%arg6 : memref<200x64xf32, #tpu.memory_space<vmem>>) target(%dma_start3A_647 : memref<200x64xf32, #tpu.memory_space<hbm>>) target_semaphore(%arg14 : memref<!tpu.dma_semaphore, #tpu.memory_space<semaphore_mem>>)
        %add3A_648 = arith.constant 5200 : i32
        %add3A_649 = arith.addi %multiple_of3A, %add3A_648 : i32
        %dma_wait3A_650 = arith.constant 0 : i32
        %dma_wait3A_651 = tpu.memref_slice %arg3[%add3A_649, %dma_wait3A_650] : memref<100000x64xf32, #tpu.memory_space<hbm>> -> memref<200x64xf32, #tpu.memory_space<hbm>>
        %dma_wait3A_652 = arith.constant 0 : i32
        %dma_wait3A_653 = tpu.memref_slice %arg3[%add3A_649, %dma_wait3A_652] : memref<100000x64xf32, #tpu.memory_space<hbm>> -> memref<200x64xf32, #tpu.memory_space<hbm>>
        tpu.wait_dma2 semaphore(%arg11 : memref<!tpu.dma_semaphore, #tpu.memory_space<semaphore_mem>>) src(%dma_wait3A_653 : memref<200x64xf32, #tpu.memory_space<hbm>>) dst(%arg7 : memref<200x64xf32, #tpu.memory_space<vmem>>)
        %add3A_654 = arith.constant 5200 : i32
        %add3A_655 = arith.addi %add3A_25, %add3A_654 : i32
        %dma_start3A_656 = arith.constant 0 : i32
        %dma_start3A_657 = tpu.memref_slice %arg4[%add3A_655, %dma_start3A_656] : memref<200000x64xf32, #tpu.memory_space<hbm>> -> memref<200x64xf32, #tpu.memory_space<hbm>>
        %dma_start3A_658 = arith.constant 0 : i32
        %dma_start3A_659 = tpu.memref_slice %arg4[%add3A_655, %dma_start3A_658] : memref<200000x64xf32, #tpu.memory_space<hbm>> -> memref<200x64xf32, #tpu.memory_space<hbm>>
        tpu.enqueue_dma source(%arg7 : memref<200x64xf32, #tpu.memory_space<vmem>>) target(%dma_start3A_659 : memref<200x64xf32, #tpu.memory_space<hbm>>) target_semaphore(%arg15 : memref<!tpu.dma_semaphore, #tpu.memory_space<semaphore_mem>>)
        %add3A_660 = arith.constant 5400 : i32
        %add3A_661 = arith.addi %multiple_of3A, %add3A_660 : i32
        %dma_wait3A_662 = arith.constant 0 : i32
        %dma_wait3A_663 = tpu.memref_slice %arg3[%add3A_661, %dma_wait3A_662] : memref<100000x64xf32, #tpu.memory_space<hbm>> -> memref<200x64xf32, #tpu.memory_space<hbm>>
        %dma_wait3A_664 = arith.constant 0 : i32
        %dma_wait3A_665 = tpu.memref_slice %arg3[%add3A_661, %dma_wait3A_664] : memref<100000x64xf32, #tpu.memory_space<hbm>> -> memref<200x64xf32, #tpu.memory_space<hbm>>
        tpu.wait_dma2 semaphore(%arg12 : memref<!tpu.dma_semaphore, #tpu.memory_space<semaphore_mem>>) src(%dma_wait3A_665 : memref<200x64xf32, #tpu.memory_space<hbm>>) dst(%arg8 : memref<200x64xf32, #tpu.memory_space<vmem>>)
        %add3A_666 = arith.constant 5400 : i32
        %add3A_667 = arith.addi %add3A_25, %add3A_666 : i32
        %dma_start3A_668 = arith.constant 0 : i32
        %dma_start3A_669 = tpu.memref_slice %arg4[%add3A_667, %dma_start3A_668] : memref<200000x64xf32, #tpu.memory_space<hbm>> -> memref<200x64xf32, #tpu.memory_space<hbm>>
        %dma_start3A_670 = arith.constant 0 : i32
        %dma_start3A_671 = tpu.memref_slice %arg4[%add3A_667, %dma_start3A_670] : memref<200000x64xf32, #tpu.memory_space<hbm>> -> memref<200x64xf32, #tpu.memory_space<hbm>>
        tpu.enqueue_dma source(%arg8 : memref<200x64xf32, #tpu.memory_space<vmem>>) target(%dma_start3A_671 : memref<200x64xf32, #tpu.memory_space<hbm>>) target_semaphore(%arg16 : memref<!tpu.dma_semaphore, #tpu.memory_space<semaphore_mem>>)
        %add3A_672 = arith.constant 4800 : i32
        %add3A_673 = arith.addi %add3A_25, %add3A_672 : i32
        %dma_wait3A_674 = arith.constant 0 : i32
        %dma_wait3A_675 = tpu.memref_slice %arg4[%add3A_673, %dma_wait3A_674] : memref<200000x64xf32, #tpu.memory_space<hbm>> -> memref<200x64xf32, #tpu.memory_space<hbm>>
        %dma_wait3A_676 = arith.constant 0 : i32
        %dma_wait3A_677 = tpu.memref_slice %arg4[%add3A_673, %dma_wait3A_676] : memref<200000x64xf32, #tpu.memory_space<hbm>> -> memref<200x64xf32, #tpu.memory_space<hbm>>
        tpu.wait_dma2 semaphore(%arg13 : memref<!tpu.dma_semaphore, #tpu.memory_space<semaphore_mem>>) src(%arg5 : memref<200x64xf32, #tpu.memory_space<vmem>>) dst(%dma_wait3A_677 : memref<200x64xf32, #tpu.memory_space<hbm>>)
        %add3A_678 = arith.constant 5000 : i32
        %add3A_679 = arith.addi %add3A_25, %add3A_678 : i32
        %dma_wait3A_680 = arith.constant 0 : i32
        %dma_wait3A_681 = tpu.memref_slice %arg4[%add3A_679, %dma_wait3A_680] : memref<200000x64xf32, #tpu.memory_space<hbm>> -> memref<200x64xf32, #tpu.memory_space<hbm>>
        %dma_wait3A_682 = arith.constant 0 : i32
        %dma_wait3A_683 = tpu.memref_slice %arg4[%add3A_679, %dma_wait3A_682] : memref<200000x64xf32, #tpu.memory_space<hbm>> -> memref<200x64xf32, #tpu.memory_space<hbm>>
        tpu.wait_dma2 semaphore(%arg14 : memref<!tpu.dma_semaphore, #tpu.memory_space<semaphore_mem>>) src(%arg6 : memref<200x64xf32, #tpu.memory_space<vmem>>) dst(%dma_wait3A_683 : memref<200x64xf32, #tpu.memory_space<hbm>>)
        %add3A_684 = arith.constant 5200 : i32
        %add3A_685 = arith.addi %add3A_25, %add3A_684 : i32
        %dma_wait3A_686 = arith.constant 0 : i32
        %dma_wait3A_687 = tpu.memref_slice %arg4[%add3A_685, %dma_wait3A_686] : memref<200000x64xf32, #tpu.memory_space<hbm>> -> memref<200x64xf32, #tpu.memory_space<hbm>>
        %dma_wait3A_688 = arith.constant 0 : i32
        %dma_wait3A_689 = tpu.memref_slice %arg4[%add3A_685, %dma_wait3A_688] : memref<200000x64xf32, #tpu.memory_space<hbm>> -> memref<200x64xf32, #tpu.memory_space<hbm>>
        tpu.wait_dma2 semaphore(%arg15 : memref<!tpu.dma_semaphore, #tpu.memory_space<semaphore_mem>>) src(%arg7 : memref<200x64xf32, #tpu.memory_space<vmem>>) dst(%dma_wait3A_689 : memref<200x64xf32, #tpu.memory_space<hbm>>)
        %add3A_690 = arith.constant 5400 : i32
        %add3A_691 = arith.addi %add3A_25, %add3A_690 : i32
        %dma_wait3A_692 = arith.constant 0 : i32
        %dma_wait3A_693 = tpu.memref_slice %arg4[%add3A_691, %dma_wait3A_692] : memref<200000x64xf32, #tpu.memory_space<hbm>> -> memref<200x64xf32, #tpu.memory_space<hbm>>
        %dma_wait3A_694 = arith.constant 0 : i32
        %dma_wait3A_695 = tpu.memref_slice %arg4[%add3A_691, %dma_wait3A_694] : memref<200000x64xf32, #tpu.memory_space<hbm>> -> memref<200x64xf32, #tpu.memory_space<hbm>>
        tpu.wait_dma2 semaphore(%arg16 : memref<!tpu.dma_semaphore, #tpu.memory_space<semaphore_mem>>) src(%arg8 : memref<200x64xf32, #tpu.memory_space<vmem>>) dst(%dma_wait3A_695 : memref<200x64xf32, #tpu.memory_space<hbm>>)
      } else {
      }
    } else {
    }
    return
  }
}

</mosaic_0001>

<sc_bundles>
// kernel: kernel.3.cloned.1.call-start
scs
__scs_entry_jumppad:
0x0: {  	(pc) =	sbr.rel $0x88, $3  }
0x1: {  	(tag) =	ssettag $0x0;
	lr =	simm.s32 $0x1  }
0x2: {  	[smem:$0x3F9F] =	sst lr;
	_ =	strace $0xD0000000  }
0x3: {  	_ = 	snop  }
0x4: {  	_ = 	snop  }
0x5: {  	_ = 	snop  }
0x6: {  	_ = 	snop  }
0x7: {  	_ = 	snop  }
__scs_overlays_trampoline_lowered:
0x8: {  	[smem:$0x3FAE] =	sst s0  }
0x9: {  	[smem:$0x3FAF] =	sst s1  }
0xa: {  	[smem:$0x3FB0] =	sst s2  }
0xb: {  	[smem:$0x3FB1] =	sst s3  }
0xc: {  	[smem:$0x3FB2] =	sst s4  }
0xd: {  	[smem:$0x3FB3] =	sst s5  }
0xe: {  	[smem:$0x3FB4] =	sst s6  }
0xf: {  	[smem:$0x3FB5] =	sst s7  }
0x10: {  	[smem:$0x3FB6] =	sst s8  }
0x11: {  	[smem:$0x3FB7] =	sst s9;
	s0 =	simm.s32 @!p0 $0x0  }
0x12: {  	s1 =	sld [smem:$0x3F9D];
	s0 =	simm.s32 @p0 $0x1  }
0x13: {  	[smem:$0x3FB8] =	sst s0;
	s0 =	simm.s32 @!p1 $0x0  }
0x14: {  	s2 =	sld [smem:$0x3F9C];
	s0 =	simm.s32 @p1 $0x1  }
0x15: {  	[smem:$0x3FB9] =	sst s0;
	s0 =	simm.s32 @!p2 $0x0  }
0x16: {  	s3 =	sld [smem:$0x3FDB];
	s0 =	simm.s32 @p2 $0x1  }
0x17: {  	s4 =	simm.s32 $0x1BF5;
	[smem:$0x3FBB] =	sst s0  }
0x18: {  	s0 =	sld [smem:$0x3F9E];
	_ =	swait.ge [sflag:s4], $0x0  }
0x19: {  	s7 =	sld [smem:$0x3F9F]  }
0x1a: {  	s8 =	sadd.s32 $0xFFFFE003, lr  }
0x1b: {  	s9 =	sadd.s32 $0xFFFFFEF7, lr;
	s5 =	simm.s32 $0xFFFFFFFF;
	p2 =	slt.u32 s8, $0xFFFFF086  }
0x1c: {  	p1 =	slt.u32 s9, $0xF7A;
	s5 =	simm.s32 @!p2 $0x0  }
0x1d: {  	s5 =	simm.s32 @p1 $0x1;
	p0 =	seq.s32 s7, s2  }
0x1e: {  	s7 =	smul.u32 @!p0 $0xF7A, s2;
	p2 =	seq.s32 @!p0 s5, $0x0  }
0x1f: {  	s9 =	smul.u32 $0xF7A, s1;
	s8 =	simm.s32 @!p0 $0x1BF5;
	p2 =	por !p2, p0  }
0x20: {  	[sflag:s8] =	ssyncset.s32 @!p0 $0xFFFFF086;
	s6 =	sadd.s32 @!p0 s3, s7;
	s7 =	simm.s32 @!p0 $0x108  }
0x21: {  	s3 =	sadd.s32 s3, s9;
	s6 =	sadd.s32 @!p0 $0x88, s6;
	s7 =	simm.s32 @p2 $0x1082  }
0x22: {  	[simem:s7], [sflag:s8] =	dma.local @!p0 [hbm:s6], $0xF7A  }
0x23: {  	s9 =	sor.u32 $0xD0000000, s2;
	s6 =	simm.s32 $0x108;
	_ =	swait.ge @!p0 [sflag:s8], $0x0  }
0x24: {  	s3 =	sadd.s32 $0x88, s3;
	s6 =	simm.s32 @!p1 $0x1082;
	[sflag:s4] =	ssyncset.s32 $0xFFFFF086  }
0x25: {  	[simem:s6], [sflag:s4] =	dma.local [hbm:s3], $0xF7A  }
0x26: {  	[smem:$0x3F9F] =	sst s1;
	(tag) =	ssettag s2;
	_ =	strace s9  }
0x27: {  	s1 =	sld [smem:$0x3FAF]  }
0x28: {  	s2 =	sld [smem:$0x3FB0]  }
0x29: {  	s4 =	sld [smem:$0x3FB2]  }
0x2a: {  	p0 =	seq.s32 s5, $0x0;
	s5 =	sld [smem:$0x3FB3]  }
0x2b: {  	s6 =	sld [smem:$0x3FB4]  }
0x2c: {  	s7 =	sld [smem:$0x3FB5]  }
0x2d: {  	s3 =	simm.s32 $0x108;
	s8 =	sld [smem:$0x3FB6]  }
0x2e: {  	s3 =	simm.s32 @!p0 $0x1082;
	s9 =	sld [smem:$0x3FB7]  }
0x2f: {  	lr =	sadd.s32 s0, s3;
	s0 =	sld [smem:$0x3FAE]  }
0x30: {  	s3 =	sld [smem:$0x3FB1]  }
0x31: {  	[smem:$0x3FBA] =	sst s10  }
0x32: {  	s10 =	sld [smem:$0x3FB8];
	_ =	sdelay $0x3  }
0x33: {  	p0 =	seq.s32 s10, $0x1;
	s10 =	sld [smem:$0x3FBA];
	_ =	sdelay $0x3  }
0x34: {  	[smem:$0x3FBA] =	sst s10  }
0x35: {  	s10 =	sld [smem:$0x3FB9];
	_ =	sdelay $0x3  }
0x36: {  	p1 =	seq.s32 s10, $0x1;
	s10 =	sld [smem:$0x3FBA];
	_ =	sdelay $0x3  }
0x37: {  	[smem:$0x3FBA] =	sst s10  }
0x38: {  	s10 =	sld [smem:$0x3FBB]  }
0x39: {  	_ = 	snop;
	(pc) =	sbr.ind lr, $3  }
0x3a: {  	_ = 	snop  }
0x3b: {  	_ = 	snop  }
0x3c: {  	p2 =	seq.s32 s10, $0x1;
	s10 =	sld [smem:$0x3FBA]  }
0x3d: {  	_ =	shalt  }
0x3e: {  	_ =	shalt  }
0x3f: {  	_ =	shalt  }
0x40: {  	_ =	shalt  }
0x41: {  	_ =	shalt  }
0x42: {  	_ =	shalt  }
0x43: {  	_ =	shalt  }
0x44: {  	_ =	shalt  }
0x45: {  	_ =	shalt  }
0x46: {  	_ =	shalt  }
0x47: {  	_ =	shalt  }
0x48: {  	_ =	shalt  }
0x49: {  	_ =	shalt  }
0x4a: {  	_ =	shalt  }
0x4b: {  	_ =	shalt  }
0x4c: {  	_ =	shalt  }
0x4d: {  	_ =	shalt  }
0x4e: {  	_ =	shalt  }
0x4f: {  	_ =	shalt  }
0x50: {  	_ =	shalt  }
0x51: {  	_ =	shalt  }
0x52: {  	_ =	shalt  }
0x53: {  	_ =	shalt  }
0x54: {  	_ =	shalt  }
0x55: {  	_ =	shalt  }
0x56: {  	_ =	shalt  }
0x57: {  	_ =	shalt  }
0x58: {  	_ =	shalt  }
0x59: {  	_ =	shalt  }
0x5a: {  	_ =	shalt  }
0x5b: {  	_ =	shalt  }
0x5c: {  	_ =	shalt  }
0x5d: {  	_ =	shalt  }
0x5e: {  	_ =	shalt  }
0x5f: {  	_ =	shalt  }
0x60: {  	_ =	shalt  }
0x61: {  	_ =	shalt  }
0x62: {  	_ =	shalt  }
0x63: {  	_ =	shalt  }
0x64: {  	_ =	shalt  }
0x65: {  	_ =	shalt  }
0x66: {  	_ =	shalt  }
0x67: {  	_ =	shalt  }
0x68: {  	_ =	shalt  }
0x69: {  	_ =	shalt  }
0x6a: {  	_ =	shalt  }
0x6b: {  	_ =	shalt  }
0x6c: {  	_ =	shalt  }
0x6d: {  	_ =	shalt  }
0x6e: {  	_ =	shalt  }
0x6f: {  	_ =	shalt  }
0x70: {  	_ =	shalt  }
0x71: {  	_ =	shalt  }
0x72: {  	_ =	shalt  }
0x73: {  	_ =	shalt  }
0x74: {  	_ =	shalt  }
0x75: {  	_ =	shalt  }
0x76: {  	_ =	shalt  }
0x77: {  	_ =	shalt  }
0x78: {  	_ =	shalt  }
0x79: {  	_ =	shalt  }
0x7a: {  	_ =	shalt  }
0x7b: {  	_ =	shalt  }
0x7c: {  	_ =	shalt  }
0x7d: {  	_ =	shalt  }
0x7e: {  	_ =	shalt  }
0x7f: {  	_ =	shalt  }
0x80: {  	_ =	shalt  }
0x81: {  	_ =	shalt  }
0x82: {  	_ =	shalt  }
0x83: {  	_ =	shalt  }
0x84: {  	_ =	shalt  }
0x85: {  	_ =	shalt  }
0x86: {  	_ =	shalt  }
0x87: {  	_ =	shalt  }
.Lfunc_end0:
.L_simem_size_0:
called_computation_lowered:
.L_overlay_start_0:
0x88: {  	s2 =	sld [smem:$0x3FD9]  }
0x89: {  	s3 =	sld [smem:$0x3FFE];
	_ =	sdelay $0x1  }
0x8a: {  	s1 =	srdreg.scid  }
0x8b: {  	s0 =	sand.u32 $0x1, s1  }
0x8c: {  	s17 =	sshll.u32 s0, $0xA;
	s2 =	sadd.s32 s3, s2  }
0x8d: {  	s2 =	sadd.s32 s2, s17  }
0x8e: {  	[smem:$0x3FC6] =	sst s2  }
0x8f: {  	_ = 	snop  }
0x90: {  	s2 =	sld [smem:$0x3FD0];
	(tm) =	ssettm $0x1  }
0x91: {  	s18 =	sld [smem:$0x3FFB];
	_ =	sdelay $0x3  }
0x92: {  	_ =	strace s18  }
0x93: {  	s3 =	sld [smem:$0x3FFC];
	_ =	sdelay $0x3  }
0x94: {  	_ =	strace s3  }
0x95: {  	s3 =	sld [smem:$0x3FFD];
	_ =	sdelay $0x3  }
0x96: {  	_ =	strace s3  }
0x97: {  	_ =	strace $0x8FFFFFFF  }
0x98: {  	s19 =	sld [smem:$0x3FDB];
	_ =	sdelay $0x1  }
0x99: {  	s4 =	simm.s32 $_scs_section_size  }
0x9a: {  	s5 =	simm.s32 $_size__tile_overlayer_lowered;
	s6 =	simm.s32 $_tile_overlayer_lowered  }
0x9b: {  	s22 =	simm.s32 $0x1BFF;
	s21 =	sshll.u32 s6, $0x1;
	s3 =	sadd.s32 s4, s19  }
0x9c: {  	s7 =	simm.s32 $0x0;
	s20 =	sshll.u32 s5, $0x1;
	s5 =	sadd.s32 s21, s3  }
0x9d: {  	[timem:s7], [sflag:s22] =	dma.local [hbm:s5], s20  }
0x9e: {  	_ =	swait.ge [sflag:s22], s20  }
0x9f: {  	s4 =	ssub.s32 $0x0, s20;
	[sflag:s22] =	ssyncset.done $0x0  }
0xa0: {  	[sflag:s22] =	ssyncadd.s32 s4;
	_ =	sdelay $0x1  }
0xa1: {  	s23 =	simm.s32 $0x1B8B  }
0xa2: {  	_ =	swait.ge [sflag:s23], $0x1  }
0xa3: {  	[sflag:s23] =	ssyncset.done $0x0  }
0xa4: {  	s25 =	simm.s32 $0x1B8E;
	s24 =	sld [smem:$0x3FFE];
	[sflag:s23] =	ssyncadd.s32 $0xFFFFFFFF  }
0xa5: {  	s26 =	simm.s32 $execute0_lowered;
	[smem:$0x3FD2] =	sst s25  }
0xa6: {  	s5 =	sshll.u32 s26, $0x1;
	_ =	strace $0x80000046;
	[dreg:$0x1] =	wrdreg $0xFFFFFFFF  }
0xa7: {  	s28 =	simm.s32 $_size_execute0_lowered;
	s3 =	sadd.s32 s3, s5;
	[dreg:$0x0] =	wrdreg $0x0  }
0xa8: {  	s5 =	sshll.u32 s28, $0x1;
	[dreg:$0x2] =	wrdreg s3  }
0xa9: {  	[dreg:$0x3] =	wrdreg s5  }
0xaa: {  	[dreg:$0x4] =	wrdreg $0xC0  }
0xab: {  	_ =	task [dreg:s7], $0x5FFFF  }
0xac: {  	[dreg:$0x1] =	wrdreg $0xFFFFFFFF  }
0xad: {  	[dreg:$0x0] =	wrdreg $0x60  }
0xae: {  	[dreg:$0x2] =	wrdreg s2  }
0xaf: {  	[dreg:$0x3] =	wrdreg s24  }
0xb0: {  	[dreg:$0x4] =	wrdreg $0x9  }
0xb1: {  	_ =	task.clear_ibuf [dreg:s7], $0x5FFFF;
	_ =	strace $0x90000046  }
0xb2: {  	s29 =	simm.s32 $0x9;
	_ =	strace $0x80000048  }
0xb3: {  	_ =	swait.ge [sflag:s29], $0x1  }
0xb4: {  	[sflag:s29] =	ssyncadd.s32 $0xFFFFFFFF  }
0xb5: {  	_ =	strace $0x90000048  }
0xb6: {  	_ =	sfence  }
0xb7: {  	s30 =	sld [smem:$0x0];
	_ =	sdelay $0x2  }
0xb8: {  	s31 =	sshll.u32 s1, $0xD;
	s1 =	sshrl.u32 s1, $0x2  }
0xb9: {  	s3 =	sand.u32 $0x4000, s31;
	s1 =	sadd.s32 s1, s30  }
0xba: {  	s0 =	sor.u32 s3, s0;
	s1 =	sshll.u32 s1, $0x11  }
0xbb: {  	s0 =	sor.u32 s1, s0  }
0xbc: {  	s0 =	sadd.s32 $0x8F2B, s0  }
0xbd: {  	[sflag:s0] =	ssyncadd.remote.s32 $0x1  }
0xbe: {  	_ =	sfence.sel $0xFFFF  }
0xbf: {  	[dreg:$0x0] =	wrdreg $0xFFFFFFFF;
	(pc) =	sbr.abs _section_cstart, $3  }
0xc0: {  	[dreg:$0x1] =	wrdreg $0xFFFFFFFF  }
0xc1: {  	_ =	task.clear_ibuf [dreg:s7], $0x2FFFF;
	_ =	strace $0x9FFFFFFF  }
0xc2: {  	(tm) =	ssettm $0x7FFFFFFF  }
0xc3: {  	_ =	shalt  }
tec
execute0_lowered:
.L_overlay_start_1:
0x0: {  	(tag) =	ssettag $0x1  }
0x1: {  	s0 =	srdreg.scid;
	s13 =	stileid.u32  }
0x2: {  	s5 =	sand.u32 $0x1, s0;
	s20 =	sshll.u32 s13, $0x1  }
0x3: {  	s3 =	sor.u32 s5, s20  }
0x4: {  	s4 =	smul.u32 $0xAF000, s3;
	_ =	sdelay $0x1  }
0x5: {  	s2 =	sshrl.u32 s4, $0x3  }
0x6: {  	s0 =	rddreg [dreg:$0x0];
	s1 =	sadd.s32 $0x2AF80, s2  }
0x7: {  	s21 =	sadd.s32 $0x2BC00, s2;
	[dreg:$0x3] =	wrdreg s1  }
0x8: {  	s9 =	sadd.s32 $0x2C880, s2;
	[dreg:$0x4] =	wrdreg s21  }
0x9: {  	s22 =	sadd.s32 $0x2D500, s2;
	[dreg:$0x5] =	wrdreg s9  }
0xa: {  	s11 =	sadd.s32 $0x2E180, s2;
	[dreg:$0x6] =	wrdreg s22  }
0xb: {  	s15 =	sadd.s32 $0x2EE00, s2;
	[dreg:$0x7] =	wrdreg s11  }
0xc: {  	s25 =	sadd.s32 $0x2FA80, s2;
	[dreg:$0xa] =	wrdreg s15  }
0xd: {  	s28 =	sadd.s32 $0x30700, s2;
	[dreg:$0x15] =	wrdreg s25  }
0xe: {  	s7 =	smul.u32 $0xC8000, s3;
	s30 =	sadd.s32 $0x31380, s2;
	[dreg:$0x17] =	wrdreg s28  }
0xf: {  	s18 =	sadd.s32 $0x34580, s2;
	s20 =	sadd.s32 $0x35200, s2;
	[dreg:$0x1a] =	wrdreg s30  }
0x10: {  	s6 =	sadd.s32 s0, s1;
	s10 =	sadd.s32 s0, s22;
	[smem:$0x77F] =	sst s18  }
0x11: {  	s1 =	sshrl.u32 s7, $0x3;
	[smem:$0x782] =	sst s20;
	s22 =	sadd.s32 $0x35E80, s2  }
0x12: {  	s12 =	sadd.s32 $0x5780, s1;
	[smem:$0x785] =	sst s22  }
0x13: {  	s14 =	sadd.s32 $0x6400, s1;
	[dreg:$0x8] =	wrdreg s12  }
0x14: {  	s16 =	sadd.s32 $0x7080, s1;
	[dreg:$0x9] =	wrdreg s14  }
0x15: {  	s17 =	sadd.s32 $0x7D00, s1;
	[dreg:$0xd] =	wrdreg s16  }
0x16: {  	s23 =	sadd.s32 $0x8980, s1;
	[dreg:$0xe] =	wrdreg s17  }
0x17: {  	s24 =	sadd.s32 $0x9600, s1;
	[dreg:$0x11] =	wrdreg s23  }
0x18: {  	s26 =	sadd.s32 $0xA280, s1;
	[dreg:$0x13] =	wrdreg s24  }
0x19: {  	p0 =	sgt.u32 s3, $0xC;
	s29 =	sadd.s32 $0xAF00, s1;
	[dreg:$0x16] =	wrdreg s26  }
0x1a: {  	s8 =	sadd.s32 s0, s21;
	s31 =	sadd.s32 $0xBB80, s1;
	[dreg:$0x19] =	wrdreg s29  }
0x1b: {  	s9 =	sadd.s32 s0, s9;
	s19 =	sadd.s32 $0xED80, s1;
	[dreg:$0x1c] =	wrdreg s31  }
0x1c: {  	s21 =	sadd.s32 $0xFA00, s1;
	s12 =	sadd.s32 s0, s12;
	[smem:$0x780] =	sst s19  }
0x1d: {  	s14 =	sadd.s32 s0, s14;
	[smem:$0x783] =	sst s21;
	s12 =	smov.u32 @p0 s6  }
0x1e: {  	s16 =	sadd.s32 s0, s16;
	s14 =	smov.u32 @p0 s8;
	[dreg:$0xb] =	wrdreg s12  }
0x1f: {  	s16 =	smov.u32 @p0 s9;
	[dreg:$0xc] =	wrdreg s14  }
0x20: {  	s6 =	sadd.s32 s0, s17;
	s17 =	sadd.s32 $0xE100, s1;
	[dreg:$0xf] =	wrdreg s16  }
0x21: {  	s8 =	sadd.s32 s0, s23;
	s23 =	sadd.s32 $0x10680, s1;
	[smem:$0x77D] =	sst s17  }
0x22: {  	s11 =	sadd.s32 s0, s11;
	s6 =	smov.u32 @p0 s10;
	[smem:$0x786] =	sst s23  }
0x23: {  	s8 =	smov.u32 @p0 s11;
	[dreg:$0x10] =	wrdreg s6  }
0x24: {  	s11 =	sadd.s32 $0x32000, s2;
	[dreg:$0x12] =	wrdreg s8  }
0x25: {  	s12 =	sadd.s32 $0xC800, s1;
	[dreg:$0x1e] =	wrdreg s11  }
0x26: {  	s14 =	sadd.s32 $0x32C80, s2;
	[dreg:$0x1f] =	wrdreg s12  }
0x27: {  	s16 =	sadd.s32 $0x33900, s2;
	[smem:$0x779] =	sst s14  }
0x28: {  	s6 =	sadd.s32 s0, s15;
	s15 =	sadd.s32 $0xD480, s1;
	[smem:$0x77C] =	sst s16  }
0x29: {  	s8 =	sadd.s32 s0, s24;
	s24 =	sadd.s32 $0x36B00, s2;
	[smem:$0x77A] =	sst s15  }
0x2a: {  	s8 =	smov.u32 @p0 s6;
	[smem:$0x788] =	sst s24  }
0x2b: {  	s6 =	sadd.s32 s0, s25;
	s25 =	sadd.s32 $0x11300, s1;
	[dreg:$0x14] =	wrdreg s8  }
0x2c: {  	s8 =	sadd.s32 s0, s26;
	s26 =	sadd.s32 $0x37780, s2;
	[smem:$0x789] =	sst s25  }
0x2d: {  	s5 =	ssub.s32 $0x2, s5;
	s8 =	smov.u32 @p0 s6;
	[smem:$0x78B] =	sst s26  }
0x2e: {  	s6 =	sadd.s32 s0, s28;
	s28 =	sadd.s32 $0x38400, s2;
	[dreg:$0x18] =	wrdreg s8  }
0x2f: {  	s8 =	sadd.s32 s0, s29;
	[smem:$0x78C] =	sst s28;
	s29 =	sadd.s32 $0x11F80, s1  }
0x30: {  	p1 =	sgt.u32 s3, $0x1C;
	s8 =	smov.u32 @p0 s6;
	[smem:$0x78D] =	sst s29  }
0x31: {  	s6 =	sadd.s32 s0, s30;
	s30 =	sadd.s32 $0x12C00, s1;
	[dreg:$0x1b] =	wrdreg s8  }
0x32: {  	s8 =	sadd.s32 s0, s31;
	s31 =	sadd.s32 $0x39080, s2;
	[smem:$0x78E] =	sst s30  }
0x33: {  	s10 =	sadd.s32 s0, s30;
	s30 =	sadd.s32 $0x3DB80, s2;
	[smem:$0x791] =	sst s31  }
0x34: {  	s8 =	smov.u32 @p0 s6;
	s6 =	sadd.s32 s0, s11;
	[smem:$0x7A3] =	sst s30  }
0x35: {  	[dreg:$0x1d] =	wrdreg s8;
	s8 =	sadd.s32 s0, s12;
	s12 =	sadd.s32 $0x39D00, s2  }
0x36: {  	s7 =	sadd.s32 $0xFF380000, s7;
	s8 =	smov.u32 @p0 s6;
	[smem:$0x792] =	sst s12  }
0x37: {  	s6 =	sadd.s32 s0, s14;
	s14 =	sadd.s32 $0x13880, s1;
	[smem:$0x778] =	sst s8  }
0x38: {  	s8 =	sadd.s32 s0, s15;
	s15 =	sadd.s32 $0x14500, s1;
	[smem:$0x793] =	sst s14  }
0x39: {  	s7 =	sshrl.u32 s7, $0x3;
	s8 =	smov.u32 @p0 s6;
	[smem:$0x794] =	sst s15  }
0x3a: {  	s6 =	sadd.s32 s0, s16;
	s16 =	sadd.s32 $0x3A980, s2;
	[smem:$0x77B] =	sst s8  }
0x3b: {  	s8 =	sadd.s32 s0, s17;
	s17 =	sadd.s32 $0x15180, s1;
	[smem:$0x797] =	sst s16  }
0x3c: {  	s9 =	sadd.s32 s0, s29;
	s8 =	smov.u32 @p0 s6;
	[smem:$0x798] =	sst s17  }
0x3d: {  	s6 =	sadd.s32 s0, s18;
	s18 =	sadd.s32 $0x3B600, s2;
	[smem:$0x77E] =	sst s8  }
0x3e: {  	s8 =	sadd.s32 s0, s19;
	s19 =	sshrl.u32 s5, $0x1;
	[smem:$0x79A] =	sst s18  }
0x3f: {  	s8 =	smov.u32 @p0 s6;
	s6 =	sadd.s32 s0, s20;
	s20 =	sadd.s32 $0x3C280, s2  }
0x40: {  	s5 =	ssub.s32 s5, s19;
	s19 =	sadd.s32 $0xFF687000, s4;
	[smem:$0x781] =	sst s8  }
0x41: {  	s8 =	sadd.s32 s0, s21;
	s21 =	sadd.s32 $0x15E00, s1;
	[smem:$0x79B] =	sst s20  }
0x42: {  	s8 =	smov.u32 @p0 s6;
	s6 =	sadd.s32 s0, s22;
	[smem:$0x79C] =	sst s21  }
0x43: {  	s22 =	sadd.s32 $0x16A80, s1;
	[smem:$0x784] =	sst s8;
	s8 =	sadd.s32 s0, s23  }
0x44: {  	[smem:$0x79D] =	sst s22;
	s11 =	sadd.s32 s0, s22;
	s23 =	sadd.s32 $0x3CF00, s2  }
0x45: {  	s8 =	smov.u32 @p0 s6;
	s6 =	sadd.s32 s0, s24;
	[smem:$0x7A0] =	sst s23  }
0x46: {  	s24 =	sadd.s32 $0x17700, s1;
	[smem:$0x787] =	sst s8;
	s8 =	sadd.s32 s0, s25  }
0x47: {  	s25 =	sadd.s32 $0xFF667C00, s4;
	[smem:$0x7A1] =	sst s24;
	s8 =	smov.u32 @p0 s6  }
0x48: {  	s6 =	sadd.s32 s0, s26;
	s26 =	sshrl.u32 s25, $0x3;
	s25 =	sadd.s32 $0xFF6A6400, s4  }
0x49: {  	[smem:$0x78A] =	sst s8;
	s8 =	sadd.s32 s0, s28;
	s9 =	smov.u32 @p0 s6  }
0x4a: {  	s6 =	sadd.s32 s0, s31;
	s28 =	sadd.s32 $0xFF66E000, s4;
	s31 =	sadd.s32 $0x18380, s1  }
0x4b: {  	[smem:$0x78F] =	sst s9;
	s10 =	smov.u32 @p0 s8;
	s8 =	sadd.s32 s0, s12  }
0x4c: {  	s9 =	sadd.s32 s0, s14;
	s29 =	sshrl.u32 s28, $0x3;
	s12 =	sadd.s32 s0, s30  }
0x4d: {  	[smem:$0x7A4] =	sst s31;
	s14 =	sadd.s32 s0, s31;
	s28 =	sadd.s32 $0xFF6AC800, s4  }
0x4e: {  	s30 =	sadd.s32 $0xFF6B9000, s4;
	[smem:$0x790] =	sst s10;
	s10 =	sadd.s32 s0, s15  }
0x4f: {  	s9 =	smov.u32 @p0 s6;
	s6 =	sadd.s32 s0, s16;
	s14 =	smov.u32 @p0 s12  }
0x50: {  	s12 =	sadd.s32 $0x18A880, s7;
	s16 =	sadd.s32 $0xFF67A800, s4;
	s31 =	sshrl.u32 s30, $0x3  }
0x51: {  	s30 =	sadd.s32 $0xFF6FDC00, s4;
	[smem:$0x795] =	sst s9;
	s10 =	smov.u32 @p0 s8  }
0x52: {  	s8 =	sadd.s32 s0, s17;
	[smem:$0x7A5] =	sst s14;
	s17 =	sadd.s32 $0xFF680C00, s4  }
0x53: {  	s9 =	sadd.s32 s0, s20;
	s20 =	sadd.s32 $0xFF68D400, s4;
	[smem:$0x796] =	sst s10  }
0x54: {  	s8 =	smov.u32 @p0 s6;
	s10 =	sadd.s32 s0, s21;
	s11 =	smov.u32 @p0 s9  }
0x55: {  	s6 =	rddreg [dreg:$0x1];
	s9 =	sadd.s32 s0, s23;
	s21 =	sadd.s32 $0xFF693800, s4  }
0x56: {  	s23 =	sadd.s32 $0xFF699C00, s4;
	[smem:$0x799] =	sst s8;
	s8 =	sadd.s32 s0, s18  }
0x57: {  	[smem:$0x79F] =	sst s11;
	s11 =	sadd.s32 $0x52080, s2;
	s18 =	sshrl.u32 s17, $0x3  }
0x58: {  	s22 =	sshrl.u32 s21, $0x3;
	s17 =	sadd.s32 $0xFF6C5800, s4;
	s21 =	sadd.s32 $0xFF6D8400, s4  }
0x59: {  	s10 =	smov.u32 @p0 s8;
	s8 =	sadd.s32 $0x2000, s6;
	s12 =	smov.u32 @p1 s11  }
0x5a: {  	s11 =	sadd.s32 $0x52D00, s2;
	[smem:$0x79E] =	sst s10;
	s10 =	sadd.s32 s0, s24  }
0x5b: {  	[smem:$0x7A7] =	sst s12;
	s12 =	sadd.s32 $0x18B500, s7;
	s24 =	sadd.s32 $0xFF6A0000, s4  }
0x5c: {  	s10 =	smov.u32 @p0 s9;
	s9 =	sadd.s32 s8, s7;
	s12 =	smov.u32 @p1 s11  }
0x5d: {  	s11 =	sshrl.u32 s16, $0x3;
	s16 =	sadd.s32 $0xFF6BF400, s4;
	[smem:$0x7A2] =	sst s10  }
0x5e: {  	s10 =	sadd.s32 s8, s26;
	s15 =	sadd.s32 $0x5780, s9;
	s14 =	sadd.s32 $0x6400, s9  }
0x5f: {  	[smem:$0x7A9] =	sst s12;
	s12 =	sadd.s32 $0x53980, s2;
	s26 =	sshrl.u32 s25, $0x3  }
0x60: {  	s25 =	sadd.s32 $0xFF6EB000, s4;
	s15 =	smov.u32 @p1 s10;
	s10 =	sadd.s32 s8, s29  }
0x61: {  	[smem:$0x7A6] =	sst s15;
	s14 =	smov.u32 @p1 s10;
	s15 =	sadd.s32 $0xFF674400, s4  }
0x62: {  	s29 =	sadd.s32 $0xFF6B2C00, s4;
	[smem:$0x7A8] =	sst s14;
	s10 =	sshrl.u32 s15, $0x3  }
0x63: {  	s14 =	sadd.s32 $0x7080, s9;
	s15 =	sadd.s32 $0x7D00, s9;
	s10 =	sadd.s32 s8, s10  }
0x64: {  	s14 =	smov.u32 @p1 s10;
	s10 =	sadd.s32 s8, s11;
	s11 =	sadd.s32 $0x54600, s2  }
0x65: {  	[smem:$0x7AA] =	sst s14;
	s14 =	sadd.s32 $0x18C180, s7;
	s15 =	smov.u32 @p1 s10  }
0x66: {  	s10 =	sadd.s32 s8, s18;
	s18 =	sadd.s32 $0xFF6CBC00, s4;
	s14 =	smov.u32 @p1 s12  }
0x67: {  	[smem:$0x7AC] =	sst s15;
	s12 =	sadd.s32 $0x18CE00, s7;
	s15 =	sadd.s32 $0xA280, s9  }
0x68: {  	[smem:$0x7AB] =	sst s14;
	s14 =	sadd.s32 $0x8980, s9;
	s12 =	smov.u32 @p1 s11  }
0x69: {  	s11 =	sadd.s32 $0x55280, s2;
	[smem:$0x7AD] =	sst s12;
	s14 =	smov.u32 @p1 s10  }
0x6a: {  	s10 =	sshrl.u32 s19, $0x3;
	s12 =	sadd.s32 $0x18DA80, s7;
	s19 =	sshrl.u32 s18, $0x3  }
0x6b: {  	[smem:$0x7AE] =	sst s14;
	s12 =	smov.u32 @p1 s11;
	s10 =	sadd.s32 s8, s10  }
0x6c: {  	s11 =	sshrl.u32 s20, $0x3;
	s14 =	sadd.s32 $0x9600, s9;
	s20 =	sadd.s32 $0xFF6D2000, s4  }
0x6d: {  	[smem:$0x7AF] =	sst s12;
	s14 =	smov.u32 @p1 s10;
	s10 =	sadd.s32 s8, s11  }
0x6e: {  	s12 =	sadd.s32 $0x55F00, s2;
	s11 =	sadd.s32 $0x56B80, s2;
	[smem:$0x7B0] =	sst s14  }
0x6f: {  	s14 =	sadd.s32 $0x18E700, s7;
	s15 =	smov.u32 @p1 s10;
	s10 =	sadd.s32 s8, s22  }
0x70: {  	s22 =	sadd.s32 $0xFF6DE800, s4;
	s14 =	smov.u32 @p1 s12;
	[smem:$0x7B2] =	sst s15  }
0x71: {  	s12 =	sadd.s32 $0x18F380, s7;
	s15 =	sadd.s32 $0xC800, s9;
	[smem:$0x7B1] =	sst s14  }
0x72: {  	s14 =	sadd.s32 $0xAF00, s9;
	s12 =	smov.u32 @p1 s11;
	s11 =	sadd.s32 $0x57800, s2  }
0x73: {  	[smem:$0x7B3] =	sst s12;
	s14 =	smov.u32 @p1 s10;
	s10 =	sshrl.u32 s23, $0x3  }
0x74: {  	s12 =	sadd.s32 $0x190000, s7;
	s23 =	sshrl.u32 s22, $0x3;
	[smem:$0x7B4] =	sst s14  }
0x75: {  	s12 =	smov.u32 @p1 s11;
	s10 =	sadd.s32 s8, s10;
	s11 =	sshrl.u32 s24, $0x3  }
0x76: {  	s14 =	sadd.s32 $0xBB80, s9;
	s24 =	sadd.s32 $0xFF6E4C00, s4;
	[smem:$0x7B5] =	sst s12  }
0x77: {  	s14 =	smov.u32 @p1 s10;
	s10 =	sadd.s32 s8, s11;
	s12 =	sadd.s32 $0x58480, s2  }
0x78: {  	s11 =	sadd.s32 $0x59100, s2;
	[smem:$0x7B6] =	sst s14;
	s14 =	sadd.s32 $0x190C80, s7  }
0x79: {  	s15 =	smov.u32 @p1 s10;
	s10 =	sadd.s32 s8, s26;
	s26 =	sshrl.u32 s25, $0x3  }
0x7a: {  	s14 =	smov.u32 @p1 s12;
	[smem:$0x7B8] =	sst s15;
	s12 =	sadd.s32 $0x191900, s7  }
0x7b: {  	s15 =	sadd.s32 $0xED80, s9;
	[smem:$0x7B7] =	sst s14;
	s12 =	smov.u32 @p1 s11  }
0x7c: {  	s14 =	sadd.s32 $0xD480, s9;
	s11 =	sadd.s32 $0x59D80, s2;
	[smem:$0x7B9] =	sst s12  }
0x7d: {  	s14 =	smov.u32 @p1 s10;
	s10 =	sshrl.u32 s28, $0x3;
	s12 =	sadd.s32 $0x192580, s7  }
0x7e: {  	s28 =	sadd.s32 $0xFF6F1400, s4;
	[smem:$0x7BA] =	sst s14;
	s12 =	smov.u32 @p1 s11  }
0x7f: {  	s10 =	sadd.s32 s8, s10;
	s11 =	sshrl.u32 s29, $0x3;
	s14 =	sadd.s32 $0xE100, s9  }
0x80: {  	s29 =	sadd.s32 $0xFF6F7800, s4;
	[smem:$0x7BB] =	sst s12;
	s14 =	smov.u32 @p1 s10  }
0x81: {  	s10 =	sadd.s32 s8, s11;
	s12 =	sadd.s32 $0x5AA00, s2;
	s11 =	sadd.s32 $0x5B680, s2  }
0x82: {  	[smem:$0x7BC] =	sst s14;
	s14 =	sadd.s32 $0x193200, s7;
	s15 =	smov.u32 @p1 s10  }
0x83: {  	s10 =	sadd.s32 s8, s31;
	s31 =	sshrl.u32 s30, $0x3;
	s14 =	smov.u32 @p1 s12  }
0x84: {  	[smem:$0x7BE] =	sst s15;
	s12 =	sadd.s32 $0x193E80, s7;
	s15 =	sadd.s32 $0x11300, s9  }
0x85: {  	[smem:$0x7BD] =	sst s14;
	s14 =	sadd.s32 $0xFA00, s9;
	s12 =	smov.u32 @p1 s11  }
0x86: {  	s11 =	sadd.s32 $0x5C300, s2;
	[smem:$0x7BF] =	sst s12;
	s14 =	smov.u32 @p1 s10  }
0x87: {  	s10 =	sshrl.u32 s16, $0x3;
	s12 =	sadd.s32 $0x194B00, s7;
	[smem:$0x7C0] =	sst s14  }
0x88: {  	s12 =	smov.u32 @p1 s11;
	s10 =	sadd.s32 s8, s10;
	s14 =	sadd.s32 $0x10680, s9  }
0x89: {  	s11 =	sshrl.u32 s17, $0x3;
	s17 =	sadd.s32 $0xFF65B400, s4;
	s4 =	sadd.s32 $0xFF661800, s4  }
0x8a: {  	[smem:$0x7C1] =	sst s12;
	s14 =	smov.u32 @p1 s10;
	s10 =	sadd.s32 s8, s11  }
0x8b: {  	s12 =	sadd.s32 $0x5CF80, s2;
	s11 =	sadd.s32 $0x5DC00, s2;
	s4 =	sshrl.u32 s4, $0x3  }
0x8c: {  	[smem:$0x7C2] =	sst s14;
	s14 =	sadd.s32 $0x195780, s7;
	s15 =	smov.u32 @p1 s10  }
0x8d: {  	s10 =	sadd.s32 s8, s19;
	s4 =	sadd.s32 s8, s4;
	s14 =	smov.u32 @p1 s12  }
0x8e: {  	[smem:$0x7C4] =	sst s15;
	s12 =	sadd.s32 $0x196400, s7;
	s15 =	sadd.s32 $0x13880, s9  }
0x8f: {  	[smem:$0x7C3] =	sst s14;
	s14 =	sadd.s32 $0x11F80, s9;
	s12 =	smov.u32 @p1 s11  }
0x90: {  	s11 =	sadd.s32 $0x5E880, s2;
	[smem:$0x7C5] =	sst s12;
	s14 =	smov.u32 @p1 s10  }
0x91: {  	s10 =	sshrl.u32 s20, $0x3;
	s12 =	sadd.s32 $0x197080, s7;
	[smem:$0x7C6] =	sst s14  }
0x92: {  	s12 =	smov.u32 @p1 s11;
	s10 =	sadd.s32 s8, s10;
	s14 =	sadd.s32 $0x12C00, s9  }
0x93: {  	s11 =	sshrl.u32 s21, $0x3;
	[smem:$0x7C7] =	sst s12;
	s14 =	smov.u32 @p1 s10  }
0x94: {  	s10 =	sadd.s32 s8, s11;
	s12 =	sadd.s32 $0x5F500, s2;
	s11 =	sadd.s32 $0x60180, s2  }
0x95: {  	[smem:$0x7C8] =	sst s14;
	s14 =	sadd.s32 $0x197D00, s7;
	s15 =	smov.u32 @p1 s10  }
0x96: {  	s14 =	smov.u32 @p1 s12;
	[smem:$0x7CA] =	sst s15;
	s12 =	sadd.s32 $0x198980, s7  }
0x97: {  	s10 =	sadd.s32 s8, s23;
	s15 =	sadd.s32 $0x19A280, s7;
	[smem:$0x7C9] =	sst s14  }
0x98: {  	s14 =	sadd.s32 $0x14500, s9;
	s12 =	smov.u32 @p1 s11;
	s11 =	sadd.s32 $0x60E00, s2  }
0x99: {  	[smem:$0x7CB] =	sst s12;
	s14 =	smov.u32 @p1 s10;
	s12 =	sadd.s32 $0x199600, s7  }
0x9a: {  	s10 =	sshrl.u32 s24, $0x3;
	[smem:$0x7CC] =	sst s14;
	s12 =	smov.u32 @p1 s11  }
0x9b: {  	s10 =	sadd.s32 s8, s10;
	s11 =	sadd.s32 $0x61A80, s2;
	s14 =	sadd.s32 $0x15180, s9  }
0x9c: {  	[smem:$0x7CD] =	sst s12;
	s14 =	smov.u32 @p1 s10;
	s15 =	smov.u32 @p1 s11  }
0x9d: {  	s10 =	sadd.s32 s8, s26;
	s12 =	sadd.s32 $0x15E00, s9;
	[smem:$0x7CE] =	sst s14  }
0x9e: {  	s23 =	sadd.s32 $0x188A00, s6;
	[smem:$0x7CF] =	sst s15;
	s12 =	smov.u32 @p1 s10  }
0x9f: {  	s11 =	sadd.s32 $0x62700, s2;
	[smem:$0x7D0] =	sst s12;
	s12 =	sadd.s32 $0x19AF00, s7  }
0xa0: {  	s10 =	sshrl.u32 s28, $0x3;
	s14 =	sadd.s32 $0x19BB80, s7;
	s12 =	smov.u32 @p1 s11  }
0xa1: {  	s10 =	sadd.s32 s8, s10;
	[smem:$0x7D1] =	sst s12;
	s12 =	sadd.s32 $0x16A80, s9  }
0xa2: {  	s15 =	sadd.s32 $0x17700, s9;
	s11 =	sshrl.u32 s29, $0x3;
	s12 =	smov.u32 @p1 s10  }
0xa3: {  	s10 =	sadd.s32 s8, s11;
	s11 =	sadd.s32 $0x64000, s2;
	[smem:$0x7D2] =	sst s12  }
0xa4: {  	s12 =	sadd.s32 $0x63380, s2;
	s15 =	smov.u32 @p1 s10;
	s10 =	sadd.s32 s8, s31  }
0xa5: {  	s14 =	smov.u32 @p1 s12;
	[smem:$0x7D4] =	sst s15;
	s12 =	sadd.s32 $0x19C800, s7  }
0xa6: {  	[smem:$0x7D3] =	sst s14;
	s12 =	smov.u32 @p1 s11;
	s14 =	smul.u32 $0x15E00, s3  }
0xa7: {  	s15 =	simm.s32 $0x0;
	[smem:$0x7D5] =	sst s12;
	s12 =	sadd.s32 $0x18380, s9  }
0xa8: {  	[smem:$0x7FF] =	sst s15;
	s12 =	smov.u32 @p1 s10;
	s16 =	sadd.s32 s14, s8  }
0xa9: {  	s3 =	smul.u32 $0x19000, s3;
	[smem:$0x7D6] =	sst s12;
	s6 =	sadd.s32 $0xFFECAA00, s16  }
0xaa: {  	s18 =	sadd.s32 s23, s2;
	_ =	strace $0x80000047;
	[smem:$0x7D8] =	sst s6  }
0xab: {  	s19 =	sadd.s32 $0x51400, s18;
	s20 =	sadd.s32 s8, s3;
	[smem:$0x7DA] =	sst s4  }
0xac: {  	s21 =	sadd.s32 $0xFFE70000, s20;
	[smem:$0x7DB] =	sst s19  }
0xad: {  	s22 =	sadd.s32 $0x1900, s9;
	[smem:$0x7DC] =	sst s21  }
0xae: {  	s24 =	sadd.s32 $0x2580, s9;
	[smem:$0x7DE] =	sst s22  }
0xaf: {  	s25 =	sadd.s32 $0x3200, s9;
	[smem:$0x7DF] =	sst s24  }
0xb0: {  	s26 =	sadd.s32 $0x3E80, s9;
	[smem:$0x7E0] =	sst s25  }
0xb1: {  	s28 =	sadd.s32 $0x4B00, s9;
	s29 =	sadd.s32 s23, s7;
	[smem:$0x7E1] =	sst s26  }
0xb2: {  	s30 =	sadd.s32 $0x186A00, s29;
	[smem:$0x7E2] =	sst s28  }
0xb3: {  	s31 =	sadd.s32 $0x187680, s29;
	s11 =	sadd.s32 $0x29680, s2;
	[smem:$0x7E4] =	sst s30  }
0xb4: {  	s10 =	sadd.s32 $0x64C80, s2;
	s12 =	sadd.s32 $0x19D480, s7;
	[smem:$0x7E5] =	sst s31  }
0xb5: {  	s12 =	smov.u32 @p1 s10;
	[smem:$0x7F4] =	sst s11  }
0xb6: {  	s4 =	sadd.s32 $0xFFE70C80, s20;
	[smem:$0x7D7] =	sst s12  }
0xb7: {  	s6 =	sshrl.u32 s17, $0x3;
	s17 =	sadd.s32 s0, s3;
	[smem:$0x7DD] =	sst s4  }
0xb8: {  	s18 =	sor.u32 $0xC80, s3;
	s3 =	sadd.s32 s23, s3;
	[smem:$0x7EC] =	sst s17  }
0xb9: {  	s19 =	sadd.s32 s0, s18;
	[smem:$0x7ED] =	sst s3  }
0xba: {  	s20 =	sadd.s32 $0x1900, s1;
	s28 =	sadd.s32 s0, s11;
	[smem:$0x7EE] =	sst s19  }
0xbb: {  	s22 =	sadd.s32 $0x2580, s1;
	s26 =	sadd.s32 $0x3E80, s1;
	[smem:$0x7F5] =	sst s28  }
0xbc: {  	s25 =	sadd.s32 $0x3200, s1;
	s1 =	sadd.s32 $0x4B00, s1;
	[smem:$0x7F9] =	sst s26  }
0xbd: {  	s6 =	sadd.s32 s8, s6;
	[smem:$0x7FB] =	sst s1  }
0xbe: {  	s10 =	sadd.s32 $0x28A00, s14;
	s4 =	sadd.s32 $0x189C00, s29;
	[smem:$0x7D9] =	sst s6  }
0xbf: {  	s14 =	sadd.s32 s0, s10;
	[smem:$0x7E9] =	sst s4  }
0xc0: {  	s16 =	sadd.s32 s23, s10;
	[smem:$0x7EA] =	sst s14  }
0xc1: {  	s21 =	sadd.s32 s0, s20;
	[smem:$0x7EB] =	sst s16  }
0xc2: {  	s24 =	sadd.s32 s0, s22;
	[smem:$0x7F0] =	sst s21  }
0xc3: {  	p2 =	sgt.u32 s13, $0x7;
	s12 =	sadd.s32 $0x2A300, s2;
	[smem:$0x7F2] =	sst s24  }
0xc4: {  	s9 =	sadd.s32 $0x19ED80, s7;
	s30 =	sadd.s32 s0, s25;
	[smem:$0x7F6] =	sst s12  }
0xc5: {  	s8 =	sadd.s32 $0x19E100, s7;
	s3 =	sadd.s32 s0, s26;
	[smem:$0x7F8] =	sst s30  }
0xc6: {  	s7 =	sadd.s32 $0x66580, s2;
	s31 =	sadd.s32 s23, s25;
	[smem:$0x7FA] =	sst s3  }
0xc7: {  	s11 =	simm.s32 $0x8;
	s9 =	smov.u32 @p1 s7;
	[smem:$0x7FD] =	sst s31  }
0xc8: {  	s6 =	sadd.s32 $0x65900, s2;
	s2 =	sadd.s32 s23, s18;
	[smem:$0x7E6] =	sst s9  }
0xc9: {  	s26 =	simm.s32 $0x5;
	s8 =	smov.u32 @p1 s6;
	[smem:$0x7EF] =	sst s2  }
0xca: {  	s19 =	simm.s32 $0x3;
	s9 =	sadd.s32 $0x188F80, s29;
	[smem:$0x7E3] =	sst s8  }
0xcb: {  	s4 =	simm.s32 $0x2;
	s2 =	sadd.s32 s23, s20;
	[smem:$0x7E8] =	sst s9  }
.Ltmp0:
0xcc: {  	s8 =	sadd.s32 $0x188300, s29;
	[smem:$0x7F1] =	sst s2;
	(pc) =	sbr.rel .LBB2_1-.Ltmp0, $4  }
0xcd: {  	s24 =	simm.s32 $0x4;
	s2 =	sadd.s32 s23, s22;
	[smem:$0x7E7] =	sst s8  }
0xce: {  	s6 =	smax.u32 s5, $0x1;
	s29 =	sadd.s32 s0, s12;
	[smem:$0x7F3] =	sst s2  }
0xcf: {  	s0 =	sadd.s32 s0, s1;
	s1 =	simm.s32 $0x1;
	[smem:$0x7F7] =	sst s29  }
0xd0: {  	[smem:$0x7FC] =	sst s0;
	s2 =	simm.s32 $0x6;
	s0 =	simm.s32 $0x7  }
.LBB2_3:
0xd1: {  	s5 =	sld [smem:$0x7D8];
	_ =	sdelay $0x1  }
0xd2: {  	s3 =	simm.s32 @p1 $0x0;
	s6 =	sld [smem:$0x7D9]  }
0xd3: {  	[tilespmem:s3], [sflag:$0x1] =	stream.linear.gather @p1 [hbm4b:s5+s3], $0x6400, $0x38;
	[tilespmem:$0x19000] =	vst v63  }
0xd4: {  	s5 =	simm.s32 @p1 $0x6400  }
0xd5: {  	[tilespmem:s5], [sflag:$0x2] =	stream.linear.gather @p1 [hbm4b:s6+s3], $0x6400, $0x38;
	[tilespmem:$0x19000] =	vst v63  }
0xd6: {  	s6 =	sld [smem:$0x7DA];
	_ =	sdelay $0x1  }
0xd7: {  	s5 =	simm.s32 @p1 $0xC800  }
0xd8: {  	[tilespmem:s5], [sflag:$0x3] =	stream.linear.gather @p1 [hbm4b:s6+s3], $0x6400, $0x38;
	[tilespmem:$0x19000] =	vst v63  }
0xd9: {  	s5 =	simm.s32 @p1 $0x1  }
0xda: {  	_ =	swait.ge @p1 [sflag:s5], $0x6400  }
0xdb: {  	[sflag:s5] =	ssyncset.done @p1 $0x0  }
0xdc: {  	[sflag:s5] =	ssyncadd.s32 @p1 $0xFFFF9C00;
	s5 =	sld [smem:$0x7DB];
	_ =	sdelay $0x2  }
0xdd: {  	[hbm4b:s5+s3] =	stream.linear.scatter @p1 [tilespmem:s3], [sflag:$0x5], $0x6400, $0x38;
	[tilespmem:$0x19000] =	vst v63  }
0xde: {  	s5 =	sld [smem:$0x7DC];
	_ =	sdelay $0x1  }
0xdf: {  	s6 =	sld [smem:$0x7DD];
	s3 =	simm.s32 @!p1 $0x0  }
0xe0: {  	[tilespmem:s3], [sflag:$0x1] =	stream.linear.gather @!p1 [hbm4b:s5+s3], $0x6400, $0x38;
	[tilespmem:$0x19000] =	vst v63  }
0xe1: {  	s7 =	sld [smem:$0x7DE];
	s5 =	simm.s32 @!p1 $0x6400  }
0xe2: {  	[tilespmem:s5], [sflag:$0x2] =	stream.linear.gather @!p1 [hbm4b:s6+s3], $0x6400, $0x38;
	[tilespmem:$0x19000] =	vst v63  }
0xe3: {  	s6 =	simm.s32 @!p1 $0xC800  }
0xe4: {  	[tilespmem:s6], [sflag:$0x3] =	stream.linear.gather @!p1 [hbm4b:s7+s3], $0x6400, $0x38;
	[tilespmem:$0x19000] =	vst v63  }
0xe5: {  	s7 =	simm.s32 @!p1 $0x1  }
0xe6: {  	_ =	swait.ge @!p1 [sflag:s7], $0x6400  }
0xe7: {  	s8 =	sld [smem:$0x7E4]  }
0xe8: {  	[sflag:s7] =	ssyncset.done @!p1 $0x0  }
0xe9: {  	s9 =	sld [smem:$0x7DF];
	[sflag:s7] =	ssyncadd.s32 @!p1 $0xFFFF9C00  }
0xea: {  	[hbm4b:s8+s3] =	stream.linear.scatter @!p1 [tilespmem:s3], [sflag:$0x5], $0x6400, $0x38;
	[tilespmem:$0x19000] =	vst v63  }
0xeb: {  	s8 =	simm.s32 @!p1 $0x12C00  }
0xec: {  	[tilespmem:s8], [sflag:$0x4] =	stream.linear.gather @!p1 [hbm4b:s9+s3], $0x6400, $0x38;
	[tilespmem:$0x19000] =	vst v63  }
0xed: {  	s9 =	simm.s32 @!p1 $0x2  }
0xee: {  	_ =	swait.ge @!p1 [sflag:s9], $0x6400  }
0xef: {  	[sflag:s9] =	ssyncset.done @!p1 $0x0  }
0xf0: {  	[sflag:s9] =	ssyncadd.s32 @!p1 $0xFFFF9C00;
	s9 =	sld [smem:$0x7E5];
	_ =	sdelay $0x2  }
0xf1: {  	[hbm4b:s9+s3] =	stream.linear.scatter @!p1 [tilespmem:s5], [sflag:$0x6], $0x6400, $0x38;
	[tilespmem:$0x19000] =	vst v63  }
0xf2: {  	s9 =	simm.s32 @!p1 $0x5  }
0xf3: {  	_ =	swait.ge @!p1 [sflag:s9], $0x6400  }
0xf4: {  	[sflag:s9] =	ssyncset.done @!p1 $0x0  }
0xf5: {  	[sflag:s9] =	ssyncadd.s32 @!p1 $0xFFFF9C00;
	s9 =	sld [smem:$0x7E0];
	_ =	sdelay $0x2  }
0xf6: {  	[tilespmem:s3], [sflag:$0x1] =	stream.linear.gather @!p1 [hbm4b:s9+s3], $0x6400, $0x38;
	[tilespmem:$0x19000] =	vst v63  }
0xf7: {  	s9 =	simm.s32 @!p1 $0x3  }
0xf8: {  	_ =	swait.ge @!p1 [sflag:s9], $0x6400  }
0xf9: {  	[sflag:s9] =	ssyncset.done @!p1 $0x0  }
0xfa: {  	[sflag:s9] =	ssyncadd.s32 @!p1 $0xFFFF9C00;
	s9 =	sld [smem:$0x7E7];
	_ =	sdelay $0x2  }
0xfb: {  	[hbm4b:s9+s3] =	stream.linear.scatter @!p1 [tilespmem:s6], [sflag:$0x7], $0x6400, $0x38;
	[tilespmem:$0x19000] =	vst v63  }
0xfc: {  	s9 =	simm.s32 @!p1 $0x6  }
0xfd: {  	_ =	swait.ge @!p1 [sflag:s9], $0x6400  }
0xfe: {  	[sflag:s9] =	ssyncset.done @!p1 $0x0  }
0xff: {  	[sflag:s9] =	ssyncadd.s32 @!p1 $0xFFFF9C00;
	s9 =	sld [smem:$0x7E1];
	_ =	sdelay $0x2  }
0x100: {  	[tilespmem:s5], [sflag:$0x2] =	stream.linear.gather @!p1 [hbm4b:s9+s3], $0x6400, $0x38;
	[tilespmem:$0x19000] =	vst v63  }
0x101: {  	s5 =	simm.s32 @!p1 $0x4  }
0x102: {  	_ =	swait.ge @!p1 [sflag:s5], $0x6400  }
0x103: {  	[sflag:s5] =	ssyncset.done @!p1 $0x0  }
0x104: {  	[sflag:s5] =	ssyncadd.s32 @!p1 $0xFFFF9C00;
	s5 =	sld [smem:$0x7E8];
	_ =	sdelay $0x2  }
0x105: {  	[hbm4b:s5+s3] =	stream.linear.scatter @!p1 [tilespmem:s8], [sflag:$0x8], $0x6400, $0x38;
	[tilespmem:$0x19000] =	vst v63  }
0x106: {  	s5 =	simm.s32 @!p1 $0x7  }
0x107: {  	_ =	swait.ge @!p1 [sflag:s5], $0x6400  }
0x108: {  	[sflag:s5] =	ssyncset.done @!p1 $0x0  }
0x109: {  	[sflag:s5] =	ssyncadd.s32 @!p1 $0xFFFF9C00;
	s5 =	sld [smem:$0x7E2];
	_ =	sdelay $0x2  }
0x10a: {  	[tilespmem:s6], [sflag:$0x3] =	stream.linear.gather @!p1 [hbm4b:s5+s3], $0x6400, $0x38;
	[tilespmem:$0x19000] =	vst v63  }
0x10b: {  	_ =	swait.ge @!p1 [sflag:s7], $0x6400  }
0x10c: {  	s5 =	sld [smem:$0x7E9]  }
0x10d: {  	[sflag:s7] =	ssyncset.done @!p1 $0x0  }
0x10e: {  	[sflag:s7] =	ssyncadd.s32 @!p1 $0xFFFF9C00  }
0x10f: {  	[hbm4b:s5+s3] =	stream.linear.scatter @!p1 [tilespmem:s3], [sflag:$0x5], $0x6400, $0x38;
	[tilespmem:$0x19000] =	vst v63  }
0x110: {  	s3 =	simm.s32 @!p1 $0x8  }
0x111: {  	_ =	swait.ge @!p1 [sflag:s3], $0x6400  }
0x112: {  	s12 =	sld [smem:$0x7BA];
	_ =	sdelay $0x2  }
0x113: {  	[smem:$0x768] =	sst s12  }
0x114: {  	s12 =	sld [smem:$0x7BE];
	_ =	sdelay $0x2  }
0x115: {  	[smem:$0x76A] =	sst s12  }
0x116: {  	s12 =	sld [smem:$0x7BF];
	_ =	sdelay $0x2  }
0x117: {  	[smem:$0x756] =	sst s12  }
0x118: {  	s12 =	sld [smem:$0x7C0];
	_ =	sdelay $0x2  }
0x119: {  	[smem:$0x76B] =	sst s12  }
0x11a: {  	s12 =	sld [smem:$0x7C1];
	_ =	sdelay $0x2  }
0x11b: {  	[smem:$0x757] =	sst s12  }
0x11c: {  	s12 =	sld [smem:$0x7C2];
	_ =	sdelay $0x2  }
0x11d: {  	[smem:$0x76C] =	sst s12  }
0x11e: {  	s12 =	sld [smem:$0x7C3];
	_ =	sdelay $0x2  }
0x11f: {  	[smem:$0x758] =	sst s12  }
0x120: {  	s12 =	sld [smem:$0x7C4];
	_ =	sdelay $0x2  }
0x121: {  	[smem:$0x76D] =	sst s12  }
0x122: {  	s12 =	sld [smem:$0x7C5];
	_ =	sdelay $0x2  }
0x123: {  	[smem:$0x759] =	sst s12  }
0x124: {  	s12 =	sld [smem:$0x7C6];
	_ =	sdelay $0x2  }
0x125: {  	[smem:$0x76E] =	sst s12  }
0x126: {  	s12 =	sld [smem:$0x7C7];
	_ =	sdelay $0x2  }
0x127: {  	[smem:$0x75A] =	sst s12  }
0x128: {  	s12 =	sld [smem:$0x7C8];
	_ =	sdelay $0x2  }
0x129: {  	[smem:$0x76F] =	sst s12  }
0x12a: {  	s12 =	sld [smem:$0x7C9];
	_ =	sdelay $0x2  }
0x12b: {  	[smem:$0x75B] =	sst s12  }
0x12c: {  	s12 =	sld [smem:$0x7CA];
	_ =	sdelay $0x2  }
0x12d: {  	[smem:$0x770] =	sst s12  }
0x12e: {  	s12 =	sld [smem:$0x7CB];
	_ =	sdelay $0x2  }
0x12f: {  	[smem:$0x75C] =	sst s12  }
0x130: {  	s12 =	sld [smem:$0x7CC]  }
0x131: {  	s29 =	sld [smem:$0x7A6]  }
0x132: {  	s5 =	sld [smem:$0x7A7]  }
0x133: {  	[smem:$0x771] =	sst s12  }
0x134: {  	s12 =	sld [smem:$0x7CD]  }
0x135: {  	s10 =	sld [smem:$0x7A8]  }
0x136: {  	s9 =	sld [smem:$0x7A9]  }
0x137: {  	[smem:$0x75D] =	sst s12  }
0x138: {  	s12 =	sld [smem:$0x7CE]  }
0x139: {  	s20 =	sld [smem:$0x7AA]  }
0x13a: {  	s16 =	sld [smem:$0x7AB]  }
0x13b: {  	[smem:$0x772] =	sst s12  }
0x13c: {  	s12 =	sld [smem:$0x7CF]  }
0x13d: {  	s30 =	sld [smem:$0x7AC]  }
0x13e: {  	s13 =	sld [smem:$0x7AD]  }
0x13f: {  	[smem:$0x75E] =	sst s12  }
0x140: {  	s12 =	sld [smem:$0x7D0]  }
0x141: {  	s31 =	sld [smem:$0x7AE]  }
0x142: {  	s18 =	sld [smem:$0x7B0]  }
0x143: {  	[smem:$0x773] =	sst s12  }
0x144: {  	s12 =	sld [smem:$0x7D1]  }
0x145: {  	s21 =	sld [smem:$0x7B1]  }
0x146: {  	s28 =	sld [smem:$0x7B2]  }
0x147: {  	[smem:$0x75F] =	sst s12  }
0x148: {  	s12 =	sld [smem:$0x7D2]  }
0x149: {  	s17 =	sld [smem:$0x7B3]  }
0x14a: {  	s22 =	sld [smem:$0x7B4]  }
0x14b: {  	[smem:$0x774] =	sst s12  }
0x14c: {  	s12 =	sld [smem:$0x7D3]  }
0x14d: {  	s25 =	sld [smem:$0x7B6]  }
0x14e: {  	s8 =	sld [smem:$0x7B7]  }
0x14f: {  	[smem:$0x760] =	sst s12  }
0x150: {  	s12 =	sld [smem:$0x7D4]  }
0x151: {  	s7 =	sld [smem:$0x7B8]  }
0x152: {  	s14 =	sld [smem:$0x7BC]  }
0x153: {  	[smem:$0x775] =	sst s12  }
0x154: {  	s12 =	sld [smem:$0x7D5]  }
0x155: {  	[sflag:s3] =	ssyncset.done @!p1 $0x0;
	s6 =	sld [smem:$0x777]  }
0x156: {  	[sflag:s3] =	ssyncadd.s32 @!p1 $0xFFFF9C00;
	s3 =	sld [smem:$0x7AF]  }
0x157: {  	[smem:$0x761] =	sst s12  }
0x158: {  	s12 =	sld [smem:$0x7D6]  }
0x159: {  	[smem:$0x765] =	sst s22  }
0x15a: {  	s22 =	sld [smem:$0x7B5]  }
0x15b: {  	[smem:$0x776] =	sst s12  }
0x15c: {  	s12 =	sld [smem:$0x7D7]  }
0x15d: {  	[smem:$0x766] =	sst s25  }
0x15e: {  	[smem:$0x767] =	sst s7  }
0x15f: {  	[smem:$0x762] =	sst s12  }
0x160: {  	s12 =	sld [smem:$0x7E3]  }
0x161: {  	s25 =	sld [smem:$0x7B9]  }
0x162: {  	s7 =	sld [smem:$0x7BB]  }
0x163: {  	[smem:$0x763] =	sst s12  }
0x164: {  	s12 =	sld [smem:$0x7E6]  }
0x165: {  	[smem:$0x769] =	sst s14  }
0x166: {  	s14 =	sld [smem:$0x7BD]  }
0x167: {  	[smem:$0x764] =	sst s12  }
.LBB2_4:
0x168: {  	s12 =	simm.s32 $0x12C00  }
0x169: {  	[tilespmem:s12], [sflag:$0x4] =	stream.linear.gather [hbm4b:s29+s15], $0x6400, $0x38;
	[tilespmem:$0x19000] =	vst v63  }
0x16a: {  	_ =	swait.ge [sflag:s4], $0x6400  }
0x16b: {  	[sflag:s4] =	ssyncset.done $0x0  }
0x16c: {  	s5 =	sadd.s32 s23, s5;
	s29 =	simm.s32 $0x6400;
	[sflag:s4] =	ssyncadd.s32 $0xFFFF9C00  }
0x16d: {  	[hbm4b:s5+s15] =	stream.linear.scatter [tilespmem:s29], [sflag:$0x6], $0x6400, $0x38;
	[tilespmem:$0x19000] =	vst v63  }
0x16e: {  	_ =	swait.ge [sflag:s26], $0x6400  }
0x16f: {  	[sflag:s26] =	ssyncset.done $0x0  }
0x170: {  	[sflag:s26] =	ssyncadd.s32 $0xFFFF9C00  }
0x171: {  	[tilespmem:s15], [sflag:$0x1] =	stream.linear.gather [hbm4b:s10+s15], $0x6400, $0x38;
	[tilespmem:$0x19000] =	vst v63  }
0x172: {  	_ =	swait.ge [sflag:s19], $0x6400  }
0x173: {  	[sflag:s19] =	ssyncset.done $0x0  }
0x174: {  	s10 =	sadd.s32 s23, s9;
	s9 =	simm.s32 $0xC800;
	[sflag:s19] =	ssyncadd.s32 $0xFFFF9C00  }
0x175: {  	[hbm4b:s10+s15] =	stream.linear.scatter [tilespmem:s9], [sflag:$0x7], $0x6400, $0x38;
	[tilespmem:$0x19000] =	vst v63  }
0x176: {  	_ =	swait.ge [sflag:s2], $0x6400  }
0x177: {  	[sflag:s2] =	ssyncset.done $0x0  }
0x178: {  	[sflag:s2] =	ssyncadd.s32 $0xFFFF9C00  }
0x179: {  	[tilespmem:s29], [sflag:$0x2] =	stream.linear.gather [hbm4b:s20+s15], $0x6400, $0x38;
	[tilespmem:$0x19000] =	vst v63  }
0x17a: {  	_ =	swait.ge [sflag:s24], $0x6400  }
0x17b: {  	[sflag:s24] =	ssyncset.done $0x0  }
0x17c: {  	s10 =	sadd.s32 s23, s16;
	[sflag:s24] =	ssyncadd.s32 $0xFFFF9C00  }
0x17d: {  	[hbm4b:s10+s15] =	stream.linear.scatter [tilespmem:s12], [sflag:$0x8], $0x6400, $0x38;
	[tilespmem:$0x19000] =	vst v63  }
0x17e: {  	_ =	swait.ge [sflag:s0], $0x6400  }
0x17f: {  	[sflag:s0] =	ssyncset.done $0x0  }
0x180: {  	[sflag:s0] =	ssyncadd.s32 $0xFFFF9C00  }
0x181: {  	[tilespmem:s9], [sflag:$0x3] =	stream.linear.gather [hbm4b:s30+s15], $0x6400, $0x38;
	[tilespmem:$0x19000] =	vst v63  }
0x182: {  	_ =	swait.ge [sflag:s1], $0x6400  }
0x183: {  	[sflag:s1] =	ssyncset.done $0x0  }
0x184: {  	s13 =	sadd.s32 s23, s13;
	[sflag:s1] =	ssyncadd.s32 $0xFFFF9C00  }
0x185: {  	[hbm4b:s13+s15] =	stream.linear.scatter [tilespmem:s15], [sflag:$0x5], $0x6400, $0x38;
	[tilespmem:$0x19000] =	vst v63  }
0x186: {  	_ =	swait.ge [sflag:s11], $0x6400  }
0x187: {  	[sflag:s11] =	ssyncset.done $0x0  }
0x188: {  	[sflag:s11] =	ssyncadd.s32 $0xFFFF9C00  }
0x189: {  	[tilespmem:s12], [sflag:$0x4] =	stream.linear.gather [hbm4b:s31+s15], $0x6400, $0x38;
	[tilespmem:$0x19000] =	vst v63  }
0x18a: {  	_ =	swait.ge [sflag:s4], $0x6400  }
0x18b: {  	[sflag:s4] =	ssyncset.done $0x0  }
0x18c: {  	s3 =	sadd.s32 s23, s3;
	[sflag:s4] =	ssyncadd.s32 $0xFFFF9C00  }
0x18d: {  	[hbm4b:s3+s15] =	stream.linear.scatter [tilespmem:s29], [sflag:$0x6], $0x6400, $0x38;
	[tilespmem:$0x19000] =	vst v63  }
0x18e: {  	_ =	swait.ge [sflag:s26], $0x6400  }
0x18f: {  	[sflag:s26] =	ssyncset.done $0x0  }
0x190: {  	[sflag:s26] =	ssyncadd.s32 $0xFFFF9C00  }
0x191: {  	[tilespmem:s15], [sflag:$0x1] =	stream.linear.gather [hbm4b:s18+s15], $0x6400, $0x38;
	[tilespmem:$0x19000] =	vst v63  }
0x192: {  	_ =	swait.ge [sflag:s19], $0x6400  }
0x193: {  	[sflag:s19] =	ssyncset.done $0x0  }
0x194: {  	s16 =	sadd.s32 s23, s21;
	[sflag:s19] =	ssyncadd.s32 $0xFFFF9C00  }
0x195: {  	[hbm4b:s16+s15] =	stream.linear.scatter [tilespmem:s9], [sflag:$0x7], $0x6400, $0x38;
	[tilespmem:$0x19000] =	vst v63  }
0x196: {  	_ =	swait.ge [sflag:s2], $0x6400  }
0x197: {  	[sflag:s2] =	ssyncset.done $0x0  }
0x198: {  	[sflag:s2] =	ssyncadd.s32 $0xFFFF9C00  }
0x199: {  	[tilespmem:s29], [sflag:$0x2] =	stream.linear.gather [hbm4b:s28+s15], $0x6400, $0x38;
	[tilespmem:$0x19000] =	vst v63  }
0x19a: {  	_ =	swait.ge [sflag:s24], $0x6400  }
0x19b: {  	[sflag:s24] =	ssyncset.done $0x0  }
0x19c: {  	s18 =	sadd.s32 s23, s17;
	[sflag:s24] =	ssyncadd.s32 $0xFFFF9C00  }
0x19d: {  	[hbm4b:s18+s15] =	stream.linear.scatter [tilespmem:s12], [sflag:$0x8], $0x6400, $0x38;
	[tilespmem:$0x19000] =	vst v63  }
0x19e: {  	_ =	swait.ge [sflag:s0], $0x6400  }
0x19f: {  	s20 =	sld [smem:$0x765]  }
0x1a0: {  	[sflag:s0] =	ssyncset.done $0x0  }
0x1a1: {  	[sflag:s0] =	ssyncadd.s32 $0xFFFF9C00  }
0x1a2: {  	[tilespmem:s9], [sflag:$0x3] =	stream.linear.gather [hbm4b:s20+s15], $0x6400, $0x38;
	[tilespmem:$0x19000] =	vst v63  }
0x1a3: {  	_ =	swait.ge [sflag:s1], $0x6400  }
0x1a4: {  	[sflag:s1] =	ssyncset.done $0x0  }
0x1a5: {  	s21 =	sadd.s32 s23, s22;
	[sflag:s1] =	ssyncadd.s32 $0xFFFF9C00  }
0x1a6: {  	[hbm4b:s21+s15] =	stream.linear.scatter [tilespmem:s15], [sflag:$0x5], $0x6400, $0x38;
	[tilespmem:$0x19000] =	vst v63  }
0x1a7: {  	_ =	swait.ge [sflag:s11], $0x6400  }
0x1a8: {  	s22 =	sld [smem:$0x766]  }
0x1a9: {  	[sflag:s11] =	ssyncset.done $0x0  }
0x1aa: {  	[sflag:s11] =	ssyncadd.s32 $0xFFFF9C00  }
0x1ab: {  	[tilespmem:s12], [sflag:$0x4] =	stream.linear.gather [hbm4b:s22+s15], $0x6400, $0x38;
	[tilespmem:$0x19000] =	vst v63  }
0x1ac: {  	_ =	swait.ge [sflag:s4], $0x6400  }
0x1ad: {  	[sflag:s4] =	ssyncset.done $0x0  }
0x1ae: {  	s28 =	sadd.s32 s23, s8;
	[sflag:s4] =	ssyncadd.s32 $0xFFFF9C00  }
0x1af: {  	[hbm4b:s28+s15] =	stream.linear.scatter [tilespmem:s29], [sflag:$0x6], $0x6400, $0x38;
	[tilespmem:$0x19000] =	vst v63  }
0x1b0: {  	_ =	swait.ge [sflag:s26], $0x6400  }
0x1b1: {  	s30 =	sld [smem:$0x767]  }
0x1b2: {  	[sflag:s26] =	ssyncset.done $0x0  }
0x1b3: {  	[sflag:s26] =	ssyncadd.s32 $0xFFFF9C00  }
0x1b4: {  	[tilespmem:s15], [sflag:$0x1] =	stream.linear.gather [hbm4b:s30+s15], $0x6400, $0x38;
	[tilespmem:$0x19000] =	vst v63  }
0x1b5: {  	_ =	swait.ge [sflag:s19], $0x6400  }
0x1b6: {  	[sflag:s19] =	ssyncset.done $0x0  }
0x1b7: {  	s31 =	sadd.s32 s23, s25;
	[sflag:s19] =	ssyncadd.s32 $0xFFFF9C00  }
0x1b8: {  	[hbm4b:s31+s15] =	stream.linear.scatter [tilespmem:s9], [sflag:$0x7], $0x6400, $0x38;
	[tilespmem:$0x19000] =	vst v63  }
0x1b9: {  	_ =	swait.ge [sflag:s2], $0x6400  }
0x1ba: {  	s5 =	sld [smem:$0x768]  }
0x1bb: {  	[sflag:s2] =	ssyncset.done $0x0  }
0x1bc: {  	[sflag:s2] =	ssyncadd.s32 $0xFFFF9C00  }
0x1bd: {  	[tilespmem:s29], [sflag:$0x2] =	stream.linear.gather [hbm4b:s5+s15], $0x6400, $0x38;
	[tilespmem:$0x19000] =	vst v63  }
0x1be: {  	_ =	swait.ge [sflag:s24], $0x6400  }
0x1bf: {  	[sflag:s24] =	ssyncset.done $0x0  }
0x1c0: {  	s7 =	sadd.s32 s23, s7;
	[sflag:s24] =	ssyncadd.s32 $0xFFFF9C00  }
0x1c1: {  	[hbm4b:s7+s15] =	stream.linear.scatter [tilespmem:s12], [sflag:$0x8], $0x6400, $0x38;
	[tilespmem:$0x19000] =	vst v63  }
0x1c2: {  	_ =	swait.ge [sflag:s0], $0x6400  }
0x1c3: {  	s8 =	sld [smem:$0x769]  }
0x1c4: {  	[sflag:s0] =	ssyncset.done $0x0  }
0x1c5: {  	[sflag:s0] =	ssyncadd.s32 $0xFFFF9C00  }
0x1c6: {  	[tilespmem:s9], [sflag:$0x3] =	stream.linear.gather [hbm4b:s8+s15], $0x6400, $0x38;
	[tilespmem:$0x19000] =	vst v63  }
0x1c7: {  	_ =	swait.ge [sflag:s1], $0x6400  }
0x1c8: {  	[sflag:s1] =	ssyncset.done $0x0  }
0x1c9: {  	s10 =	sadd.s32 s23, s14;
	[sflag:s1] =	ssyncadd.s32 $0xFFFF9C00  }
0x1ca: {  	[hbm4b:s10+s15] =	stream.linear.scatter [tilespmem:s15], [sflag:$0x5], $0x6400, $0x38;
	[tilespmem:$0x19000] =	vst v63  }
0x1cb: {  	_ =	swait.ge [sflag:s11], $0x6400  }
0x1cc: {  	s13 =	sld [smem:$0x76A]  }
0x1cd: {  	[sflag:s11] =	ssyncset.done $0x0  }
0x1ce: {  	[sflag:s11] =	ssyncadd.s32 $0xFFFF9C00  }
0x1cf: {  	[tilespmem:s12], [sflag:$0x4] =	stream.linear.gather [hbm4b:s13+s15], $0x6400, $0x38;
	[tilespmem:$0x19000] =	vst v63  }
0x1d0: {  	_ =	swait.ge [sflag:s4], $0x6400  }
0x1d1: {  	s14 =	sld [smem:$0x756];
	_ =	sdelay $0x1  }
0x1d2: {  	[sflag:s4] =	ssyncset.done $0x0  }
0x1d3: {  	[sflag:s4] =	ssyncadd.s32 $0xFFFF9C00;
	s3 =	sadd.s32 s23, s14  }
0x1d4: {  	[hbm4b:s3+s15] =	stream.linear.scatter [tilespmem:s29], [sflag:$0x6], $0x6400, $0x38;
	[tilespmem:$0x19000] =	vst v63  }
0x1d5: {  	_ =	swait.ge [sflag:s26], $0x6400  }
0x1d6: {  	s16 =	sld [smem:$0x76B]  }
0x1d7: {  	[sflag:s26] =	ssyncset.done $0x0  }
0x1d8: {  	[sflag:s26] =	ssyncadd.s32 $0xFFFF9C00  }
0x1d9: {  	[tilespmem:s15], [sflag:$0x1] =	stream.linear.gather [hbm4b:s16+s15], $0x6400, $0x38;
	[tilespmem:$0x19000] =	vst v63  }
0x1da: {  	_ =	swait.ge [sflag:s19], $0x6400  }
0x1db: {  	s17 =	sld [smem:$0x757];
	_ =	sdelay $0x1  }
0x1dc: {  	[sflag:s19] =	ssyncset.done $0x0  }
0x1dd: {  	[sflag:s19] =	ssyncadd.s32 $0xFFFF9C00;
	s3 =	sadd.s32 s23, s17  }
0x1de: {  	[hbm4b:s3+s15] =	stream.linear.scatter [tilespmem:s9], [sflag:$0x7], $0x6400, $0x38;
	[tilespmem:$0x19000] =	vst v63  }
0x1df: {  	_ =	swait.ge [sflag:s2], $0x6400  }
0x1e0: {  	s18 =	sld [smem:$0x76C]  }
0x1e1: {  	[sflag:s2] =	ssyncset.done $0x0  }
0x1e2: {  	[sflag:s2] =	ssyncadd.s32 $0xFFFF9C00  }
0x1e3: {  	[tilespmem:s29], [sflag:$0x2] =	stream.linear.gather [hbm4b:s18+s15], $0x6400, $0x38;
	[tilespmem:$0x19000] =	vst v63  }
0x1e4: {  	_ =	swait.ge [sflag:s24], $0x6400  }
0x1e5: {  	s20 =	sld [smem:$0x758];
	_ =	sdelay $0x1  }
0x1e6: {  	[sflag:s24] =	ssyncset.done $0x0  }
0x1e7: {  	[sflag:s24] =	ssyncadd.s32 $0xFFFF9C00;
	s3 =	sadd.s32 s23, s20  }
0x1e8: {  	[hbm4b:s3+s15] =	stream.linear.scatter [tilespmem:s12], [sflag:$0x8], $0x6400, $0x38;
	[tilespmem:$0x19000] =	vst v63  }
0x1e9: {  	_ =	swait.ge [sflag:s0], $0x6400  }
0x1ea: {  	s21 =	sld [smem:$0x76D]  }
0x1eb: {  	[sflag:s0] =	ssyncset.done $0x0  }
0x1ec: {  	[sflag:s0] =	ssyncadd.s32 $0xFFFF9C00  }
0x1ed: {  	[tilespmem:s9], [sflag:$0x3] =	stream.linear.gather [hbm4b:s21+s15], $0x6400, $0x38;
	[tilespmem:$0x19000] =	vst v63  }
0x1ee: {  	_ =	swait.ge [sflag:s1], $0x6400  }
0x1ef: {  	s22 =	sld [smem:$0x759];
	_ =	sdelay $0x1  }
0x1f0: {  	[sflag:s1] =	ssyncset.done $0x0  }
0x1f1: {  	[sflag:s1] =	ssyncadd.s32 $0xFFFF9C00;
	s3 =	sadd.s32 s23, s22  }
0x1f2: {  	[hbm4b:s3+s15] =	stream.linear.scatter [tilespmem:s15], [sflag:$0x5], $0x6400, $0x38;
	[tilespmem:$0x19000] =	vst v63  }
0x1f3: {  	_ =	swait.ge [sflag:s11], $0x6400  }
0x1f4: {  	s25 =	sld [smem:$0x76E]  }
0x1f5: {  	[sflag:s11] =	ssyncset.done $0x0  }
0x1f6: {  	[sflag:s11] =	ssyncadd.s32 $0xFFFF9C00  }
0x1f7: {  	[tilespmem:s12], [sflag:$0x4] =	stream.linear.gather [hbm4b:s25+s15], $0x6400, $0x38;
	[tilespmem:$0x19000] =	vst v63  }
0x1f8: {  	_ =	swait.ge [sflag:s4], $0x6400  }
0x1f9: {  	s28 =	sld [smem:$0x75A];
	_ =	sdelay $0x1  }
0x1fa: {  	[sflag:s4] =	ssyncset.done $0x0  }
0x1fb: {  	[sflag:s4] =	ssyncadd.s32 $0xFFFF9C00;
	s3 =	sadd.s32 s23, s28  }
0x1fc: {  	[hbm4b:s3+s15] =	stream.linear.scatter [tilespmem:s29], [sflag:$0x6], $0x6400, $0x38;
	[tilespmem:$0x19000] =	vst v63  }
0x1fd: {  	_ =	swait.ge [sflag:s26], $0x6400  }
0x1fe: {  	s30 =	sld [smem:$0x76F]  }
0x1ff: {  	[sflag:s26] =	ssyncset.done $0x0  }
0x200: {  	[sflag:s26] =	ssyncadd.s32 $0xFFFF9C00  }
0x201: {  	[tilespmem:s15], [sflag:$0x1] =	stream.linear.gather [hbm4b:s30+s15], $0x6400, $0x38;
	[tilespmem:$0x19000] =	vst v63  }
0x202: {  	_ =	swait.ge [sflag:s19], $0x6400  }
0x203: {  	s31 =	sld [smem:$0x75B];
	_ =	sdelay $0x1  }
0x204: {  	[sflag:s19] =	ssyncset.done $0x0  }
0x205: {  	[sflag:s19] =	ssyncadd.s32 $0xFFFF9C00;
	s3 =	sadd.s32 s23, s31  }
0x206: {  	[hbm4b:s3+s15] =	stream.linear.scatter [tilespmem:s9], [sflag:$0x7], $0x6400, $0x38;
	[tilespmem:$0x19000] =	vst v63  }
0x207: {  	_ =	swait.ge [sflag:s2], $0x6400  }
0x208: {  	s5 =	sld [smem:$0x770]  }
0x209: {  	[sflag:s2] =	ssyncset.done $0x0  }
0x20a: {  	[sflag:s2] =	ssyncadd.s32 $0xFFFF9C00  }
0x20b: {  	[tilespmem:s29], [sflag:$0x2] =	stream.linear.gather [hbm4b:s5+s15], $0x6400, $0x38;
	[tilespmem:$0x19000] =	vst v63  }
0x20c: {  	_ =	swait.ge [sflag:s24], $0x6400  }
0x20d: {  	s7 =	sld [smem:$0x75C];
	_ =	sdelay $0x1  }
0x20e: {  	[sflag:s24] =	ssyncset.done $0x0  }
0x20f: {  	[sflag:s24] =	ssyncadd.s32 $0xFFFF9C00;
	s3 =	sadd.s32 s23, s7  }
0x210: {  	[hbm4b:s3+s15] =	stream.linear.scatter [tilespmem:s12], [sflag:$0x8], $0x6400, $0x38;
	[tilespmem:$0x19000] =	vst v63  }
0x211: {  	_ =	swait.ge [sflag:s0], $0x6400  }
0x212: {  	s8 =	sld [smem:$0x771]  }
0x213: {  	[sflag:s0] =	ssyncset.done $0x0  }
0x214: {  	[sflag:s0] =	ssyncadd.s32 $0xFFFF9C00  }
0x215: {  	[tilespmem:s9], [sflag:$0x3] =	stream.linear.gather [hbm4b:s8+s15], $0x6400, $0x38;
	[tilespmem:$0x19000] =	vst v63  }
0x216: {  	_ =	swait.ge [sflag:s1], $0x6400  }
0x217: {  	s10 =	sld [smem:$0x75D];
	_ =	sdelay $0x1  }
0x218: {  	[sflag:s1] =	ssyncset.done $0x0  }
0x219: {  	[sflag:s1] =	ssyncadd.s32 $0xFFFF9C00;
	s3 =	sadd.s32 s23, s10  }
0x21a: {  	[hbm4b:s3+s15] =	stream.linear.scatter [tilespmem:s15], [sflag:$0x5], $0x6400, $0x38;
	[tilespmem:$0x19000] =	vst v63  }
0x21b: {  	_ =	swait.ge [sflag:s11], $0x6400  }
0x21c: {  	s13 =	sld [smem:$0x772]  }
0x21d: {  	[sflag:s11] =	ssyncset.done $0x0  }
0x21e: {  	[sflag:s11] =	ssyncadd.s32 $0xFFFF9C00  }
0x21f: {  	[tilespmem:s12], [sflag:$0x4] =	stream.linear.gather [hbm4b:s13+s15], $0x6400, $0x38;
	[tilespmem:$0x19000] =	vst v63  }
0x220: {  	_ =	swait.ge [sflag:s4], $0x6400  }
0x221: {  	s14 =	sld [smem:$0x75E];
	_ =	sdelay $0x1  }
0x222: {  	[sflag:s4] =	ssyncset.done $0x0  }
0x223: {  	[sflag:s4] =	ssyncadd.s32 $0xFFFF9C00;
	s3 =	sadd.s32 s23, s14  }
0x224: {  	[hbm4b:s3+s15] =	stream.linear.scatter [tilespmem:s29], [sflag:$0x6], $0x6400, $0x38;
	[tilespmem:$0x19000] =	vst v63  }
0x225: {  	_ =	swait.ge [sflag:s26], $0x6400  }
0x226: {  	s16 =	sld [smem:$0x773]  }
0x227: {  	[sflag:s26] =	ssyncset.done $0x0  }
0x228: {  	[sflag:s26] =	ssyncadd.s32 $0xFFFF9C00  }
0x229: {  	[tilespmem:s15], [sflag:$0x1] =	stream.linear.gather [hbm4b:s16+s15], $0x6400, $0x38;
	[tilespmem:$0x19000] =	vst v63  }
0x22a: {  	_ =	swait.ge [sflag:s19], $0x6400  }
0x22b: {  	s17 =	sld [smem:$0x75F];
	_ =	sdelay $0x1  }
0x22c: {  	[sflag:s19] =	ssyncset.done $0x0  }
0x22d: {  	[sflag:s19] =	ssyncadd.s32 $0xFFFF9C00;
	s3 =	sadd.s32 s23, s17  }
0x22e: {  	[hbm4b:s3+s15] =	stream.linear.scatter [tilespmem:s9], [sflag:$0x7], $0x6400, $0x38;
	[tilespmem:$0x19000] =	vst v63  }
0x22f: {  	_ =	swait.ge [sflag:s2], $0x6400  }
0x230: {  	s18 =	sld [smem:$0x774]  }
0x231: {  	[sflag:s2] =	ssyncset.done $0x0  }
0x232: {  	[sflag:s2] =	ssyncadd.s32 $0xFFFF9C00  }
0x233: {  	[tilespmem:s29], [sflag:$0x2] =	stream.linear.gather [hbm4b:s18+s15], $0x6400, $0x38;
	[tilespmem:$0x19000] =	vst v63  }
0x234: {  	_ =	swait.ge [sflag:s24], $0x6400  }
0x235: {  	s20 =	sld [smem:$0x760];
	_ =	sdelay $0x1  }
0x236: {  	[sflag:s24] =	ssyncset.done $0x0  }
0x237: {  	[sflag:s24] =	ssyncadd.s32 $0xFFFF9C00;
	s3 =	sadd.s32 s23, s20  }
0x238: {  	[hbm4b:s3+s15] =	stream.linear.scatter [tilespmem:s12], [sflag:$0x8], $0x6400, $0x38;
	[tilespmem:$0x19000] =	vst v63  }
0x239: {  	_ =	swait.ge [sflag:s0], $0x6400  }
0x23a: {  	s21 =	sld [smem:$0x775]  }
0x23b: {  	[sflag:s0] =	ssyncset.done $0x0  }
0x23c: {  	[sflag:s0] =	ssyncadd.s32 $0xFFFF9C00  }
0x23d: {  	[tilespmem:s9], [sflag:$0x3] =	stream.linear.gather [hbm4b:s21+s15], $0x6400, $0x38;
	[tilespmem:$0x19000] =	vst v63  }
0x23e: {  	_ =	swait.ge [sflag:s1], $0x6400  }
0x23f: {  	s22 =	sld [smem:$0x761];
	_ =	sdelay $0x1  }
0x240: {  	[sflag:s1] =	ssyncset.done $0x0  }
0x241: {  	[sflag:s1] =	ssyncadd.s32 $0xFFFF9C00;
	s3 =	sadd.s32 s23, s22  }
0x242: {  	[hbm4b:s3+s15] =	stream.linear.scatter [tilespmem:s15], [sflag:$0x5], $0x6400, $0x38;
	[tilespmem:$0x19000] =	vst v63  }
0x243: {  	_ =	swait.ge [sflag:s11], $0x6400  }
0x244: {  	s25 =	sld [smem:$0x776]  }
0x245: {  	[sflag:s11] =	ssyncset.done $0x0  }
0x246: {  	[sflag:s11] =	ssyncadd.s32 $0xFFFF9C00  }
0x247: {  	[tilespmem:s12], [sflag:$0x4] =	stream.linear.gather [hbm4b:s25+s15], $0x6400, $0x38;
	[tilespmem:$0x19000] =	vst v63  }
0x248: {  	_ =	swait.ge [sflag:s4], $0x6400  }
0x249: {  	s28 =	sld [smem:$0x762];
	_ =	sdelay $0x1  }
0x24a: {  	[sflag:s4] =	ssyncset.done $0x0  }
0x24b: {  	[sflag:s4] =	ssyncadd.s32 $0xFFFF9C00;
	s3 =	sadd.s32 s23, s28  }
0x24c: {  	[hbm4b:s3+s15] =	stream.linear.scatter [tilespmem:s29], [sflag:$0x6], $0x6400, $0x38;
	[tilespmem:$0x19000] =	vst v63  }
0x24d: {  	_ =	swait.ge [sflag:s19], $0x6400  }
0x24e: {  	s30 =	sld [smem:$0x763];
	_ =	sdelay $0x1  }
0x24f: {  	[sflag:s19] =	ssyncset.done $0x0  }
0x250: {  	[sflag:s19] =	ssyncadd.s32 $0xFFFF9C00;
	s3 =	sadd.s32 s23, s30  }
0x251: {  	[hbm4b:s3+s15] =	stream.linear.scatter [tilespmem:s9], [sflag:$0x7], $0x6400, $0x38;
	[tilespmem:$0x19000] =	vst v63  }
0x252: {  	_ =	swait.ge [sflag:s24], $0x6400  }
0x253: {  	s31 =	sld [smem:$0x764];
	_ =	sdelay $0x1  }
0x254: {  	[sflag:s24] =	ssyncset.done $0x0  }
0x255: {  	[sflag:s24] =	ssyncadd.s32 $0xFFFF9C00;
	s3 =	sadd.s32 s23, s31  }
0x256: {  	[hbm4b:s3+s15] =	stream.linear.scatter [tilespmem:s12], [sflag:$0x8], $0x6400, $0x38;
	[tilespmem:$0x19000] =	vst v63  }
0x257: {  	_ =	swait.ge [sflag:s26], $0x6400  }
0x258: {  	[sflag:s26] =	ssyncset.done $0x0  }
0x259: {  	[sflag:s26] =	ssyncadd.s32 $0xFFFF9C00  }
0x25a: {  	_ =	swait.ge [sflag:s2], $0x6400  }
0x25b: {  	[sflag:s2] =	ssyncset.done $0x0  }
0x25c: {  	s6 =	sadd.s32 $0xFFFFFFFF, s6;
	[sflag:s2] =	ssyncadd.s32 $0xFFFF9C00  }
0x25d: {  	p3 =	sne.s32 s6, $0x0;
	_ =	swait.ge [sflag:s0], $0x6400  }
.Ltmp1:
0x25e: {  	[sflag:s0] =	ssyncset.done $0x0;
	(pc) =	sbr.rel @!p3 .LBB2_5-.Ltmp1, $4  }
0x25f: {  	[sflag:s0] =	ssyncadd.s32 $0xFFFF9C00  }
0x260: {  	_ =	swait.ge [sflag:s11], $0x6400  }
0x261: {  	[sflag:s11] =	ssyncset.done $0x0  }
0x262: {  	[sflag:s11] =	ssyncadd.s32 $0xFFFF9C00  }
.LBB2_1:
.Ltmp2:
0x263: {  	(pc) =	sbr.rel @p2 .LBB2_3-.Ltmp2, $2  }
0x264: {  	_ =	sdelay $0x2  }
0x265: {  	[smem:$0x777] =	sst s6  }
0x266: {  	s5 =	sld [smem:$0x7EA];
	_ =	sdelay $0x1  }
0x267: {  	s3 =	simm.s32 @p0 $0x0;
	s6 =	sld [smem:$0x7F5]  }
0x268: {  	[tilespmem:s3], [sflag:$0x1] =	stream.linear.gather @p0 [hbm4b:s5+s3], $0x6400, $0x38;
	[tilespmem:$0x19000] =	vst v63  }
0x269: {  	s5 =	simm.s32 @p0 $0x6400  }
0x26a: {  	[tilespmem:s5], [sflag:$0x2] =	stream.linear.gather @p0 [hbm4b:s6+s3], $0x6400, $0x38;
	[tilespmem:$0x19000] =	vst v63  }
0x26b: {  	s6 =	sld [smem:$0x7F7];
	_ =	sdelay $0x1  }
0x26c: {  	s5 =	simm.s32 @p0 $0xC800  }
0x26d: {  	[tilespmem:s5], [sflag:$0x3] =	stream.linear.gather @p0 [hbm4b:s6+s3], $0x6400, $0x38;
	[tilespmem:$0x19000] =	vst v63  }
0x26e: {  	s5 =	simm.s32 @p0 $0x1  }
0x26f: {  	_ =	swait.ge @p0 [sflag:s5], $0x6400  }
0x270: {  	[sflag:s5] =	ssyncset.done @p0 $0x0  }
0x271: {  	[sflag:s5] =	ssyncadd.s32 @p0 $0xFFFF9C00;
	s5 =	sld [smem:$0x7EB];
	_ =	sdelay $0x2  }
0x272: {  	[hbm4b:s5+s3] =	stream.linear.scatter @p0 [tilespmem:s3], [sflag:$0x5], $0x6400, $0x38;
	[tilespmem:$0x19000] =	vst v63  }
0x273: {  	s5 =	sld [smem:$0x7EC];
	_ =	sdelay $0x1  }
0x274: {  	s6 =	sld [smem:$0x7EE];
	s3 =	simm.s32 @!p0 $0x0  }
0x275: {  	[tilespmem:s3], [sflag:$0x1] =	stream.linear.gather @!p0 [hbm4b:s5+s3], $0x6400, $0x38;
	[tilespmem:$0x19000] =	vst v63  }
0x276: {  	s7 =	sld [smem:$0x7F0];
	s5 =	simm.s32 @!p0 $0x6400  }
0x277: {  	[tilespmem:s5], [sflag:$0x2] =	stream.linear.gather @!p0 [hbm4b:s6+s3], $0x6400, $0x38;
	[tilespmem:$0x19000] =	vst v63  }
0x278: {  	s6 =	simm.s32 @!p0 $0xC800  }
0x279: {  	[tilespmem:s6], [sflag:$0x3] =	stream.linear.gather @!p0 [hbm4b:s7+s3], $0x6400, $0x38;
	[tilespmem:$0x19000] =	vst v63  }
0x27a: {  	s7 =	simm.s32 @!p0 $0x1  }
0x27b: {  	_ =	swait.ge @!p0 [sflag:s7], $0x6400  }
0x27c: {  	s8 =	sld [smem:$0x7ED]  }
0x27d: {  	[sflag:s7] =	ssyncset.done @!p0 $0x0  }
0x27e: {  	s9 =	sld [smem:$0x7F2];
	[sflag:s7] =	ssyncadd.s32 @!p0 $0xFFFF9C00  }
0x27f: {  	[hbm4b:s8+s3] =	stream.linear.scatter @!p0 [tilespmem:s3], [sflag:$0x5], $0x6400, $0x38;
	[tilespmem:$0x19000] =	vst v63  }
0x280: {  	s8 =	simm.s32 @!p0 $0x12C00  }
0x281: {  	[tilespmem:s8], [sflag:$0x4] =	stream.linear.gather @!p0 [hbm4b:s9+s3], $0x6400, $0x38;
	[tilespmem:$0x19000] =	vst v63  }
0x282: {  	s9 =	simm.s32 @!p0 $0x2  }
0x283: {  	_ =	swait.ge @!p0 [sflag:s9], $0x6400  }
0x284: {  	[sflag:s9] =	ssyncset.done @!p0 $0x0  }
0x285: {  	[sflag:s9] =	ssyncadd.s32 @!p0 $0xFFFF9C00;
	s9 =	sld [smem:$0x7EF];
	_ =	sdelay $0x2  }
0x286: {  	[hbm4b:s9+s3] =	stream.linear.scatter @!p0 [tilespmem:s5], [sflag:$0x6], $0x6400, $0x38;
	[tilespmem:$0x19000] =	vst v63  }
0x287: {  	s9 =	simm.s32 @!p0 $0x5  }
0x288: {  	_ =	swait.ge @!p0 [sflag:s9], $0x6400  }
0x289: {  	[sflag:s9] =	ssyncset.done @!p0 $0x0  }
0x28a: {  	[sflag:s9] =	ssyncadd.s32 @!p0 $0xFFFF9C00;
	s9 =	sld [smem:$0x7F8];
	_ =	sdelay $0x2  }
0x28b: {  	[tilespmem:s3], [sflag:$0x1] =	stream.linear.gather @!p0 [hbm4b:s9+s3], $0x6400, $0x38;
	[tilespmem:$0x19000] =	vst v63  }
0x28c: {  	s9 =	simm.s32 @!p0 $0x3  }
0x28d: {  	_ =	swait.ge @!p0 [sflag:s9], $0x6400  }
0x28e: {  	[sflag:s9] =	ssyncset.done @!p0 $0x0  }
0x28f: {  	[sflag:s9] =	ssyncadd.s32 @!p0 $0xFFFF9C00;
	s9 =	sld [smem:$0x7F1];
	_ =	sdelay $0x2  }
0x290: {  	[hbm4b:s9+s3] =	stream.linear.scatter @!p0 [tilespmem:s6], [sflag:$0x7], $0x6400, $0x38;
	[tilespmem:$0x19000] =	vst v63  }
0x291: {  	s9 =	simm.s32 @!p0 $0x6  }
0x292: {  	_ =	swait.ge @!p0 [sflag:s9], $0x6400  }
0x293: {  	[sflag:s9] =	ssyncset.done @!p0 $0x0  }
0x294: {  	[sflag:s9] =	ssyncadd.s32 @!p0 $0xFFFF9C00;
	s9 =	sld [smem:$0x7FA];
	_ =	sdelay $0x2  }
0x295: {  	[tilespmem:s5], [sflag:$0x2] =	stream.linear.gather @!p0 [hbm4b:s9+s3], $0x6400, $0x38;
	[tilespmem:$0x19000] =	vst v63  }
0x296: {  	s5 =	simm.s32 @!p0 $0x4  }
0x297: {  	_ =	swait.ge @!p0 [sflag:s5], $0x6400  }
0x298: {  	[sflag:s5] =	ssyncset.done @!p0 $0x0  }
0x299: {  	[sflag:s5] =	ssyncadd.s32 @!p0 $0xFFFF9C00;
	s5 =	sld [smem:$0x7F3];
	_ =	sdelay $0x2  }
0x29a: {  	[hbm4b:s5+s3] =	stream.linear.scatter @!p0 [tilespmem:s8], [sflag:$0x8], $0x6400, $0x38;
	[tilespmem:$0x19000] =	vst v63  }
0x29b: {  	s5 =	simm.s32 @!p0 $0x7  }
0x29c: {  	_ =	swait.ge @!p0 [sflag:s5], $0x6400  }
0x29d: {  	[sflag:s5] =	ssyncset.done @!p0 $0x0  }
0x29e: {  	[sflag:s5] =	ssyncadd.s32 @!p0 $0xFFFF9C00;
	s5 =	sld [smem:$0x7FC];
	_ =	sdelay $0x2  }
0x29f: {  	[tilespmem:s6], [sflag:$0x3] =	stream.linear.gather @!p0 [hbm4b:s5+s3], $0x6400, $0x38;
	[tilespmem:$0x19000] =	vst v63  }
0x2a0: {  	_ =	swait.ge @!p0 [sflag:s7], $0x6400  }
0x2a1: {  	s5 =	sld [smem:$0x7FD]  }
0x2a2: {  	s9 =	sld [smem:$0x7FB]  }
0x2a3: {  	s16 =	rddreg [dreg:$0x8]  }
0x2a4: {  	s13 =	rddreg [dreg:$0x9]  }
0x2a5: {  	s6 =	rddreg [dreg:$0x4]  }
0x2a6: {  	s21 =	rddreg [dreg:$0xe]  }
0x2a7: {  	s17 =	rddreg [dreg:$0x11]  }
0x2a8: {  	s22 =	rddreg [dreg:$0x13]  }
0x2a9: {  	s8 =	rddreg [dreg:$0x16]  }
0x2aa: {  	[sflag:s7] =	ssyncset.done @!p0 $0x0;
	s25 =	rddreg [dreg:$0x19]  }
0x2ab: {  	s14 =	rddreg [dreg:$0x1f];
	[sflag:s7] =	ssyncadd.s32 @!p0 $0xFFFF9C00  }
0x2ac: {  	[hbm4b:s5+s3] =	stream.linear.scatter @!p0 [tilespmem:s3], [sflag:$0x5], $0x6400, $0x38;
	[tilespmem:$0x19000] =	vst v63  }
0x2ad: {  	s5 =	sld [smem:$0x7F9]  }
0x2ae: {  	s3 =	sld [smem:$0x7F4]  }
0x2af: {  	s10 =	rddreg [dreg:$0x1e]  }
0x2b0: {  	s13 =	smov.u32 @p0 s6;
	s6 =	rddreg [dreg:$0x5]  }
0x2b1: {  	s5 =	smov.u32 @p0 s3;
	s3 =	sld [smem:$0x7F6]  }
0x2b2: {  	s7 =	rddreg [dreg:$0x1c]  }
0x2b3: {  	s14 =	smov.u32 @p0 s10;
	s10 =	sld [smem:$0x779]  }
0x2b4: {  	s9 =	smov.u32 @p0 s3;
	s3 =	rddreg [dreg:$0x3]  }
0x2b5: {  	s16 =	smov.u32 @p0 s3;
	s3 =	rddreg [dreg:$0xd]  }
0x2b6: {  	s3 =	smov.u32 @p0 s6;
	s6 =	rddreg [dreg:$0x6]  }
0x2b7: {  	s21 =	smov.u32 @p0 s6;
	s6 =	rddreg [dreg:$0x7]  }
0x2b8: {  	s17 =	smov.u32 @p0 s6;
	s6 =	rddreg [dreg:$0xa]  }
0x2b9: {  	s22 =	smov.u32 @p0 s6;
	s6 =	rddreg [dreg:$0x15]  }
0x2ba: {  	s8 =	smov.u32 @p0 s6;
	s6 =	rddreg [dreg:$0x17]  }
0x2bb: {  	s25 =	smov.u32 @p0 s6;
	s6 =	rddreg [dreg:$0x1a]  }
0x2bc: {  	s7 =	smov.u32 @p0 s6;
	s6 =	sld [smem:$0x77A];
	_ =	sdelay $0x1  }
0x2bd: {  	s12 =	sld [smem:$0x77D]  }
0x2be: {  	s6 =	smov.u32 @p0 s10;
	s10 =	sld [smem:$0x77C]  }
0x2bf: {  	[smem:$0x756] =	sst s6  }
0x2c0: {  	s6 =	sld [smem:$0x780]  }
0x2c1: {  	s12 =	smov.u32 @p0 s10;
	s10 =	sld [smem:$0x77F]  }
0x2c2: {  	[smem:$0x757] =	sst s12  }
0x2c3: {  	s12 =	sld [smem:$0x783]  }
0x2c4: {  	s6 =	smov.u32 @p0 s10;
	s10 =	sld [smem:$0x782]  }
0x2c5: {  	[smem:$0x758] =	sst s6  }
0x2c6: {  	s6 =	sld [smem:$0x786]  }
0x2c7: {  	s12 =	smov.u32 @p0 s10;
	s10 =	sld [smem:$0x785]  }
0x2c8: {  	[smem:$0x759] =	sst s12  }
0x2c9: {  	s12 =	sld [smem:$0x789]  }
0x2ca: {  	s6 =	smov.u32 @p0 s10;
	s10 =	sld [smem:$0x788]  }
0x2cb: {  	[smem:$0x75A] =	sst s6  }
0x2cc: {  	s6 =	sld [smem:$0x78D]  }
0x2cd: {  	s12 =	smov.u32 @p0 s10;
	s10 =	sld [smem:$0x78B]  }
0x2ce: {  	s18 =	sld [smem:$0x78E]  }
0x2cf: {  	[smem:$0x75B] =	sst s12  }
0x2d0: {  	s12 =	sld [smem:$0x78C];
	s6 =	smov.u32 @p0 s10  }
0x2d1: {  	[smem:$0x75C] =	sst s6  }
0x2d2: {  	s6 =	sld [smem:$0x793]  }
0x2d3: {  	s18 =	smov.u32 @p0 s12;
	s12 =	sld [smem:$0x791];
	_ =	sdelay $0x1  }
0x2d4: {  	[smem:$0x75D] =	sst s18  }
0x2d5: {  	s18 =	sld [smem:$0x794];
	s6 =	smov.u32 @p0 s12  }
0x2d6: {  	s10 =	simm.s32 @!p0 $0x8;
	[smem:$0x75E] =	sst s6  }
0x2d7: {  	s6 =	sld [smem:$0x798];
	_ =	swait.ge @!p0 [sflag:s10], $0x6400  }
0x2d8: {  	s12 =	sld [smem:$0x792];
	_ =	sdelay $0x2  }
0x2d9: {  	s18 =	smov.u32 @p0 s12;
	s12 =	sld [smem:$0x797]  }
0x2da: {  	[smem:$0x75F] =	sst s18  }
0x2db: {  	s18 =	sld [smem:$0x79C]  }
0x2dc: {  	s6 =	smov.u32 @p0 s12;
	s12 =	sld [smem:$0x79A]  }
0x2dd: {  	[smem:$0x760] =	sst s6  }
0x2de: {  	s6 =	sld [smem:$0x79D]  }
0x2df: {  	s18 =	smov.u32 @p0 s12;
	s12 =	sld [smem:$0x79B]  }
0x2e0: {  	[sflag:s10] =	ssyncset.done @!p0 $0x0  }
0x2e1: {  	[sflag:s10] =	ssyncadd.s32 @!p0 $0xFFFF9C00;
	s10 =	sld [smem:$0x7A0]  }
0x2e2: {  	s6 =	smov.u32 @p0 s12;
	s12 =	sld [smem:$0x7A1];
	_ =	sdelay $0x2  }
0x2e3: {  	s12 =	smov.u32 @p0 s10  }
0x2e4: {  	[smem:$0x763] =	sst s12  }
0x2e5: {  	s12 =	rddreg [dreg:$0x1b]  }
0x2e6: {  	[smem:$0x765] =	sst s12  }
0x2e7: {  	s12 =	rddreg [dreg:$0x1d]  }
0x2e8: {  	[smem:$0x766] =	sst s12  }
0x2e9: {  	s12 =	sld [smem:$0x778];
	_ =	sdelay $0x2  }
0x2ea: {  	[smem:$0x767] =	sst s12  }
0x2eb: {  	s12 =	sld [smem:$0x77B];
	_ =	sdelay $0x2  }
0x2ec: {  	[smem:$0x768] =	sst s12  }
0x2ed: {  	s12 =	sld [smem:$0x77E];
	_ =	sdelay $0x2  }
0x2ee: {  	[smem:$0x769] =	sst s12  }
0x2ef: {  	s12 =	sld [smem:$0x781];
	_ =	sdelay $0x2  }
0x2f0: {  	[smem:$0x76A] =	sst s12  }
0x2f1: {  	s12 =	sld [smem:$0x784];
	_ =	sdelay $0x2  }
0x2f2: {  	[smem:$0x76B] =	sst s12  }
0x2f3: {  	s12 =	sld [smem:$0x787];
	_ =	sdelay $0x2  }
0x2f4: {  	[smem:$0x76C] =	sst s12  }
0x2f5: {  	s12 =	sld [smem:$0x78A];
	_ =	sdelay $0x2  }
0x2f6: {  	[smem:$0x76D] =	sst s12  }
0x2f7: {  	s12 =	sld [smem:$0x78F];
	_ =	sdelay $0x2  }
0x2f8: {  	[smem:$0x76E] =	sst s12  }
0x2f9: {  	s12 =	sld [smem:$0x790];
	_ =	sdelay $0x2  }
0x2fa: {  	[smem:$0x76F] =	sst s12  }
0x2fb: {  	s12 =	sld [smem:$0x795];
	_ =	sdelay $0x1  }
0x2fc: {  	s29 =	rddreg [dreg:$0xb]  }
0x2fd: {  	[smem:$0x770] =	sst s12  }
0x2fe: {  	s12 =	sld [smem:$0x796]  }
0x2ff: {  	s20 =	rddreg [dreg:$0xf]  }
0x300: {  	s30 =	rddreg [dreg:$0x10]  }
0x301: {  	[smem:$0x771] =	sst s12  }
0x302: {  	s12 =	sld [smem:$0x799]  }
0x303: {  	s31 =	rddreg [dreg:$0x12]  }
0x304: {  	s28 =	rddreg [dreg:$0x18]  }
0x305: {  	[smem:$0x772] =	sst s12  }
0x306: {  	s12 =	sld [smem:$0x79E]  }
0x307: {  	[smem:$0x761] =	sst s18  }
0x308: {  	[smem:$0x762] =	sst s6  }
0x309: {  	[smem:$0x773] =	sst s12  }
0x30a: {  	s12 =	sld [smem:$0x79F]  }
0x30b: {  	s6 =	sld [smem:$0x7A4]  }
0x30c: {  	s10 =	sld [smem:$0x7A3]  }
0x30d: {  	[smem:$0x774] =	sst s12  }
0x30e: {  	s12 =	sld [smem:$0x7A2]  }
0x30f: {  	s18 =	rddreg [dreg:$0x14]  }
0x310: {  	s6 =	smov.u32 @p0 s10;
	s10 =	rddreg [dreg:$0xc]  }
.Ltmp3:
0x311: {  	[smem:$0x775] =	sst s12;
	(pc) =	sbr.rel .LBB2_4-.Ltmp3, $4  }
0x312: {  	s12 =	sld [smem:$0x7A5]  }
0x313: {  	[smem:$0x764] =	sst s6  }
0x314: {  	s6 =	sld [smem:$0x777]  }
0x315: {  	[smem:$0x776] =	sst s12  }
.LBB2_5:
0x316: {  	_ =	sfence.sel $0x180000  }
0x317: {  	[bflag:$0x0] =	sbarrier.arrive $0xFFFF  }
0x318: {  	_ =	strace $0x90000047  }
0x319: {  	s0 =	stileid.u32;
	[bflag:$0x2] =	sbarrier.arrive $0xFFFF  }
0x31a: {  	p0 =	sne.s32 s0, $0x0;
	s0 =	rddreg [dreg:$0x2]  }
0x31b: {  	s0 =	sadd.s32 @!p0 $0x100000, s0  }
0x31c: {  	[sflag:s0] =	ssyncadd.tile.s32 @!p0 $0x1;
	_ =	shalt  }
.Lfunc_end2:
_tile_overlayer_lowered:
.L_overlay_start_2:
0x31d: {  	(tag) =	ssettag $0x2  }
0x31e: {  	s0 =	rddreg [dreg:$0x0];
	s2 =	stileid.u32  }
0x31f: {  	s1 =	rddreg [dreg:$0x1];
	p0 =	sne.s32 s2, $0x0  }
0x320: {  	s3 =	rddreg [dreg:$0x2];
	[bflag:$0x3] =	sbarrier.arrive $0xFFFF;
	s2 =	simm.s32 @!p0 $0x1C09  }
0x321: {  	[timem:s3], [sflag:s2] =	dma.local @!p0 [hbm:s0], s1  }
0x322: {  	s0 =	simm.s32 @!p0 $0x9  }
0x323: {  	_ =	swait.ge @!p0 [sflag:s0], s1  }
0x324: {  	s1 =	ssub.s32 @!p0 $0x0, s1;
	[sflag:s0] =	ssyncset.done @!p0 $0x0  }
0x325: {  	[sflag:s0] =	ssyncadd.s32 @!p0 s1  }
0x326: {  	[bflag:$0x3] =	sbarrier.arrive $0xFFFF  }
0x327: {  	_ =	shalt  }

</sc_bundles>
